<compile_context>
chip_gen: v7x
topology: tpu7x:2x2x1
jax: 0.10.2.dev20260603
libtpu: 0.0.44.dev20260713+nightly
codegen_flags: <defaults>
</compile_context>

<pallas_src>
import functools

import jax
import jax.numpy as jnp
from jax import lax
from jax.experimental import pallas as pl
from jax.experimental.pallas import tpu as pltpu
from jax.experimental.pallas import tpu_sc as plsc

F32 = jnp.float32
EPS = 1e-16



def _proj_body(x_ref, w_ref, as_ref, ad_ref, h_ref, nta_ref, ntd_ref):
    h = jnp.dot(x_ref[...], w_ref[...], preferred_element_type=F32, precision=lax.Precision.HIGHEST)
    hh = h.shape[1] // 2
    h_ref[0, :, :] = h[:, :hh]
    h_ref[1, :, :] = h[:, hh:]
    nta_ref[...] = jnp.dot(h, as_ref[...], preferred_element_type=F32, precision=lax.Precision.HIGHEST)
    ntd_ref[...] = jnp.dot(h, ad_ref[...], preferred_element_type=F32, precision=lax.Precision.HIGHEST)


def _node_proj(x, lin1_W, As1, Ad1, bn):
    n, f_in = x.shape
    hh = lin1_W.shape[1]
    grid = pl.cdiv(n, bn)
    return pl.pallas_call(
        _proj_body,
        grid=(grid,),
        in_specs=[
            pl.BlockSpec((bn, f_in), lambda i: (i, 0)),
            pl.BlockSpec((f_in, hh), lambda i: (0, 0)),
            pl.BlockSpec((hh, 4), lambda i: (0, 0)),
            pl.BlockSpec((hh, 4), lambda i: (0, 0)),
        ],
        out_specs=[
            pl.BlockSpec((2, bn, hh // 2), lambda i: (0, i, 0)),
            pl.BlockSpec((bn, 4), lambda i: (i, 0)),
            pl.BlockSpec((bn, 4), lambda i: (i, 0)),
        ],
        out_shape=[
            jax.ShapeDtypeStruct((2, n, hh // 2), F32),
            jax.ShapeDtypeStruct((n, 4), F32),
            jax.ShapeDtypeStruct((n, 4), F32),
        ],
    )(x, lin1_W, As1, Ad1)




def _edge_body(ea_ref, et_ref, lg_ref, w1_ref, w2_ref, out_ref):
    ea = ea_ref[...]
    ep1 = jnp.dot(ea, w1_ref[...], preferred_element_type=F32, precision=lax.Precision.HIGHEST)
    ep2 = jnp.dot(ea, w2_ref[...], preferred_element_type=F32, precision=lax.Precision.HIGHEST)
    lg = lg_ref[...]
    sg = 1.0 / (1.0 + jnp.exp(-lg))
    et = et_ref[...]
    gate = jnp.zeros_like(ep2)
    for t in range(8):
        gate = gate + jnp.where(et == t, sg[0:1, t:t + 1], 0.0)
    z = jnp.zeros((ea.shape[0], 3), F32)
    out_ref[...] = jnp.concatenate([gate * ep1, gate * ep2, z], axis=1)


def _edge_proj(edge_attr, etid2d, logit2d, W_ae1, w_ae2, be):
    e = edge_attr.shape[0]
    grid = pl.cdiv(e, be)
    return pl.pallas_call(
        _edge_body,
        grid=(grid,),
        in_specs=[
            pl.BlockSpec((be, 16), lambda i: (i, 0)),
            pl.BlockSpec((be, 1), lambda i: (i, 0)),
            pl.BlockSpec((1, 8), lambda i: (0, 0)),
            pl.BlockSpec((16, 4), lambda i: (0, 0)),
            pl.BlockSpec((16, 1), lambda i: (0, 0)),
        ],
        out_specs=pl.BlockSpec((be, 8), lambda i: (i, 0)),
        out_shape=jax.ShapeDtypeStruct((e, 8), F32),
    )(edge_attr, etid2d, logit2d, W_ae1, w_ae2)



_W = 128
_AW1 = 144
_AW2 = 80


def _tile_rows(n):
    chunk = ((n + 15) // 16 + 7) // 8 * 8
    last = n - 15 * chunk
    assert 0 < last <= chunk
    return chunk, last


def _sc_l1(h1cat, ntaf, ntdf, galT, edge_index, n):
    e = edge_index.shape[1]
    nwin = e // _W
    chunk, last = _tile_rows(n)
    mesh = plsc.VectorSubcoreMesh(core_axis_name="c", subcore_axis_name="s")

    @functools.partial(
        pl.kernel,
        out_type=jax.ShapeDtypeStruct((2, n, _AW1), F32),
        mesh=mesh,
        compiler_params=pltpu.CompilerParams(use_tc_tiling_on_sc=False),
        scratch_types=[
            pltpu.VMEM_SHARED((n, _AW1), F32),
            pltpu.VMEM((_W,), jnp.int32),
            pltpu.VMEM((_W,), jnp.int32),
            pltpu.VMEM((_W,), jnp.int32),
            pltpu.VMEM((_W,), jnp.int32),
            pltpu.VMEM((_W,), jnp.int32),
            pltpu.VMEM((_W,), jnp.int32),
            pltpu.VMEM((_W,), jnp.int32),
            pltpu.VMEM((_W, 128), F32),
            pltpu.VMEM((_W,), F32),
            pltpu.VMEM((_W,), F32),
            pltpu.VMEM((_W,), F32),
            pltpu.VMEM((_W,), F32),
            pltpu.VMEM((_W,), F32),
            pltpu.VMEM((_W,), F32),
            pltpu.VMEM((_W + 16,), F32),
            pltpu.VMEM((_W + 16,), F32),
            pltpu.VMEM((_W, _AW1), F32),
            pltpu.SemaphoreType.DMA,
        ],
    )
    def l1(h_hbm, as_hbm, ad_hbm, gal_hbm, ei_hbm, out_hbm,
           acc, srcv, srcv2, dstv, ia0, ia1, id0, id1, rows,
           ga0, ga1, gd0, gd1, gal0, gal1, exb0, exb1, rowsout, sem):
        c = lax.axis_index("c")
        s = lax.axis_index("s")

        def zrow(r, carry):
            for k in range(_AW1 // 16):
                rowsout[r, pl.ds(k * 16, 16)] = jnp.zeros((16,), F32)
            return carry
        lax.fori_loop(0, _W, zrow, 0)
        r0 = s * chunk

        def zinit(cnt):
            for r in range(cnt // _W):
                pltpu.sync_copy(rowsout, acc.at[pl.ds(r0 + r * _W, _W)])
            if cnt % _W:
                pltpu.sync_copy(rowsout.at[pl.ds(0, cnt % _W)],
                                acc.at[pl.ds(r0 + (cnt // _W) * _W, cnt % _W)])

        @pl.when(s < 15)
        def _():
            zinit(chunk)

        @pl.when(s == 15)
        def _():
            zinit(last)
        plsc.subcore_barrier()

        def win(wi, carry):
            w = wi * 16 + s

            @pl.when(w < nwin)
            def _():
                base = w * _W
                pltpu.sync_copy(ei_hbm.at[0, pl.ds(base, _W)], srcv)
                pltpu.sync_copy(ei_hbm.at[1, pl.ds(base, _W)], dstv)
                pltpu.sync_copy(gal_hbm.at[c * 2, pl.ds(base, _W)], gal0)
                pltpu.sync_copy(gal_hbm.at[c * 2 + 1, pl.ds(base, _W)], gal1)
                coff = c * n
                h0 = c * 2
                for k in range(_W // 16):
                    sl = pl.ds(k * 16, 16)
                    sv = srcv[sl]
                    dv = dstv[sl]
                    srcv2[sl] = sv + coff
                    s4 = sv << 2
                    d4 = dv << 2
                    ia0[sl] = s4 + h0
                    ia1[sl] = s4 + (h0 + 1)
                    id0[sl] = d4 + h0
                    id1[sl] = d4 + (h0 + 1)
                d1 = pltpu.async_copy(as_hbm.at[ia0], ga0, sem)
                d2 = pltpu.async_copy(as_hbm.at[ia1], ga1, sem)
                d3 = pltpu.async_copy(ad_hbm.at[id0], gd0, sem)
                d4_ = pltpu.async_copy(ad_hbm.at[id1], gd1, sem)
                d5 = pltpu.async_copy(h_hbm.at[srcv2], rows, sem)
                d1.wait()
                d2.wait()
                d3.wait()
                d4_.wait()
                d5.wait()
                for i in range(_W // 16):
                    sl = pl.ds(i * 16, 16)
                    al0 = ga0[sl] + gd0[sl] + gal0[sl]
                    al0 = jnp.maximum(al0, 0.2 * al0)
                    exb0[sl] = jnp.exp(al0)
                    al1 = ga1[sl] + gd1[sl] + gal1[sl]
                    al1 = jnp.maximum(al1, 0.2 * al1)
                    exb1[sl] = jnp.exp(al1)

                def scale(ed, carry2):
                    s0 = exb0[pl.ds(ed, 16)][0]
                    s1 = exb1[pl.ds(ed, 16)][0]
                    for q in range(4):
                        rowsout[ed, pl.ds(q * 16, 16)] = (
                            rows[ed, pl.ds(q * 16, 16)] * s0)
                    for q in range(4, 8):
                        rowsout[ed, pl.ds(q * 16, 16)] = (
                            rows[ed, pl.ds(q * 16, 16)] * s1)
                    lane = lax.iota(jnp.int32, 16)
                    rowsout[ed, pl.ds(128, 16)] = jnp.where(
                        lane == 0, s0, jnp.where(lane == 1, s1, 0.0))
                    return carry2
                lax.fori_loop(0, _W, scale, 0)
                pltpu.sync_copy(rowsout, acc.at[dstv], add=True)
            return carry
        lax.fori_loop(0, pl.cdiv(nwin, 16), win, 0)

        plsc.subcore_barrier()

        @pl.when(s < 15)
        def _():
            pltpu.sync_copy(acc.at[pl.ds(r0, chunk)],
                            out_hbm.at[c, pl.ds(r0, chunk)])

        @pl.when(s == 15)
        def _():
            pltpu.sync_copy(acc.at[pl.ds(r0, last)],
                            out_hbm.at[c, pl.ds(r0, last)])

    return l1(h1cat, ntaf, ntdf, galT, edge_index)




def _sc_l2(h2, nt2f, galT, edge_index, n):
    e = edge_index.shape[1]
    nwin = e // _W
    half = nwin // 2
    chunk, last = _tile_rows(n)
    mesh = plsc.VectorSubcoreMesh(core_axis_name="c", subcore_axis_name="s")

    @functools.partial(
        pl.kernel,
        out_type=jax.ShapeDtypeStruct((2, n, _AW2), F32),
        mesh=mesh,
        compiler_params=pltpu.CompilerParams(use_tc_tiling_on_sc=False),
        scratch_types=[
            pltpu.VMEM_SHARED((n, _AW2), F32),
            pltpu.VMEM((_W,), jnp.int32),
            pltpu.VMEM((_W,), jnp.int32),
            pltpu.VMEM((_W,), jnp.int32),
            pltpu.VMEM((_W,), jnp.int32),
            pltpu.VMEM((_W, 64), F32),
            pltpu.VMEM((_W,), F32),
            pltpu.VMEM((_W,), F32),
            pltpu.VMEM((_W,), F32),
            pltpu.VMEM((_W + 16,), F32),
            pltpu.VMEM((_W, _AW2), F32),
            pltpu.SemaphoreType.DMA,
        ],
    )
    def l2(h_hbm, nt_hbm, gal_hbm, ei_hbm, out_hbm,
           acc, srcv, dstv, ia0, id0, rows, ga0, gd0, gal0, exb0,
           rowsout, sem):
        c = lax.axis_index("c")
        s = lax.axis_index("s")

        def zrow(r, carry):
            for k in range(_AW2 // 16):
                rowsout[r, pl.ds(k * 16, 16)] = jnp.zeros((16,), F32)
            return carry
        lax.fori_loop(0, _W, zrow, 0)
        r0 = s * chunk

        def zinit(cnt):
            for r in range(cnt // _W):
                pltpu.sync_copy(rowsout, acc.at[pl.ds(r0 + r * _W, _W)])
            if cnt % _W:
                pltpu.sync_copy(rowsout.at[pl.ds(0, cnt % _W)],
                                acc.at[pl.ds(r0 + (cnt // _W) * _W, cnt % _W)])

        @pl.when(s < 15)
        def _():
            zinit(chunk)

        @pl.when(s == 15)
        def _():
            zinit(last)
        plsc.subcore_barrier()

        def win(wi, carry):
            wl = wi * 16 + s

            @pl.when(wl < half)
            def _():
                base = (c * half + wl) * _W
                pltpu.sync_copy(ei_hbm.at[0, pl.ds(base, _W)], srcv)
                pltpu.sync_copy(ei_hbm.at[1, pl.ds(base, _W)], dstv)
                pltpu.sync_copy(gal_hbm.at[4, pl.ds(base, _W)], gal0)
                for k in range(_W // 16):
                    sl = pl.ds(k * 16, 16)
                    ia0[sl] = srcv[sl] << 2
                    id0[sl] = (dstv[sl] << 2) + 1
                d1 = pltpu.async_copy(nt_hbm.at[ia0], ga0, sem)
                d2 = pltpu.async_copy(nt_hbm.at[id0], gd0, sem)
                d3 = pltpu.async_copy(h_hbm.at[srcv], rows, sem)
                d1.wait()
                d2.wait()
                d3.wait()
                for i in range(_W // 16):
                    sl = pl.ds(i * 16, 16)
                    al0 = ga0[sl] + gd0[sl] + gal0[sl]
                    al0 = jnp.maximum(al0, 0.2 * al0)
                    exb0[sl] = jnp.exp(al0)

                def scale(ed, carry2):
                    s0 = exb0[pl.ds(ed, 16)][0]
                    for q in range(4):
                        rowsout[ed, pl.ds(q * 16, 16)] = (
                            rows[ed, pl.ds(q * 16, 16)] * s0)
                    lane = lax.iota(jnp.int32, 16)
                    rowsout[ed, pl.ds(64, 16)] = jnp.where(lane == 0, s0, 0.0)
                    return carry2
                lax.fori_loop(0, _W, scale, 0)
                pltpu.sync_copy(rowsout, acc.at[dstv], add=True)
            return carry
        lax.fori_loop(0, pl.cdiv(half, 16), win, 0)

        plsc.subcore_barrier()

        @pl.when(s < 15)
        def _():
            pltpu.sync_copy(acc.at[pl.ds(r0, chunk)],
                            out_hbm.at[c, pl.ds(r0, chunk)])

        @pl.when(s == 15)
        def _():
            pltpu.sync_copy(acc.at[pl.ds(r0, last)],
                            out_hbm.at[c, pl.ds(r0, last)])

    return l2(h2, nt2f, galT, edge_index)




def _mid_body(num_ref, b1_ref, g1_ref, be1_ref, m1_ref, v1_ref,
              w2_ref, a2s_ref, a2d_ref, skw_ref, skb_ref,
              h2_ref, nt2_ref, sk_ref):
    parts = []
    for cc in range(2):
        p = num_ref[cc]
        for j in range(2):
            numv = p[:, j * 64:(j + 1) * 64]
            den = p[:, 128 + j:129 + j]
            parts.append(numv / (den + EPS))
    o1 = jnp.concatenate(parts, axis=1) + b1_ref[...]
    xb = (o1 - m1_ref[...]) / jnp.sqrt(v1_ref[...] + 1e-5) * g1_ref[...] + be1_ref[...]
    x1 = jnp.where(xb > 0, xb, jnp.exp(jnp.minimum(xb, 0.0)) - 1.0)
    h2 = jnp.dot(x1, w2_ref[...], preferred_element_type=F32, precision=lax.Precision.HIGHEST)
    as2 = jnp.dot(h2, a2s_ref[...], preferred_element_type=F32, precision=lax.Precision.HIGHEST)
    ad2 = jnp.dot(h2, a2d_ref[...], preferred_element_type=F32, precision=lax.Precision.HIGHEST)
    h2_ref[...] = h2
    nt2_ref[...] = jnp.concatenate(
        [as2, ad2, jnp.zeros((as2.shape[0], 2), F32)], axis=1)
    sk_ref[...] = jnp.dot(x1, skw_ref[...], preferred_element_type=F32, precision=lax.Precision.HIGHEST) + skb_ref[...]


def _mid(num1, b1, g1, be1, m1, v1, lin2_W, a2s, a2d, skip_W, skb, bn):
    n = num1.shape[1]
    grid = pl.cdiv(n, bn)
    c0 = lambda i: (0, 0)
    return pl.pallas_call(
        _mid_body,
        grid=(grid,),
        in_specs=[
            pl.BlockSpec((2, bn, _AW1), lambda i: (0, i, 0)),
            pl.BlockSpec((1, 256), c0), pl.BlockSpec((1, 256), c0),
            pl.BlockSpec((1, 256), c0), pl.BlockSpec((1, 256), c0),
            pl.BlockSpec((1, 256), c0),
            pl.BlockSpec((256, 64), c0),
            pl.BlockSpec((64, 1), c0), pl.BlockSpec((64, 1), c0),
            pl.BlockSpec((256, 64), c0), pl.BlockSpec((1, 64), c0),
        ],
        out_specs=[
            pl.BlockSpec((bn, 64), lambda i: (i, 0)),
            pl.BlockSpec((bn, 4), lambda i: (i, 0)),
            pl.BlockSpec((bn, 64), lambda i: (i, 0)),
        ],
        out_shape=[
            jax.ShapeDtypeStruct((n, 64), F32),
            jax.ShapeDtypeStruct((n, 4), F32),
            jax.ShapeDtypeStruct((n, 64), F32),
        ],
    )(num1, b1, g1, be1, m1, v1, lin2_W, a2s, a2d, skip_W, skb)




def _head_body(n, nblocks, bn,
               num_ref, sk_ref, b2_ref, g2_ref, be2_ref, m2_ref, v2_ref,
               sw1_ref, sb1_ref, sw2_ref, sb2_ref,
               gf_ref, lw_ref, lb_ref, f1w_ref, f1b_ref, f2w_ref, f2b_ref,
               out_ref, sacc, macc):
    i = pl.program_id(0)

    @pl.when(i == 0)
    def _():
        sacc[...] = jnp.zeros_like(sacc)
        macc[...] = jnp.full_like(macc, -jnp.inf)

    p = num_ref[0] + num_ref[1]
    feat = p[:, :64] / (p[:, 64:65] + EPS) + b2_ref[...]
    xb = (feat - m2_ref[...]) / jnp.sqrt(v2_ref[...] + 1e-5) * g2_ref[...] + be2_ref[...]
    x2 = jnp.where(xb > 0, xb, jnp.exp(jnp.minimum(xb, 0.0)) - 1.0) + sk_ref[...]
    se1 = jnp.maximum(jnp.dot(x2, sw1_ref[...], preferred_element_type=F32, precision=lax.Precision.HIGHEST)
                      + sb1_ref[...], 0.0)
    se2 = jnp.dot(se1, sw2_ref[...], preferred_element_type=F32, precision=lax.Precision.HIGHEST) + sb2_ref[...]
    x2 = x2 * (1.0 / (1.0 + jnp.exp(-se2)))
    rid = i * bn + lax.broadcasted_iota(jnp.int32, (bn, 1), 0)
    valid = rid < n
    xs = jnp.where(valid, x2, 0.0)
    xm = jnp.where(valid, x2, -jnp.inf)
    sacc[0:1, :] = sacc[0:1, :] + jnp.sum(xs, axis=0, keepdims=True)
    macc[0:1, :] = jnp.maximum(macc[0:1, :], jnp.max(xm, axis=0, keepdims=True))

    @pl.when(i == nblocks - 1)
    def _():
        mean = sacc[0:1, :] / n
        mx = macc[0:1, :]
        g = jnp.maximum(jnp.dot(gf_ref[...], lw_ref[...],
                                preferred_element_type=F32, precision=lax.Precision.HIGHEST) + lb_ref[...], 0.0)
        hcat = jnp.concatenate([mean, mx, g, mean * mx], axis=1)
        hid = jnp.maximum(jnp.dot(hcat, f1w_ref[...],
                                  preferred_element_type=F32, precision=lax.Precision.HIGHEST) + f1b_ref[...], 0.0)
        out_ref[...] = jnp.dot(hid, f2w_ref[...],
                               preferred_element_type=F32, precision=lax.Precision.HIGHEST) + f2b_ref[...]


def _head(num2, sk, b2, g2, be2, m2, v2, sw1, sb1, sw2, sb2,
          gf, lw, lb, f1w, f1b, f2w, f2b, bn):
    n = num2.shape[1]
    nblocks = pl.cdiv(n, bn)
    c0 = lambda i: (0, 0)
    return pl.pallas_call(
        functools.partial(_head_body, n, nblocks, bn),
        grid=(nblocks,),
        in_specs=[
            pl.BlockSpec((2, bn, _AW2), lambda i: (0, i, 0)),
            pl.BlockSpec((bn, 64), lambda i: (i, 0)),
            pl.BlockSpec((1, 64), c0), pl.BlockSpec((1, 64), c0),
            pl.BlockSpec((1, 64), c0), pl.BlockSpec((1, 64), c0),
            pl.BlockSpec((1, 64), c0),
            pl.BlockSpec((64, 32), c0), pl.BlockSpec((1, 32), c0),
            pl.BlockSpec((32, 64), c0), pl.BlockSpec((1, 64), c0),
            pl.BlockSpec((1, 32), c0),
            pl.BlockSpec((32, 64), c0), pl.BlockSpec((1, 64), c0),
            pl.BlockSpec((256, 64), c0), pl.BlockSpec((1, 64), c0),
            pl.BlockSpec((64, 1), c0), pl.BlockSpec((1, 1), c0),
        ],
        out_specs=pl.BlockSpec((1, 1), c0),
        out_shape=jax.ShapeDtypeStruct((1, 1), F32),
        scratch_shapes=[
            pltpu.VMEM((8, 64), F32),
            pltpu.VMEM((8, 64), F32),
        ],
    )(num2, sk, b2, g2, be2, m2, v2, sw1, sb1, sw2, sb2,
      gf, lw, lb, f1w, f1b, f2w, f2b)




def kernel(x, edge_index, edge_attr, edge_type_id, batch, graph_feat,
           edge_type_logit, lin1_W, att1_src, att1_dst, att1_edge, lin1_edge_W,
           bias1, bn1_gamma, bn1_beta, bn1_mean, bn1_var, lin2_W, att2_src,
           att2_dst, att2_edge, lin2_edge_W, bias2, bn2_gamma, bn2_beta,
           bn2_mean, bn2_var, skip_W, skip_b, se_W1, se_b1, se_W2, se_b2,
           ling_W, ling_b, f1_W, f1_b, f2_W, f2_b):
    n = x.shape[0]
    e = edge_index.shape[1]

    eye4 = jnp.eye(4, dtype=F32)
    As1 = (att1_src[:, :, None] * eye4[:, None, :]).reshape(256, 4)
    Ad1 = (att1_dst[:, :, None] * eye4[:, None, :]).reshape(256, 4)
    W_ae1 = jnp.einsum('khc,hc->kh', lin1_edge_W.reshape(16, 4, 64), att1_edge)
    w_ae2 = (lin2_edge_W @ att2_edge[0]).reshape(16, 1)
    r2 = lambda a: a.reshape(1, -1)

    h1pair, nt_as, nt_ad = _node_proj(x, lin1_W, As1, Ad1, bn=256)
    galp = _edge_proj(edge_attr, edge_type_id.reshape(e, 1),
                      edge_type_logit.reshape(1, 8), W_ae1, w_ae2, be=2560)

    galT = galp[:, :5].T
    num1 = _sc_l1(h1pair.reshape(2 * n, 128), nt_as.reshape(-1),
                  nt_ad.reshape(-1), galT, edge_index, n)

    h2, nt2, sk = _mid(num1, r2(bias1), r2(bn1_gamma), r2(bn1_beta),
                       r2(bn1_mean), r2(bn1_var), lin2_W,
                       att2_src.reshape(64, 1), att2_dst.reshape(64, 1),
                       skip_W, r2(skip_b), bn=256)

    num2 = _sc_l2(h2, nt2.reshape(-1), galT, edge_index, n)

    return _head(num2, sk, r2(bias2), r2(bn2_gamma), r2(bn2_beta),
                 r2(bn2_mean), r2(bn2_var), se_W1, r2(se_b1), se_W2, r2(se_b2),
                 graph_feat.reshape(1, 32), ling_W, r2(ling_b),
                 f1_W, r2(f1_b), f2_W, r2(f2_b), bn=256)

# --- scband reference (transcript-rebuilt; emitter-appended) ---
"""Pipeline reference for scband-ultra-enhanced-gat-physics-39213051412489 (READ-ONLY COPY).

The authoritative reference and input builder live on the scoring server;
editing this copy changes nothing except your own understanding.
"""

import jax, jax.numpy as jnp
import numpy as np

N = 10000
E = 320000
F_IN = 128
EDGE_DIM = 16
N_ETYPES = 8
HIDDEN = 64
HEADS = 4
GRAPH_IN = 32


def _bn(x, g, b, m, v):
    return (x - m) / jnp.sqrt(v + 1e-05) * g + b


def _gat(x, src, dst, e, lin_W, a_s, a_d, a_e, lin_e_W, bias, heads, ch, concat):
    n = x.shape[0]
    h = (x @ lin_W).reshape(n, heads, ch)
    ee = (e @ lin_e_W).reshape(-1, heads, ch)
    al = jnp.sum(h * a_s[None], -1)[src] + jnp.sum(h * a_d[None], -1)[dst] + jnp.sum(ee * a_e[None], -1)
    al = jax.nn.leaky_relu(al, 0.2)
    amax = jax.ops.segment_max(al, dst, num_segments=n)
    amax = jnp.where(jnp.isfinite(amax), amax, 0.0)
    ex = jnp.exp(al - amax[dst])
    den = jax.ops.segment_sum(ex, dst, num_segments=n)
    att = ex / (den[dst] + 1e-16)
    out = jax.ops.segment_sum(h[src] * att[:, :, None], dst, num_segments=n)
    out = out.reshape(n, heads * ch) if concat else out.mean(1)
    return out + bias


def _forward(x, edge_attr, graph_feat, edge_type_logit, lin1_W, att1_src, att1_dst, att1_edge, lin1_edge_W, bias1, bn1_gamma, bn1_beta, bn1_mean, bn1_var, lin2_W, att2_src, att2_dst, att2_edge, lin2_edge_W, bias2, bn2_gamma, bn2_beta, bn2_mean, bn2_var, skip_W, skip_b, se_W1, se_b1, se_W2, se_b2, ling_W, ling_b, f1_W, f1_b, f2_W, f2_b, src, dst, edge_type_id, batch):
    gates = jax.nn.sigmoid(edge_type_logit)[edge_type_id]
    eattr_s = edge_attr * gates[:, None]
    x1 = _gat(x, src, dst, eattr_s, lin1_W, att1_src, att1_dst, att1_edge, lin1_edge_W, bias1, HEADS, HIDDEN, True)
    x1 = jax.nn.elu(_bn(x1, bn1_gamma, bn1_beta, bn1_mean, bn1_var))
    x2 = _gat(x1, src, dst, eattr_s, lin2_W, att2_src, att2_dst, att2_edge, lin2_edge_W, bias2, 1, HIDDEN, False)
    x2 = jax.nn.elu(_bn(x2, bn2_gamma, bn2_beta, bn2_mean, bn2_var)) + (x1 @ skip_W + skip_b)
    se = jax.nn.sigmoid(jax.nn.relu(x2 @ se_W1 + se_b1) @ se_W2 + se_b2)
    x2 = x2 * se
    ones = jnp.ones((x2.shape[0],), jnp.float32)
    counts = jax.ops.segment_sum(ones, batch, num_segments=1)
    mean_pool = jax.ops.segment_sum(x2, batch, num_segments=1) / jnp.maximum(counts, 1.0)[:, None]
    max_pool = jax.ops.segment_max(x2, batch, num_segments=1)
    g = jax.nn.relu(graph_feat.reshape(-1, GRAPH_IN) @ ling_W + ling_b)
    h = jnp.concatenate([mean_pool, max_pool, g, mean_pool * max_pool], axis=1)
    out = jax.nn.relu(h @ f1_W + f1_b) @ f2_W + f2_b
    return out


def setup_inputs(seed: int = 0):
    key = jax.random.key(seed)
    kit = iter(jax.random.split(key, 64))
    def nrm(shape, s=1.0):
        return jax.random.normal(next(kit), shape, dtype=jnp.float32) * s
    HH = HEADS * HIDDEN
    inp = {}
    inp['x'] = nrm((N, F_IN))
    inp['edge_index'] = jax.random.randint(next(kit), (2, E), 0, N, dtype=jnp.int32)
    inp['edge_attr'] = nrm((E, EDGE_DIM))
    inp['edge_type_id'] = jax.random.randint(next(kit), (E,), 0, N_ETYPES, dtype=jnp.int32)
    inp['batch'] = jnp.zeros((N,), dtype=jnp.int32)
    inp['graph_feat'] = nrm((1, GRAPH_IN))
    inp['edge_type_logit'] = nrm((N_ETYPES,), 0.1)
    inp['lin1_W'] = nrm((F_IN, HH), 0.05)
    inp['att1_src'] = nrm((HEADS, HIDDEN), 0.05)
    inp['att1_dst'] = nrm((HEADS, HIDDEN), 0.05)
    inp['att1_edge'] = nrm((HEADS, HIDDEN), 0.05)
    inp['lin1_edge_W'] = nrm((EDGE_DIM, HH), 0.05)
    inp['bias1'] = nrm((HH,), 0.01)
    inp['bn1_gamma'] = jnp.ones((HH,), jnp.float32)
    inp['bn1_beta'] = jnp.zeros((HH,), jnp.float32)
    inp['bn1_mean'] = nrm((HH,), 0.01)
    inp['bn1_var'] = jax.random.uniform(next(kit), (HH,), minval=0.5, maxval=1.5, dtype=jnp.float32)
    inp['lin2_W'] = nrm((HH, HIDDEN), 0.05)
    inp['att2_src'] = nrm((1, HIDDEN), 0.05)
    inp['att2_dst'] = nrm((1, HIDDEN), 0.05)
    inp['att2_edge'] = nrm((1, HIDDEN), 0.05)
    inp['lin2_edge_W'] = nrm((EDGE_DIM, HIDDEN), 0.05)
    inp['bias2'] = nrm((HIDDEN,), 0.01)
    inp['bn2_gamma'] = jnp.ones((HIDDEN,), jnp.float32)
    inp['bn2_beta'] = jnp.zeros((HIDDEN,), jnp.float32)
    inp['bn2_mean'] = nrm((HIDDEN,), 0.01)
    inp['bn2_var'] = jax.random.uniform(next(kit), (HIDDEN,), minval=0.5, maxval=1.5, dtype=jnp.float32)
    inp['skip_W'] = nrm((HH, HIDDEN), 0.05)
    inp['skip_b'] = nrm((HIDDEN,), 0.01)
    inp['se_W1'] = nrm((HIDDEN, HIDDEN // 2), 0.1)
    inp['se_b1'] = nrm((HIDDEN // 2,), 0.01)
    inp['se_W2'] = nrm((HIDDEN // 2, HIDDEN), 0.1)
    inp['se_b2'] = nrm((HIDDEN,), 0.01)
    inp['ling_W'] = nrm((GRAPH_IN, HIDDEN), 0.1)
    inp['ling_b'] = nrm((HIDDEN,), 0.01)
    inp['f1_W'] = nrm((4 * HIDDEN, HIDDEN), 0.05)
    inp['f1_b'] = nrm((HIDDEN,), 0.01)
    inp['f2_W'] = nrm((HIDDEN, 1), 0.05)
    inp['f2_b'] = nrm((1,), 0.01)
    return inp


def reference(x, edge_index, edge_attr, edge_type_id, batch, graph_feat, edge_type_logit, lin1_W, att1_src, att1_dst, att1_edge, lin1_edge_W, bias1, bn1_gamma, bn1_beta, bn1_mean, bn1_var, lin2_W, att2_src, att2_dst, att2_edge, lin2_edge_W, bias2, bn2_gamma, bn2_beta, bn2_mean, bn2_var, skip_W, skip_b, se_W1, se_b1, se_W2, se_b2, ling_W, ling_b, f1_W, f1_b, f2_W, f2_b):
    return _forward(x, edge_attr, graph_feat, edge_type_logit, lin1_W, att1_src, att1_dst, att1_edge, lin1_edge_W, bias1, bn1_gamma, bn1_beta, bn1_mean, bn1_var, lin2_W, att2_src, att2_dst, att2_edge, lin2_edge_W, bias2, bn2_gamma, bn2_beta, bn2_mean, bn2_var, skip_W, skip_b, se_W1, se_b1, se_W2, se_b2, ling_W, ling_b, f1_W, f1_b, f2_W, f2_b, edge_index[0], edge_index[1], edge_type_id, batch)

if __name__ == "__main__":
    import jax
    _d = setup_inputs()
    print(jax.jit(kernel)(*tuple(_d.values())))

</pallas_src>

<mosaic_0001>
#map = affine_map<(d0, d1) -> (0, 0)>
#map1 = affine_map<(d0, d1) -> (0)>
#map2 = affine_map<(d0, d1) -> (0, 0, 0)>
module attributes {stable_mosaic.version = 14 : i64} {
  func.func @l2(%arg0: i32, %arg1: i32, %arg2: memref<10000x64xf32, #tpu.memory_space<hbm>>, %arg3: memref<40000xf32, #tpu.memory_space<hbm>>, %arg4: memref<5x320000xf32, #tpu.memory_space<hbm>>, %arg5: memref<2x320000xi32, #tpu.memory_space<hbm>>, %arg6: memref<2x10000x80xf32, #tpu.memory_space<hbm>>, %arg7: memref<10000x80xf32, #tpu.memory_space<vmem_shared>>, %arg8: memref<128xi32, #tpu.memory_space<vmem>>, %arg9: memref<128xi32, #tpu.memory_space<vmem>>, %arg10: memref<128xi32, #tpu.memory_space<vmem>>, %arg11: memref<128xi32, #tpu.memory_space<vmem>>, %arg12: memref<128x64xf32, #tpu.memory_space<vmem>>, %arg13: memref<128xf32, #tpu.memory_space<vmem>>, %arg14: memref<128xf32, #tpu.memory_space<vmem>>, %arg15: memref<128xf32, #tpu.memory_space<vmem>>, %arg16: memref<144xf32, #tpu.memory_space<vmem>>, %arg17: memref<128x80xf32, #tpu.memory_space<vmem>>, %arg18: memref<!tpu.dma_semaphore, #tpu.memory_space<semaphore_mem>>) attributes {dimension_semantics = [#tpu.dimension_semantics<core_parallel>, #tpu.dimension_semantics<subcore_parallel>], iteration_bounds = array<i64: 2, 16>, scalar_prefetch = 0 : i64, scratch_operands = 12 : i64, tpu.core_type = #tpu.core_type<sc_vector_subcore>, window_params = [{transform_indices = #map}, {transform_indices = #map1}, {transform_indices = #map}, {transform_indices = #map}, {transform_indices = #map2}]} {
    %scan3A = arith.constant 0 : i32
    %scan3A_0 = arith.constant 0 : i32
    %scan3A_1 = arith.constant 128 : i32
    %scan3A_2 = arith.addi %scan3A_0, %scan3A_1 : i32
    %scan3A_3 = arith.constant 1 : i32
    scf.for %scan3A_29 = %scan3A_0 to %scan3A_2 step %scan3A_3  : i32 {
      %broadcast_in_dim3A = arith.constant 0.000000e+00 : f32
      %broadcast_in_dim3A_30 = vector.broadcast %broadcast_in_dim3A : f32 to vector<16xf32>
      %swap3A = arith.index_cast %scan3A_29 : i32 to index
      %swap3A_31 = arith.constant 0 : index
      %swap3A_32 = tpu.vector_load %arg17[%swap3A, %swap3A_31] {strides = array<i32>} : memref<128x80xf32, #tpu.memory_space<vmem>>, vector<1x16xf32>,
      %swap3A_33 = vector.shape_cast %swap3A_32 : vector<1x16xf32> to vector<16xf32>
      %swap3A_34 = vector.shape_cast %broadcast_in_dim3A_30 : vector<16xf32> to vector<1x16xf32>
      tpu.vector_store %arg17[%swap3A, %swap3A_31], %swap3A_34 {strides = array<i32>} : memref<128x80xf32, #tpu.memory_space<vmem>>, vector<1x16xf32>,
      %broadcast_in_dim3A_35 = arith.constant 0.000000e+00 : f32
      %broadcast_in_dim3A_36 = vector.broadcast %broadcast_in_dim3A_35 : f32 to vector<16xf32>
      %swap3A_37 = arith.index_cast %scan3A_29 : i32 to index
      %swap3A_38 = arith.constant 16 : index
      %swap3A_39 = tpu.vector_load %arg17[%swap3A_37, %swap3A_38] {strides = array<i32>} : memref<128x80xf32, #tpu.memory_space<vmem>>, vector<1x16xf32>,
      %swap3A_40 = vector.shape_cast %swap3A_39 : vector<1x16xf32> to vector<16xf32>
      %swap3A_41 = vector.shape_cast %broadcast_in_dim3A_36 : vector<16xf32> to vector<1x16xf32>
      tpu.vector_store %arg17[%swap3A_37, %swap3A_38], %swap3A_41 {strides = array<i32>} : memref<128x80xf32, #tpu.memory_space<vmem>>, vector<1x16xf32>,
      %broadcast_in_dim3A_42 = arith.constant 0.000000e+00 : f32
      %broadcast_in_dim3A_43 = vector.broadcast %broadcast_in_dim3A_42 : f32 to vector<16xf32>
      %swap3A_44 = arith.index_cast %scan3A_29 : i32 to index
      %swap3A_45 = arith.constant 32 : index
      %swap3A_46 = tpu.vector_load %arg17[%swap3A_44, %swap3A_45] {strides = array<i32>} : memref<128x80xf32, #tpu.memory_space<vmem>>, vector<1x16xf32>,
      %swap3A_47 = vector.shape_cast %swap3A_46 : vector<1x16xf32> to vector<16xf32>
      %swap3A_48 = vector.shape_cast %broadcast_in_dim3A_43 : vector<16xf32> to vector<1x16xf32>
      tpu.vector_store %arg17[%swap3A_44, %swap3A_45], %swap3A_48 {strides = array<i32>} : memref<128x80xf32, #tpu.memory_space<vmem>>, vector<1x16xf32>,
      %broadcast_in_dim3A_49 = arith.constant 0.000000e+00 : f32
      %broadcast_in_dim3A_50 = vector.broadcast %broadcast_in_dim3A_49 : f32 to vector<16xf32>
      %swap3A_51 = arith.index_cast %scan3A_29 : i32 to index
      %swap3A_52 = arith.constant 48 : index
      %swap3A_53 = tpu.vector_load %arg17[%swap3A_51, %swap3A_52] {strides = array<i32>} : memref<128x80xf32, #tpu.memory_space<vmem>>, vector<1x16xf32>,
      %swap3A_54 = vector.shape_cast %swap3A_53 : vector<1x16xf32> to vector<16xf32>
      %swap3A_55 = vector.shape_cast %broadcast_in_dim3A_50 : vector<16xf32> to vector<1x16xf32>
      tpu.vector_store %arg17[%swap3A_51, %swap3A_52], %swap3A_55 {strides = array<i32>} : memref<128x80xf32, #tpu.memory_space<vmem>>, vector<1x16xf32>,
      %broadcast_in_dim3A_56 = arith.constant 0.000000e+00 : f32
      %broadcast_in_dim3A_57 = vector.broadcast %broadcast_in_dim3A_56 : f32 to vector<16xf32>
      %swap3A_58 = arith.index_cast %scan3A_29 : i32 to index
      %swap3A_59 = arith.constant 64 : index
      %swap3A_60 = tpu.vector_load %arg17[%swap3A_58, %swap3A_59] {strides = array<i32>} : memref<128x80xf32, #tpu.memory_space<vmem>>, vector<1x16xf32>,
      %swap3A_61 = vector.shape_cast %swap3A_60 : vector<1x16xf32> to vector<16xf32>
      %swap3A_62 = vector.shape_cast %broadcast_in_dim3A_57 : vector<16xf32> to vector<1x16xf32>
      tpu.vector_store %arg17[%swap3A_58, %swap3A_59], %swap3A_62 {strides = array<i32>} : memref<128x80xf32, #tpu.memory_space<vmem>>, vector<1x16xf32>,
    }
    %scan3A_4 = arith.constant 128 : i32
    %mul3A = arith.constant 632 : i32
    %mul3A_5 = arith.muli %arg1, %mul3A : i32
    %lt3A = arith.constant 15 : i32
    %lt3A_6 = arith.cmpi slt, %arg1, %lt3A : i32
    %convert_element_type3A = arith.extui %lt3A_6 : i1 to i32
    %cond3A = arith.constant 0 : i32
    %cond3A_7 = arith.cmpi ne, %convert_element_type3A, %cond3A : i32
    scf.if %cond3A_7 {
      %add3A = arith.constant 0 : i32
      %add3A_29 = arith.addi %mul3A_5, %add3A : i32
      "tpu.region"() ({
        %run_scoped3A = tpu.sem_alloc : memref<!tpu.dma_semaphore, #tpu.memory_space<semaphore_mem>>
        %dma_start3A = arith.constant 0 : i32
        %dma_start3A_38 = tpu.memref_slice %arg7[%add3A_29, %dma_start3A] : memref<10000x80xf32, #tpu.memory_space<vmem_shared>> -> memref<128x80xf32, #tpu.memory_space<vmem_shared>>
        %dma_start3A_39 = arith.constant 0 : i32
        %dma_start3A_40 = tpu.memref_slice %arg7[%add3A_29, %dma_start3A_39] : memref<10000x80xf32, #tpu.memory_space<vmem_shared>> -> memref<128x80xf32, #tpu.memory_space<vmem_shared>>
        tpu.enqueue_dma source(%arg17 : memref<128x80xf32, #tpu.memory_space<vmem>>) target(%dma_start3A_40 : memref<128x80xf32, #tpu.memory_space<vmem_shared>>) target_semaphore(%run_scoped3A : memref<!tpu.dma_semaphore, #tpu.memory_space<semaphore_mem>>)
        %dma_wait3A = arith.constant 0 : i32
        %dma_wait3A_41 = tpu.memref_slice %arg7[%add3A_29, %dma_wait3A] : memref<10000x80xf32, #tpu.memory_space<vmem_shared>> -> memref<128x80xf32, #tpu.memory_space<vmem_shared>>
        %dma_wait3A_42 = arith.constant 0 : i32
        %dma_wait3A_43 = tpu.memref_slice %arg7[%add3A_29, %dma_wait3A_42] : memref<10000x80xf32, #tpu.memory_space<vmem_shared>> -> memref<128x80xf32, #tpu.memory_space<vmem_shared>>
        tpu.wait_dma2 semaphore(%run_scoped3A : memref<!tpu.dma_semaphore, #tpu.memory_space<semaphore_mem>>) src(%arg17 : memref<128x80xf32, #tpu.memory_space<vmem>>) dst(%dma_wait3A_43 : memref<128x80xf32, #tpu.memory_space<vmem_shared>>)
        tpu.yield
      }) : () -> ()
      %add3A_30 = arith.constant 128 : i32
      %add3A_31 = arith.addi %mul3A_5, %add3A_30 : i32
      "tpu.region"() ({
        %run_scoped3A = tpu.sem_alloc : memref<!tpu.dma_semaphore, #tpu.memory_space<semaphore_mem>>
        %dma_start3A = arith.constant 0 : i32
        %dma_start3A_38 = tpu.memref_slice %arg7[%add3A_31, %dma_start3A] : memref<10000x80xf32, #tpu.memory_space<vmem_shared>> -> memref<128x80xf32, #tpu.memory_space<vmem_shared>>
        %dma_start3A_39 = arith.constant 0 : i32
        %dma_start3A_40 = tpu.memref_slice %arg7[%add3A_31, %dma_start3A_39] : memref<10000x80xf32, #tpu.memory_space<vmem_shared>> -> memref<128x80xf32, #tpu.memory_space<vmem_shared>>
        tpu.enqueue_dma source(%arg17 : memref<128x80xf32, #tpu.memory_space<vmem>>) target(%dma_start3A_40 : memref<128x80xf32, #tpu.memory_space<vmem_shared>>) target_semaphore(%run_scoped3A : memref<!tpu.dma_semaphore, #tpu.memory_space<semaphore_mem>>)
        %dma_wait3A = arith.constant 0 : i32
        %dma_wait3A_41 = tpu.memref_slice %arg7[%add3A_31, %dma_wait3A] : memref<10000x80xf32, #tpu.memory_space<vmem_shared>> -> memref<128x80xf32, #tpu.memory_space<vmem_shared>>
        %dma_wait3A_42 = arith.constant 0 : i32
        %dma_wait3A_43 = tpu.memref_slice %arg7[%add3A_31, %dma_wait3A_42] : memref<10000x80xf32, #tpu.memory_space<vmem_shared>> -> memref<128x80xf32, #tpu.memory_space<vmem_shared>>
        tpu.wait_dma2 semaphore(%run_scoped3A : memref<!tpu.dma_semaphore, #tpu.memory_space<semaphore_mem>>) src(%arg17 : memref<128x80xf32, #tpu.memory_space<vmem>>) dst(%dma_wait3A_43 : memref<128x80xf32, #tpu.memory_space<vmem_shared>>)
        tpu.yield
      }) : () -> ()
      %add3A_32 = arith.constant 256 : i32
      %add3A_33 = arith.addi %mul3A_5, %add3A_32 : i32
      "tpu.region"() ({
        %run_scoped3A = tpu.sem_alloc : memref<!tpu.dma_semaphore, #tpu.memory_space<semaphore_mem>>
        %dma_start3A = arith.constant 0 : i32
        %dma_start3A_38 = tpu.memref_slice %arg7[%add3A_33, %dma_start3A] : memref<10000x80xf32, #tpu.memory_space<vmem_shared>> -> memref<128x80xf32, #tpu.memory_space<vmem_shared>>
        %dma_start3A_39 = arith.constant 0 : i32
        %dma_start3A_40 = tpu.memref_slice %arg7[%add3A_33, %dma_start3A_39] : memref<10000x80xf32, #tpu.memory_space<vmem_shared>> -> memref<128x80xf32, #tpu.memory_space<vmem_shared>>
        tpu.enqueue_dma source(%arg17 : memref<128x80xf32, #tpu.memory_space<vmem>>) target(%dma_start3A_40 : memref<128x80xf32, #tpu.memory_space<vmem_shared>>) target_semaphore(%run_scoped3A : memref<!tpu.dma_semaphore, #tpu.memory_space<semaphore_mem>>)
        %dma_wait3A = arith.constant 0 : i32
        %dma_wait3A_41 = tpu.memref_slice %arg7[%add3A_33, %dma_wait3A] : memref<10000x80xf32, #tpu.memory_space<vmem_shared>> -> memref<128x80xf32, #tpu.memory_space<vmem_shared>>
        %dma_wait3A_42 = arith.constant 0 : i32
        %dma_wait3A_43 = tpu.memref_slice %arg7[%add3A_33, %dma_wait3A_42] : memref<10000x80xf32, #tpu.memory_space<vmem_shared>> -> memref<128x80xf32, #tpu.memory_space<vmem_shared>>
        tpu.wait_dma2 semaphore(%run_scoped3A : memref<!tpu.dma_semaphore, #tpu.memory_space<semaphore_mem>>) src(%arg17 : memref<128x80xf32, #tpu.memory_space<vmem>>) dst(%dma_wait3A_43 : memref<128x80xf32, #tpu.memory_space<vmem_shared>>)
        tpu.yield
      }) : () -> ()
      %add3A_34 = arith.constant 384 : i32
      %add3A_35 = arith.addi %mul3A_5, %add3A_34 : i32
      "tpu.region"() ({
        %run_scoped3A = tpu.sem_alloc : memref<!tpu.dma_semaphore, #tpu.memory_space<semaphore_mem>>
        %dma_start3A = arith.constant 0 : i32
        %dma_start3A_38 = tpu.memref_slice %arg7[%add3A_35, %dma_start3A] : memref<10000x80xf32, #tpu.memory_space<vmem_shared>> -> memref<128x80xf32, #tpu.memory_space<vmem_shared>>
        %dma_start3A_39 = arith.constant 0 : i32
        %dma_start3A_40 = tpu.memref_slice %arg7[%add3A_35, %dma_start3A_39] : memref<10000x80xf32, #tpu.memory_space<vmem_shared>> -> memref<128x80xf32, #tpu.memory_space<vmem_shared>>
        tpu.enqueue_dma source(%arg17 : memref<128x80xf32, #tpu.memory_space<vmem>>) target(%dma_start3A_40 : memref<128x80xf32, #tpu.memory_space<vmem_shared>>) target_semaphore(%run_scoped3A : memref<!tpu.dma_semaphore, #tpu.memory_space<semaphore_mem>>)
        %dma_wait3A = arith.constant 0 : i32
        %dma_wait3A_41 = tpu.memref_slice %arg7[%add3A_35, %dma_wait3A] : memref<10000x80xf32, #tpu.memory_space<vmem_shared>> -> memref<128x80xf32, #tpu.memory_space<vmem_shared>>
        %dma_wait3A_42 = arith.constant 0 : i32
        %dma_wait3A_43 = tpu.memref_slice %arg7[%add3A_35, %dma_wait3A_42] : memref<10000x80xf32, #tpu.memory_space<vmem_shared>> -> memref<128x80xf32, #tpu.memory_space<vmem_shared>>
        tpu.wait_dma2 semaphore(%run_scoped3A : memref<!tpu.dma_semaphore, #tpu.memory_space<semaphore_mem>>) src(%arg17 : memref<128x80xf32, #tpu.memory_space<vmem>>) dst(%dma_wait3A_43 : memref<128x80xf32, #tpu.memory_space<vmem_shared>>)
        tpu.yield
      }) : () -> ()
      %add3A_36 = arith.constant 512 : i32
      %add3A_37 = arith.addi %mul3A_5, %add3A_36 : i32
      "tpu.region"() ({
        %run_scoped3A = tpu.sem_alloc : memref<!tpu.dma_semaphore, #tpu.memory_space<semaphore_mem>>
        %dma_start3A = arith.constant 0 : i32
        %dma_start3A_38 = arith.constant 0 : i32
        %dma_start3A_39 = tpu.memref_slice %arg17[%dma_start3A, %dma_start3A_38] : memref<128x80xf32, #tpu.memory_space<vmem>> -> memref<120x80xf32, #tpu.memory_space<vmem>>
        %dma_start3A_40 = arith.constant 0 : i32
        %dma_start3A_41 = tpu.memref_slice %arg7[%add3A_37, %dma_start3A_40] : memref<10000x80xf32, #tpu.memory_space<vmem_shared>> -> memref<120x80xf32, #tpu.memory_space<vmem_shared>>
        %dma_start3A_42 = arith.constant 0 : i32
        %dma_start3A_43 = tpu.memref_slice %arg7[%add3A_37, %dma_start3A_42] : memref<10000x80xf32, #tpu.memory_space<vmem_shared>> -> memref<120x80xf32, #tpu.memory_space<vmem_shared>>
        %dma_start3A_44 = arith.constant 0 : i32
        %dma_start3A_45 = arith.constant 0 : i32
        %dma_start3A_46 = tpu.memref_slice %arg17[%dma_start3A_44, %dma_start3A_45] : memref<128x80xf32, #tpu.memory_space<vmem>> -> memref<120x80xf32, #tpu.memory_space<vmem>>
        tpu.enqueue_dma source(%dma_start3A_46 : memref<120x80xf32, #tpu.memory_space<vmem>>) target(%dma_start3A_43 : memref<120x80xf32, #tpu.memory_space<vmem_shared>>) target_semaphore(%run_scoped3A : memref<!tpu.dma_semaphore, #tpu.memory_space<semaphore_mem>>)
        %dma_wait3A = arith.constant 0 : i32
        %dma_wait3A_47 = arith.constant 0 : i32
        %dma_wait3A_48 = tpu.memref_slice %arg17[%dma_wait3A, %dma_wait3A_47] : memref<128x80xf32, #tpu.memory_space<vmem>> -> memref<120x80xf32, #tpu.memory_space<vmem>>
        %dma_wait3A_49 = arith.constant 0 : i32
        %dma_wait3A_50 = tpu.memref_slice %arg7[%add3A_37, %dma_wait3A_49] : memref<10000x80xf32, #tpu.memory_space<vmem_shared>> -> memref<120x80xf32, #tpu.memory_space<vmem_shared>>
        %dma_wait3A_51 = arith.constant 0 : i32
        %dma_wait3A_52 = tpu.memref_slice %arg7[%add3A_37, %dma_wait3A_51] : memref<10000x80xf32, #tpu.memory_space<vmem_shared>> -> memref<120x80xf32, #tpu.memory_space<vmem_shared>>
        %dma_wait3A_53 = arith.constant 0 : i32
        %dma_wait3A_54 = arith.constant 0 : i32
        %dma_wait3A_55 = tpu.memref_slice %arg17[%dma_wait3A_53, %dma_wait3A_54] : memref<128x80xf32, #tpu.memory_space<vmem>> -> memref<120x80xf32, #tpu.memory_space<vmem>>
        tpu.wait_dma2 semaphore(%run_scoped3A : memref<!tpu.dma_semaphore, #tpu.memory_space<semaphore_mem>>) src(%dma_wait3A_55 : memref<120x80xf32, #tpu.memory_space<vmem>>) dst(%dma_wait3A_52 : memref<120x80xf32, #tpu.memory_space<vmem_shared>>)
        tpu.yield
      }) : () -> ()
    } else {
    }
    %eq3A = arith.constant 15 : i32
    %eq3A_8 = arith.cmpi eq, %arg1, %eq3A : i32
    %convert_element_type3A_9 = arith.extui %eq3A_8 : i1 to i32
    %cond3A_10 = arith.constant 0 : i32
    %cond3A_11 = arith.cmpi ne, %convert_element_type3A_9, %cond3A_10 : i32
    scf.if %cond3A_11 {
      %add3A = arith.constant 0 : i32
      %add3A_29 = arith.addi %mul3A_5, %add3A : i32
      "tpu.region"() ({
        %run_scoped3A = tpu.sem_alloc : memref<!tpu.dma_semaphore, #tpu.memory_space<semaphore_mem>>
        %dma_start3A = arith.constant 0 : i32
        %dma_start3A_38 = tpu.memref_slice %arg7[%add3A_29, %dma_start3A] : memref<10000x80xf32, #tpu.memory_space<vmem_shared>> -> memref<128x80xf32, #tpu.memory_space<vmem_shared>>
        %dma_start3A_39 = arith.constant 0 : i32
        %dma_start3A_40 = tpu.memref_slice %arg7[%add3A_29, %dma_start3A_39] : memref<10000x80xf32, #tpu.memory_space<vmem_shared>> -> memref<128x80xf32, #tpu.memory_space<vmem_shared>>
        tpu.enqueue_dma source(%arg17 : memref<128x80xf32, #tpu.memory_space<vmem>>) target(%dma_start3A_40 : memref<128x80xf32, #tpu.memory_space<vmem_shared>>) target_semaphore(%run_scoped3A : memref<!tpu.dma_semaphore, #tpu.memory_space<semaphore_mem>>)
        %dma_wait3A = arith.constant 0 : i32
        %dma_wait3A_41 = tpu.memref_slice %arg7[%add3A_29, %dma_wait3A] : memref<10000x80xf32, #tpu.memory_space<vmem_shared>> -> memref<128x80xf32, #tpu.memory_space<vmem_shared>>
        %dma_wait3A_42 = arith.constant 0 : i32
        %dma_wait3A_43 = tpu.memref_slice %arg7[%add3A_29, %dma_wait3A_42] : memref<10000x80xf32, #tpu.memory_space<vmem_shared>> -> memref<128x80xf32, #tpu.memory_space<vmem_shared>>
        tpu.wait_dma2 semaphore(%run_scoped3A : memref<!tpu.dma_semaphore, #tpu.memory_space<semaphore_mem>>) src(%arg17 : memref<128x80xf32, #tpu.memory_space<vmem>>) dst(%dma_wait3A_43 : memref<128x80xf32, #tpu.memory_space<vmem_shared>>)
        tpu.yield
      }) : () -> ()
      %add3A_30 = arith.constant 128 : i32
      %add3A_31 = arith.addi %mul3A_5, %add3A_30 : i32
      "tpu.region"() ({
        %run_scoped3A = tpu.sem_alloc : memref<!tpu.dma_semaphore, #tpu.memory_space<semaphore_mem>>
        %dma_start3A = arith.constant 0 : i32
        %dma_start3A_38 = tpu.memref_slice %arg7[%add3A_31, %dma_start3A] : memref<10000x80xf32, #tpu.memory_space<vmem_shared>> -> memref<128x80xf32, #tpu.memory_space<vmem_shared>>
        %dma_start3A_39 = arith.constant 0 : i32
        %dma_start3A_40 = tpu.memref_slice %arg7[%add3A_31, %dma_start3A_39] : memref<10000x80xf32, #tpu.memory_space<vmem_shared>> -> memref<128x80xf32, #tpu.memory_space<vmem_shared>>
        tpu.enqueue_dma source(%arg17 : memref<128x80xf32, #tpu.memory_space<vmem>>) target(%dma_start3A_40 : memref<128x80xf32, #tpu.memory_space<vmem_shared>>) target_semaphore(%run_scoped3A : memref<!tpu.dma_semaphore, #tpu.memory_space<semaphore_mem>>)
        %dma_wait3A = arith.constant 0 : i32
        %dma_wait3A_41 = tpu.memref_slice %arg7[%add3A_31, %dma_wait3A] : memref<10000x80xf32, #tpu.memory_space<vmem_shared>> -> memref<128x80xf32, #tpu.memory_space<vmem_shared>>
        %dma_wait3A_42 = arith.constant 0 : i32
        %dma_wait3A_43 = tpu.memref_slice %arg7[%add3A_31, %dma_wait3A_42] : memref<10000x80xf32, #tpu.memory_space<vmem_shared>> -> memref<128x80xf32, #tpu.memory_space<vmem_shared>>
        tpu.wait_dma2 semaphore(%run_scoped3A : memref<!tpu.dma_semaphore, #tpu.memory_space<semaphore_mem>>) src(%arg17 : memref<128x80xf32, #tpu.memory_space<vmem>>) dst(%dma_wait3A_43 : memref<128x80xf32, #tpu.memory_space<vmem_shared>>)
        tpu.yield
      }) : () -> ()
      %add3A_32 = arith.constant 256 : i32
      %add3A_33 = arith.addi %mul3A_5, %add3A_32 : i32
      "tpu.region"() ({
        %run_scoped3A = tpu.sem_alloc : memref<!tpu.dma_semaphore, #tpu.memory_space<semaphore_mem>>
        %dma_start3A = arith.constant 0 : i32
        %dma_start3A_38 = tpu.memref_slice %arg7[%add3A_33, %dma_start3A] : memref<10000x80xf32, #tpu.memory_space<vmem_shared>> -> memref<128x80xf32, #tpu.memory_space<vmem_shared>>
        %dma_start3A_39 = arith.constant 0 : i32
        %dma_start3A_40 = tpu.memref_slice %arg7[%add3A_33, %dma_start3A_39] : memref<10000x80xf32, #tpu.memory_space<vmem_shared>> -> memref<128x80xf32, #tpu.memory_space<vmem_shared>>
        tpu.enqueue_dma source(%arg17 : memref<128x80xf32, #tpu.memory_space<vmem>>) target(%dma_start3A_40 : memref<128x80xf32, #tpu.memory_space<vmem_shared>>) target_semaphore(%run_scoped3A : memref<!tpu.dma_semaphore, #tpu.memory_space<semaphore_mem>>)
        %dma_wait3A = arith.constant 0 : i32
        %dma_wait3A_41 = tpu.memref_slice %arg7[%add3A_33, %dma_wait3A] : memref<10000x80xf32, #tpu.memory_space<vmem_shared>> -> memref<128x80xf32, #tpu.memory_space<vmem_shared>>
        %dma_wait3A_42 = arith.constant 0 : i32
        %dma_wait3A_43 = tpu.memref_slice %arg7[%add3A_33, %dma_wait3A_42] : memref<10000x80xf32, #tpu.memory_space<vmem_shared>> -> memref<128x80xf32, #tpu.memory_space<vmem_shared>>
        tpu.wait_dma2 semaphore(%run_scoped3A : memref<!tpu.dma_semaphore, #tpu.memory_space<semaphore_mem>>) src(%arg17 : memref<128x80xf32, #tpu.memory_space<vmem>>) dst(%dma_wait3A_43 : memref<128x80xf32, #tpu.memory_space<vmem_shared>>)
        tpu.yield
      }) : () -> ()
      %add3A_34 = arith.constant 384 : i32
      %add3A_35 = arith.addi %mul3A_5, %add3A_34 : i32
      "tpu.region"() ({
        %run_scoped3A = tpu.sem_alloc : memref<!tpu.dma_semaphore, #tpu.memory_space<semaphore_mem>>
        %dma_start3A = arith.constant 0 : i32
        %dma_start3A_38 = tpu.memref_slice %arg7[%add3A_35, %dma_start3A] : memref<10000x80xf32, #tpu.memory_space<vmem_shared>> -> memref<128x80xf32, #tpu.memory_space<vmem_shared>>
        %dma_start3A_39 = arith.constant 0 : i32
        %dma_start3A_40 = tpu.memref_slice %arg7[%add3A_35, %dma_start3A_39] : memref<10000x80xf32, #tpu.memory_space<vmem_shared>> -> memref<128x80xf32, #tpu.memory_space<vmem_shared>>
        tpu.enqueue_dma source(%arg17 : memref<128x80xf32, #tpu.memory_space<vmem>>) target(%dma_start3A_40 : memref<128x80xf32, #tpu.memory_space<vmem_shared>>) target_semaphore(%run_scoped3A : memref<!tpu.dma_semaphore, #tpu.memory_space<semaphore_mem>>)
        %dma_wait3A = arith.constant 0 : i32
        %dma_wait3A_41 = tpu.memref_slice %arg7[%add3A_35, %dma_wait3A] : memref<10000x80xf32, #tpu.memory_space<vmem_shared>> -> memref<128x80xf32, #tpu.memory_space<vmem_shared>>
        %dma_wait3A_42 = arith.constant 0 : i32
        %dma_wait3A_43 = tpu.memref_slice %arg7[%add3A_35, %dma_wait3A_42] : memref<10000x80xf32, #tpu.memory_space<vmem_shared>> -> memref<128x80xf32, #tpu.memory_space<vmem_shared>>
        tpu.wait_dma2 semaphore(%run_scoped3A : memref<!tpu.dma_semaphore, #tpu.memory_space<semaphore_mem>>) src(%arg17 : memref<128x80xf32, #tpu.memory_space<vmem>>) dst(%dma_wait3A_43 : memref<128x80xf32, #tpu.memory_space<vmem_shared>>)
        tpu.yield
      }) : () -> ()
      %add3A_36 = arith.constant 512 : i32
      %add3A_37 = arith.addi %mul3A_5, %add3A_36 : i32
      "tpu.region"() ({
        %run_scoped3A = tpu.sem_alloc : memref<!tpu.dma_semaphore, #tpu.memory_space<semaphore_mem>>
        %dma_start3A = arith.constant 0 : i32
        %dma_start3A_38 = arith.constant 0 : i32
        %dma_start3A_39 = tpu.memref_slice %arg17[%dma_start3A, %dma_start3A_38] : memref<128x80xf32, #tpu.memory_space<vmem>> -> memref<8x80xf32, #tpu.memory_space<vmem>>
        %dma_start3A_40 = arith.constant 0 : i32
        %dma_start3A_41 = tpu.memref_slice %arg7[%add3A_37, %dma_start3A_40] : memref<10000x80xf32, #tpu.memory_space<vmem_shared>> -> memref<8x80xf32, #tpu.memory_space<vmem_shared>>
        %dma_start3A_42 = arith.constant 0 : i32
        %dma_start3A_43 = tpu.memref_slice %arg7[%add3A_37, %dma_start3A_42] : memref<10000x80xf32, #tpu.memory_space<vmem_shared>> -> memref<8x80xf32, #tpu.memory_space<vmem_shared>>
        %dma_start3A_44 = arith.constant 0 : i32
        %dma_start3A_45 = arith.constant 0 : i32
        %dma_start3A_46 = tpu.memref_slice %arg17[%dma_start3A_44, %dma_start3A_45] : memref<128x80xf32, #tpu.memory_space<vmem>> -> memref<8x80xf32, #tpu.memory_space<vmem>>
        tpu.enqueue_dma source(%dma_start3A_46 : memref<8x80xf32, #tpu.memory_space<vmem>>) target(%dma_start3A_43 : memref<8x80xf32, #tpu.memory_space<vmem_shared>>) target_semaphore(%run_scoped3A : memref<!tpu.dma_semaphore, #tpu.memory_space<semaphore_mem>>)
        %dma_wait3A = arith.constant 0 : i32
        %dma_wait3A_47 = arith.constant 0 : i32
        %dma_wait3A_48 = tpu.memref_slice %arg17[%dma_wait3A, %dma_wait3A_47] : memref<128x80xf32, #tpu.memory_space<vmem>> -> memref<8x80xf32, #tpu.memory_space<vmem>>
        %dma_wait3A_49 = arith.constant 0 : i32
        %dma_wait3A_50 = tpu.memref_slice %arg7[%add3A_37, %dma_wait3A_49] : memref<10000x80xf32, #tpu.memory_space<vmem_shared>> -> memref<8x80xf32, #tpu.memory_space<vmem_shared>>
        %dma_wait3A_51 = arith.constant 0 : i32
        %dma_wait3A_52 = tpu.memref_slice %arg7[%add3A_37, %dma_wait3A_51] : memref<10000x80xf32, #tpu.memory_space<vmem_shared>> -> memref<8x80xf32, #tpu.memory_space<vmem_shared>>
        %dma_wait3A_53 = arith.constant 0 : i32
        %dma_wait3A_54 = arith.constant 0 : i32
        %dma_wait3A_55 = tpu.memref_slice %arg17[%dma_wait3A_53, %dma_wait3A_54] : memref<128x80xf32, #tpu.memory_space<vmem>> -> memref<8x80xf32, #tpu.memory_space<vmem>>
        tpu.wait_dma2 semaphore(%run_scoped3A : memref<!tpu.dma_semaphore, #tpu.memory_space<semaphore_mem>>) src(%dma_wait3A_55 : memref<8x80xf32, #tpu.memory_space<vmem>>) dst(%dma_wait3A_52 : memref<8x80xf32, #tpu.memory_space<vmem_shared>>)
        tpu.yield
      }) : () -> ()
    } else {
    }
    %barrier3A = arith.constant 0 : index
    tpu.barrier barrier_id(%barrier3A)
    %scan3A_12 = arith.constant 0 : i32
    %scan3A_13 = arith.constant 0 : i32
    %scan3A_14 = arith.constant 79 : i32
    %scan3A_15 = arith.addi %scan3A_13, %scan3A_14 : i32
    %scan3A_16 = arith.constant 1 : i32
    scf.for %scan3A_29 = %scan3A_13 to %scan3A_15 step %scan3A_16  : i32 {
      %mul3A_30 = arith.constant 16 : i32
      %mul3A_31 = arith.muli %scan3A_29, %mul3A_30 : i32
      %add3A = arith.addi %mul3A_31, %arg1 : i32
      %lt3A_32 = arith.constant 1250 : i32
      %lt3A_33 = arith.cmpi slt, %add3A, %lt3A_32 : i32
      %convert_element_type3A_34 = arith.extui %lt3A_33 : i1 to i32
      %cond3A_35 = arith.constant 0 : i32
      %cond3A_36 = arith.cmpi ne, %convert_element_type3A_34, %cond3A_35 : i32
      scf.if %cond3A_36 {
        %mul3A_37 = arith.constant 1250 : i32
        %mul3A_38 = arith.muli %arg0, %mul3A_37 : i32
        %add3A_39 = arith.addi %mul3A_38, %add3A : i32
        %mul3A_40 = arith.constant 128 : i32
        %mul3A_41 = arith.muli %add3A_39, %mul3A_40 : i32
        %run_scoped3A = arith.constant 0 : i32
        "tpu.region"() ({
          %run_scoped3A_401 = tpu.sem_alloc : memref<!tpu.dma_semaphore, #tpu.memory_space<semaphore_mem>>
          %dma_start3A_402 = tpu.memref_slice %arg5[%run_scoped3A, %mul3A_41] : memref<2x320000xi32, #tpu.memory_space<hbm>> -> memref<1x128xi32, #tpu.memory_space<hbm>>
          %dma_start3A_403 = tpu.memref_squeeze %dma_start3A_402 : memref<1x128xi32, #tpu.memory_space<hbm>> -> memref<128xi32, #tpu.memory_space<hbm>>
          %dma_start3A_404 = tpu.memref_slice %arg5[%run_scoped3A, %mul3A_41] : memref<2x320000xi32, #tpu.memory_space<hbm>> -> memref<1x128xi32, #tpu.memory_space<hbm>>
          %dma_start3A_405 = tpu.memref_squeeze %dma_start3A_404 : memref<1x128xi32, #tpu.memory_space<hbm>> -> memref<128xi32, #tpu.memory_space<hbm>>
          tpu.enqueue_dma source(%dma_start3A_405 : memref<128xi32, #tpu.memory_space<hbm>>) target(%arg8 : memref<128xi32, #tpu.memory_space<vmem>>) target_semaphore(%run_scoped3A_401 : memref<!tpu.dma_semaphore, #tpu.memory_space<semaphore_mem>>)
          %dma_wait3A_406 = tpu.memref_slice %arg5[%run_scoped3A, %mul3A_41] : memref<2x320000xi32, #tpu.memory_space<hbm>> -> memref<1x128xi32, #tpu.memory_space<hbm>>
          %dma_wait3A_407 = tpu.memref_squeeze %dma_wait3A_406 : memref<1x128xi32, #tpu.memory_space<hbm>> -> memref<128xi32, #tpu.memory_space<hbm>>
          %dma_wait3A_408 = tpu.memref_slice %arg5[%run_scoped3A, %mul3A_41] : memref<2x320000xi32, #tpu.memory_space<hbm>> -> memref<1x128xi32, #tpu.memory_space<hbm>>
          %dma_wait3A_409 = tpu.memref_squeeze %dma_wait3A_408 : memref<1x128xi32, #tpu.memory_space<hbm>> -> memref<128xi32, #tpu.memory_space<hbm>>
          tpu.wait_dma2 semaphore(%run_scoped3A_401 : memref<!tpu.dma_semaphore, #tpu.memory_space<semaphore_mem>>) src(%dma_wait3A_409 : memref<128xi32, #tpu.memory_space<hbm>>) dst(%arg8 : memref<128xi32, #tpu.memory_space<vmem>>)
          tpu.yield
        }) : () -> ()
        %run_scoped3A_42 = arith.constant 1 : i32
        "tpu.region"() ({
          %run_scoped3A_401 = tpu.sem_alloc : memref<!tpu.dma_semaphore, #tpu.memory_space<semaphore_mem>>
          %dma_start3A_402 = tpu.memref_slice %arg5[%run_scoped3A_42, %mul3A_41] : memref<2x320000xi32, #tpu.memory_space<hbm>> -> memref<1x128xi32, #tpu.memory_space<hbm>>
          %dma_start3A_403 = tpu.memref_squeeze %dma_start3A_402 : memref<1x128xi32, #tpu.memory_space<hbm>> -> memref<128xi32, #tpu.memory_space<hbm>>
          %dma_start3A_404 = tpu.memref_slice %arg5[%run_scoped3A_42, %mul3A_41] : memref<2x320000xi32, #tpu.memory_space<hbm>> -> memref<1x128xi32, #tpu.memory_space<hbm>>
          %dma_start3A_405 = tpu.memref_squeeze %dma_start3A_404 : memref<1x128xi32, #tpu.memory_space<hbm>> -> memref<128xi32, #tpu.memory_space<hbm>>
          tpu.enqueue_dma source(%dma_start3A_405 : memref<128xi32, #tpu.memory_space<hbm>>) target(%arg9 : memref<128xi32, #tpu.memory_space<vmem>>) target_semaphore(%run_scoped3A_401 : memref<!tpu.dma_semaphore, #tpu.memory_space<semaphore_mem>>)
          %dma_wait3A_406 = tpu.memref_slice %arg5[%run_scoped3A_42, %mul3A_41] : memref<2x320000xi32, #tpu.memory_space<hbm>> -> memref<1x128xi32, #tpu.memory_space<hbm>>
          %dma_wait3A_407 = tpu.memref_squeeze %dma_wait3A_406 : memref<1x128xi32, #tpu.memory_space<hbm>> -> memref<128xi32, #tpu.memory_space<hbm>>
          %dma_wait3A_408 = tpu.memref_slice %arg5[%run_scoped3A_42, %mul3A_41] : memref<2x320000xi32, #tpu.memory_space<hbm>> -> memref<1x128xi32, #tpu.memory_space<hbm>>
          %dma_wait3A_409 = tpu.memref_squeeze %dma_wait3A_408 : memref<1x128xi32, #tpu.memory_space<hbm>> -> memref<128xi32, #tpu.memory_space<hbm>>
          tpu.wait_dma2 semaphore(%run_scoped3A_401 : memref<!tpu.dma_semaphore, #tpu.memory_space<semaphore_mem>>) src(%dma_wait3A_409 : memref<128xi32, #tpu.memory_space<hbm>>) dst(%arg9 : memref<128xi32, #tpu.memory_space<vmem>>)
          tpu.yield
        }) : () -> ()
        %run_scoped3A_43 = arith.constant 4 : i32
        "tpu.region"() ({
          %run_scoped3A_401 = tpu.sem_alloc : memref<!tpu.dma_semaphore, #tpu.memory_space<semaphore_mem>>
          %dma_start3A_402 = tpu.memref_slice %arg4[%run_scoped3A_43, %mul3A_41] : memref<5x320000xf32, #tpu.memory_space<hbm>> -> memref<1x128xf32, #tpu.memory_space<hbm>>
          %dma_start3A_403 = tpu.memref_squeeze %dma_start3A_402 : memref<1x128xf32, #tpu.memory_space<hbm>> -> memref<128xf32, #tpu.memory_space<hbm>>
          %dma_start3A_404 = tpu.memref_slice %arg4[%run_scoped3A_43, %mul3A_41] : memref<5x320000xf32, #tpu.memory_space<hbm>> -> memref<1x128xf32, #tpu.memory_space<hbm>>
          %dma_start3A_405 = tpu.memref_squeeze %dma_start3A_404 : memref<1x128xf32, #tpu.memory_space<hbm>> -> memref<128xf32, #tpu.memory_space<hbm>>
          tpu.enqueue_dma source(%dma_start3A_405 : memref<128xf32, #tpu.memory_space<hbm>>) target(%arg15 : memref<128xf32, #tpu.memory_space<vmem>>) target_semaphore(%run_scoped3A_401 : memref<!tpu.dma_semaphore, #tpu.memory_space<semaphore_mem>>)
          %dma_wait3A_406 = tpu.memref_slice %arg4[%run_scoped3A_43, %mul3A_41] : memref<5x320000xf32, #tpu.memory_space<hbm>> -> memref<1x128xf32, #tpu.memory_space<hbm>>
          %dma_wait3A_407 = tpu.memref_squeeze %dma_wait3A_406 : memref<1x128xf32, #tpu.memory_space<hbm>> -> memref<128xf32, #tpu.memory_space<hbm>>
          %dma_wait3A_408 = tpu.memref_slice %arg4[%run_scoped3A_43, %mul3A_41] : memref<5x320000xf32, #tpu.memory_space<hbm>> -> memref<1x128xf32, #tpu.memory_space<hbm>>
          %dma_wait3A_409 = tpu.memref_squeeze %dma_wait3A_408 : memref<1x128xf32, #tpu.memory_space<hbm>> -> memref<128xf32, #tpu.memory_space<hbm>>
          tpu.wait_dma2 semaphore(%run_scoped3A_401 : memref<!tpu.dma_semaphore, #tpu.memory_space<semaphore_mem>>) src(%dma_wait3A_409 : memref<128xf32, #tpu.memory_space<hbm>>) dst(%arg15 : memref<128xf32, #tpu.memory_space<vmem>>)
          tpu.yield
        }) : () -> ()
        %get3A = arith.constant 0 : index
        %get3A_44 = tpu.vector_load %arg8[%get3A] {strides = array<i32>} : memref<128xi32, #tpu.memory_space<vmem>>, vector<16xi32>,
        %get3A_45 = vector.shape_cast %get3A_44 : vector<16xi32> to vector<16xi32>
        %shift_left3A = arith.constant 2 : i32
        %shift_left3A_46 = vector.broadcast %shift_left3A : i32 to vector<16xi32>
        %shift_left3A_47 = arith.shli %get3A_45, %shift_left3A_46 : vector<16xi32>
        %swap3A = arith.constant 0 : index
        %swap3A_48 = tpu.vector_load %arg10[%swap3A] {strides = array<i32>} : memref<128xi32, #tpu.memory_space<vmem>>, vector<16xi32>,
        %swap3A_49 = vector.shape_cast %swap3A_48 : vector<16xi32> to vector<16xi32>
        %swap3A_50 = vector.shape_cast %shift_left3A_47 : vector<16xi32> to vector<16xi32>
        tpu.vector_store %arg10[%swap3A], %swap3A_50 {strides = array<i32>} : memref<128xi32, #tpu.memory_space<vmem>>, vector<16xi32>,
        %get3A_51 = arith.constant 0 : index
        %get3A_52 = tpu.vector_load %arg9[%get3A_51] {strides = array<i32>} : memref<128xi32, #tpu.memory_space<vmem>>, vector<16xi32>,
        %get3A_53 = vector.shape_cast %get3A_52 : vector<16xi32> to vector<16xi32>
        %shift_left3A_54 = arith.constant 2 : i32
        %shift_left3A_55 = vector.broadcast %shift_left3A_54 : i32 to vector<16xi32>
        %shift_left3A_56 = arith.shli %get3A_53, %shift_left3A_55 : vector<16xi32>
        %add3A_57 = arith.constant 1 : i32
        %add3A_58 = vector.broadcast %add3A_57 : i32 to vector<16xi32>
        %add3A_59 = arith.addi %shift_left3A_56, %add3A_58 : vector<16xi32>
        %swap3A_60 = arith.constant 0 : index
        %swap3A_61 = tpu.vector_load %arg11[%swap3A_60] {strides = array<i32>} : memref<128xi32, #tpu.memory_space<vmem>>, vector<16xi32>,
        %swap3A_62 = vector.shape_cast %swap3A_61 : vector<16xi32> to vector<16xi32>
        %swap3A_63 = vector.shape_cast %add3A_59 : vector<16xi32> to vector<16xi32>
        tpu.vector_store %arg11[%swap3A_60], %swap3A_63 {strides = array<i32>} : memref<128xi32, #tpu.memory_space<vmem>>, vector<16xi32>,
        %get3A_64 = arith.constant 16 : index
        %get3A_65 = tpu.vector_load %arg8[%get3A_64] {strides = array<i32>} : memref<128xi32, #tpu.memory_space<vmem>>, vector<16xi32>,
        %get3A_66 = vector.shape_cast %get3A_65 : vector<16xi32> to vector<16xi32>
        %shift_left3A_67 = arith.constant 2 : i32
        %shift_left3A_68 = vector.broadcast %shift_left3A_67 : i32 to vector<16xi32>
        %shift_left3A_69 = arith.shli %get3A_66, %shift_left3A_68 : vector<16xi32>
        %swap3A_70 = arith.constant 16 : index
        %swap3A_71 = tpu.vector_load %arg10[%swap3A_70] {strides = array<i32>} : memref<128xi32, #tpu.memory_space<vmem>>, vector<16xi32>,
        %swap3A_72 = vector.shape_cast %swap3A_71 : vector<16xi32> to vector<16xi32>
        %swap3A_73 = vector.shape_cast %shift_left3A_69 : vector<16xi32> to vector<16xi32>
        tpu.vector_store %arg10[%swap3A_70], %swap3A_73 {strides = array<i32>} : memref<128xi32, #tpu.memory_space<vmem>>, vector<16xi32>,
        %get3A_74 = arith.constant 16 : index
        %get3A_75 = tpu.vector_load %arg9[%get3A_74] {strides = array<i32>} : memref<128xi32, #tpu.memory_space<vmem>>, vector<16xi32>,
        %get3A_76 = vector.shape_cast %get3A_75 : vector<16xi32> to vector<16xi32>
        %shift_left3A_77 = arith.constant 2 : i32
        %shift_left3A_78 = vector.broadcast %shift_left3A_77 : i32 to vector<16xi32>
        %shift_left3A_79 = arith.shli %get3A_76, %shift_left3A_78 : vector<16xi32>
        %add3A_80 = arith.constant 1 : i32
        %add3A_81 = vector.broadcast %add3A_80 : i32 to vector<16xi32>
        %add3A_82 = arith.addi %shift_left3A_79, %add3A_81 : vector<16xi32>
        %swap3A_83 = arith.constant 16 : index
        %swap3A_84 = tpu.vector_load %arg11[%swap3A_83] {strides = array<i32>} : memref<128xi32, #tpu.memory_space<vmem>>, vector<16xi32>,
        %swap3A_85 = vector.shape_cast %swap3A_84 : vector<16xi32> to vector<16xi32>
        %swap3A_86 = vector.shape_cast %add3A_82 : vector<16xi32> to vector<16xi32>
        tpu.vector_store %arg11[%swap3A_83], %swap3A_86 {strides = array<i32>} : memref<128xi32, #tpu.memory_space<vmem>>, vector<16xi32>,
        %get3A_87 = arith.constant 32 : index
        %get3A_88 = tpu.vector_load %arg8[%get3A_87] {strides = array<i32>} : memref<128xi32, #tpu.memory_space<vmem>>, vector<16xi32>,
        %get3A_89 = vector.shape_cast %get3A_88 : vector<16xi32> to vector<16xi32>
        %shift_left3A_90 = arith.constant 2 : i32
        %shift_left3A_91 = vector.broadcast %shift_left3A_90 : i32 to vector<16xi32>
        %shift_left3A_92 = arith.shli %get3A_89, %shift_left3A_91 : vector<16xi32>
        %swap3A_93 = arith.constant 32 : index
        %swap3A_94 = tpu.vector_load %arg10[%swap3A_93] {strides = array<i32>} : memref<128xi32, #tpu.memory_space<vmem>>, vector<16xi32>,
        %swap3A_95 = vector.shape_cast %swap3A_94 : vector<16xi32> to vector<16xi32>
        %swap3A_96 = vector.shape_cast %shift_left3A_92 : vector<16xi32> to vector<16xi32>
        tpu.vector_store %arg10[%swap3A_93], %swap3A_96 {strides = array<i32>} : memref<128xi32, #tpu.memory_space<vmem>>, vector<16xi32>,
        %get3A_97 = arith.constant 32 : index
        %get3A_98 = tpu.vector_load %arg9[%get3A_97] {strides = array<i32>} : memref<128xi32, #tpu.memory_space<vmem>>, vector<16xi32>,
        %get3A_99 = vector.shape_cast %get3A_98 : vector<16xi32> to vector<16xi32>
        %shift_left3A_100 = arith.constant 2 : i32
        %shift_left3A_101 = vector.broadcast %shift_left3A_100 : i32 to vector<16xi32>
        %shift_left3A_102 = arith.shli %get3A_99, %shift_left3A_101 : vector<16xi32>
        %add3A_103 = arith.constant 1 : i32
        %add3A_104 = vector.broadcast %add3A_103 : i32 to vector<16xi32>
        %add3A_105 = arith.addi %shift_left3A_102, %add3A_104 : vector<16xi32>
        %swap3A_106 = arith.constant 32 : index
        %swap3A_107 = tpu.vector_load %arg11[%swap3A_106] {strides = array<i32>} : memref<128xi32, #tpu.memory_space<vmem>>, vector<16xi32>,
        %swap3A_108 = vector.shape_cast %swap3A_107 : vector<16xi32> to vector<16xi32>
        %swap3A_109 = vector.shape_cast %add3A_105 : vector<16xi32> to vector<16xi32>
        tpu.vector_store %arg11[%swap3A_106], %swap3A_109 {strides = array<i32>} : memref<128xi32, #tpu.memory_space<vmem>>, vector<16xi32>,
        %get3A_110 = arith.constant 48 : index
        %get3A_111 = tpu.vector_load %arg8[%get3A_110] {strides = array<i32>} : memref<128xi32, #tpu.memory_space<vmem>>, vector<16xi32>,
        %get3A_112 = vector.shape_cast %get3A_111 : vector<16xi32> to vector<16xi32>
        %shift_left3A_113 = arith.constant 2 : i32
        %shift_left3A_114 = vector.broadcast %shift_left3A_113 : i32 to vector<16xi32>
        %shift_left3A_115 = arith.shli %get3A_112, %shift_left3A_114 : vector<16xi32>
        %swap3A_116 = arith.constant 48 : index
        %swap3A_117 = tpu.vector_load %arg10[%swap3A_116] {strides = array<i32>} : memref<128xi32, #tpu.memory_space<vmem>>, vector<16xi32>,
        %swap3A_118 = vector.shape_cast %swap3A_117 : vector<16xi32> to vector<16xi32>
        %swap3A_119 = vector.shape_cast %shift_left3A_115 : vector<16xi32> to vector<16xi32>
        tpu.vector_store %arg10[%swap3A_116], %swap3A_119 {strides = array<i32>} : memref<128xi32, #tpu.memory_space<vmem>>, vector<16xi32>,
        %get3A_120 = arith.constant 48 : index
        %get3A_121 = tpu.vector_load %arg9[%get3A_120] {strides = array<i32>} : memref<128xi32, #tpu.memory_space<vmem>>, vector<16xi32>,
        %get3A_122 = vector.shape_cast %get3A_121 : vector<16xi32> to vector<16xi32>
        %shift_left3A_123 = arith.constant 2 : i32
        %shift_left3A_124 = vector.broadcast %shift_left3A_123 : i32 to vector<16xi32>
        %shift_left3A_125 = arith.shli %get3A_122, %shift_left3A_124 : vector<16xi32>
        %add3A_126 = arith.constant 1 : i32
        %add3A_127 = vector.broadcast %add3A_126 : i32 to vector<16xi32>
        %add3A_128 = arith.addi %shift_left3A_125, %add3A_127 : vector<16xi32>
        %swap3A_129 = arith.constant 48 : index
        %swap3A_130 = tpu.vector_load %arg11[%swap3A_129] {strides = array<i32>} : memref<128xi32, #tpu.memory_space<vmem>>, vector<16xi32>,
        %swap3A_131 = vector.shape_cast %swap3A_130 : vector<16xi32> to vector<16xi32>
        %swap3A_132 = vector.shape_cast %add3A_128 : vector<16xi32> to vector<16xi32>
        tpu.vector_store %arg11[%swap3A_129], %swap3A_132 {strides = array<i32>} : memref<128xi32, #tpu.memory_space<vmem>>, vector<16xi32>,
        %get3A_133 = arith.constant 64 : index
        %get3A_134 = tpu.vector_load %arg8[%get3A_133] {strides = array<i32>} : memref<128xi32, #tpu.memory_space<vmem>>, vector<16xi32>,
        %get3A_135 = vector.shape_cast %get3A_134 : vector<16xi32> to vector<16xi32>
        %shift_left3A_136 = arith.constant 2 : i32
        %shift_left3A_137 = vector.broadcast %shift_left3A_136 : i32 to vector<16xi32>
        %shift_left3A_138 = arith.shli %get3A_135, %shift_left3A_137 : vector<16xi32>
        %swap3A_139 = arith.constant 64 : index
        %swap3A_140 = tpu.vector_load %arg10[%swap3A_139] {strides = array<i32>} : memref<128xi32, #tpu.memory_space<vmem>>, vector<16xi32>,
        %swap3A_141 = vector.shape_cast %swap3A_140 : vector<16xi32> to vector<16xi32>
        %swap3A_142 = vector.shape_cast %shift_left3A_138 : vector<16xi32> to vector<16xi32>
        tpu.vector_store %arg10[%swap3A_139], %swap3A_142 {strides = array<i32>} : memref<128xi32, #tpu.memory_space<vmem>>, vector<16xi32>,
        %get3A_143 = arith.constant 64 : index
        %get3A_144 = tpu.vector_load %arg9[%get3A_143] {strides = array<i32>} : memref<128xi32, #tpu.memory_space<vmem>>, vector<16xi32>,
        %get3A_145 = vector.shape_cast %get3A_144 : vector<16xi32> to vector<16xi32>
        %shift_left3A_146 = arith.constant 2 : i32
        %shift_left3A_147 = vector.broadcast %shift_left3A_146 : i32 to vector<16xi32>
        %shift_left3A_148 = arith.shli %get3A_145, %shift_left3A_147 : vector<16xi32>
        %add3A_149 = arith.constant 1 : i32
        %add3A_150 = vector.broadcast %add3A_149 : i32 to vector<16xi32>
        %add3A_151 = arith.addi %shift_left3A_148, %add3A_150 : vector<16xi32>
        %swap3A_152 = arith.constant 64 : index
        %swap3A_153 = tpu.vector_load %arg11[%swap3A_152] {strides = array<i32>} : memref<128xi32, #tpu.memory_space<vmem>>, vector<16xi32>,
        %swap3A_154 = vector.shape_cast %swap3A_153 : vector<16xi32> to vector<16xi32>
        %swap3A_155 = vector.shape_cast %add3A_151 : vector<16xi32> to vector<16xi32>
        tpu.vector_store %arg11[%swap3A_152], %swap3A_155 {strides = array<i32>} : memref<128xi32, #tpu.memory_space<vmem>>, vector<16xi32>,
        %get3A_156 = arith.constant 80 : index
        %get3A_157 = tpu.vector_load %arg8[%get3A_156] {strides = array<i32>} : memref<128xi32, #tpu.memory_space<vmem>>, vector<16xi32>,
        %get3A_158 = vector.shape_cast %get3A_157 : vector<16xi32> to vector<16xi32>
        %shift_left3A_159 = arith.constant 2 : i32
        %shift_left3A_160 = vector.broadcast %shift_left3A_159 : i32 to vector<16xi32>
        %shift_left3A_161 = arith.shli %get3A_158, %shift_left3A_160 : vector<16xi32>
        %swap3A_162 = arith.constant 80 : index
        %swap3A_163 = tpu.vector_load %arg10[%swap3A_162] {strides = array<i32>} : memref<128xi32, #tpu.memory_space<vmem>>, vector<16xi32>,
        %swap3A_164 = vector.shape_cast %swap3A_163 : vector<16xi32> to vector<16xi32>
        %swap3A_165 = vector.shape_cast %shift_left3A_161 : vector<16xi32> to vector<16xi32>
        tpu.vector_store %arg10[%swap3A_162], %swap3A_165 {strides = array<i32>} : memref<128xi32, #tpu.memory_space<vmem>>, vector<16xi32>,
        %get3A_166 = arith.constant 80 : index
        %get3A_167 = tpu.vector_load %arg9[%get3A_166] {strides = array<i32>} : memref<128xi32, #tpu.memory_space<vmem>>, vector<16xi32>,
        %get3A_168 = vector.shape_cast %get3A_167 : vector<16xi32> to vector<16xi32>
        %shift_left3A_169 = arith.constant 2 : i32
        %shift_left3A_170 = vector.broadcast %shift_left3A_169 : i32 to vector<16xi32>
        %shift_left3A_171 = arith.shli %get3A_168, %shift_left3A_170 : vector<16xi32>
        %add3A_172 = arith.constant 1 : i32
        %add3A_173 = vector.broadcast %add3A_172 : i32 to vector<16xi32>
        %add3A_174 = arith.addi %shift_left3A_171, %add3A_173 : vector<16xi32>
        %swap3A_175 = arith.constant 80 : index
        %swap3A_176 = tpu.vector_load %arg11[%swap3A_175] {strides = array<i32>} : memref<128xi32, #tpu.memory_space<vmem>>, vector<16xi32>,
        %swap3A_177 = vector.shape_cast %swap3A_176 : vector<16xi32> to vector<16xi32>
        %swap3A_178 = vector.shape_cast %add3A_174 : vector<16xi32> to vector<16xi32>
        tpu.vector_store %arg11[%swap3A_175], %swap3A_178 {strides = array<i32>} : memref<128xi32, #tpu.memory_space<vmem>>, vector<16xi32>,
        %get3A_179 = arith.constant 96 : index
        %get3A_180 = tpu.vector_load %arg8[%get3A_179] {strides = array<i32>} : memref<128xi32, #tpu.memory_space<vmem>>, vector<16xi32>,
        %get3A_181 = vector.shape_cast %get3A_180 : vector<16xi32> to vector<16xi32>
        %shift_left3A_182 = arith.constant 2 : i32
        %shift_left3A_183 = vector.broadcast %shift_left3A_182 : i32 to vector<16xi32>
        %shift_left3A_184 = arith.shli %get3A_181, %shift_left3A_183 : vector<16xi32>
        %swap3A_185 = arith.constant 96 : index
        %swap3A_186 = tpu.vector_load %arg10[%swap3A_185] {strides = array<i32>} : memref<128xi32, #tpu.memory_space<vmem>>, vector<16xi32>,
        %swap3A_187 = vector.shape_cast %swap3A_186 : vector<16xi32> to vector<16xi32>
        %swap3A_188 = vector.shape_cast %shift_left3A_184 : vector<16xi32> to vector<16xi32>
        tpu.vector_store %arg10[%swap3A_185], %swap3A_188 {strides = array<i32>} : memref<128xi32, #tpu.memory_space<vmem>>, vector<16xi32>,
        %get3A_189 = arith.constant 96 : index
        %get3A_190 = tpu.vector_load %arg9[%get3A_189] {strides = array<i32>} : memref<128xi32, #tpu.memory_space<vmem>>, vector<16xi32>,
        %get3A_191 = vector.shape_cast %get3A_190 : vector<16xi32> to vector<16xi32>
        %shift_left3A_192 = arith.constant 2 : i32
        %shift_left3A_193 = vector.broadcast %shift_left3A_192 : i32 to vector<16xi32>
        %shift_left3A_194 = arith.shli %get3A_191, %shift_left3A_193 : vector<16xi32>
        %add3A_195 = arith.constant 1 : i32
        %add3A_196 = vector.broadcast %add3A_195 : i32 to vector<16xi32>
        %add3A_197 = arith.addi %shift_left3A_194, %add3A_196 : vector<16xi32>
        %swap3A_198 = arith.constant 96 : index
        %swap3A_199 = tpu.vector_load %arg11[%swap3A_198] {strides = array<i32>} : memref<128xi32, #tpu.memory_space<vmem>>, vector<16xi32>,
        %swap3A_200 = vector.shape_cast %swap3A_199 : vector<16xi32> to vector<16xi32>
        %swap3A_201 = vector.shape_cast %add3A_197 : vector<16xi32> to vector<16xi32>
        tpu.vector_store %arg11[%swap3A_198], %swap3A_201 {strides = array<i32>} : memref<128xi32, #tpu.memory_space<vmem>>, vector<16xi32>,
        %get3A_202 = arith.constant 112 : index
        %get3A_203 = tpu.vector_load %arg8[%get3A_202] {strides = array<i32>} : memref<128xi32, #tpu.memory_space<vmem>>, vector<16xi32>,
        %get3A_204 = vector.shape_cast %get3A_203 : vector<16xi32> to vector<16xi32>
        %shift_left3A_205 = arith.constant 2 : i32
        %shift_left3A_206 = vector.broadcast %shift_left3A_205 : i32 to vector<16xi32>
        %shift_left3A_207 = arith.shli %get3A_204, %shift_left3A_206 : vector<16xi32>
        %swap3A_208 = arith.constant 112 : index
        %swap3A_209 = tpu.vector_load %arg10[%swap3A_208] {strides = array<i32>} : memref<128xi32, #tpu.memory_space<vmem>>, vector<16xi32>,
        %swap3A_210 = vector.shape_cast %swap3A_209 : vector<16xi32> to vector<16xi32>
        %swap3A_211 = vector.shape_cast %shift_left3A_207 : vector<16xi32> to vector<16xi32>
        tpu.vector_store %arg10[%swap3A_208], %swap3A_211 {strides = array<i32>} : memref<128xi32, #tpu.memory_space<vmem>>, vector<16xi32>,
        %get3A_212 = arith.constant 112 : index
        %get3A_213 = tpu.vector_load %arg9[%get3A_212] {strides = array<i32>} : memref<128xi32, #tpu.memory_space<vmem>>, vector<16xi32>,
        %get3A_214 = vector.shape_cast %get3A_213 : vector<16xi32> to vector<16xi32>
        %shift_left3A_215 = arith.constant 2 : i32
        %shift_left3A_216 = vector.broadcast %shift_left3A_215 : i32 to vector<16xi32>
        %shift_left3A_217 = arith.shli %get3A_214, %shift_left3A_216 : vector<16xi32>
        %add3A_218 = arith.constant 1 : i32
        %add3A_219 = vector.broadcast %add3A_218 : i32 to vector<16xi32>
        %add3A_220 = arith.addi %shift_left3A_217, %add3A_219 : vector<16xi32>
        %swap3A_221 = arith.constant 112 : index
        %swap3A_222 = tpu.vector_load %arg11[%swap3A_221] {strides = array<i32>} : memref<128xi32, #tpu.memory_space<vmem>>, vector<16xi32>,
        %swap3A_223 = vector.shape_cast %swap3A_222 : vector<16xi32> to vector<16xi32>
        %swap3A_224 = vector.shape_cast %add3A_220 : vector<16xi32> to vector<16xi32>
        tpu.vector_store %arg11[%swap3A_221], %swap3A_224 {strides = array<i32>} : memref<128xi32, #tpu.memory_space<vmem>>, vector<16xi32>,
        %dma_start3A = arith.constant 0 : i32
        %dma_start3A_225 = tpu.memref_slice %arg3[%dma_start3A] : memref<40000xf32, #tpu.memory_space<hbm>> -> memref<40000xf32, #tpu.memory_space<hbm>>
        tpu.enqueue_indirect_dma source(%dma_start3A_225 : memref<40000xf32, #tpu.memory_space<hbm>>) target(%arg13 : memref<128xf32, #tpu.memory_space<vmem>>) offsets(%arg10 : memref<128xi32, #tpu.memory_space<vmem>>) semaphore(%arg18 : memref<!tpu.dma_semaphore, #tpu.memory_space<semaphore_mem>>)
        %dma_start3A_226 = arith.constant 0 : i32
        %dma_start3A_227 = tpu.memref_slice %arg3[%dma_start3A_226] : memref<40000xf32, #tpu.memory_space<hbm>> -> memref<40000xf32, #tpu.memory_space<hbm>>
        tpu.enqueue_indirect_dma source(%dma_start3A_227 : memref<40000xf32, #tpu.memory_space<hbm>>) target(%arg14 : memref<128xf32, #tpu.memory_space<vmem>>) offsets(%arg11 : memref<128xi32, #tpu.memory_space<vmem>>) semaphore(%arg18 : memref<!tpu.dma_semaphore, #tpu.memory_space<semaphore_mem>>)
        %dma_start3A_228 = arith.constant 0 : i32
        %dma_start3A_229 = arith.constant 0 : i32
        %dma_start3A_230 = tpu.memref_slice %arg2[%dma_start3A_228, %dma_start3A_229] : memref<10000x64xf32, #tpu.memory_space<hbm>> -> memref<10000x64xf32, #tpu.memory_space<hbm>>
        tpu.enqueue_indirect_dma source(%dma_start3A_230 : memref<10000x64xf32, #tpu.memory_space<hbm>>) target(%arg12 : memref<128x64xf32, #tpu.memory_space<vmem>>) offsets(%arg8 : memref<128xi32, #tpu.memory_space<vmem>>) semaphore(%arg18 : memref<!tpu.dma_semaphore, #tpu.memory_space<semaphore_mem>>)
        %dma_wait3A = arith.constant 0 : i32
        %dma_wait3A_231 = tpu.memref_slice %arg3[%dma_wait3A] : memref<40000xf32, #tpu.memory_space<hbm>> -> memref<40000xf32, #tpu.memory_space<hbm>>
        tpu.wait_indirect_dma semaphore(%arg18 : memref<!tpu.dma_semaphore, #tpu.memory_space<semaphore_mem>>) src(%dma_wait3A_231 : memref<40000xf32, #tpu.memory_space<hbm>>) dst(%arg13 : memref<128xf32, #tpu.memory_space<vmem>>)
        %dma_wait3A_232 = arith.constant 0 : i32
        %dma_wait3A_233 = tpu.memref_slice %arg3[%dma_wait3A_232] : memref<40000xf32, #tpu.memory_space<hbm>> -> memref<40000xf32, #tpu.memory_space<hbm>>
        tpu.wait_indirect_dma semaphore(%arg18 : memref<!tpu.dma_semaphore, #tpu.memory_space<semaphore_mem>>) src(%dma_wait3A_233 : memref<40000xf32, #tpu.memory_space<hbm>>) dst(%arg14 : memref<128xf32, #tpu.memory_space<vmem>>)
        %dma_wait3A_234 = arith.constant 0 : i32
        %dma_wait3A_235 = arith.constant 0 : i32
        %dma_wait3A_236 = tpu.memref_slice %arg2[%dma_wait3A_234, %dma_wait3A_235] : memref<10000x64xf32, #tpu.memory_space<hbm>> -> memref<10000x64xf32, #tpu.memory_space<hbm>>
        tpu.wait_indirect_dma semaphore(%arg18 : memref<!tpu.dma_semaphore, #tpu.memory_space<semaphore_mem>>) src(%dma_wait3A_236 : memref<10000x64xf32, #tpu.memory_space<hbm>>) dst(%arg12 : memref<128x64xf32, #tpu.memory_space<vmem>>)
        %get3A_237 = arith.constant 0 : index
        %get3A_238 = tpu.vector_load %arg13[%get3A_237] {strides = array<i32>} : memref<128xf32, #tpu.memory_space<vmem>>, vector<16xf32>,
        %get3A_239 = vector.shape_cast %get3A_238 : vector<16xf32> to vector<16xf32>
        %get3A_240 = arith.constant 0 : index
        %get3A_241 = tpu.vector_load %arg14[%get3A_240] {strides = array<i32>} : memref<128xf32, #tpu.memory_space<vmem>>, vector<16xf32>,
        %get3A_242 = vector.shape_cast %get3A_241 : vector<16xf32> to vector<16xf32>
        %add3A_243 = arith.addf %get3A_239, %get3A_242 : vector<16xf32>
        %get3A_244 = arith.constant 0 : index
        %get3A_245 = tpu.vector_load %arg15[%get3A_244] {strides = array<i32>} : memref<128xf32, #tpu.memory_space<vmem>>, vector<16xf32>,
        %get3A_246 = vector.shape_cast %get3A_245 : vector<16xf32> to vector<16xf32>
        %add3A_247 = arith.addf %add3A_243, %get3A_246 : vector<16xf32>
        %mul3A_248 = arith.constant 2.000000e-01 : f32
        %mul3A_249 = vector.broadcast %mul3A_248 : f32 to vector<16xf32>
        %mul3A_250 = arith.mulf %mul3A_249, %add3A_247 : vector<16xf32>
        %max3A = arith.maximumf %add3A_247, %mul3A_250 : vector<16xf32>
        %exp3A = math.exp %max3A : vector<16xf32>
        %swap3A_251 = arith.constant 0 : index
        %swap3A_252 = tpu.vector_load %arg16[%swap3A_251] {strides = array<i32>} : memref<144xf32, #tpu.memory_space<vmem>>, vector<16xf32>,
        %swap3A_253 = vector.shape_cast %swap3A_252 : vector<16xf32> to vector<16xf32>
        %swap3A_254 = vector.shape_cast %exp3A : vector<16xf32> to vector<16xf32>
        tpu.vector_store %arg16[%swap3A_251], %swap3A_254 {strides = array<i32>} : memref<144xf32, #tpu.memory_space<vmem>>, vector<16xf32>,
        %get3A_255 = arith.constant 16 : index
        %get3A_256 = tpu.vector_load %arg13[%get3A_255] {strides = array<i32>} : memref<128xf32, #tpu.memory_space<vmem>>, vector<16xf32>,
        %get3A_257 = vector.shape_cast %get3A_256 : vector<16xf32> to vector<16xf32>
        %get3A_258 = arith.constant 16 : index
        %get3A_259 = tpu.vector_load %arg14[%get3A_258] {strides = array<i32>} : memref<128xf32, #tpu.memory_space<vmem>>, vector<16xf32>,
        %get3A_260 = vector.shape_cast %get3A_259 : vector<16xf32> to vector<16xf32>
        %add3A_261 = arith.addf %get3A_257, %get3A_260 : vector<16xf32>
        %get3A_262 = arith.constant 16 : index
        %get3A_263 = tpu.vector_load %arg15[%get3A_262] {strides = array<i32>} : memref<128xf32, #tpu.memory_space<vmem>>, vector<16xf32>,
        %get3A_264 = vector.shape_cast %get3A_263 : vector<16xf32> to vector<16xf32>
        %add3A_265 = arith.addf %add3A_261, %get3A_264 : vector<16xf32>
        %mul3A_266 = arith.constant 2.000000e-01 : f32
        %mul3A_267 = vector.broadcast %mul3A_266 : f32 to vector<16xf32>
        %mul3A_268 = arith.mulf %mul3A_267, %add3A_265 : vector<16xf32>
        %max3A_269 = arith.maximumf %add3A_265, %mul3A_268 : vector<16xf32>
        %exp3A_270 = math.exp %max3A_269 : vector<16xf32>
        %swap3A_271 = arith.constant 16 : index
        %swap3A_272 = tpu.vector_load %arg16[%swap3A_271] {strides = array<i32>} : memref<144xf32, #tpu.memory_space<vmem>>, vector<16xf32>,
        %swap3A_273 = vector.shape_cast %swap3A_272 : vector<16xf32> to vector<16xf32>
        %swap3A_274 = vector.shape_cast %exp3A_270 : vector<16xf32> to vector<16xf32>
        tpu.vector_store %arg16[%swap3A_271], %swap3A_274 {strides = array<i32>} : memref<144xf32, #tpu.memory_space<vmem>>, vector<16xf32>,
        %get3A_275 = arith.constant 32 : index
        %get3A_276 = tpu.vector_load %arg13[%get3A_275] {strides = array<i32>} : memref<128xf32, #tpu.memory_space<vmem>>, vector<16xf32>,
        %get3A_277 = vector.shape_cast %get3A_276 : vector<16xf32> to vector<16xf32>
        %get3A_278 = arith.constant 32 : index
        %get3A_279 = tpu.vector_load %arg14[%get3A_278] {strides = array<i32>} : memref<128xf32, #tpu.memory_space<vmem>>, vector<16xf32>,
        %get3A_280 = vector.shape_cast %get3A_279 : vector<16xf32> to vector<16xf32>
        %add3A_281 = arith.addf %get3A_277, %get3A_280 : vector<16xf32>
        %get3A_282 = arith.constant 32 : index
        %get3A_283 = tpu.vector_load %arg15[%get3A_282] {strides = array<i32>} : memref<128xf32, #tpu.memory_space<vmem>>, vector<16xf32>,
        %get3A_284 = vector.shape_cast %get3A_283 : vector<16xf32> to vector<16xf32>
        %add3A_285 = arith.addf %add3A_281, %get3A_284 : vector<16xf32>
        %mul3A_286 = arith.constant 2.000000e-01 : f32
        %mul3A_287 = vector.broadcast %mul3A_286 : f32 to vector<16xf32>
        %mul3A_288 = arith.mulf %mul3A_287, %add3A_285 : vector<16xf32>
        %max3A_289 = arith.maximumf %add3A_285, %mul3A_288 : vector<16xf32>
        %exp3A_290 = math.exp %max3A_289 : vector<16xf32>
        %swap3A_291 = arith.constant 32 : index
        %swap3A_292 = tpu.vector_load %arg16[%swap3A_291] {strides = array<i32>} : memref<144xf32, #tpu.memory_space<vmem>>, vector<16xf32>,
        %swap3A_293 = vector.shape_cast %swap3A_292 : vector<16xf32> to vector<16xf32>
        %swap3A_294 = vector.shape_cast %exp3A_290 : vector<16xf32> to vector<16xf32>
        tpu.vector_store %arg16[%swap3A_291], %swap3A_294 {strides = array<i32>} : memref<144xf32, #tpu.memory_space<vmem>>, vector<16xf32>,
        %get3A_295 = arith.constant 48 : index
        %get3A_296 = tpu.vector_load %arg13[%get3A_295] {strides = array<i32>} : memref<128xf32, #tpu.memory_space<vmem>>, vector<16xf32>,
        %get3A_297 = vector.shape_cast %get3A_296 : vector<16xf32> to vector<16xf32>
        %get3A_298 = arith.constant 48 : index
        %get3A_299 = tpu.vector_load %arg14[%get3A_298] {strides = array<i32>} : memref<128xf32, #tpu.memory_space<vmem>>, vector<16xf32>,
        %get3A_300 = vector.shape_cast %get3A_299 : vector<16xf32> to vector<16xf32>
        %add3A_301 = arith.addf %get3A_297, %get3A_300 : vector<16xf32>
        %get3A_302 = arith.constant 48 : index
        %get3A_303 = tpu.vector_load %arg15[%get3A_302] {strides = array<i32>} : memref<128xf32, #tpu.memory_space<vmem>>, vector<16xf32>,
        %get3A_304 = vector.shape_cast %get3A_303 : vector<16xf32> to vector<16xf32>
        %add3A_305 = arith.addf %add3A_301, %get3A_304 : vector<16xf32>
        %mul3A_306 = arith.constant 2.000000e-01 : f32
        %mul3A_307 = vector.broadcast %mul3A_306 : f32 to vector<16xf32>
        %mul3A_308 = arith.mulf %mul3A_307, %add3A_305 : vector<16xf32>
        %max3A_309 = arith.maximumf %add3A_305, %mul3A_308 : vector<16xf32>
        %exp3A_310 = math.exp %max3A_309 : vector<16xf32>
        %swap3A_311 = arith.constant 48 : index
        %swap3A_312 = tpu.vector_load %arg16[%swap3A_311] {strides = array<i32>} : memref<144xf32, #tpu.memory_space<vmem>>, vector<16xf32>,
        %swap3A_313 = vector.shape_cast %swap3A_312 : vector<16xf32> to vector<16xf32>
        %swap3A_314 = vector.shape_cast %exp3A_310 : vector<16xf32> to vector<16xf32>
        tpu.vector_store %arg16[%swap3A_311], %swap3A_314 {strides = array<i32>} : memref<144xf32, #tpu.memory_space<vmem>>, vector<16xf32>,
        %get3A_315 = arith.constant 64 : index
        %get3A_316 = tpu.vector_load %arg13[%get3A_315] {strides = array<i32>} : memref<128xf32, #tpu.memory_space<vmem>>, vector<16xf32>,
        %get3A_317 = vector.shape_cast %get3A_316 : vector<16xf32> to vector<16xf32>
        %get3A_318 = arith.constant 64 : index
        %get3A_319 = tpu.vector_load %arg14[%get3A_318] {strides = array<i32>} : memref<128xf32, #tpu.memory_space<vmem>>, vector<16xf32>,
        %get3A_320 = vector.shape_cast %get3A_319 : vector<16xf32> to vector<16xf32>
        %add3A_321 = arith.addf %get3A_317, %get3A_320 : vector<16xf32>
        %get3A_322 = arith.constant 64 : index
        %get3A_323 = tpu.vector_load %arg15[%get3A_322] {strides = array<i32>} : memref<128xf32, #tpu.memory_space<vmem>>, vector<16xf32>,
        %get3A_324 = vector.shape_cast %get3A_323 : vector<16xf32> to vector<16xf32>
        %add3A_325 = arith.addf %add3A_321, %get3A_324 : vector<16xf32>
        %mul3A_326 = arith.constant 2.000000e-01 : f32
        %mul3A_327 = vector.broadcast %mul3A_326 : f32 to vector<16xf32>
        %mul3A_328 = arith.mulf %mul3A_327, %add3A_325 : vector<16xf32>
        %max3A_329 = arith.maximumf %add3A_325, %mul3A_328 : vector<16xf32>
        %exp3A_330 = math.exp %max3A_329 : vector<16xf32>
        %swap3A_331 = arith.constant 64 : index
        %swap3A_332 = tpu.vector_load %arg16[%swap3A_331] {strides = array<i32>} : memref<144xf32, #tpu.memory_space<vmem>>, vector<16xf32>,
        %swap3A_333 = vector.shape_cast %swap3A_332 : vector<16xf32> to vector<16xf32>
        %swap3A_334 = vector.shape_cast %exp3A_330 : vector<16xf32> to vector<16xf32>
        tpu.vector_store %arg16[%swap3A_331], %swap3A_334 {strides = array<i32>} : memref<144xf32, #tpu.memory_space<vmem>>, vector<16xf32>,
        %get3A_335 = arith.constant 80 : index
        %get3A_336 = tpu.vector_load %arg13[%get3A_335] {strides = array<i32>} : memref<128xf32, #tpu.memory_space<vmem>>, vector<16xf32>,
        %get3A_337 = vector.shape_cast %get3A_336 : vector<16xf32> to vector<16xf32>
        %get3A_338 = arith.constant 80 : index
        %get3A_339 = tpu.vector_load %arg14[%get3A_338] {strides = array<i32>} : memref<128xf32, #tpu.memory_space<vmem>>, vector<16xf32>,
        %get3A_340 = vector.shape_cast %get3A_339 : vector<16xf32> to vector<16xf32>
        %add3A_341 = arith.addf %get3A_337, %get3A_340 : vector<16xf32>
        %get3A_342 = arith.constant 80 : index
        %get3A_343 = tpu.vector_load %arg15[%get3A_342] {strides = array<i32>} : memref<128xf32, #tpu.memory_space<vmem>>, vector<16xf32>,
        %get3A_344 = vector.shape_cast %get3A_343 : vector<16xf32> to vector<16xf32>
        %add3A_345 = arith.addf %add3A_341, %get3A_344 : vector<16xf32>
        %mul3A_346 = arith.constant 2.000000e-01 : f32
        %mul3A_347 = vector.broadcast %mul3A_346 : f32 to vector<16xf32>
        %mul3A_348 = arith.mulf %mul3A_347, %add3A_345 : vector<16xf32>
        %max3A_349 = arith.maximumf %add3A_345, %mul3A_348 : vector<16xf32>
        %exp3A_350 = math.exp %max3A_349 : vector<16xf32>
        %swap3A_351 = arith.constant 80 : index
        %swap3A_352 = tpu.vector_load %arg16[%swap3A_351] {strides = array<i32>} : memref<144xf32, #tpu.memory_space<vmem>>, vector<16xf32>,
        %swap3A_353 = vector.shape_cast %swap3A_352 : vector<16xf32> to vector<16xf32>
        %swap3A_354 = vector.shape_cast %exp3A_350 : vector<16xf32> to vector<16xf32>
        tpu.vector_store %arg16[%swap3A_351], %swap3A_354 {strides = array<i32>} : memref<144xf32, #tpu.memory_space<vmem>>, vector<16xf32>,
        %get3A_355 = arith.constant 96 : index
        %get3A_356 = tpu.vector_load %arg13[%get3A_355] {strides = array<i32>} : memref<128xf32, #tpu.memory_space<vmem>>, vector<16xf32>,
        %get3A_357 = vector.shape_cast %get3A_356 : vector<16xf32> to vector<16xf32>
        %get3A_358 = arith.constant 96 : index
        %get3A_359 = tpu.vector_load %arg14[%get3A_358] {strides = array<i32>} : memref<128xf32, #tpu.memory_space<vmem>>, vector<16xf32>,
        %get3A_360 = vector.shape_cast %get3A_359 : vector<16xf32> to vector<16xf32>
        %add3A_361 = arith.addf %get3A_357, %get3A_360 : vector<16xf32>
        %get3A_362 = arith.constant 96 : index
        %get3A_363 = tpu.vector_load %arg15[%get3A_362] {strides = array<i32>} : memref<128xf32, #tpu.memory_space<vmem>>, vector<16xf32>,
        %get3A_364 = vector.shape_cast %get3A_363 : vector<16xf32> to vector<16xf32>
        %add3A_365 = arith.addf %add3A_361, %get3A_364 : vector<16xf32>
        %mul3A_366 = arith.constant 2.000000e-01 : f32
        %mul3A_367 = vector.broadcast %mul3A_366 : f32 to vector<16xf32>
        %mul3A_368 = arith.mulf %mul3A_367, %add3A_365 : vector<16xf32>
        %max3A_369 = arith.maximumf %add3A_365, %mul3A_368 : vector<16xf32>
        %exp3A_370 = math.exp %max3A_369 : vector<16xf32>
        %swap3A_371 = arith.constant 96 : index
        %swap3A_372 = tpu.vector_load %arg16[%swap3A_371] {strides = array<i32>} : memref<144xf32, #tpu.memory_space<vmem>>, vector<16xf32>,
        %swap3A_373 = vector.shape_cast %swap3A_372 : vector<16xf32> to vector<16xf32>
        %swap3A_374 = vector.shape_cast %exp3A_370 : vector<16xf32> to vector<16xf32>
        tpu.vector_store %arg16[%swap3A_371], %swap3A_374 {strides = array<i32>} : memref<144xf32, #tpu.memory_space<vmem>>, vector<16xf32>,
        %get3A_375 = arith.constant 112 : index
        %get3A_376 = tpu.vector_load %arg13[%get3A_375] {strides = array<i32>} : memref<128xf32, #tpu.memory_space<vmem>>, vector<16xf32>,
        %get3A_377 = vector.shape_cast %get3A_376 : vector<16xf32> to vector<16xf32>
        %get3A_378 = arith.constant 112 : index
        %get3A_379 = tpu.vector_load %arg14[%get3A_378] {strides = array<i32>} : memref<128xf32, #tpu.memory_space<vmem>>, vector<16xf32>,
        %get3A_380 = vector.shape_cast %get3A_379 : vector<16xf32> to vector<16xf32>
        %add3A_381 = arith.addf %get3A_377, %get3A_380 : vector<16xf32>
        %get3A_382 = arith.constant 112 : index
        %get3A_383 = tpu.vector_load %arg15[%get3A_382] {strides = array<i32>} : memref<128xf32, #tpu.memory_space<vmem>>, vector<16xf32>,
        %get3A_384 = vector.shape_cast %get3A_383 : vector<16xf32> to vector<16xf32>
        %add3A_385 = arith.addf %add3A_381, %get3A_384 : vector<16xf32>
        %mul3A_386 = arith.constant 2.000000e-01 : f32
        %mul3A_387 = vector.broadcast %mul3A_386 : f32 to vector<16xf32>
        %mul3A_388 = arith.mulf %mul3A_387, %add3A_385 : vector<16xf32>
        %max3A_389 = arith.maximumf %add3A_385, %mul3A_388 : vector<16xf32>
        %exp3A_390 = math.exp %max3A_389 : vector<16xf32>
        %swap3A_391 = arith.constant 112 : index
        %swap3A_392 = tpu.vector_load %arg16[%swap3A_391] {strides = array<i32>} : memref<144xf32, #tpu.memory_space<vmem>>, vector<16xf32>,
        %swap3A_393 = vector.shape_cast %swap3A_392 : vector<16xf32> to vector<16xf32>
        %swap3A_394 = vector.shape_cast %exp3A_390 : vector<16xf32> to vector<16xf32>
        tpu.vector_store %arg16[%swap3A_391], %swap3A_394 {strides = array<i32>} : memref<144xf32, #tpu.memory_space<vmem>>, vector<16xf32>,
        %scan3A_395 = arith.constant 0 : i32
        %scan3A_396 = arith.constant 0 : i32
        %scan3A_397 = arith.constant 128 : i32
        %scan3A_398 = arith.addi %scan3A_396, %scan3A_397 : i32
        %scan3A_399 = arith.constant 1 : i32
        scf.for %scan3A_401 = %scan3A_396 to %scan3A_398 step %scan3A_399  : i32 {
          %get3A_402 = arith.index_cast %scan3A_401 : i32 to index
          %get3A_403 = tpu.vector_load %arg16[%get3A_402] {strides = array<i32>} : memref<144xf32, #tpu.memory_space<vmem>>, vector<16xf32>,
          %get3A_404 = vector.shape_cast %get3A_403 : vector<16xf32> to vector<16xf32>
          %slice3A = vector.extract_strided_slice %get3A_404 {offsets = [0], sizes = [1], strides = [1]} : vector<16xf32> to vector<1xf32>
          %squeeze3A = vector.extract %slice3A[0] : f32 from vector<1xf32>
          %get3A_405 = arith.index_cast %scan3A_401 : i32 to index
          %get3A_406 = arith.constant 0 : index
          %get3A_407 = tpu.vector_load %arg12[%get3A_405, %get3A_406] {strides = array<i32>} : memref<128x64xf32, #tpu.memory_space<vmem>>, vector<1x16xf32>,
          %get3A_408 = vector.shape_cast %get3A_407 : vector<1x16xf32> to vector<16xf32>
          %mul3A_409 = vector.broadcast %squeeze3A : f32 to vector<16xf32>
          %mul3A_410 = arith.mulf %get3A_408, %mul3A_409 : vector<16xf32>
          %swap3A_411 = arith.index_cast %scan3A_401 : i32 to index
          %swap3A_412 = arith.constant 0 : index
          %swap3A_413 = tpu.vector_load %arg17[%swap3A_411, %swap3A_412] {strides = array<i32>} : memref<128x80xf32, #tpu.memory_space<vmem>>, vector<1x16xf32>,
          %swap3A_414 = vector.shape_cast %swap3A_413 : vector<1x16xf32> to vector<16xf32>
          %swap3A_415 = vector.shape_cast %mul3A_410 : vector<16xf32> to vector<1x16xf32>
          tpu.vector_store %arg17[%swap3A_411, %swap3A_412], %swap3A_415 {strides = array<i32>} : memref<128x80xf32, #tpu.memory_space<vmem>>, vector<1x16xf32>,
          %get3A_416 = arith.index_cast %scan3A_401 : i32 to index
          %get3A_417 = arith.constant 16 : index
          %get3A_418 = tpu.vector_load %arg12[%get3A_416, %get3A_417] {strides = array<i32>} : memref<128x64xf32, #tpu.memory_space<vmem>>, vector<1x16xf32>,
          %get3A_419 = vector.shape_cast %get3A_418 : vector<1x16xf32> to vector<16xf32>
          %mul3A_420 = vector.broadcast %squeeze3A : f32 to vector<16xf32>
          %mul3A_421 = arith.mulf %get3A_419, %mul3A_420 : vector<16xf32>
          %swap3A_422 = arith.index_cast %scan3A_401 : i32 to index
          %swap3A_423 = arith.constant 16 : index
          %swap3A_424 = tpu.vector_load %arg17[%swap3A_422, %swap3A_423] {strides = array<i32>} : memref<128x80xf32, #tpu.memory_space<vmem>>, vector<1x16xf32>,
          %swap3A_425 = vector.shape_cast %swap3A_424 : vector<1x16xf32> to vector<16xf32>
          %swap3A_426 = vector.shape_cast %mul3A_421 : vector<16xf32> to vector<1x16xf32>
          tpu.vector_store %arg17[%swap3A_422, %swap3A_423], %swap3A_426 {strides = array<i32>} : memref<128x80xf32, #tpu.memory_space<vmem>>, vector<1x16xf32>,
          %get3A_427 = arith.index_cast %scan3A_401 : i32 to index
          %get3A_428 = arith.constant 32 : index
          %get3A_429 = tpu.vector_load %arg12[%get3A_427, %get3A_428] {strides = array<i32>} : memref<128x64xf32, #tpu.memory_space<vmem>>, vector<1x16xf32>,
          %get3A_430 = vector.shape_cast %get3A_429 : vector<1x16xf32> to vector<16xf32>
          %mul3A_431 = vector.broadcast %squeeze3A : f32 to vector<16xf32>
          %mul3A_432 = arith.mulf %get3A_430, %mul3A_431 : vector<16xf32>
          %swap3A_433 = arith.index_cast %scan3A_401 : i32 to index
          %swap3A_434 = arith.constant 32 : index
          %swap3A_435 = tpu.vector_load %arg17[%swap3A_433, %swap3A_434] {strides = array<i32>} : memref<128x80xf32, #tpu.memory_space<vmem>>, vector<1x16xf32>,
          %swap3A_436 = vector.shape_cast %swap3A_435 : vector<1x16xf32> to vector<16xf32>
          %swap3A_437 = vector.shape_cast %mul3A_432 : vector<16xf32> to vector<1x16xf32>
          tpu.vector_store %arg17[%swap3A_433, %swap3A_434], %swap3A_437 {strides = array<i32>} : memref<128x80xf32, #tpu.memory_space<vmem>>, vector<1x16xf32>,
          %get3A_438 = arith.index_cast %scan3A_401 : i32 to index
          %get3A_439 = arith.constant 48 : index
          %get3A_440 = tpu.vector_load %arg12[%get3A_438, %get3A_439] {strides = array<i32>} : memref<128x64xf32, #tpu.memory_space<vmem>>, vector<1x16xf32>,
          %get3A_441 = vector.shape_cast %get3A_440 : vector<1x16xf32> to vector<16xf32>
          %mul3A_442 = vector.broadcast %squeeze3A : f32 to vector<16xf32>
          %mul3A_443 = arith.mulf %get3A_441, %mul3A_442 : vector<16xf32>
          %swap3A_444 = arith.index_cast %scan3A_401 : i32 to index
          %swap3A_445 = arith.constant 48 : index
          %swap3A_446 = tpu.vector_load %arg17[%swap3A_444, %swap3A_445] {strides = array<i32>} : memref<128x80xf32, #tpu.memory_space<vmem>>, vector<1x16xf32>,
          %swap3A_447 = vector.shape_cast %swap3A_446 : vector<1x16xf32> to vector<16xf32>
          %swap3A_448 = vector.shape_cast %mul3A_443 : vector<16xf32> to vector<1x16xf32>
          tpu.vector_store %arg17[%swap3A_444, %swap3A_445], %swap3A_448 {strides = array<i32>} : memref<128x80xf32, #tpu.memory_space<vmem>>, vector<1x16xf32>,
          %iota3A = tpu.iota {dimensions = array<i32: 0>} : vector<16xi32>
          %eq3A_449 = arith.constant 0 : i32
          %eq3A_450 = vector.broadcast %eq3A_449 : i32 to vector<16xi32>
          %eq3A_451 = arith.cmpi eq, %iota3A, %eq3A_450 : vector<16xi32>
          %jit3A = arith.constant 0.000000e+00 : f32
          %broadcast_in_dim3A = vector.broadcast %squeeze3A : f32 to vector<16xf32>
          %broadcast_in_dim3A_452 = vector.broadcast %jit3A : f32 to vector<16xf32>
          %select_n3A = arith.select %eq3A_451, %broadcast_in_dim3A, %broadcast_in_dim3A_452 : vector<16xi1>, vector<16xf32>
          %swap3A_453 = arith.index_cast %scan3A_401 : i32 to index
          %swap3A_454 = arith.constant 64 : index
          %swap3A_455 = tpu.vector_load %arg17[%swap3A_453, %swap3A_454] {strides = array<i32>} : memref<128x80xf32, #tpu.memory_space<vmem>>, vector<1x16xf32>,
          %swap3A_456 = vector.shape_cast %swap3A_455 : vector<1x16xf32> to vector<16xf32>
          %swap3A_457 = vector.shape_cast %select_n3A : vector<16xf32> to vector<1x16xf32>
          tpu.vector_store %arg17[%swap3A_453, %swap3A_454], %swap3A_457 {strides = array<i32>} : memref<128x80xf32, #tpu.memory_space<vmem>>, vector<1x16xf32>,
        }
        %scan3A_400 = arith.constant 128 : i32
        "tpu.region"() ({
          %run_scoped3A_401 = tpu.sem_alloc : memref<!tpu.dma_semaphore, #tpu.memory_space<semaphore_mem>>
          %dma_start3A_402 = arith.constant 0 : i32
          %dma_start3A_403 = arith.constant 0 : i32
          %dma_start3A_404 = tpu.memref_slice %arg7[%dma_start3A_402, %dma_start3A_403] : memref<10000x80xf32, #tpu.memory_space<vmem_shared>> -> memref<10000x80xf32, #tpu.memory_space<vmem_shared>>
          tpu.enqueue_indirect_dma source(%arg17 : memref<128x80xf32, #tpu.memory_space<vmem>>) target(%dma_start3A_404 : memref<10000x80xf32, #tpu.memory_space<vmem_shared>>) offsets(%arg9 : memref<128xi32, #tpu.memory_space<vmem>>) semaphore(%run_scoped3A_401 : memref<!tpu.dma_semaphore, #tpu.memory_space<semaphore_mem>>) {add = true}
          %dma_wait3A_405 = arith.constant 0 : i32
          %dma_wait3A_406 = arith.constant 0 : i32
          %dma_wait3A_407 = tpu.memref_slice %arg7[%dma_wait3A_405, %dma_wait3A_406] : memref<10000x80xf32, #tpu.memory_space<vmem_shared>> -> memref<10000x80xf32, #tpu.memory_space<vmem_shared>>
          tpu.wait_indirect_dma semaphore(%run_scoped3A_401 : memref<!tpu.dma_semaphore, #tpu.memory_space<semaphore_mem>>) src(%arg17 : memref<128x80xf32, #tpu.memory_space<vmem>>) dst(%dma_wait3A_407 : memref<10000x80xf32, #tpu.memory_space<vmem_shared>>)
          tpu.yield
        }) : () -> ()
      } else {
      }
    }
    %scan3A_17 = arith.constant 79 : i32
    %barrier3A_18 = arith.constant 0 : index
    tpu.barrier barrier_id(%barrier3A_18)
    %lt3A_19 = arith.constant 15 : i32
    %lt3A_20 = arith.cmpi slt, %arg1, %lt3A_19 : i32
    %convert_element_type3A_21 = arith.extui %lt3A_20 : i1 to i32
    %cond3A_22 = arith.constant 0 : i32
    %cond3A_23 = arith.cmpi ne, %convert_element_type3A_21, %cond3A_22 : i32
    scf.if %cond3A_23 {
      "tpu.region"() ({
        %run_scoped3A = tpu.sem_alloc : memref<!tpu.dma_semaphore, #tpu.memory_space<semaphore_mem>>
        %dma_start3A = arith.constant 0 : i32
        %dma_start3A_29 = tpu.memref_slice %arg6[%arg0, %mul3A_5, %dma_start3A] : memref<2x10000x80xf32, #tpu.memory_space<hbm>> -> memref<1x632x80xf32, #tpu.memory_space<hbm>>
        %dma_start3A_30 = tpu.memref_squeeze %dma_start3A_29 : memref<1x632x80xf32, #tpu.memory_space<hbm>> -> memref<632x80xf32, #tpu.memory_space<hbm>>
        %dma_start3A_31 = arith.constant 0 : i32
        %dma_start3A_32 = tpu.memref_slice %arg7[%mul3A_5, %dma_start3A_31] : memref<10000x80xf32, #tpu.memory_space<vmem_shared>> -> memref<632x80xf32, #tpu.memory_space<vmem_shared>>
        tpu.enqueue_dma source(%dma_start3A_32 : memref<632x80xf32, #tpu.memory_space<vmem_shared>>) target(%dma_start3A_30 : memref<632x80xf32, #tpu.memory_space<hbm>>) target_semaphore(%run_scoped3A : memref<!tpu.dma_semaphore, #tpu.memory_space<semaphore_mem>>)
        %dma_wait3A = arith.constant 0 : i32
        %dma_wait3A_33 = tpu.memref_slice %arg6[%arg0, %mul3A_5, %dma_wait3A] : memref<2x10000x80xf32, #tpu.memory_space<hbm>> -> memref<1x632x80xf32, #tpu.memory_space<hbm>>
        %dma_wait3A_34 = tpu.memref_squeeze %dma_wait3A_33 : memref<1x632x80xf32, #tpu.memory_space<hbm>> -> memref<632x80xf32, #tpu.memory_space<hbm>>
        %dma_wait3A_35 = arith.constant 0 : i32
        %dma_wait3A_36 = tpu.memref_slice %arg7[%mul3A_5, %dma_wait3A_35] : memref<10000x80xf32, #tpu.memory_space<vmem_shared>> -> memref<632x80xf32, #tpu.memory_space<vmem_shared>>
        tpu.wait_dma2 semaphore(%run_scoped3A : memref<!tpu.dma_semaphore, #tpu.memory_space<semaphore_mem>>) src(%dma_wait3A_36 : memref<632x80xf32, #tpu.memory_space<vmem_shared>>) dst(%dma_wait3A_34 : memref<632x80xf32, #tpu.memory_space<hbm>>)
        tpu.yield
      }) : () -> ()
    } else {
    }
    %eq3A_24 = arith.constant 15 : i32
    %eq3A_25 = arith.cmpi eq, %arg1, %eq3A_24 : i32
    %convert_element_type3A_26 = arith.extui %eq3A_25 : i1 to i32
    %cond3A_27 = arith.constant 0 : i32
    %cond3A_28 = arith.cmpi ne, %convert_element_type3A_26, %cond3A_27 : i32
    scf.if %cond3A_28 {
      "tpu.region"() ({
        %run_scoped3A = tpu.sem_alloc : memref<!tpu.dma_semaphore, #tpu.memory_space<semaphore_mem>>
        %dma_start3A = arith.constant 0 : i32
        %dma_start3A_29 = tpu.memref_slice %arg6[%arg0, %mul3A_5, %dma_start3A] : memref<2x10000x80xf32, #tpu.memory_space<hbm>> -> memref<1x520x80xf32, #tpu.memory_space<hbm>>
        %dma_start3A_30 = tpu.memref_squeeze %dma_start3A_29 : memref<1x520x80xf32, #tpu.memory_space<hbm>> -> memref<520x80xf32, #tpu.memory_space<hbm>>
        %dma_start3A_31 = arith.constant 0 : i32
        %dma_start3A_32 = tpu.memref_slice %arg7[%mul3A_5, %dma_start3A_31] : memref<10000x80xf32, #tpu.memory_space<vmem_shared>> -> memref<520x80xf32, #tpu.memory_space<vmem_shared>>
        tpu.enqueue_dma source(%dma_start3A_32 : memref<520x80xf32, #tpu.memory_space<vmem_shared>>) target(%dma_start3A_30 : memref<520x80xf32, #tpu.memory_space<hbm>>) target_semaphore(%run_scoped3A : memref<!tpu.dma_semaphore, #tpu.memory_space<semaphore_mem>>)
        %dma_wait3A = arith.constant 0 : i32
        %dma_wait3A_33 = tpu.memref_slice %arg6[%arg0, %mul3A_5, %dma_wait3A] : memref<2x10000x80xf32, #tpu.memory_space<hbm>> -> memref<1x520x80xf32, #tpu.memory_space<hbm>>
        %dma_wait3A_34 = tpu.memref_squeeze %dma_wait3A_33 : memref<1x520x80xf32, #tpu.memory_space<hbm>> -> memref<520x80xf32, #tpu.memory_space<hbm>>
        %dma_wait3A_35 = arith.constant 0 : i32
        %dma_wait3A_36 = tpu.memref_slice %arg7[%mul3A_5, %dma_wait3A_35] : memref<10000x80xf32, #tpu.memory_space<vmem_shared>> -> memref<520x80xf32, #tpu.memory_space<vmem_shared>>
        tpu.wait_dma2 semaphore(%run_scoped3A : memref<!tpu.dma_semaphore, #tpu.memory_space<semaphore_mem>>) src(%dma_wait3A_36 : memref<520x80xf32, #tpu.memory_space<vmem_shared>>) dst(%dma_wait3A_34 : memref<520x80xf32, #tpu.memory_space<hbm>>)
        tpu.yield
      }) : () -> ()
    } else {
    }
    return
  }
}

#map = affine_map<(d0, d1) -> (0, 0)>
#map1 = affine_map<(d0, d1) -> (0)>
#map2 = affine_map<(d0, d1) -> (0, 0, 0)>
module attributes {stable_mosaic.version = 14 : i64} {
  func.func @l1(%arg0: i32, %arg1: i32, %arg2: memref<20000x128xf32, #tpu.memory_space<hbm>>, %arg3: memref<40000xf32, #tpu.memory_space<hbm>>, %arg4: memref<40000xf32, #tpu.memory_space<hbm>>, %arg5: memref<5x320000xf32, #tpu.memory_space<hbm>>, %arg6: memref<2x320000xi32, #tpu.memory_space<hbm>>, %arg7: memref<2x10000x144xf32, #tpu.memory_space<hbm>>, %arg8: memref<10000x144xf32, #tpu.memory_space<vmem_shared>>, %arg9: memref<128xi32, #tpu.memory_space<vmem>>, %arg10: memref<128xi32, #tpu.memory_space<vmem>>, %arg11: memref<128xi32, #tpu.memory_space<vmem>>, %arg12: memref<128xi32, #tpu.memory_space<vmem>>, %arg13: memref<128xi32, #tpu.memory_space<vmem>>, %arg14: memref<128xi32, #tpu.memory_space<vmem>>, %arg15: memref<128xi32, #tpu.memory_space<vmem>>, %arg16: memref<128x128xf32, #tpu.memory_space<vmem>>, %arg17: memref<128xf32, #tpu.memory_space<vmem>>, %arg18: memref<128xf32, #tpu.memory_space<vmem>>, %arg19: memref<128xf32, #tpu.memory_space<vmem>>, %arg20: memref<128xf32, #tpu.memory_space<vmem>>, %arg21: memref<128xf32, #tpu.memory_space<vmem>>, %arg22: memref<128xf32, #tpu.memory_space<vmem>>, %arg23: memref<144xf32, #tpu.memory_space<vmem>>, %arg24: memref<144xf32, #tpu.memory_space<vmem>>, %arg25: memref<128x144xf32, #tpu.memory_space<vmem>>, %arg26: memref<!tpu.dma_semaphore, #tpu.memory_space<semaphore_mem>>) attributes {dimension_semantics = [#tpu.dimension_semantics<core_parallel>, #tpu.dimension_semantics<subcore_parallel>], iteration_bounds = array<i64: 2, 16>, scalar_prefetch = 0 : i64, scratch_operands = 19 : i64, tpu.core_type = #tpu.core_type<sc_vector_subcore>, window_params = [{transform_indices = #map}, {transform_indices = #map1}, {transform_indices = #map1}, {transform_indices = #map}, {transform_indices = #map}, {transform_indices = #map2}]} {
    %scan3A = arith.constant 0 : i32
    %scan3A_0 = arith.constant 0 : i32
    %scan3A_1 = arith.constant 128 : i32
    %scan3A_2 = arith.addi %scan3A_0, %scan3A_1 : i32
    %scan3A_3 = arith.constant 1 : i32
    scf.for %scan3A_29 = %scan3A_0 to %scan3A_2 step %scan3A_3  : i32 {
      %broadcast_in_dim3A = arith.constant 0.000000e+00 : f32
      %broadcast_in_dim3A_30 = vector.broadcast %broadcast_in_dim3A : f32 to vector<16xf32>
      %swap3A = arith.index_cast %scan3A_29 : i32 to index
      %swap3A_31 = arith.constant 0 : index
      %swap3A_32 = tpu.vector_load %arg25[%swap3A, %swap3A_31] {strides = array<i32>} : memref<128x144xf32, #tpu.memory_space<vmem>>, vector<1x16xf32>,
      %swap3A_33 = vector.shape_cast %swap3A_32 : vector<1x16xf32> to vector<16xf32>
      %swap3A_34 = vector.shape_cast %broadcast_in_dim3A_30 : vector<16xf32> to vector<1x16xf32>
      tpu.vector_store %arg25[%swap3A, %swap3A_31], %swap3A_34 {strides = array<i32>} : memref<128x144xf32, #tpu.memory_space<vmem>>, vector<1x16xf32>,
      %broadcast_in_dim3A_35 = arith.constant 0.000000e+00 : f32
      %broadcast_in_dim3A_36 = vector.broadcast %broadcast_in_dim3A_35 : f32 to vector<16xf32>
      %swap3A_37 = arith.index_cast %scan3A_29 : i32 to index
      %swap3A_38 = arith.constant 16 : index
      %swap3A_39 = tpu.vector_load %arg25[%swap3A_37, %swap3A_38] {strides = array<i32>} : memref<128x144xf32, #tpu.memory_space<vmem>>, vector<1x16xf32>,
      %swap3A_40 = vector.shape_cast %swap3A_39 : vector<1x16xf32> to vector<16xf32>
      %swap3A_41 = vector.shape_cast %broadcast_in_dim3A_36 : vector<16xf32> to vector<1x16xf32>
      tpu.vector_store %arg25[%swap3A_37, %swap3A_38], %swap3A_41 {strides = array<i32>} : memref<128x144xf32, #tpu.memory_space<vmem>>, vector<1x16xf32>,
      %broadcast_in_dim3A_42 = arith.constant 0.000000e+00 : f32
      %broadcast_in_dim3A_43 = vector.broadcast %broadcast_in_dim3A_42 : f32 to vector<16xf32>
      %swap3A_44 = arith.index_cast %scan3A_29 : i32 to index
      %swap3A_45 = arith.constant 32 : index
      %swap3A_46 = tpu.vector_load %arg25[%swap3A_44, %swap3A_45] {strides = array<i32>} : memref<128x144xf32, #tpu.memory_space<vmem>>, vector<1x16xf32>,
      %swap3A_47 = vector.shape_cast %swap3A_46 : vector<1x16xf32> to vector<16xf32>
      %swap3A_48 = vector.shape_cast %broadcast_in_dim3A_43 : vector<16xf32> to vector<1x16xf32>
      tpu.vector_store %arg25[%swap3A_44, %swap3A_45], %swap3A_48 {strides = array<i32>} : memref<128x144xf32, #tpu.memory_space<vmem>>, vector<1x16xf32>,
      %broadcast_in_dim3A_49 = arith.constant 0.000000e+00 : f32
      %broadcast_in_dim3A_50 = vector.broadcast %broadcast_in_dim3A_49 : f32 to vector<16xf32>
      %swap3A_51 = arith.index_cast %scan3A_29 : i32 to index
      %swap3A_52 = arith.constant 48 : index
      %swap3A_53 = tpu.vector_load %arg25[%swap3A_51, %swap3A_52] {strides = array<i32>} : memref<128x144xf32, #tpu.memory_space<vmem>>, vector<1x16xf32>,
      %swap3A_54 = vector.shape_cast %swap3A_53 : vector<1x16xf32> to vector<16xf32>
      %swap3A_55 = vector.shape_cast %broadcast_in_dim3A_50 : vector<16xf32> to vector<1x16xf32>
      tpu.vector_store %arg25[%swap3A_51, %swap3A_52], %swap3A_55 {strides = array<i32>} : memref<128x144xf32, #tpu.memory_space<vmem>>, vector<1x16xf32>,
      %broadcast_in_dim3A_56 = arith.constant 0.000000e+00 : f32
      %broadcast_in_dim3A_57 = vector.broadcast %broadcast_in_dim3A_56 : f32 to vector<16xf32>
      %swap3A_58 = arith.index_cast %scan3A_29 : i32 to index
      %swap3A_59 = arith.constant 64 : index
      %swap3A_60 = tpu.vector_load %arg25[%swap3A_58, %swap3A_59] {strides = array<i32>} : memref<128x144xf32, #tpu.memory_space<vmem>>, vector<1x16xf32>,
      %swap3A_61 = vector.shape_cast %swap3A_60 : vector<1x16xf32> to vector<16xf32>
      %swap3A_62 = vector.shape_cast %broadcast_in_dim3A_57 : vector<16xf32> to vector<1x16xf32>
      tpu.vector_store %arg25[%swap3A_58, %swap3A_59], %swap3A_62 {strides = array<i32>} : memref<128x144xf32, #tpu.memory_space<vmem>>, vector<1x16xf32>,
      %broadcast_in_dim3A_63 = arith.constant 0.000000e+00 : f32
      %broadcast_in_dim3A_64 = vector.broadcast %broadcast_in_dim3A_63 : f32 to vector<16xf32>
      %swap3A_65 = arith.index_cast %scan3A_29 : i32 to index
      %swap3A_66 = arith.constant 80 : index
      %swap3A_67 = tpu.vector_load %arg25[%swap3A_65, %swap3A_66] {strides = array<i32>} : memref<128x144xf32, #tpu.memory_space<vmem>>, vector<1x16xf32>,
      %swap3A_68 = vector.shape_cast %swap3A_67 : vector<1x16xf32> to vector<16xf32>
      %swap3A_69 = vector.shape_cast %broadcast_in_dim3A_64 : vector<16xf32> to vector<1x16xf32>
      tpu.vector_store %arg25[%swap3A_65, %swap3A_66], %swap3A_69 {strides = array<i32>} : memref<128x144xf32, #tpu.memory_space<vmem>>, vector<1x16xf32>,
      %broadcast_in_dim3A_70 = arith.constant 0.000000e+00 : f32
      %broadcast_in_dim3A_71 = vector.broadcast %broadcast_in_dim3A_70 : f32 to vector<16xf32>
      %swap3A_72 = arith.index_cast %scan3A_29 : i32 to index
      %swap3A_73 = arith.constant 96 : index
      %swap3A_74 = tpu.vector_load %arg25[%swap3A_72, %swap3A_73] {strides = array<i32>} : memref<128x144xf32, #tpu.memory_space<vmem>>, vector<1x16xf32>,
      %swap3A_75 = vector.shape_cast %swap3A_74 : vector<1x16xf32> to vector<16xf32>
      %swap3A_76 = vector.shape_cast %broadcast_in_dim3A_71 : vector<16xf32> to vector<1x16xf32>
      tpu.vector_store %arg25[%swap3A_72, %swap3A_73], %swap3A_76 {strides = array<i32>} : memref<128x144xf32, #tpu.memory_space<vmem>>, vector<1x16xf32>,
      %broadcast_in_dim3A_77 = arith.constant 0.000000e+00 : f32
      %broadcast_in_dim3A_78 = vector.broadcast %broadcast_in_dim3A_77 : f32 to vector<16xf32>
      %swap3A_79 = arith.index_cast %scan3A_29 : i32 to index
      %swap3A_80 = arith.constant 112 : index
      %swap3A_81 = tpu.vector_load %arg25[%swap3A_79, %swap3A_80] {strides = array<i32>} : memref<128x144xf32, #tpu.memory_space<vmem>>, vector<1x16xf32>,
      %swap3A_82 = vector.shape_cast %swap3A_81 : vector<1x16xf32> to vector<16xf32>
      %swap3A_83 = vector.shape_cast %broadcast_in_dim3A_78 : vector<16xf32> to vector<1x16xf32>
      tpu.vector_store %arg25[%swap3A_79, %swap3A_80], %swap3A_83 {strides = array<i32>} : memref<128x144xf32, #tpu.memory_space<vmem>>, vector<1x16xf32>,
      %broadcast_in_dim3A_84 = arith.constant 0.000000e+00 : f32
      %broadcast_in_dim3A_85 = vector.broadcast %broadcast_in_dim3A_84 : f32 to vector<16xf32>
      %swap3A_86 = arith.index_cast %scan3A_29 : i32 to index
      %swap3A_87 = arith.constant 128 : index
      %swap3A_88 = tpu.vector_load %arg25[%swap3A_86, %swap3A_87] {strides = array<i32>} : memref<128x144xf32, #tpu.memory_space<vmem>>, vector<1x16xf32>,
      %swap3A_89 = vector.shape_cast %swap3A_88 : vector<1x16xf32> to vector<16xf32>
      %swap3A_90 = vector.shape_cast %broadcast_in_dim3A_85 : vector<16xf32> to vector<1x16xf32>
      tpu.vector_store %arg25[%swap3A_86, %swap3A_87], %swap3A_90 {strides = array<i32>} : memref<128x144xf32, #tpu.memory_space<vmem>>, vector<1x16xf32>,
    }
    %scan3A_4 = arith.constant 128 : i32
    %mul3A = arith.constant 632 : i32
    %mul3A_5 = arith.muli %arg1, %mul3A : i32
    %lt3A = arith.constant 15 : i32
    %lt3A_6 = arith.cmpi slt, %arg1, %lt3A : i32
    %convert_element_type3A = arith.extui %lt3A_6 : i1 to i32
    %cond3A = arith.constant 0 : i32
    %cond3A_7 = arith.cmpi ne, %convert_element_type3A, %cond3A : i32
    scf.if %cond3A_7 {
      %add3A = arith.constant 0 : i32
      %add3A_29 = arith.addi %mul3A_5, %add3A : i32
      "tpu.region"() ({
        %run_scoped3A = tpu.sem_alloc : memref<!tpu.dma_semaphore, #tpu.memory_space<semaphore_mem>>
        %dma_start3A = arith.constant 0 : i32
        %dma_start3A_38 = tpu.memref_slice %arg8[%add3A_29, %dma_start3A] : memref<10000x144xf32, #tpu.memory_space<vmem_shared>> -> memref<128x144xf32, #tpu.memory_space<vmem_shared>>
        %dma_start3A_39 = arith.constant 0 : i32
        %dma_start3A_40 = tpu.memref_slice %arg8[%add3A_29, %dma_start3A_39] : memref<10000x144xf32, #tpu.memory_space<vmem_shared>> -> memref<128x144xf32, #tpu.memory_space<vmem_shared>>
        tpu.enqueue_dma source(%arg25 : memref<128x144xf32, #tpu.memory_space<vmem>>) target(%dma_start3A_40 : memref<128x144xf32, #tpu.memory_space<vmem_shared>>) target_semaphore(%run_scoped3A : memref<!tpu.dma_semaphore, #tpu.memory_space<semaphore_mem>>)
        %dma_wait3A = arith.constant 0 : i32
        %dma_wait3A_41 = tpu.memref_slice %arg8[%add3A_29, %dma_wait3A] : memref<10000x144xf32, #tpu.memory_space<vmem_shared>> -> memref<128x144xf32, #tpu.memory_space<vmem_shared>>
        %dma_wait3A_42 = arith.constant 0 : i32
        %dma_wait3A_43 = tpu.memref_slice %arg8[%add3A_29, %dma_wait3A_42] : memref<10000x144xf32, #tpu.memory_space<vmem_shared>> -> memref<128x144xf32, #tpu.memory_space<vmem_shared>>
        tpu.wait_dma2 semaphore(%run_scoped3A : memref<!tpu.dma_semaphore, #tpu.memory_space<semaphore_mem>>) src(%arg25 : memref<128x144xf32, #tpu.memory_space<vmem>>) dst(%dma_wait3A_43 : memref<128x144xf32, #tpu.memory_space<vmem_shared>>)
        tpu.yield
      }) : () -> ()
      %add3A_30 = arith.constant 128 : i32
      %add3A_31 = arith.addi %mul3A_5, %add3A_30 : i32
      "tpu.region"() ({
        %run_scoped3A = tpu.sem_alloc : memref<!tpu.dma_semaphore, #tpu.memory_space<semaphore_mem>>
        %dma_start3A = arith.constant 0 : i32
        %dma_start3A_38 = tpu.memref_slice %arg8[%add3A_31, %dma_start3A] : memref<10000x144xf32, #tpu.memory_space<vmem_shared>> -> memref<128x144xf32, #tpu.memory_space<vmem_shared>>
        %dma_start3A_39 = arith.constant 0 : i32
        %dma_start3A_40 = tpu.memref_slice %arg8[%add3A_31, %dma_start3A_39] : memref<10000x144xf32, #tpu.memory_space<vmem_shared>> -> memref<128x144xf32, #tpu.memory_space<vmem_shared>>
        tpu.enqueue_dma source(%arg25 : memref<128x144xf32, #tpu.memory_space<vmem>>) target(%dma_start3A_40 : memref<128x144xf32, #tpu.memory_space<vmem_shared>>) target_semaphore(%run_scoped3A : memref<!tpu.dma_semaphore, #tpu.memory_space<semaphore_mem>>)
        %dma_wait3A = arith.constant 0 : i32
        %dma_wait3A_41 = tpu.memref_slice %arg8[%add3A_31, %dma_wait3A] : memref<10000x144xf32, #tpu.memory_space<vmem_shared>> -> memref<128x144xf32, #tpu.memory_space<vmem_shared>>
        %dma_wait3A_42 = arith.constant 0 : i32
        %dma_wait3A_43 = tpu.memref_slice %arg8[%add3A_31, %dma_wait3A_42] : memref<10000x144xf32, #tpu.memory_space<vmem_shared>> -> memref<128x144xf32, #tpu.memory_space<vmem_shared>>
        tpu.wait_dma2 semaphore(%run_scoped3A : memref<!tpu.dma_semaphore, #tpu.memory_space<semaphore_mem>>) src(%arg25 : memref<128x144xf32, #tpu.memory_space<vmem>>) dst(%dma_wait3A_43 : memref<128x144xf32, #tpu.memory_space<vmem_shared>>)
        tpu.yield
      }) : () -> ()
      %add3A_32 = arith.constant 256 : i32
      %add3A_33 = arith.addi %mul3A_5, %add3A_32 : i32
      "tpu.region"() ({
        %run_scoped3A = tpu.sem_alloc : memref<!tpu.dma_semaphore, #tpu.memory_space<semaphore_mem>>
        %dma_start3A = arith.constant 0 : i32
        %dma_start3A_38 = tpu.memref_slice %arg8[%add3A_33, %dma_start3A] : memref<10000x144xf32, #tpu.memory_space<vmem_shared>> -> memref<128x144xf32, #tpu.memory_space<vmem_shared>>
        %dma_start3A_39 = arith.constant 0 : i32
        %dma_start3A_40 = tpu.memref_slice %arg8[%add3A_33, %dma_start3A_39] : memref<10000x144xf32, #tpu.memory_space<vmem_shared>> -> memref<128x144xf32, #tpu.memory_space<vmem_shared>>
        tpu.enqueue_dma source(%arg25 : memref<128x144xf32, #tpu.memory_space<vmem>>) target(%dma_start3A_40 : memref<128x144xf32, #tpu.memory_space<vmem_shared>>) target_semaphore(%run_scoped3A : memref<!tpu.dma_semaphore, #tpu.memory_space<semaphore_mem>>)
        %dma_wait3A = arith.constant 0 : i32
        %dma_wait3A_41 = tpu.memref_slice %arg8[%add3A_33, %dma_wait3A] : memref<10000x144xf32, #tpu.memory_space<vmem_shared>> -> memref<128x144xf32, #tpu.memory_space<vmem_shared>>
        %dma_wait3A_42 = arith.constant 0 : i32
        %dma_wait3A_43 = tpu.memref_slice %arg8[%add3A_33, %dma_wait3A_42] : memref<10000x144xf32, #tpu.memory_space<vmem_shared>> -> memref<128x144xf32, #tpu.memory_space<vmem_shared>>
        tpu.wait_dma2 semaphore(%run_scoped3A : memref<!tpu.dma_semaphore, #tpu.memory_space<semaphore_mem>>) src(%arg25 : memref<128x144xf32, #tpu.memory_space<vmem>>) dst(%dma_wait3A_43 : memref<128x144xf32, #tpu.memory_space<vmem_shared>>)
        tpu.yield
      }) : () -> ()
      %add3A_34 = arith.constant 384 : i32
      %add3A_35 = arith.addi %mul3A_5, %add3A_34 : i32
      "tpu.region"() ({
        %run_scoped3A = tpu.sem_alloc : memref<!tpu.dma_semaphore, #tpu.memory_space<semaphore_mem>>
        %dma_start3A = arith.constant 0 : i32
        %dma_start3A_38 = tpu.memref_slice %arg8[%add3A_35, %dma_start3A] : memref<10000x144xf32, #tpu.memory_space<vmem_shared>> -> memref<128x144xf32, #tpu.memory_space<vmem_shared>>
        %dma_start3A_39 = arith.constant 0 : i32
        %dma_start3A_40 = tpu.memref_slice %arg8[%add3A_35, %dma_start3A_39] : memref<10000x144xf32, #tpu.memory_space<vmem_shared>> -> memref<128x144xf32, #tpu.memory_space<vmem_shared>>
        tpu.enqueue_dma source(%arg25 : memref<128x144xf32, #tpu.memory_space<vmem>>) target(%dma_start3A_40 : memref<128x144xf32, #tpu.memory_space<vmem_shared>>) target_semaphore(%run_scoped3A : memref<!tpu.dma_semaphore, #tpu.memory_space<semaphore_mem>>)
        %dma_wait3A = arith.constant 0 : i32
        %dma_wait3A_41 = tpu.memref_slice %arg8[%add3A_35, %dma_wait3A] : memref<10000x144xf32, #tpu.memory_space<vmem_shared>> -> memref<128x144xf32, #tpu.memory_space<vmem_shared>>
        %dma_wait3A_42 = arith.constant 0 : i32
        %dma_wait3A_43 = tpu.memref_slice %arg8[%add3A_35, %dma_wait3A_42] : memref<10000x144xf32, #tpu.memory_space<vmem_shared>> -> memref<128x144xf32, #tpu.memory_space<vmem_shared>>
        tpu.wait_dma2 semaphore(%run_scoped3A : memref<!tpu.dma_semaphore, #tpu.memory_space<semaphore_mem>>) src(%arg25 : memref<128x144xf32, #tpu.memory_space<vmem>>) dst(%dma_wait3A_43 : memref<128x144xf32, #tpu.memory_space<vmem_shared>>)
        tpu.yield
      }) : () -> ()
      %add3A_36 = arith.constant 512 : i32
      %add3A_37 = arith.addi %mul3A_5, %add3A_36 : i32
      "tpu.region"() ({
        %run_scoped3A = tpu.sem_alloc : memref<!tpu.dma_semaphore, #tpu.memory_space<semaphore_mem>>
        %dma_start3A = arith.constant 0 : i32
        %dma_start3A_38 = arith.constant 0 : i32
        %dma_start3A_39 = tpu.memref_slice %arg25[%dma_start3A, %dma_start3A_38] : memref<128x144xf32, #tpu.memory_space<vmem>> -> memref<120x144xf32, #tpu.memory_space<vmem>>
        %dma_start3A_40 = arith.constant 0 : i32
        %dma_start3A_41 = tpu.memref_slice %arg8[%add3A_37, %dma_start3A_40] : memref<10000x144xf32, #tpu.memory_space<vmem_shared>> -> memref<120x144xf32, #tpu.memory_space<vmem_shared>>
        %dma_start3A_42 = arith.constant 0 : i32
        %dma_start3A_43 = tpu.memref_slice %arg8[%add3A_37, %dma_start3A_42] : memref<10000x144xf32, #tpu.memory_space<vmem_shared>> -> memref<120x144xf32, #tpu.memory_space<vmem_shared>>
        %dma_start3A_44 = arith.constant 0 : i32
        %dma_start3A_45 = arith.constant 0 : i32
        %dma_start3A_46 = tpu.memref_slice %arg25[%dma_start3A_44, %dma_start3A_45] : memref<128x144xf32, #tpu.memory_space<vmem>> -> memref<120x144xf32, #tpu.memory_space<vmem>>
        tpu.enqueue_dma source(%dma_start3A_46 : memref<120x144xf32, #tpu.memory_space<vmem>>) target(%dma_start3A_43 : memref<120x144xf32, #tpu.memory_space<vmem_shared>>) target_semaphore(%run_scoped3A : memref<!tpu.dma_semaphore, #tpu.memory_space<semaphore_mem>>)
        %dma_wait3A = arith.constant 0 : i32
        %dma_wait3A_47 = arith.constant 0 : i32
        %dma_wait3A_48 = tpu.memref_slice %arg25[%dma_wait3A, %dma_wait3A_47] : memref<128x144xf32, #tpu.memory_space<vmem>> -> memref<120x144xf32, #tpu.memory_space<vmem>>
        %dma_wait3A_49 = arith.constant 0 : i32
        %dma_wait3A_50 = tpu.memref_slice %arg8[%add3A_37, %dma_wait3A_49] : memref<10000x144xf32, #tpu.memory_space<vmem_shared>> -> memref<120x144xf32, #tpu.memory_space<vmem_shared>>
        %dma_wait3A_51 = arith.constant 0 : i32
        %dma_wait3A_52 = tpu.memref_slice %arg8[%add3A_37, %dma_wait3A_51] : memref<10000x144xf32, #tpu.memory_space<vmem_shared>> -> memref<120x144xf32, #tpu.memory_space<vmem_shared>>
        %dma_wait3A_53 = arith.constant 0 : i32
        %dma_wait3A_54 = arith.constant 0 : i32
        %dma_wait3A_55 = tpu.memref_slice %arg25[%dma_wait3A_53, %dma_wait3A_54] : memref<128x144xf32, #tpu.memory_space<vmem>> -> memref<120x144xf32, #tpu.memory_space<vmem>>
        tpu.wait_dma2 semaphore(%run_scoped3A : memref<!tpu.dma_semaphore, #tpu.memory_space<semaphore_mem>>) src(%dma_wait3A_55 : memref<120x144xf32, #tpu.memory_space<vmem>>) dst(%dma_wait3A_52 : memref<120x144xf32, #tpu.memory_space<vmem_shared>>)
        tpu.yield
      }) : () -> ()
    } else {
    }
    %eq3A = arith.constant 15 : i32
    %eq3A_8 = arith.cmpi eq, %arg1, %eq3A : i32
    %convert_element_type3A_9 = arith.extui %eq3A_8 : i1 to i32
    %cond3A_10 = arith.constant 0 : i32
    %cond3A_11 = arith.cmpi ne, %convert_element_type3A_9, %cond3A_10 : i32
    scf.if %cond3A_11 {
      %add3A = arith.constant 0 : i32
      %add3A_29 = arith.addi %mul3A_5, %add3A : i32
      "tpu.region"() ({
        %run_scoped3A = tpu.sem_alloc : memref<!tpu.dma_semaphore, #tpu.memory_space<semaphore_mem>>
        %dma_start3A = arith.constant 0 : i32
        %dma_start3A_38 = tpu.memref_slice %arg8[%add3A_29, %dma_start3A] : memref<10000x144xf32, #tpu.memory_space<vmem_shared>> -> memref<128x144xf32, #tpu.memory_space<vmem_shared>>
        %dma_start3A_39 = arith.constant 0 : i32
        %dma_start3A_40 = tpu.memref_slice %arg8[%add3A_29, %dma_start3A_39] : memref<10000x144xf32, #tpu.memory_space<vmem_shared>> -> memref<128x144xf32, #tpu.memory_space<vmem_shared>>
        tpu.enqueue_dma source(%arg25 : memref<128x144xf32, #tpu.memory_space<vmem>>) target(%dma_start3A_40 : memref<128x144xf32, #tpu.memory_space<vmem_shared>>) target_semaphore(%run_scoped3A : memref<!tpu.dma_semaphore, #tpu.memory_space<semaphore_mem>>)
        %dma_wait3A = arith.constant 0 : i32
        %dma_wait3A_41 = tpu.memref_slice %arg8[%add3A_29, %dma_wait3A] : memref<10000x144xf32, #tpu.memory_space<vmem_shared>> -> memref<128x144xf32, #tpu.memory_space<vmem_shared>>
        %dma_wait3A_42 = arith.constant 0 : i32
        %dma_wait3A_43 = tpu.memref_slice %arg8[%add3A_29, %dma_wait3A_42] : memref<10000x144xf32, #tpu.memory_space<vmem_shared>> -> memref<128x144xf32, #tpu.memory_space<vmem_shared>>
        tpu.wait_dma2 semaphore(%run_scoped3A : memref<!tpu.dma_semaphore, #tpu.memory_space<semaphore_mem>>) src(%arg25 : memref<128x144xf32, #tpu.memory_space<vmem>>) dst(%dma_wait3A_43 : memref<128x144xf32, #tpu.memory_space<vmem_shared>>)
        tpu.yield
      }) : () -> ()
      %add3A_30 = arith.constant 128 : i32
      %add3A_31 = arith.addi %mul3A_5, %add3A_30 : i32
      "tpu.region"() ({
        %run_scoped3A = tpu.sem_alloc : memref<!tpu.dma_semaphore, #tpu.memory_space<semaphore_mem>>
        %dma_start3A = arith.constant 0 : i32
        %dma_start3A_38 = tpu.memref_slice %arg8[%add3A_31, %dma_start3A] : memref<10000x144xf32, #tpu.memory_space<vmem_shared>> -> memref<128x144xf32, #tpu.memory_space<vmem_shared>>
        %dma_start3A_39 = arith.constant 0 : i32
        %dma_start3A_40 = tpu.memref_slice %arg8[%add3A_31, %dma_start3A_39] : memref<10000x144xf32, #tpu.memory_space<vmem_shared>> -> memref<128x144xf32, #tpu.memory_space<vmem_shared>>
        tpu.enqueue_dma source(%arg25 : memref<128x144xf32, #tpu.memory_space<vmem>>) target(%dma_start3A_40 : memref<128x144xf32, #tpu.memory_space<vmem_shared>>) target_semaphore(%run_scoped3A : memref<!tpu.dma_semaphore, #tpu.memory_space<semaphore_mem>>)
        %dma_wait3A = arith.constant 0 : i32
        %dma_wait3A_41 = tpu.memref_slice %arg8[%add3A_31, %dma_wait3A] : memref<10000x144xf32, #tpu.memory_space<vmem_shared>> -> memref<128x144xf32, #tpu.memory_space<vmem_shared>>
        %dma_wait3A_42 = arith.constant 0 : i32
        %dma_wait3A_43 = tpu.memref_slice %arg8[%add3A_31, %dma_wait3A_42] : memref<10000x144xf32, #tpu.memory_space<vmem_shared>> -> memref<128x144xf32, #tpu.memory_space<vmem_shared>>
        tpu.wait_dma2 semaphore(%run_scoped3A : memref<!tpu.dma_semaphore, #tpu.memory_space<semaphore_mem>>) src(%arg25 : memref<128x144xf32, #tpu.memory_space<vmem>>) dst(%dma_wait3A_43 : memref<128x144xf32, #tpu.memory_space<vmem_shared>>)
        tpu.yield
      }) : () -> ()
      %add3A_32 = arith.constant 256 : i32
      %add3A_33 = arith.addi %mul3A_5, %add3A_32 : i32
      "tpu.region"() ({
        %run_scoped3A = tpu.sem_alloc : memref<!tpu.dma_semaphore, #tpu.memory_space<semaphore_mem>>
        %dma_start3A = arith.constant 0 : i32
        %dma_start3A_38 = tpu.memref_slice %arg8[%add3A_33, %dma_start3A] : memref<10000x144xf32, #tpu.memory_space<vmem_shared>> -> memref<128x144xf32, #tpu.memory_space<vmem_shared>>
        %dma_start3A_39 = arith.constant 0 : i32
        %dma_start3A_40 = tpu.memref_slice %arg8[%add3A_33, %dma_start3A_39] : memref<10000x144xf32, #tpu.memory_space<vmem_shared>> -> memref<128x144xf32, #tpu.memory_space<vmem_shared>>
        tpu.enqueue_dma source(%arg25 : memref<128x144xf32, #tpu.memory_space<vmem>>) target(%dma_start3A_40 : memref<128x144xf32, #tpu.memory_space<vmem_shared>>) target_semaphore(%run_scoped3A : memref<!tpu.dma_semaphore, #tpu.memory_space<semaphore_mem>>)
        %dma_wait3A = arith.constant 0 : i32
        %dma_wait3A_41 = tpu.memref_slice %arg8[%add3A_33, %dma_wait3A] : memref<10000x144xf32, #tpu.memory_space<vmem_shared>> -> memref<128x144xf32, #tpu.memory_space<vmem_shared>>
        %dma_wait3A_42 = arith.constant 0 : i32
        %dma_wait3A_43 = tpu.memref_slice %arg8[%add3A_33, %dma_wait3A_42] : memref<10000x144xf32, #tpu.memory_space<vmem_shared>> -> memref<128x144xf32, #tpu.memory_space<vmem_shared>>
        tpu.wait_dma2 semaphore(%run_scoped3A : memref<!tpu.dma_semaphore, #tpu.memory_space<semaphore_mem>>) src(%arg25 : memref<128x144xf32, #tpu.memory_space<vmem>>) dst(%dma_wait3A_43 : memref<128x144xf32, #tpu.memory_space<vmem_shared>>)
        tpu.yield
      }) : () -> ()
      %add3A_34 = arith.constant 384 : i32
      %add3A_35 = arith.addi %mul3A_5, %add3A_34 : i32
      "tpu.region"() ({
        %run_scoped3A = tpu.sem_alloc : memref<!tpu.dma_semaphore, #tpu.memory_space<semaphore_mem>>
        %dma_start3A = arith.constant 0 : i32
        %dma_start3A_38 = tpu.memref_slice %arg8[%add3A_35, %dma_start3A] : memref<10000x144xf32, #tpu.memory_space<vmem_shared>> -> memref<128x144xf32, #tpu.memory_space<vmem_shared>>
        %dma_start3A_39 = arith.constant 0 : i32
        %dma_start3A_40 = tpu.memref_slice %arg8[%add3A_35, %dma_start3A_39] : memref<10000x144xf32, #tpu.memory_space<vmem_shared>> -> memref<128x144xf32, #tpu.memory_space<vmem_shared>>
        tpu.enqueue_dma source(%arg25 : memref<128x144xf32, #tpu.memory_space<vmem>>) target(%dma_start3A_40 : memref<128x144xf32, #tpu.memory_space<vmem_shared>>) target_semaphore(%run_scoped3A : memref<!tpu.dma_semaphore, #tpu.memory_space<semaphore_mem>>)
        %dma_wait3A = arith.constant 0 : i32
        %dma_wait3A_41 = tpu.memref_slice %arg8[%add3A_35, %dma_wait3A] : memref<10000x144xf32, #tpu.memory_space<vmem_shared>> -> memref<128x144xf32, #tpu.memory_space<vmem_shared>>
        %dma_wait3A_42 = arith.constant 0 : i32
        %dma_wait3A_43 = tpu.memref_slice %arg8[%add3A_35, %dma_wait3A_42] : memref<10000x144xf32, #tpu.memory_space<vmem_shared>> -> memref<128x144xf32, #tpu.memory_space<vmem_shared>>
        tpu.wait_dma2 semaphore(%run_scoped3A : memref<!tpu.dma_semaphore, #tpu.memory_space<semaphore_mem>>) src(%arg25 : memref<128x144xf32, #tpu.memory_space<vmem>>) dst(%dma_wait3A_43 : memref<128x144xf32, #tpu.memory_space<vmem_shared>>)
        tpu.yield
      }) : () -> ()
      %add3A_36 = arith.constant 512 : i32
      %add3A_37 = arith.addi %mul3A_5, %add3A_36 : i32
      "tpu.region"() ({
        %run_scoped3A = tpu.sem_alloc : memref<!tpu.dma_semaphore, #tpu.memory_space<semaphore_mem>>
        %dma_start3A = arith.constant 0 : i32
        %dma_start3A_38 = arith.constant 0 : i32
        %dma_start3A_39 = tpu.memref_slice %arg25[%dma_start3A, %dma_start3A_38] : memref<128x144xf32, #tpu.memory_space<vmem>> -> memref<8x144xf32, #tpu.memory_space<vmem>>
        %dma_start3A_40 = arith.constant 0 : i32
        %dma_start3A_41 = tpu.memref_slice %arg8[%add3A_37, %dma_start3A_40] : memref<10000x144xf32, #tpu.memory_space<vmem_shared>> -> memref<8x144xf32, #tpu.memory_space<vmem_shared>>
        %dma_start3A_42 = arith.constant 0 : i32
        %dma_start3A_43 = tpu.memref_slice %arg8[%add3A_37, %dma_start3A_42] : memref<10000x144xf32, #tpu.memory_space<vmem_shared>> -> memref<8x144xf32, #tpu.memory_space<vmem_shared>>
        %dma_start3A_44 = arith.constant 0 : i32
        %dma_start3A_45 = arith.constant 0 : i32
        %dma_start3A_46 = tpu.memref_slice %arg25[%dma_start3A_44, %dma_start3A_45] : memref<128x144xf32, #tpu.memory_space<vmem>> -> memref<8x144xf32, #tpu.memory_space<vmem>>
        tpu.enqueue_dma source(%dma_start3A_46 : memref<8x144xf32, #tpu.memory_space<vmem>>) target(%dma_start3A_43 : memref<8x144xf32, #tpu.memory_space<vmem_shared>>) target_semaphore(%run_scoped3A : memref<!tpu.dma_semaphore, #tpu.memory_space<semaphore_mem>>)
        %dma_wait3A = arith.constant 0 : i32
        %dma_wait3A_47 = arith.constant 0 : i32
        %dma_wait3A_48 = tpu.memref_slice %arg25[%dma_wait3A, %dma_wait3A_47] : memref<128x144xf32, #tpu.memory_space<vmem>> -> memref<8x144xf32, #tpu.memory_space<vmem>>
        %dma_wait3A_49 = arith.constant 0 : i32
        %dma_wait3A_50 = tpu.memref_slice %arg8[%add3A_37, %dma_wait3A_49] : memref<10000x144xf32, #tpu.memory_space<vmem_shared>> -> memref<8x144xf32, #tpu.memory_space<vmem_shared>>
        %dma_wait3A_51 = arith.constant 0 : i32
        %dma_wait3A_52 = tpu.memref_slice %arg8[%add3A_37, %dma_wait3A_51] : memref<10000x144xf32, #tpu.memory_space<vmem_shared>> -> memref<8x144xf32, #tpu.memory_space<vmem_shared>>
        %dma_wait3A_53 = arith.constant 0 : i32
        %dma_wait3A_54 = arith.constant 0 : i32
        %dma_wait3A_55 = tpu.memref_slice %arg25[%dma_wait3A_53, %dma_wait3A_54] : memref<128x144xf32, #tpu.memory_space<vmem>> -> memref<8x144xf32, #tpu.memory_space<vmem>>
        tpu.wait_dma2 semaphore(%run_scoped3A : memref<!tpu.dma_semaphore, #tpu.memory_space<semaphore_mem>>) src(%dma_wait3A_55 : memref<8x144xf32, #tpu.memory_space<vmem>>) dst(%dma_wait3A_52 : memref<8x144xf32, #tpu.memory_space<vmem_shared>>)
        tpu.yield
      }) : () -> ()
    } else {
    }
    %barrier3A = arith.constant 0 : index
    tpu.barrier barrier_id(%barrier3A)
    %scan3A_12 = arith.constant 0 : i32
    %scan3A_13 = arith.constant 0 : i32
    %scan3A_14 = arith.constant 157 : i32
    %scan3A_15 = arith.addi %scan3A_13, %scan3A_14 : i32
    %scan3A_16 = arith.constant 1 : i32
    scf.for %scan3A_29 = %scan3A_13 to %scan3A_15 step %scan3A_16  : i32 {
      %mul3A_30 = arith.constant 16 : i32
      %mul3A_31 = arith.muli %scan3A_29, %mul3A_30 : i32
      %add3A = arith.addi %mul3A_31, %arg1 : i32
      %lt3A_32 = arith.constant 2500 : i32
      %lt3A_33 = arith.cmpi slt, %add3A, %lt3A_32 : i32
      %convert_element_type3A_34 = arith.extui %lt3A_33 : i1 to i32
      %cond3A_35 = arith.constant 0 : i32
      %cond3A_36 = arith.cmpi ne, %convert_element_type3A_34, %cond3A_35 : i32
      scf.if %cond3A_36 {
        %mul3A_37 = arith.constant 128 : i32
        %mul3A_38 = arith.muli %add3A, %mul3A_37 : i32
        %run_scoped3A = arith.constant 0 : i32
        "tpu.region"() ({
          %run_scoped3A_759 = tpu.sem_alloc : memref<!tpu.dma_semaphore, #tpu.memory_space<semaphore_mem>>
          %dma_start3A_760 = tpu.memref_slice %arg6[%run_scoped3A, %mul3A_38] : memref<2x320000xi32, #tpu.memory_space<hbm>> -> memref<1x128xi32, #tpu.memory_space<hbm>>
          %dma_start3A_761 = tpu.memref_squeeze %dma_start3A_760 : memref<1x128xi32, #tpu.memory_space<hbm>> -> memref<128xi32, #tpu.memory_space<hbm>>
          %dma_start3A_762 = tpu.memref_slice %arg6[%run_scoped3A, %mul3A_38] : memref<2x320000xi32, #tpu.memory_space<hbm>> -> memref<1x128xi32, #tpu.memory_space<hbm>>
          %dma_start3A_763 = tpu.memref_squeeze %dma_start3A_762 : memref<1x128xi32, #tpu.memory_space<hbm>> -> memref<128xi32, #tpu.memory_space<hbm>>
          tpu.enqueue_dma source(%dma_start3A_763 : memref<128xi32, #tpu.memory_space<hbm>>) target(%arg9 : memref<128xi32, #tpu.memory_space<vmem>>) target_semaphore(%run_scoped3A_759 : memref<!tpu.dma_semaphore, #tpu.memory_space<semaphore_mem>>)
          %dma_wait3A_764 = tpu.memref_slice %arg6[%run_scoped3A, %mul3A_38] : memref<2x320000xi32, #tpu.memory_space<hbm>> -> memref<1x128xi32, #tpu.memory_space<hbm>>
          %dma_wait3A_765 = tpu.memref_squeeze %dma_wait3A_764 : memref<1x128xi32, #tpu.memory_space<hbm>> -> memref<128xi32, #tpu.memory_space<hbm>>
          %dma_wait3A_766 = tpu.memref_slice %arg6[%run_scoped3A, %mul3A_38] : memref<2x320000xi32, #tpu.memory_space<hbm>> -> memref<1x128xi32, #tpu.memory_space<hbm>>
          %dma_wait3A_767 = tpu.memref_squeeze %dma_wait3A_766 : memref<1x128xi32, #tpu.memory_space<hbm>> -> memref<128xi32, #tpu.memory_space<hbm>>
          tpu.wait_dma2 semaphore(%run_scoped3A_759 : memref<!tpu.dma_semaphore, #tpu.memory_space<semaphore_mem>>) src(%dma_wait3A_767 : memref<128xi32, #tpu.memory_space<hbm>>) dst(%arg9 : memref<128xi32, #tpu.memory_space<vmem>>)
          tpu.yield
        }) : () -> ()
        %run_scoped3A_39 = arith.constant 1 : i32
        "tpu.region"() ({
          %run_scoped3A_759 = tpu.sem_alloc : memref<!tpu.dma_semaphore, #tpu.memory_space<semaphore_mem>>
          %dma_start3A_760 = tpu.memref_slice %arg6[%run_scoped3A_39, %mul3A_38] : memref<2x320000xi32, #tpu.memory_space<hbm>> -> memref<1x128xi32, #tpu.memory_space<hbm>>
          %dma_start3A_761 = tpu.memref_squeeze %dma_start3A_760 : memref<1x128xi32, #tpu.memory_space<hbm>> -> memref<128xi32, #tpu.memory_space<hbm>>
          %dma_start3A_762 = tpu.memref_slice %arg6[%run_scoped3A_39, %mul3A_38] : memref<2x320000xi32, #tpu.memory_space<hbm>> -> memref<1x128xi32, #tpu.memory_space<hbm>>
          %dma_start3A_763 = tpu.memref_squeeze %dma_start3A_762 : memref<1x128xi32, #tpu.memory_space<hbm>> -> memref<128xi32, #tpu.memory_space<hbm>>
          tpu.enqueue_dma source(%dma_start3A_763 : memref<128xi32, #tpu.memory_space<hbm>>) target(%arg11 : memref<128xi32, #tpu.memory_space<vmem>>) target_semaphore(%run_scoped3A_759 : memref<!tpu.dma_semaphore, #tpu.memory_space<semaphore_mem>>)
          %dma_wait3A_764 = tpu.memref_slice %arg6[%run_scoped3A_39, %mul3A_38] : memref<2x320000xi32, #tpu.memory_space<hbm>> -> memref<1x128xi32, #tpu.memory_space<hbm>>
          %dma_wait3A_765 = tpu.memref_squeeze %dma_wait3A_764 : memref<1x128xi32, #tpu.memory_space<hbm>> -> memref<128xi32, #tpu.memory_space<hbm>>
          %dma_wait3A_766 = tpu.memref_slice %arg6[%run_scoped3A_39, %mul3A_38] : memref<2x320000xi32, #tpu.memory_space<hbm>> -> memref<1x128xi32, #tpu.memory_space<hbm>>
          %dma_wait3A_767 = tpu.memref_squeeze %dma_wait3A_766 : memref<1x128xi32, #tpu.memory_space<hbm>> -> memref<128xi32, #tpu.memory_space<hbm>>
          tpu.wait_dma2 semaphore(%run_scoped3A_759 : memref<!tpu.dma_semaphore, #tpu.memory_space<semaphore_mem>>) src(%dma_wait3A_767 : memref<128xi32, #tpu.memory_space<hbm>>) dst(%arg11 : memref<128xi32, #tpu.memory_space<vmem>>)
          tpu.yield
        }) : () -> ()
        %mul3A_40 = arith.constant 2 : i32
        %mul3A_41 = arith.muli %arg0, %mul3A_40 : i32
        "tpu.region"() ({
          %run_scoped3A_759 = tpu.sem_alloc : memref<!tpu.dma_semaphore, #tpu.memory_space<semaphore_mem>>
          %dma_start3A_760 = tpu.memref_slice %arg5[%mul3A_41, %mul3A_38] : memref<5x320000xf32, #tpu.memory_space<hbm>> -> memref<1x128xf32, #tpu.memory_space<hbm>>
          %dma_start3A_761 = tpu.memref_squeeze %dma_start3A_760 : memref<1x128xf32, #tpu.memory_space<hbm>> -> memref<128xf32, #tpu.memory_space<hbm>>
          %dma_start3A_762 = tpu.memref_slice %arg5[%mul3A_41, %mul3A_38] : memref<5x320000xf32, #tpu.memory_space<hbm>> -> memref<1x128xf32, #tpu.memory_space<hbm>>
          %dma_start3A_763 = tpu.memref_squeeze %dma_start3A_762 : memref<1x128xf32, #tpu.memory_space<hbm>> -> memref<128xf32, #tpu.memory_space<hbm>>
          tpu.enqueue_dma source(%dma_start3A_763 : memref<128xf32, #tpu.memory_space<hbm>>) target(%arg21 : memref<128xf32, #tpu.memory_space<vmem>>) target_semaphore(%run_scoped3A_759 : memref<!tpu.dma_semaphore, #tpu.memory_space<semaphore_mem>>)
          %dma_wait3A_764 = tpu.memref_slice %arg5[%mul3A_41, %mul3A_38] : memref<5x320000xf32, #tpu.memory_space<hbm>> -> memref<1x128xf32, #tpu.memory_space<hbm>>
          %dma_wait3A_765 = tpu.memref_squeeze %dma_wait3A_764 : memref<1x128xf32, #tpu.memory_space<hbm>> -> memref<128xf32, #tpu.memory_space<hbm>>
          %dma_wait3A_766 = tpu.memref_slice %arg5[%mul3A_41, %mul3A_38] : memref<5x320000xf32, #tpu.memory_space<hbm>> -> memref<1x128xf32, #tpu.memory_space<hbm>>
          %dma_wait3A_767 = tpu.memref_squeeze %dma_wait3A_766 : memref<1x128xf32, #tpu.memory_space<hbm>> -> memref<128xf32, #tpu.memory_space<hbm>>
          tpu.wait_dma2 semaphore(%run_scoped3A_759 : memref<!tpu.dma_semaphore, #tpu.memory_space<semaphore_mem>>) src(%dma_wait3A_767 : memref<128xf32, #tpu.memory_space<hbm>>) dst(%arg21 : memref<128xf32, #tpu.memory_space<vmem>>)
          tpu.yield
        }) : () -> ()
        %mul3A_42 = arith.constant 2 : i32
        %mul3A_43 = arith.muli %arg0, %mul3A_42 : i32
        %add3A_44 = arith.constant 1 : i32
        %add3A_45 = arith.addi %mul3A_43, %add3A_44 : i32
        "tpu.region"() ({
          %run_scoped3A_759 = tpu.sem_alloc : memref<!tpu.dma_semaphore, #tpu.memory_space<semaphore_mem>>
          %dma_start3A_760 = tpu.memref_slice %arg5[%add3A_45, %mul3A_38] : memref<5x320000xf32, #tpu.memory_space<hbm>> -> memref<1x128xf32, #tpu.memory_space<hbm>>
          %dma_start3A_761 = tpu.memref_squeeze %dma_start3A_760 : memref<1x128xf32, #tpu.memory_space<hbm>> -> memref<128xf32, #tpu.memory_space<hbm>>
          %dma_start3A_762 = tpu.memref_slice %arg5[%add3A_45, %mul3A_38] : memref<5x320000xf32, #tpu.memory_space<hbm>> -> memref<1x128xf32, #tpu.memory_space<hbm>>
          %dma_start3A_763 = tpu.memref_squeeze %dma_start3A_762 : memref<1x128xf32, #tpu.memory_space<hbm>> -> memref<128xf32, #tpu.memory_space<hbm>>
          tpu.enqueue_dma source(%dma_start3A_763 : memref<128xf32, #tpu.memory_space<hbm>>) target(%arg22 : memref<128xf32, #tpu.memory_space<vmem>>) target_semaphore(%run_scoped3A_759 : memref<!tpu.dma_semaphore, #tpu.memory_space<semaphore_mem>>)
          %dma_wait3A_764 = tpu.memref_slice %arg5[%add3A_45, %mul3A_38] : memref<5x320000xf32, #tpu.memory_space<hbm>> -> memref<1x128xf32, #tpu.memory_space<hbm>>
          %dma_wait3A_765 = tpu.memref_squeeze %dma_wait3A_764 : memref<1x128xf32, #tpu.memory_space<hbm>> -> memref<128xf32, #tpu.memory_space<hbm>>
          %dma_wait3A_766 = tpu.memref_slice %arg5[%add3A_45, %mul3A_38] : memref<5x320000xf32, #tpu.memory_space<hbm>> -> memref<1x128xf32, #tpu.memory_space<hbm>>
          %dma_wait3A_767 = tpu.memref_squeeze %dma_wait3A_766 : memref<1x128xf32, #tpu.memory_space<hbm>> -> memref<128xf32, #tpu.memory_space<hbm>>
          tpu.wait_dma2 semaphore(%run_scoped3A_759 : memref<!tpu.dma_semaphore, #tpu.memory_space<semaphore_mem>>) src(%dma_wait3A_767 : memref<128xf32, #tpu.memory_space<hbm>>) dst(%arg22 : memref<128xf32, #tpu.memory_space<vmem>>)
          tpu.yield
        }) : () -> ()
        %mul3A_46 = arith.constant 10000 : i32
        %mul3A_47 = arith.muli %arg0, %mul3A_46 : i32
        %mul3A_48 = arith.constant 2 : i32
        %mul3A_49 = arith.muli %arg0, %mul3A_48 : i32
        %get3A = arith.constant 0 : index
        %get3A_50 = tpu.vector_load %arg9[%get3A] {strides = array<i32>} : memref<128xi32, #tpu.memory_space<vmem>>, vector<16xi32>,
        %get3A_51 = vector.shape_cast %get3A_50 : vector<16xi32> to vector<16xi32>
        %get3A_52 = arith.constant 0 : index
        %get3A_53 = tpu.vector_load %arg11[%get3A_52] {strides = array<i32>} : memref<128xi32, #tpu.memory_space<vmem>>, vector<16xi32>,
        %get3A_54 = vector.shape_cast %get3A_53 : vector<16xi32> to vector<16xi32>
        %add3A_55 = vector.broadcast %mul3A_47 : i32 to vector<16xi32>
        %add3A_56 = arith.addi %get3A_51, %add3A_55 : vector<16xi32>
        %swap3A = arith.constant 0 : index
        %swap3A_57 = tpu.vector_load %arg10[%swap3A] {strides = array<i32>} : memref<128xi32, #tpu.memory_space<vmem>>, vector<16xi32>,
        %swap3A_58 = vector.shape_cast %swap3A_57 : vector<16xi32> to vector<16xi32>
        %swap3A_59 = vector.shape_cast %add3A_56 : vector<16xi32> to vector<16xi32>
        tpu.vector_store %arg10[%swap3A], %swap3A_59 {strides = array<i32>} : memref<128xi32, #tpu.memory_space<vmem>>, vector<16xi32>,
        %shift_left3A = arith.constant 2 : i32
        %shift_left3A_60 = vector.broadcast %shift_left3A : i32 to vector<16xi32>
        %shift_left3A_61 = arith.shli %get3A_51, %shift_left3A_60 : vector<16xi32>
        %shift_left3A_62 = arith.constant 2 : i32
        %shift_left3A_63 = vector.broadcast %shift_left3A_62 : i32 to vector<16xi32>
        %shift_left3A_64 = arith.shli %get3A_54, %shift_left3A_63 : vector<16xi32>
        %add3A_65 = vector.broadcast %mul3A_49 : i32 to vector<16xi32>
        %add3A_66 = arith.addi %shift_left3A_61, %add3A_65 : vector<16xi32>
        %swap3A_67 = arith.constant 0 : index
        %swap3A_68 = tpu.vector_load %arg12[%swap3A_67] {strides = array<i32>} : memref<128xi32, #tpu.memory_space<vmem>>, vector<16xi32>,
        %swap3A_69 = vector.shape_cast %swap3A_68 : vector<16xi32> to vector<16xi32>
        %swap3A_70 = vector.shape_cast %add3A_66 : vector<16xi32> to vector<16xi32>
        tpu.vector_store %arg12[%swap3A_67], %swap3A_70 {strides = array<i32>} : memref<128xi32, #tpu.memory_space<vmem>>, vector<16xi32>,
        %add3A_71 = arith.constant 1 : i32
        %add3A_72 = arith.addi %mul3A_49, %add3A_71 : i32
        %add3A_73 = vector.broadcast %add3A_72 : i32 to vector<16xi32>
        %add3A_74 = arith.addi %shift_left3A_61, %add3A_73 : vector<16xi32>
        %swap3A_75 = arith.constant 0 : index
        %swap3A_76 = tpu.vector_load %arg13[%swap3A_75] {strides = array<i32>} : memref<128xi32, #tpu.memory_space<vmem>>, vector<16xi32>,
        %swap3A_77 = vector.shape_cast %swap3A_76 : vector<16xi32> to vector<16xi32>
        %swap3A_78 = vector.shape_cast %add3A_74 : vector<16xi32> to vector<16xi32>
        tpu.vector_store %arg13[%swap3A_75], %swap3A_78 {strides = array<i32>} : memref<128xi32, #tpu.memory_space<vmem>>, vector<16xi32>,
        %add3A_79 = vector.broadcast %mul3A_49 : i32 to vector<16xi32>
        %add3A_80 = arith.addi %shift_left3A_64, %add3A_79 : vector<16xi32>
        %swap3A_81 = arith.constant 0 : index
        %swap3A_82 = tpu.vector_load %arg14[%swap3A_81] {strides = array<i32>} : memref<128xi32, #tpu.memory_space<vmem>>, vector<16xi32>,
        %swap3A_83 = vector.shape_cast %swap3A_82 : vector<16xi32> to vector<16xi32>
        %swap3A_84 = vector.shape_cast %add3A_80 : vector<16xi32> to vector<16xi32>
        tpu.vector_store %arg14[%swap3A_81], %swap3A_84 {strides = array<i32>} : memref<128xi32, #tpu.memory_space<vmem>>, vector<16xi32>,
        %add3A_85 = arith.constant 1 : i32
        %add3A_86 = arith.addi %mul3A_49, %add3A_85 : i32
        %add3A_87 = vector.broadcast %add3A_86 : i32 to vector<16xi32>
        %add3A_88 = arith.addi %shift_left3A_64, %add3A_87 : vector<16xi32>
        %swap3A_89 = arith.constant 0 : index
        %swap3A_90 = tpu.vector_load %arg15[%swap3A_89] {strides = array<i32>} : memref<128xi32, #tpu.memory_space<vmem>>, vector<16xi32>,
        %swap3A_91 = vector.shape_cast %swap3A_90 : vector<16xi32> to vector<16xi32>
        %swap3A_92 = vector.shape_cast %add3A_88 : vector<16xi32> to vector<16xi32>
        tpu.vector_store %arg15[%swap3A_89], %swap3A_92 {strides = array<i32>} : memref<128xi32, #tpu.memory_space<vmem>>, vector<16xi32>,
        %get3A_93 = arith.constant 16 : index
        %get3A_94 = tpu.vector_load %arg9[%get3A_93] {strides = array<i32>} : memref<128xi32, #tpu.memory_space<vmem>>, vector<16xi32>,
        %get3A_95 = vector.shape_cast %get3A_94 : vector<16xi32> to vector<16xi32>
        %get3A_96 = arith.constant 16 : index
        %get3A_97 = tpu.vector_load %arg11[%get3A_96] {strides = array<i32>} : memref<128xi32, #tpu.memory_space<vmem>>, vector<16xi32>,
        %get3A_98 = vector.shape_cast %get3A_97 : vector<16xi32> to vector<16xi32>
        %add3A_99 = vector.broadcast %mul3A_47 : i32 to vector<16xi32>
        %add3A_100 = arith.addi %get3A_95, %add3A_99 : vector<16xi32>
        %swap3A_101 = arith.constant 16 : index
        %swap3A_102 = tpu.vector_load %arg10[%swap3A_101] {strides = array<i32>} : memref<128xi32, #tpu.memory_space<vmem>>, vector<16xi32>,
        %swap3A_103 = vector.shape_cast %swap3A_102 : vector<16xi32> to vector<16xi32>
        %swap3A_104 = vector.shape_cast %add3A_100 : vector<16xi32> to vector<16xi32>
        tpu.vector_store %arg10[%swap3A_101], %swap3A_104 {strides = array<i32>} : memref<128xi32, #tpu.memory_space<vmem>>, vector<16xi32>,
        %shift_left3A_105 = arith.constant 2 : i32
        %shift_left3A_106 = vector.broadcast %shift_left3A_105 : i32 to vector<16xi32>
        %shift_left3A_107 = arith.shli %get3A_95, %shift_left3A_106 : vector<16xi32>
        %shift_left3A_108 = arith.constant 2 : i32
        %shift_left3A_109 = vector.broadcast %shift_left3A_108 : i32 to vector<16xi32>
        %shift_left3A_110 = arith.shli %get3A_98, %shift_left3A_109 : vector<16xi32>
        %add3A_111 = vector.broadcast %mul3A_49 : i32 to vector<16xi32>
        %add3A_112 = arith.addi %shift_left3A_107, %add3A_111 : vector<16xi32>
        %swap3A_113 = arith.constant 16 : index
        %swap3A_114 = tpu.vector_load %arg12[%swap3A_113] {strides = array<i32>} : memref<128xi32, #tpu.memory_space<vmem>>, vector<16xi32>,
        %swap3A_115 = vector.shape_cast %swap3A_114 : vector<16xi32> to vector<16xi32>
        %swap3A_116 = vector.shape_cast %add3A_112 : vector<16xi32> to vector<16xi32>
        tpu.vector_store %arg12[%swap3A_113], %swap3A_116 {strides = array<i32>} : memref<128xi32, #tpu.memory_space<vmem>>, vector<16xi32>,
        %add3A_117 = arith.constant 1 : i32
        %add3A_118 = arith.addi %mul3A_49, %add3A_117 : i32
        %add3A_119 = vector.broadcast %add3A_118 : i32 to vector<16xi32>
        %add3A_120 = arith.addi %shift_left3A_107, %add3A_119 : vector<16xi32>
        %swap3A_121 = arith.constant 16 : index
        %swap3A_122 = tpu.vector_load %arg13[%swap3A_121] {strides = array<i32>} : memref<128xi32, #tpu.memory_space<vmem>>, vector<16xi32>,
        %swap3A_123 = vector.shape_cast %swap3A_122 : vector<16xi32> to vector<16xi32>
        %swap3A_124 = vector.shape_cast %add3A_120 : vector<16xi32> to vector<16xi32>
        tpu.vector_store %arg13[%swap3A_121], %swap3A_124 {strides = array<i32>} : memref<128xi32, #tpu.memory_space<vmem>>, vector<16xi32>,
        %add3A_125 = vector.broadcast %mul3A_49 : i32 to vector<16xi32>
        %add3A_126 = arith.addi %shift_left3A_110, %add3A_125 : vector<16xi32>
        %swap3A_127 = arith.constant 16 : index
        %swap3A_128 = tpu.vector_load %arg14[%swap3A_127] {strides = array<i32>} : memref<128xi32, #tpu.memory_space<vmem>>, vector<16xi32>,
        %swap3A_129 = vector.shape_cast %swap3A_128 : vector<16xi32> to vector<16xi32>
        %swap3A_130 = vector.shape_cast %add3A_126 : vector<16xi32> to vector<16xi32>
        tpu.vector_store %arg14[%swap3A_127], %swap3A_130 {strides = array<i32>} : memref<128xi32, #tpu.memory_space<vmem>>, vector<16xi32>,
        %add3A_131 = arith.constant 1 : i32
        %add3A_132 = arith.addi %mul3A_49, %add3A_131 : i32
        %add3A_133 = vector.broadcast %add3A_132 : i32 to vector<16xi32>
        %add3A_134 = arith.addi %shift_left3A_110, %add3A_133 : vector<16xi32>
        %swap3A_135 = arith.constant 16 : index
        %swap3A_136 = tpu.vector_load %arg15[%swap3A_135] {strides = array<i32>} : memref<128xi32, #tpu.memory_space<vmem>>, vector<16xi32>,
        %swap3A_137 = vector.shape_cast %swap3A_136 : vector<16xi32> to vector<16xi32>
        %swap3A_138 = vector.shape_cast %add3A_134 : vector<16xi32> to vector<16xi32>
        tpu.vector_store %arg15[%swap3A_135], %swap3A_138 {strides = array<i32>} : memref<128xi32, #tpu.memory_space<vmem>>, vector<16xi32>,
        %get3A_139 = arith.constant 32 : index
        %get3A_140 = tpu.vector_load %arg9[%get3A_139] {strides = array<i32>} : memref<128xi32, #tpu.memory_space<vmem>>, vector<16xi32>,
        %get3A_141 = vector.shape_cast %get3A_140 : vector<16xi32> to vector<16xi32>
        %get3A_142 = arith.constant 32 : index
        %get3A_143 = tpu.vector_load %arg11[%get3A_142] {strides = array<i32>} : memref<128xi32, #tpu.memory_space<vmem>>, vector<16xi32>,
        %get3A_144 = vector.shape_cast %get3A_143 : vector<16xi32> to vector<16xi32>
        %add3A_145 = vector.broadcast %mul3A_47 : i32 to vector<16xi32>
        %add3A_146 = arith.addi %get3A_141, %add3A_145 : vector<16xi32>
        %swap3A_147 = arith.constant 32 : index
        %swap3A_148 = tpu.vector_load %arg10[%swap3A_147] {strides = array<i32>} : memref<128xi32, #tpu.memory_space<vmem>>, vector<16xi32>,
        %swap3A_149 = vector.shape_cast %swap3A_148 : vector<16xi32> to vector<16xi32>
        %swap3A_150 = vector.shape_cast %add3A_146 : vector<16xi32> to vector<16xi32>
        tpu.vector_store %arg10[%swap3A_147], %swap3A_150 {strides = array<i32>} : memref<128xi32, #tpu.memory_space<vmem>>, vector<16xi32>,
        %shift_left3A_151 = arith.constant 2 : i32
        %shift_left3A_152 = vector.broadcast %shift_left3A_151 : i32 to vector<16xi32>
        %shift_left3A_153 = arith.shli %get3A_141, %shift_left3A_152 : vector<16xi32>
        %shift_left3A_154 = arith.constant 2 : i32
        %shift_left3A_155 = vector.broadcast %shift_left3A_154 : i32 to vector<16xi32>
        %shift_left3A_156 = arith.shli %get3A_144, %shift_left3A_155 : vector<16xi32>
        %add3A_157 = vector.broadcast %mul3A_49 : i32 to vector<16xi32>
        %add3A_158 = arith.addi %shift_left3A_153, %add3A_157 : vector<16xi32>
        %swap3A_159 = arith.constant 32 : index
        %swap3A_160 = tpu.vector_load %arg12[%swap3A_159] {strides = array<i32>} : memref<128xi32, #tpu.memory_space<vmem>>, vector<16xi32>,
        %swap3A_161 = vector.shape_cast %swap3A_160 : vector<16xi32> to vector<16xi32>
        %swap3A_162 = vector.shape_cast %add3A_158 : vector<16xi32> to vector<16xi32>
        tpu.vector_store %arg12[%swap3A_159], %swap3A_162 {strides = array<i32>} : memref<128xi32, #tpu.memory_space<vmem>>, vector<16xi32>,
        %add3A_163 = arith.constant 1 : i32
        %add3A_164 = arith.addi %mul3A_49, %add3A_163 : i32
        %add3A_165 = vector.broadcast %add3A_164 : i32 to vector<16xi32>
        %add3A_166 = arith.addi %shift_left3A_153, %add3A_165 : vector<16xi32>
        %swap3A_167 = arith.constant 32 : index
        %swap3A_168 = tpu.vector_load %arg13[%swap3A_167] {strides = array<i32>} : memref<128xi32, #tpu.memory_space<vmem>>, vector<16xi32>,
        %swap3A_169 = vector.shape_cast %swap3A_168 : vector<16xi32> to vector<16xi32>
        %swap3A_170 = vector.shape_cast %add3A_166 : vector<16xi32> to vector<16xi32>
        tpu.vector_store %arg13[%swap3A_167], %swap3A_170 {strides = array<i32>} : memref<128xi32, #tpu.memory_space<vmem>>, vector<16xi32>,
        %add3A_171 = vector.broadcast %mul3A_49 : i32 to vector<16xi32>
        %add3A_172 = arith.addi %shift_left3A_156, %add3A_171 : vector<16xi32>
        %swap3A_173 = arith.constant 32 : index
        %swap3A_174 = tpu.vector_load %arg14[%swap3A_173] {strides = array<i32>} : memref<128xi32, #tpu.memory_space<vmem>>, vector<16xi32>,
        %swap3A_175 = vector.shape_cast %swap3A_174 : vector<16xi32> to vector<16xi32>
        %swap3A_176 = vector.shape_cast %add3A_172 : vector<16xi32> to vector<16xi32>
        tpu.vector_store %arg14[%swap3A_173], %swap3A_176 {strides = array<i32>} : memref<128xi32, #tpu.memory_space<vmem>>, vector<16xi32>,
        %add3A_177 = arith.constant 1 : i32
        %add3A_178 = arith.addi %mul3A_49, %add3A_177 : i32
        %add3A_179 = vector.broadcast %add3A_178 : i32 to vector<16xi32>
        %add3A_180 = arith.addi %shift_left3A_156, %add3A_179 : vector<16xi32>
        %swap3A_181 = arith.constant 32 : index
        %swap3A_182 = tpu.vector_load %arg15[%swap3A_181] {strides = array<i32>} : memref<128xi32, #tpu.memory_space<vmem>>, vector<16xi32>,
        %swap3A_183 = vector.shape_cast %swap3A_182 : vector<16xi32> to vector<16xi32>
        %swap3A_184 = vector.shape_cast %add3A_180 : vector<16xi32> to vector<16xi32>
        tpu.vector_store %arg15[%swap3A_181], %swap3A_184 {strides = array<i32>} : memref<128xi32, #tpu.memory_space<vmem>>, vector<16xi32>,
        %get3A_185 = arith.constant 48 : index
        %get3A_186 = tpu.vector_load %arg9[%get3A_185] {strides = array<i32>} : memref<128xi32, #tpu.memory_space<vmem>>, vector<16xi32>,
        %get3A_187 = vector.shape_cast %get3A_186 : vector<16xi32> to vector<16xi32>
        %get3A_188 = arith.constant 48 : index
        %get3A_189 = tpu.vector_load %arg11[%get3A_188] {strides = array<i32>} : memref<128xi32, #tpu.memory_space<vmem>>, vector<16xi32>,
        %get3A_190 = vector.shape_cast %get3A_189 : vector<16xi32> to vector<16xi32>
        %add3A_191 = vector.broadcast %mul3A_47 : i32 to vector<16xi32>
        %add3A_192 = arith.addi %get3A_187, %add3A_191 : vector<16xi32>
        %swap3A_193 = arith.constant 48 : index
        %swap3A_194 = tpu.vector_load %arg10[%swap3A_193] {strides = array<i32>} : memref<128xi32, #tpu.memory_space<vmem>>, vector<16xi32>,
        %swap3A_195 = vector.shape_cast %swap3A_194 : vector<16xi32> to vector<16xi32>
        %swap3A_196 = vector.shape_cast %add3A_192 : vector<16xi32> to vector<16xi32>
        tpu.vector_store %arg10[%swap3A_193], %swap3A_196 {strides = array<i32>} : memref<128xi32, #tpu.memory_space<vmem>>, vector<16xi32>,
        %shift_left3A_197 = arith.constant 2 : i32
        %shift_left3A_198 = vector.broadcast %shift_left3A_197 : i32 to vector<16xi32>
        %shift_left3A_199 = arith.shli %get3A_187, %shift_left3A_198 : vector<16xi32>
        %shift_left3A_200 = arith.constant 2 : i32
        %shift_left3A_201 = vector.broadcast %shift_left3A_200 : i32 to vector<16xi32>
        %shift_left3A_202 = arith.shli %get3A_190, %shift_left3A_201 : vector<16xi32>
        %add3A_203 = vector.broadcast %mul3A_49 : i32 to vector<16xi32>
        %add3A_204 = arith.addi %shift_left3A_199, %add3A_203 : vector<16xi32>
        %swap3A_205 = arith.constant 48 : index
        %swap3A_206 = tpu.vector_load %arg12[%swap3A_205] {strides = array<i32>} : memref<128xi32, #tpu.memory_space<vmem>>, vector<16xi32>,
        %swap3A_207 = vector.shape_cast %swap3A_206 : vector<16xi32> to vector<16xi32>
        %swap3A_208 = vector.shape_cast %add3A_204 : vector<16xi32> to vector<16xi32>
        tpu.vector_store %arg12[%swap3A_205], %swap3A_208 {strides = array<i32>} : memref<128xi32, #tpu.memory_space<vmem>>, vector<16xi32>,
        %add3A_209 = arith.constant 1 : i32
        %add3A_210 = arith.addi %mul3A_49, %add3A_209 : i32
        %add3A_211 = vector.broadcast %add3A_210 : i32 to vector<16xi32>
        %add3A_212 = arith.addi %shift_left3A_199, %add3A_211 : vector<16xi32>
        %swap3A_213 = arith.constant 48 : index
        %swap3A_214 = tpu.vector_load %arg13[%swap3A_213] {strides = array<i32>} : memref<128xi32, #tpu.memory_space<vmem>>, vector<16xi32>,
        %swap3A_215 = vector.shape_cast %swap3A_214 : vector<16xi32> to vector<16xi32>
        %swap3A_216 = vector.shape_cast %add3A_212 : vector<16xi32> to vector<16xi32>
        tpu.vector_store %arg13[%swap3A_213], %swap3A_216 {strides = array<i32>} : memref<128xi32, #tpu.memory_space<vmem>>, vector<16xi32>,
        %add3A_217 = vector.broadcast %mul3A_49 : i32 to vector<16xi32>
        %add3A_218 = arith.addi %shift_left3A_202, %add3A_217 : vector<16xi32>
        %swap3A_219 = arith.constant 48 : index
        %swap3A_220 = tpu.vector_load %arg14[%swap3A_219] {strides = array<i32>} : memref<128xi32, #tpu.memory_space<vmem>>, vector<16xi32>,
        %swap3A_221 = vector.shape_cast %swap3A_220 : vector<16xi32> to vector<16xi32>
        %swap3A_222 = vector.shape_cast %add3A_218 : vector<16xi32> to vector<16xi32>
        tpu.vector_store %arg14[%swap3A_219], %swap3A_222 {strides = array<i32>} : memref<128xi32, #tpu.memory_space<vmem>>, vector<16xi32>,
        %add3A_223 = arith.constant 1 : i32
        %add3A_224 = arith.addi %mul3A_49, %add3A_223 : i32
        %add3A_225 = vector.broadcast %add3A_224 : i32 to vector<16xi32>
        %add3A_226 = arith.addi %shift_left3A_202, %add3A_225 : vector<16xi32>
        %swap3A_227 = arith.constant 48 : index
        %swap3A_228 = tpu.vector_load %arg15[%swap3A_227] {strides = array<i32>} : memref<128xi32, #tpu.memory_space<vmem>>, vector<16xi32>,
        %swap3A_229 = vector.shape_cast %swap3A_228 : vector<16xi32> to vector<16xi32>
        %swap3A_230 = vector.shape_cast %add3A_226 : vector<16xi32> to vector<16xi32>
        tpu.vector_store %arg15[%swap3A_227], %swap3A_230 {strides = array<i32>} : memref<128xi32, #tpu.memory_space<vmem>>, vector<16xi32>,
        %get3A_231 = arith.constant 64 : index
        %get3A_232 = tpu.vector_load %arg9[%get3A_231] {strides = array<i32>} : memref<128xi32, #tpu.memory_space<vmem>>, vector<16xi32>,
        %get3A_233 = vector.shape_cast %get3A_232 : vector<16xi32> to vector<16xi32>
        %get3A_234 = arith.constant 64 : index
        %get3A_235 = tpu.vector_load %arg11[%get3A_234] {strides = array<i32>} : memref<128xi32, #tpu.memory_space<vmem>>, vector<16xi32>,
        %get3A_236 = vector.shape_cast %get3A_235 : vector<16xi32> to vector<16xi32>
        %add3A_237 = vector.broadcast %mul3A_47 : i32 to vector<16xi32>
        %add3A_238 = arith.addi %get3A_233, %add3A_237 : vector<16xi32>
        %swap3A_239 = arith.constant 64 : index
        %swap3A_240 = tpu.vector_load %arg10[%swap3A_239] {strides = array<i32>} : memref<128xi32, #tpu.memory_space<vmem>>, vector<16xi32>,
        %swap3A_241 = vector.shape_cast %swap3A_240 : vector<16xi32> to vector<16xi32>
        %swap3A_242 = vector.shape_cast %add3A_238 : vector<16xi32> to vector<16xi32>
        tpu.vector_store %arg10[%swap3A_239], %swap3A_242 {strides = array<i32>} : memref<128xi32, #tpu.memory_space<vmem>>, vector<16xi32>,
        %shift_left3A_243 = arith.constant 2 : i32
        %shift_left3A_244 = vector.broadcast %shift_left3A_243 : i32 to vector<16xi32>
        %shift_left3A_245 = arith.shli %get3A_233, %shift_left3A_244 : vector<16xi32>
        %shift_left3A_246 = arith.constant 2 : i32
        %shift_left3A_247 = vector.broadcast %shift_left3A_246 : i32 to vector<16xi32>
        %shift_left3A_248 = arith.shli %get3A_236, %shift_left3A_247 : vector<16xi32>
        %add3A_249 = vector.broadcast %mul3A_49 : i32 to vector<16xi32>
        %add3A_250 = arith.addi %shift_left3A_245, %add3A_249 : vector<16xi32>
        %swap3A_251 = arith.constant 64 : index
        %swap3A_252 = tpu.vector_load %arg12[%swap3A_251] {strides = array<i32>} : memref<128xi32, #tpu.memory_space<vmem>>, vector<16xi32>,
        %swap3A_253 = vector.shape_cast %swap3A_252 : vector<16xi32> to vector<16xi32>
        %swap3A_254 = vector.shape_cast %add3A_250 : vector<16xi32> to vector<16xi32>
        tpu.vector_store %arg12[%swap3A_251], %swap3A_254 {strides = array<i32>} : memref<128xi32, #tpu.memory_space<vmem>>, vector<16xi32>,
        %add3A_255 = arith.constant 1 : i32
        %add3A_256 = arith.addi %mul3A_49, %add3A_255 : i32
        %add3A_257 = vector.broadcast %add3A_256 : i32 to vector<16xi32>
        %add3A_258 = arith.addi %shift_left3A_245, %add3A_257 : vector<16xi32>
        %swap3A_259 = arith.constant 64 : index
        %swap3A_260 = tpu.vector_load %arg13[%swap3A_259] {strides = array<i32>} : memref<128xi32, #tpu.memory_space<vmem>>, vector<16xi32>,
        %swap3A_261 = vector.shape_cast %swap3A_260 : vector<16xi32> to vector<16xi32>
        %swap3A_262 = vector.shape_cast %add3A_258 : vector<16xi32> to vector<16xi32>
        tpu.vector_store %arg13[%swap3A_259], %swap3A_262 {strides = array<i32>} : memref<128xi32, #tpu.memory_space<vmem>>, vector<16xi32>,
        %add3A_263 = vector.broadcast %mul3A_49 : i32 to vector<16xi32>
        %add3A_264 = arith.addi %shift_left3A_248, %add3A_263 : vector<16xi32>
        %swap3A_265 = arith.constant 64 : index
        %swap3A_266 = tpu.vector_load %arg14[%swap3A_265] {strides = array<i32>} : memref<128xi32, #tpu.memory_space<vmem>>, vector<16xi32>,
        %swap3A_267 = vector.shape_cast %swap3A_266 : vector<16xi32> to vector<16xi32>
        %swap3A_268 = vector.shape_cast %add3A_264 : vector<16xi32> to vector<16xi32>
        tpu.vector_store %arg14[%swap3A_265], %swap3A_268 {strides = array<i32>} : memref<128xi32, #tpu.memory_space<vmem>>, vector<16xi32>,
        %add3A_269 = arith.constant 1 : i32
        %add3A_270 = arith.addi %mul3A_49, %add3A_269 : i32
        %add3A_271 = vector.broadcast %add3A_270 : i32 to vector<16xi32>
        %add3A_272 = arith.addi %shift_left3A_248, %add3A_271 : vector<16xi32>
        %swap3A_273 = arith.constant 64 : index
        %swap3A_274 = tpu.vector_load %arg15[%swap3A_273] {strides = array<i32>} : memref<128xi32, #tpu.memory_space<vmem>>, vector<16xi32>,
        %swap3A_275 = vector.shape_cast %swap3A_274 : vector<16xi32> to vector<16xi32>
        %swap3A_276 = vector.shape_cast %add3A_272 : vector<16xi32> to vector<16xi32>
        tpu.vector_store %arg15[%swap3A_273], %swap3A_276 {strides = array<i32>} : memref<128xi32, #tpu.memory_space<vmem>>, vector<16xi32>,
        %get3A_277 = arith.constant 80 : index
        %get3A_278 = tpu.vector_load %arg9[%get3A_277] {strides = array<i32>} : memref<128xi32, #tpu.memory_space<vmem>>, vector<16xi32>,
        %get3A_279 = vector.shape_cast %get3A_278 : vector<16xi32> to vector<16xi32>
        %get3A_280 = arith.constant 80 : index
        %get3A_281 = tpu.vector_load %arg11[%get3A_280] {strides = array<i32>} : memref<128xi32, #tpu.memory_space<vmem>>, vector<16xi32>,
        %get3A_282 = vector.shape_cast %get3A_281 : vector<16xi32> to vector<16xi32>
        %add3A_283 = vector.broadcast %mul3A_47 : i32 to vector<16xi32>
        %add3A_284 = arith.addi %get3A_279, %add3A_283 : vector<16xi32>
        %swap3A_285 = arith.constant 80 : index
        %swap3A_286 = tpu.vector_load %arg10[%swap3A_285] {strides = array<i32>} : memref<128xi32, #tpu.memory_space<vmem>>, vector<16xi32>,
        %swap3A_287 = vector.shape_cast %swap3A_286 : vector<16xi32> to vector<16xi32>
        %swap3A_288 = vector.shape_cast %add3A_284 : vector<16xi32> to vector<16xi32>
        tpu.vector_store %arg10[%swap3A_285], %swap3A_288 {strides = array<i32>} : memref<128xi32, #tpu.memory_space<vmem>>, vector<16xi32>,
        %shift_left3A_289 = arith.constant 2 : i32
        %shift_left3A_290 = vector.broadcast %shift_left3A_289 : i32 to vector<16xi32>
        %shift_left3A_291 = arith.shli %get3A_279, %shift_left3A_290 : vector<16xi32>
        %shift_left3A_292 = arith.constant 2 : i32
        %shift_left3A_293 = vector.broadcast %shift_left3A_292 : i32 to vector<16xi32>
        %shift_left3A_294 = arith.shli %get3A_282, %shift_left3A_293 : vector<16xi32>
        %add3A_295 = vector.broadcast %mul3A_49 : i32 to vector<16xi32>
        %add3A_296 = arith.addi %shift_left3A_291, %add3A_295 : vector<16xi32>
        %swap3A_297 = arith.constant 80 : index
        %swap3A_298 = tpu.vector_load %arg12[%swap3A_297] {strides = array<i32>} : memref<128xi32, #tpu.memory_space<vmem>>, vector<16xi32>,
        %swap3A_299 = vector.shape_cast %swap3A_298 : vector<16xi32> to vector<16xi32>
        %swap3A_300 = vector.shape_cast %add3A_296 : vector<16xi32> to vector<16xi32>
        tpu.vector_store %arg12[%swap3A_297], %swap3A_300 {strides = array<i32>} : memref<128xi32, #tpu.memory_space<vmem>>, vector<16xi32>,
        %add3A_301 = arith.constant 1 : i32
        %add3A_302 = arith.addi %mul3A_49, %add3A_301 : i32
        %add3A_303 = vector.broadcast %add3A_302 : i32 to vector<16xi32>
        %add3A_304 = arith.addi %shift_left3A_291, %add3A_303 : vector<16xi32>
        %swap3A_305 = arith.constant 80 : index
        %swap3A_306 = tpu.vector_load %arg13[%swap3A_305] {strides = array<i32>} : memref<128xi32, #tpu.memory_space<vmem>>, vector<16xi32>,
        %swap3A_307 = vector.shape_cast %swap3A_306 : vector<16xi32> to vector<16xi32>
        %swap3A_308 = vector.shape_cast %add3A_304 : vector<16xi32> to vector<16xi32>
        tpu.vector_store %arg13[%swap3A_305], %swap3A_308 {strides = array<i32>} : memref<128xi32, #tpu.memory_space<vmem>>, vector<16xi32>,
        %add3A_309 = vector.broadcast %mul3A_49 : i32 to vector<16xi32>
        %add3A_310 = arith.addi %shift_left3A_294, %add3A_309 : vector<16xi32>
        %swap3A_311 = arith.constant 80 : index
        %swap3A_312 = tpu.vector_load %arg14[%swap3A_311] {strides = array<i32>} : memref<128xi32, #tpu.memory_space<vmem>>, vector<16xi32>,
        %swap3A_313 = vector.shape_cast %swap3A_312 : vector<16xi32> to vector<16xi32>
        %swap3A_314 = vector.shape_cast %add3A_310 : vector<16xi32> to vector<16xi32>
        tpu.vector_store %arg14[%swap3A_311], %swap3A_314 {strides = array<i32>} : memref<128xi32, #tpu.memory_space<vmem>>, vector<16xi32>,
        %add3A_315 = arith.constant 1 : i32
        %add3A_316 = arith.addi %mul3A_49, %add3A_315 : i32
        %add3A_317 = vector.broadcast %add3A_316 : i32 to vector<16xi32>
        %add3A_318 = arith.addi %shift_left3A_294, %add3A_317 : vector<16xi32>
        %swap3A_319 = arith.constant 80 : index
        %swap3A_320 = tpu.vector_load %arg15[%swap3A_319] {strides = array<i32>} : memref<128xi32, #tpu.memory_space<vmem>>, vector<16xi32>,
        %swap3A_321 = vector.shape_cast %swap3A_320 : vector<16xi32> to vector<16xi32>
        %swap3A_322 = vector.shape_cast %add3A_318 : vector<16xi32> to vector<16xi32>
        tpu.vector_store %arg15[%swap3A_319], %swap3A_322 {strides = array<i32>} : memref<128xi32, #tpu.memory_space<vmem>>, vector<16xi32>,
        %get3A_323 = arith.constant 96 : index
        %get3A_324 = tpu.vector_load %arg9[%get3A_323] {strides = array<i32>} : memref<128xi32, #tpu.memory_space<vmem>>, vector<16xi32>,
        %get3A_325 = vector.shape_cast %get3A_324 : vector<16xi32> to vector<16xi32>
        %get3A_326 = arith.constant 96 : index
        %get3A_327 = tpu.vector_load %arg11[%get3A_326] {strides = array<i32>} : memref<128xi32, #tpu.memory_space<vmem>>, vector<16xi32>,
        %get3A_328 = vector.shape_cast %get3A_327 : vector<16xi32> to vector<16xi32>
        %add3A_329 = vector.broadcast %mul3A_47 : i32 to vector<16xi32>
        %add3A_330 = arith.addi %get3A_325, %add3A_329 : vector<16xi32>
        %swap3A_331 = arith.constant 96 : index
        %swap3A_332 = tpu.vector_load %arg10[%swap3A_331] {strides = array<i32>} : memref<128xi32, #tpu.memory_space<vmem>>, vector<16xi32>,
        %swap3A_333 = vector.shape_cast %swap3A_332 : vector<16xi32> to vector<16xi32>
        %swap3A_334 = vector.shape_cast %add3A_330 : vector<16xi32> to vector<16xi32>
        tpu.vector_store %arg10[%swap3A_331], %swap3A_334 {strides = array<i32>} : memref<128xi32, #tpu.memory_space<vmem>>, vector<16xi32>,
        %shift_left3A_335 = arith.constant 2 : i32
        %shift_left3A_336 = vector.broadcast %shift_left3A_335 : i32 to vector<16xi32>
        %shift_left3A_337 = arith.shli %get3A_325, %shift_left3A_336 : vector<16xi32>
        %shift_left3A_338 = arith.constant 2 : i32
        %shift_left3A_339 = vector.broadcast %shift_left3A_338 : i32 to vector<16xi32>
        %shift_left3A_340 = arith.shli %get3A_328, %shift_left3A_339 : vector<16xi32>
        %add3A_341 = vector.broadcast %mul3A_49 : i32 to vector<16xi32>
        %add3A_342 = arith.addi %shift_left3A_337, %add3A_341 : vector<16xi32>
        %swap3A_343 = arith.constant 96 : index
        %swap3A_344 = tpu.vector_load %arg12[%swap3A_343] {strides = array<i32>} : memref<128xi32, #tpu.memory_space<vmem>>, vector<16xi32>,
        %swap3A_345 = vector.shape_cast %swap3A_344 : vector<16xi32> to vector<16xi32>
        %swap3A_346 = vector.shape_cast %add3A_342 : vector<16xi32> to vector<16xi32>
        tpu.vector_store %arg12[%swap3A_343], %swap3A_346 {strides = array<i32>} : memref<128xi32, #tpu.memory_space<vmem>>, vector<16xi32>,
        %add3A_347 = arith.constant 1 : i32
        %add3A_348 = arith.addi %mul3A_49, %add3A_347 : i32
        %add3A_349 = vector.broadcast %add3A_348 : i32 to vector<16xi32>
        %add3A_350 = arith.addi %shift_left3A_337, %add3A_349 : vector<16xi32>
        %swap3A_351 = arith.constant 96 : index
        %swap3A_352 = tpu.vector_load %arg13[%swap3A_351] {strides = array<i32>} : memref<128xi32, #tpu.memory_space<vmem>>, vector<16xi32>,
        %swap3A_353 = vector.shape_cast %swap3A_352 : vector<16xi32> to vector<16xi32>
        %swap3A_354 = vector.shape_cast %add3A_350 : vector<16xi32> to vector<16xi32>
        tpu.vector_store %arg13[%swap3A_351], %swap3A_354 {strides = array<i32>} : memref<128xi32, #tpu.memory_space<vmem>>, vector<16xi32>,
        %add3A_355 = vector.broadcast %mul3A_49 : i32 to vector<16xi32>
        %add3A_356 = arith.addi %shift_left3A_340, %add3A_355 : vector<16xi32>
        %swap3A_357 = arith.constant 96 : index
        %swap3A_358 = tpu.vector_load %arg14[%swap3A_357] {strides = array<i32>} : memref<128xi32, #tpu.memory_space<vmem>>, vector<16xi32>,
        %swap3A_359 = vector.shape_cast %swap3A_358 : vector<16xi32> to vector<16xi32>
        %swap3A_360 = vector.shape_cast %add3A_356 : vector<16xi32> to vector<16xi32>
        tpu.vector_store %arg14[%swap3A_357], %swap3A_360 {strides = array<i32>} : memref<128xi32, #tpu.memory_space<vmem>>, vector<16xi32>,
        %add3A_361 = arith.constant 1 : i32
        %add3A_362 = arith.addi %mul3A_49, %add3A_361 : i32
        %add3A_363 = vector.broadcast %add3A_362 : i32 to vector<16xi32>
        %add3A_364 = arith.addi %shift_left3A_340, %add3A_363 : vector<16xi32>
        %swap3A_365 = arith.constant 96 : index
        %swap3A_366 = tpu.vector_load %arg15[%swap3A_365] {strides = array<i32>} : memref<128xi32, #tpu.memory_space<vmem>>, vector<16xi32>,
        %swap3A_367 = vector.shape_cast %swap3A_366 : vector<16xi32> to vector<16xi32>
        %swap3A_368 = vector.shape_cast %add3A_364 : vector<16xi32> to vector<16xi32>
        tpu.vector_store %arg15[%swap3A_365], %swap3A_368 {strides = array<i32>} : memref<128xi32, #tpu.memory_space<vmem>>, vector<16xi32>,
        %get3A_369 = arith.constant 112 : index
        %get3A_370 = tpu.vector_load %arg9[%get3A_369] {strides = array<i32>} : memref<128xi32, #tpu.memory_space<vmem>>, vector<16xi32>,
        %get3A_371 = vector.shape_cast %get3A_370 : vector<16xi32> to vector<16xi32>
        %get3A_372 = arith.constant 112 : index
        %get3A_373 = tpu.vector_load %arg11[%get3A_372] {strides = array<i32>} : memref<128xi32, #tpu.memory_space<vmem>>, vector<16xi32>,
        %get3A_374 = vector.shape_cast %get3A_373 : vector<16xi32> to vector<16xi32>
        %add3A_375 = vector.broadcast %mul3A_47 : i32 to vector<16xi32>
        %add3A_376 = arith.addi %get3A_371, %add3A_375 : vector<16xi32>
        %swap3A_377 = arith.constant 112 : index
        %swap3A_378 = tpu.vector_load %arg10[%swap3A_377] {strides = array<i32>} : memref<128xi32, #tpu.memory_space<vmem>>, vector<16xi32>,
        %swap3A_379 = vector.shape_cast %swap3A_378 : vector<16xi32> to vector<16xi32>
        %swap3A_380 = vector.shape_cast %add3A_376 : vector<16xi32> to vector<16xi32>
        tpu.vector_store %arg10[%swap3A_377], %swap3A_380 {strides = array<i32>} : memref<128xi32, #tpu.memory_space<vmem>>, vector<16xi32>,
        %shift_left3A_381 = arith.constant 2 : i32
        %shift_left3A_382 = vector.broadcast %shift_left3A_381 : i32 to vector<16xi32>
        %shift_left3A_383 = arith.shli %get3A_371, %shift_left3A_382 : vector<16xi32>
        %shift_left3A_384 = arith.constant 2 : i32
        %shift_left3A_385 = vector.broadcast %shift_left3A_384 : i32 to vector<16xi32>
        %shift_left3A_386 = arith.shli %get3A_374, %shift_left3A_385 : vector<16xi32>
        %add3A_387 = vector.broadcast %mul3A_49 : i32 to vector<16xi32>
        %add3A_388 = arith.addi %shift_left3A_383, %add3A_387 : vector<16xi32>
        %swap3A_389 = arith.constant 112 : index
        %swap3A_390 = tpu.vector_load %arg12[%swap3A_389] {strides = array<i32>} : memref<128xi32, #tpu.memory_space<vmem>>, vector<16xi32>,
        %swap3A_391 = vector.shape_cast %swap3A_390 : vector<16xi32> to vector<16xi32>
        %swap3A_392 = vector.shape_cast %add3A_388 : vector<16xi32> to vector<16xi32>
        tpu.vector_store %arg12[%swap3A_389], %swap3A_392 {strides = array<i32>} : memref<128xi32, #tpu.memory_space<vmem>>, vector<16xi32>,
        %add3A_393 = arith.constant 1 : i32
        %add3A_394 = arith.addi %mul3A_49, %add3A_393 : i32
        %add3A_395 = vector.broadcast %add3A_394 : i32 to vector<16xi32>
        %add3A_396 = arith.addi %shift_left3A_383, %add3A_395 : vector<16xi32>
        %swap3A_397 = arith.constant 112 : index
        %swap3A_398 = tpu.vector_load %arg13[%swap3A_397] {strides = array<i32>} : memref<128xi32, #tpu.memory_space<vmem>>, vector<16xi32>,
        %swap3A_399 = vector.shape_cast %swap3A_398 : vector<16xi32> to vector<16xi32>
        %swap3A_400 = vector.shape_cast %add3A_396 : vector<16xi32> to vector<16xi32>
        tpu.vector_store %arg13[%swap3A_397], %swap3A_400 {strides = array<i32>} : memref<128xi32, #tpu.memory_space<vmem>>, vector<16xi32>,
        %add3A_401 = vector.broadcast %mul3A_49 : i32 to vector<16xi32>
        %add3A_402 = arith.addi %shift_left3A_386, %add3A_401 : vector<16xi32>
        %swap3A_403 = arith.constant 112 : index
        %swap3A_404 = tpu.vector_load %arg14[%swap3A_403] {strides = array<i32>} : memref<128xi32, #tpu.memory_space<vmem>>, vector<16xi32>,
        %swap3A_405 = vector.shape_cast %swap3A_404 : vector<16xi32> to vector<16xi32>
        %swap3A_406 = vector.shape_cast %add3A_402 : vector<16xi32> to vector<16xi32>
        tpu.vector_store %arg14[%swap3A_403], %swap3A_406 {strides = array<i32>} : memref<128xi32, #tpu.memory_space<vmem>>, vector<16xi32>,
        %add3A_407 = arith.constant 1 : i32
        %add3A_408 = arith.addi %mul3A_49, %add3A_407 : i32
        %add3A_409 = vector.broadcast %add3A_408 : i32 to vector<16xi32>
        %add3A_410 = arith.addi %shift_left3A_386, %add3A_409 : vector<16xi32>
        %swap3A_411 = arith.constant 112 : index
        %swap3A_412 = tpu.vector_load %arg15[%swap3A_411] {strides = array<i32>} : memref<128xi32, #tpu.memory_space<vmem>>, vector<16xi32>,
        %swap3A_413 = vector.shape_cast %swap3A_412 : vector<16xi32> to vector<16xi32>
        %swap3A_414 = vector.shape_cast %add3A_410 : vector<16xi32> to vector<16xi32>
        tpu.vector_store %arg15[%swap3A_411], %swap3A_414 {strides = array<i32>} : memref<128xi32, #tpu.memory_space<vmem>>, vector<16xi32>,
        %dma_start3A = arith.constant 0 : i32
        %dma_start3A_415 = tpu.memref_slice %arg3[%dma_start3A] : memref<40000xf32, #tpu.memory_space<hbm>> -> memref<40000xf32, #tpu.memory_space<hbm>>
        tpu.enqueue_indirect_dma source(%dma_start3A_415 : memref<40000xf32, #tpu.memory_space<hbm>>) target(%arg17 : memref<128xf32, #tpu.memory_space<vmem>>) offsets(%arg12 : memref<128xi32, #tpu.memory_space<vmem>>) semaphore(%arg26 : memref<!tpu.dma_semaphore, #tpu.memory_space<semaphore_mem>>)
        %dma_start3A_416 = arith.constant 0 : i32
        %dma_start3A_417 = tpu.memref_slice %arg3[%dma_start3A_416] : memref<40000xf32, #tpu.memory_space<hbm>> -> memref<40000xf32, #tpu.memory_space<hbm>>
        tpu.enqueue_indirect_dma source(%dma_start3A_417 : memref<40000xf32, #tpu.memory_space<hbm>>) target(%arg18 : memref<128xf32, #tpu.memory_space<vmem>>) offsets(%arg13 : memref<128xi32, #tpu.memory_space<vmem>>) semaphore(%arg26 : memref<!tpu.dma_semaphore, #tpu.memory_space<semaphore_mem>>)
        %dma_start3A_418 = arith.constant 0 : i32
        %dma_start3A_419 = tpu.memref_slice %arg4[%dma_start3A_418] : memref<40000xf32, #tpu.memory_space<hbm>> -> memref<40000xf32, #tpu.memory_space<hbm>>
        tpu.enqueue_indirect_dma source(%dma_start3A_419 : memref<40000xf32, #tpu.memory_space<hbm>>) target(%arg19 : memref<128xf32, #tpu.memory_space<vmem>>) offsets(%arg14 : memref<128xi32, #tpu.memory_space<vmem>>) semaphore(%arg26 : memref<!tpu.dma_semaphore, #tpu.memory_space<semaphore_mem>>)
        %dma_start3A_420 = arith.constant 0 : i32
        %dma_start3A_421 = tpu.memref_slice %arg4[%dma_start3A_420] : memref<40000xf32, #tpu.memory_space<hbm>> -> memref<40000xf32, #tpu.memory_space<hbm>>
        tpu.enqueue_indirect_dma source(%dma_start3A_421 : memref<40000xf32, #tpu.memory_space<hbm>>) target(%arg20 : memref<128xf32, #tpu.memory_space<vmem>>) offsets(%arg15 : memref<128xi32, #tpu.memory_space<vmem>>) semaphore(%arg26 : memref<!tpu.dma_semaphore, #tpu.memory_space<semaphore_mem>>)
        %dma_start3A_422 = arith.constant 0 : i32
        %dma_start3A_423 = arith.constant 0 : i32
        %dma_start3A_424 = tpu.memref_slice %arg2[%dma_start3A_422, %dma_start3A_423] : memref<20000x128xf32, #tpu.memory_space<hbm>> -> memref<20000x128xf32, #tpu.memory_space<hbm>>
        tpu.enqueue_indirect_dma source(%dma_start3A_424 : memref<20000x128xf32, #tpu.memory_space<hbm>>) target(%arg16 : memref<128x128xf32, #tpu.memory_space<vmem>>) offsets(%arg10 : memref<128xi32, #tpu.memory_space<vmem>>) semaphore(%arg26 : memref<!tpu.dma_semaphore, #tpu.memory_space<semaphore_mem>>)
        %dma_wait3A = arith.constant 0 : i32
        %dma_wait3A_425 = tpu.memref_slice %arg3[%dma_wait3A] : memref<40000xf32, #tpu.memory_space<hbm>> -> memref<40000xf32, #tpu.memory_space<hbm>>
        tpu.wait_indirect_dma semaphore(%arg26 : memref<!tpu.dma_semaphore, #tpu.memory_space<semaphore_mem>>) src(%dma_wait3A_425 : memref<40000xf32, #tpu.memory_space<hbm>>) dst(%arg17 : memref<128xf32, #tpu.memory_space<vmem>>)
        %dma_wait3A_426 = arith.constant 0 : i32
        %dma_wait3A_427 = tpu.memref_slice %arg3[%dma_wait3A_426] : memref<40000xf32, #tpu.memory_space<hbm>> -> memref<40000xf32, #tpu.memory_space<hbm>>
        tpu.wait_indirect_dma semaphore(%arg26 : memref<!tpu.dma_semaphore, #tpu.memory_space<semaphore_mem>>) src(%dma_wait3A_427 : memref<40000xf32, #tpu.memory_space<hbm>>) dst(%arg18 : memref<128xf32, #tpu.memory_space<vmem>>)
        %dma_wait3A_428 = arith.constant 0 : i32
        %dma_wait3A_429 = tpu.memref_slice %arg4[%dma_wait3A_428] : memref<40000xf32, #tpu.memory_space<hbm>> -> memref<40000xf32, #tpu.memory_space<hbm>>
        tpu.wait_indirect_dma semaphore(%arg26 : memref<!tpu.dma_semaphore, #tpu.memory_space<semaphore_mem>>) src(%dma_wait3A_429 : memref<40000xf32, #tpu.memory_space<hbm>>) dst(%arg19 : memref<128xf32, #tpu.memory_space<vmem>>)
        %dma_wait3A_430 = arith.constant 0 : i32
        %dma_wait3A_431 = tpu.memref_slice %arg4[%dma_wait3A_430] : memref<40000xf32, #tpu.memory_space<hbm>> -> memref<40000xf32, #tpu.memory_space<hbm>>
        tpu.wait_indirect_dma semaphore(%arg26 : memref<!tpu.dma_semaphore, #tpu.memory_space<semaphore_mem>>) src(%dma_wait3A_431 : memref<40000xf32, #tpu.memory_space<hbm>>) dst(%arg20 : memref<128xf32, #tpu.memory_space<vmem>>)
        %dma_wait3A_432 = arith.constant 0 : i32
        %dma_wait3A_433 = arith.constant 0 : i32
        %dma_wait3A_434 = tpu.memref_slice %arg2[%dma_wait3A_432, %dma_wait3A_433] : memref<20000x128xf32, #tpu.memory_space<hbm>> -> memref<20000x128xf32, #tpu.memory_space<hbm>>
        tpu.wait_indirect_dma semaphore(%arg26 : memref<!tpu.dma_semaphore, #tpu.memory_space<semaphore_mem>>) src(%dma_wait3A_434 : memref<20000x128xf32, #tpu.memory_space<hbm>>) dst(%arg16 : memref<128x128xf32, #tpu.memory_space<vmem>>)
        %get3A_435 = arith.constant 0 : index
        %get3A_436 = tpu.vector_load %arg17[%get3A_435] {strides = array<i32>} : memref<128xf32, #tpu.memory_space<vmem>>, vector<16xf32>,
        %get3A_437 = vector.shape_cast %get3A_436 : vector<16xf32> to vector<16xf32>
        %get3A_438 = arith.constant 0 : index
        %get3A_439 = tpu.vector_load %arg19[%get3A_438] {strides = array<i32>} : memref<128xf32, #tpu.memory_space<vmem>>, vector<16xf32>,
        %get3A_440 = vector.shape_cast %get3A_439 : vector<16xf32> to vector<16xf32>
        %add3A_441 = arith.addf %get3A_437, %get3A_440 : vector<16xf32>
        %get3A_442 = arith.constant 0 : index
        %get3A_443 = tpu.vector_load %arg21[%get3A_442] {strides = array<i32>} : memref<128xf32, #tpu.memory_space<vmem>>, vector<16xf32>,
        %get3A_444 = vector.shape_cast %get3A_443 : vector<16xf32> to vector<16xf32>
        %add3A_445 = arith.addf %add3A_441, %get3A_444 : vector<16xf32>
        %mul3A_446 = arith.constant 2.000000e-01 : f32
        %mul3A_447 = vector.broadcast %mul3A_446 : f32 to vector<16xf32>
        %mul3A_448 = arith.mulf %mul3A_447, %add3A_445 : vector<16xf32>
        %max3A = arith.maximumf %add3A_445, %mul3A_448 : vector<16xf32>
        %exp3A = math.exp %max3A : vector<16xf32>
        %swap3A_449 = arith.constant 0 : index
        %swap3A_450 = tpu.vector_load %arg23[%swap3A_449] {strides = array<i32>} : memref<144xf32, #tpu.memory_space<vmem>>, vector<16xf32>,
        %swap3A_451 = vector.shape_cast %swap3A_450 : vector<16xf32> to vector<16xf32>
        %swap3A_452 = vector.shape_cast %exp3A : vector<16xf32> to vector<16xf32>
        tpu.vector_store %arg23[%swap3A_449], %swap3A_452 {strides = array<i32>} : memref<144xf32, #tpu.memory_space<vmem>>, vector<16xf32>,
        %get3A_453 = arith.constant 0 : index
        %get3A_454 = tpu.vector_load %arg18[%get3A_453] {strides = array<i32>} : memref<128xf32, #tpu.memory_space<vmem>>, vector<16xf32>,
        %get3A_455 = vector.shape_cast %get3A_454 : vector<16xf32> to vector<16xf32>
        %get3A_456 = arith.constant 0 : index
        %get3A_457 = tpu.vector_load %arg20[%get3A_456] {strides = array<i32>} : memref<128xf32, #tpu.memory_space<vmem>>, vector<16xf32>,
        %get3A_458 = vector.shape_cast %get3A_457 : vector<16xf32> to vector<16xf32>
        %add3A_459 = arith.addf %get3A_455, %get3A_458 : vector<16xf32>
        %get3A_460 = arith.constant 0 : index
        %get3A_461 = tpu.vector_load %arg22[%get3A_460] {strides = array<i32>} : memref<128xf32, #tpu.memory_space<vmem>>, vector<16xf32>,
        %get3A_462 = vector.shape_cast %get3A_461 : vector<16xf32> to vector<16xf32>
        %add3A_463 = arith.addf %add3A_459, %get3A_462 : vector<16xf32>
        %mul3A_464 = arith.constant 2.000000e-01 : f32
        %mul3A_465 = vector.broadcast %mul3A_464 : f32 to vector<16xf32>
        %mul3A_466 = arith.mulf %mul3A_465, %add3A_463 : vector<16xf32>
        %max3A_467 = arith.maximumf %add3A_463, %mul3A_466 : vector<16xf32>
        %exp3A_468 = math.exp %max3A_467 : vector<16xf32>
        %swap3A_469 = arith.constant 0 : index
        %swap3A_470 = tpu.vector_load %arg24[%swap3A_469] {strides = array<i32>} : memref<144xf32, #tpu.memory_space<vmem>>, vector<16xf32>,
        %swap3A_471 = vector.shape_cast %swap3A_470 : vector<16xf32> to vector<16xf32>
        %swap3A_472 = vector.shape_cast %exp3A_468 : vector<16xf32> to vector<16xf32>
        tpu.vector_store %arg24[%swap3A_469], %swap3A_472 {strides = array<i32>} : memref<144xf32, #tpu.memory_space<vmem>>, vector<16xf32>,
        %get3A_473 = arith.constant 16 : index
        %get3A_474 = tpu.vector_load %arg17[%get3A_473] {strides = array<i32>} : memref<128xf32, #tpu.memory_space<vmem>>, vector<16xf32>,
        %get3A_475 = vector.shape_cast %get3A_474 : vector<16xf32> to vector<16xf32>
        %get3A_476 = arith.constant 16 : index
        %get3A_477 = tpu.vector_load %arg19[%get3A_476] {strides = array<i32>} : memref<128xf32, #tpu.memory_space<vmem>>, vector<16xf32>,
        %get3A_478 = vector.shape_cast %get3A_477 : vector<16xf32> to vector<16xf32>
        %add3A_479 = arith.addf %get3A_475, %get3A_478 : vector<16xf32>
        %get3A_480 = arith.constant 16 : index
        %get3A_481 = tpu.vector_load %arg21[%get3A_480] {strides = array<i32>} : memref<128xf32, #tpu.memory_space<vmem>>, vector<16xf32>,
        %get3A_482 = vector.shape_cast %get3A_481 : vector<16xf32> to vector<16xf32>
        %add3A_483 = arith.addf %add3A_479, %get3A_482 : vector<16xf32>
        %mul3A_484 = arith.constant 2.000000e-01 : f32
        %mul3A_485 = vector.broadcast %mul3A_484 : f32 to vector<16xf32>
        %mul3A_486 = arith.mulf %mul3A_485, %add3A_483 : vector<16xf32>
        %max3A_487 = arith.maximumf %add3A_483, %mul3A_486 : vector<16xf32>
        %exp3A_488 = math.exp %max3A_487 : vector<16xf32>
        %swap3A_489 = arith.constant 16 : index
        %swap3A_490 = tpu.vector_load %arg23[%swap3A_489] {strides = array<i32>} : memref<144xf32, #tpu.memory_space<vmem>>, vector<16xf32>,
        %swap3A_491 = vector.shape_cast %swap3A_490 : vector<16xf32> to vector<16xf32>
        %swap3A_492 = vector.shape_cast %exp3A_488 : vector<16xf32> to vector<16xf32>
        tpu.vector_store %arg23[%swap3A_489], %swap3A_492 {strides = array<i32>} : memref<144xf32, #tpu.memory_space<vmem>>, vector<16xf32>,
        %get3A_493 = arith.constant 16 : index
        %get3A_494 = tpu.vector_load %arg18[%get3A_493] {strides = array<i32>} : memref<128xf32, #tpu.memory_space<vmem>>, vector<16xf32>,
        %get3A_495 = vector.shape_cast %get3A_494 : vector<16xf32> to vector<16xf32>
        %get3A_496 = arith.constant 16 : index
        %get3A_497 = tpu.vector_load %arg20[%get3A_496] {strides = array<i32>} : memref<128xf32, #tpu.memory_space<vmem>>, vector<16xf32>,
        %get3A_498 = vector.shape_cast %get3A_497 : vector<16xf32> to vector<16xf32>
        %add3A_499 = arith.addf %get3A_495, %get3A_498 : vector<16xf32>
        %get3A_500 = arith.constant 16 : index
        %get3A_501 = tpu.vector_load %arg22[%get3A_500] {strides = array<i32>} : memref<128xf32, #tpu.memory_space<vmem>>, vector<16xf32>,
        %get3A_502 = vector.shape_cast %get3A_501 : vector<16xf32> to vector<16xf32>
        %add3A_503 = arith.addf %add3A_499, %get3A_502 : vector<16xf32>
        %mul3A_504 = arith.constant 2.000000e-01 : f32
        %mul3A_505 = vector.broadcast %mul3A_504 : f32 to vector<16xf32>
        %mul3A_506 = arith.mulf %mul3A_505, %add3A_503 : vector<16xf32>
        %max3A_507 = arith.maximumf %add3A_503, %mul3A_506 : vector<16xf32>
        %exp3A_508 = math.exp %max3A_507 : vector<16xf32>
        %swap3A_509 = arith.constant 16 : index
        %swap3A_510 = tpu.vector_load %arg24[%swap3A_509] {strides = array<i32>} : memref<144xf32, #tpu.memory_space<vmem>>, vector<16xf32>,
        %swap3A_511 = vector.shape_cast %swap3A_510 : vector<16xf32> to vector<16xf32>
        %swap3A_512 = vector.shape_cast %exp3A_508 : vector<16xf32> to vector<16xf32>
        tpu.vector_store %arg24[%swap3A_509], %swap3A_512 {strides = array<i32>} : memref<144xf32, #tpu.memory_space<vmem>>, vector<16xf32>,
        %get3A_513 = arith.constant 32 : index
        %get3A_514 = tpu.vector_load %arg17[%get3A_513] {strides = array<i32>} : memref<128xf32, #tpu.memory_space<vmem>>, vector<16xf32>,
        %get3A_515 = vector.shape_cast %get3A_514 : vector<16xf32> to vector<16xf32>
        %get3A_516 = arith.constant 32 : index
        %get3A_517 = tpu.vector_load %arg19[%get3A_516] {strides = array<i32>} : memref<128xf32, #tpu.memory_space<vmem>>, vector<16xf32>,
        %get3A_518 = vector.shape_cast %get3A_517 : vector<16xf32> to vector<16xf32>
        %add3A_519 = arith.addf %get3A_515, %get3A_518 : vector<16xf32>
        %get3A_520 = arith.constant 32 : index
        %get3A_521 = tpu.vector_load %arg21[%get3A_520] {strides = array<i32>} : memref<128xf32, #tpu.memory_space<vmem>>, vector<16xf32>,
        %get3A_522 = vector.shape_cast %get3A_521 : vector<16xf32> to vector<16xf32>
        %add3A_523 = arith.addf %add3A_519, %get3A_522 : vector<16xf32>
        %mul3A_524 = arith.constant 2.000000e-01 : f32
        %mul3A_525 = vector.broadcast %mul3A_524 : f32 to vector<16xf32>
        %mul3A_526 = arith.mulf %mul3A_525, %add3A_523 : vector<16xf32>
        %max3A_527 = arith.maximumf %add3A_523, %mul3A_526 : vector<16xf32>
        %exp3A_528 = math.exp %max3A_527 : vector<16xf32>
        %swap3A_529 = arith.constant 32 : index
        %swap3A_530 = tpu.vector_load %arg23[%swap3A_529] {strides = array<i32>} : memref<144xf32, #tpu.memory_space<vmem>>, vector<16xf32>,
        %swap3A_531 = vector.shape_cast %swap3A_530 : vector<16xf32> to vector<16xf32>
        %swap3A_532 = vector.shape_cast %exp3A_528 : vector<16xf32> to vector<16xf32>
        tpu.vector_store %arg23[%swap3A_529], %swap3A_532 {strides = array<i32>} : memref<144xf32, #tpu.memory_space<vmem>>, vector<16xf32>,
        %get3A_533 = arith.constant 32 : index
        %get3A_534 = tpu.vector_load %arg18[%get3A_533] {strides = array<i32>} : memref<128xf32, #tpu.memory_space<vmem>>, vector<16xf32>,
        %get3A_535 = vector.shape_cast %get3A_534 : vector<16xf32> to vector<16xf32>
        %get3A_536 = arith.constant 32 : index
        %get3A_537 = tpu.vector_load %arg20[%get3A_536] {strides = array<i32>} : memref<128xf32, #tpu.memory_space<vmem>>, vector<16xf32>,
        %get3A_538 = vector.shape_cast %get3A_537 : vector<16xf32> to vector<16xf32>
        %add3A_539 = arith.addf %get3A_535, %get3A_538 : vector<16xf32>
        %get3A_540 = arith.constant 32 : index
        %get3A_541 = tpu.vector_load %arg22[%get3A_540] {strides = array<i32>} : memref<128xf32, #tpu.memory_space<vmem>>, vector<16xf32>,
        %get3A_542 = vector.shape_cast %get3A_541 : vector<16xf32> to vector<16xf32>
        %add3A_543 = arith.addf %add3A_539, %get3A_542 : vector<16xf32>
        %mul3A_544 = arith.constant 2.000000e-01 : f32
        %mul3A_545 = vector.broadcast %mul3A_544 : f32 to vector<16xf32>
        %mul3A_546 = arith.mulf %mul3A_545, %add3A_543 : vector<16xf32>
        %max3A_547 = arith.maximumf %add3A_543, %mul3A_546 : vector<16xf32>
        %exp3A_548 = math.exp %max3A_547 : vector<16xf32>
        %swap3A_549 = arith.constant 32 : index
        %swap3A_550 = tpu.vector_load %arg24[%swap3A_549] {strides = array<i32>} : memref<144xf32, #tpu.memory_space<vmem>>, vector<16xf32>,
        %swap3A_551 = vector.shape_cast %swap3A_550 : vector<16xf32> to vector<16xf32>
        %swap3A_552 = vector.shape_cast %exp3A_548 : vector<16xf32> to vector<16xf32>
        tpu.vector_store %arg24[%swap3A_549], %swap3A_552 {strides = array<i32>} : memref<144xf32, #tpu.memory_space<vmem>>, vector<16xf32>,
        %get3A_553 = arith.constant 48 : index
        %get3A_554 = tpu.vector_load %arg17[%get3A_553] {strides = array<i32>} : memref<128xf32, #tpu.memory_space<vmem>>, vector<16xf32>,
        %get3A_555 = vector.shape_cast %get3A_554 : vector<16xf32> to vector<16xf32>
        %get3A_556 = arith.constant 48 : index
        %get3A_557 = tpu.vector_load %arg19[%get3A_556] {strides = array<i32>} : memref<128xf32, #tpu.memory_space<vmem>>, vector<16xf32>,
        %get3A_558 = vector.shape_cast %get3A_557 : vector<16xf32> to vector<16xf32>
        %add3A_559 = arith.addf %get3A_555, %get3A_558 : vector<16xf32>
        %get3A_560 = arith.constant 48 : index
        %get3A_561 = tpu.vector_load %arg21[%get3A_560] {strides = array<i32>} : memref<128xf32, #tpu.memory_space<vmem>>, vector<16xf32>,
        %get3A_562 = vector.shape_cast %get3A_561 : vector<16xf32> to vector<16xf32>
        %add3A_563 = arith.addf %add3A_559, %get3A_562 : vector<16xf32>
        %mul3A_564 = arith.constant 2.000000e-01 : f32
        %mul3A_565 = vector.broadcast %mul3A_564 : f32 to vector<16xf32>
        %mul3A_566 = arith.mulf %mul3A_565, %add3A_563 : vector<16xf32>
        %max3A_567 = arith.maximumf %add3A_563, %mul3A_566 : vector<16xf32>
        %exp3A_568 = math.exp %max3A_567 : vector<16xf32>
        %swap3A_569 = arith.constant 48 : index
        %swap3A_570 = tpu.vector_load %arg23[%swap3A_569] {strides = array<i32>} : memref<144xf32, #tpu.memory_space<vmem>>, vector<16xf32>,
        %swap3A_571 = vector.shape_cast %swap3A_570 : vector<16xf32> to vector<16xf32>
        %swap3A_572 = vector.shape_cast %exp3A_568 : vector<16xf32> to vector<16xf32>
        tpu.vector_store %arg23[%swap3A_569], %swap3A_572 {strides = array<i32>} : memref<144xf32, #tpu.memory_space<vmem>>, vector<16xf32>,
        %get3A_573 = arith.constant 48 : index
        %get3A_574 = tpu.vector_load %arg18[%get3A_573] {strides = array<i32>} : memref<128xf32, #tpu.memory_space<vmem>>, vector<16xf32>,
        %get3A_575 = vector.shape_cast %get3A_574 : vector<16xf32> to vector<16xf32>
        %get3A_576 = arith.constant 48 : index
        %get3A_577 = tpu.vector_load %arg20[%get3A_576] {strides = array<i32>} : memref<128xf32, #tpu.memory_space<vmem>>, vector<16xf32>,
        %get3A_578 = vector.shape_cast %get3A_577 : vector<16xf32> to vector<16xf32>
        %add3A_579 = arith.addf %get3A_575, %get3A_578 : vector<16xf32>
        %get3A_580 = arith.constant 48 : index
        %get3A_581 = tpu.vector_load %arg22[%get3A_580] {strides = array<i32>} : memref<128xf32, #tpu.memory_space<vmem>>, vector<16xf32>,
        %get3A_582 = vector.shape_cast %get3A_581 : vector<16xf32> to vector<16xf32>
        %add3A_583 = arith.addf %add3A_579, %get3A_582 : vector<16xf32>
        %mul3A_584 = arith.constant 2.000000e-01 : f32
        %mul3A_585 = vector.broadcast %mul3A_584 : f32 to vector<16xf32>
        %mul3A_586 = arith.mulf %mul3A_585, %add3A_583 : vector<16xf32>
        %max3A_587 = arith.maximumf %add3A_583, %mul3A_586 : vector<16xf32>
        %exp3A_588 = math.exp %max3A_587 : vector<16xf32>
        %swap3A_589 = arith.constant 48 : index
        %swap3A_590 = tpu.vector_load %arg24[%swap3A_589] {strides = array<i32>} : memref<144xf32, #tpu.memory_space<vmem>>, vector<16xf32>,
        %swap3A_591 = vector.shape_cast %swap3A_590 : vector<16xf32> to vector<16xf32>
        %swap3A_592 = vector.shape_cast %exp3A_588 : vector<16xf32> to vector<16xf32>
        tpu.vector_store %arg24[%swap3A_589], %swap3A_592 {strides = array<i32>} : memref<144xf32, #tpu.memory_space<vmem>>, vector<16xf32>,
        %get3A_593 = arith.constant 64 : index
        %get3A_594 = tpu.vector_load %arg17[%get3A_593] {strides = array<i32>} : memref<128xf32, #tpu.memory_space<vmem>>, vector<16xf32>,
        %get3A_595 = vector.shape_cast %get3A_594 : vector<16xf32> to vector<16xf32>
        %get3A_596 = arith.constant 64 : index
        %get3A_597 = tpu.vector_load %arg19[%get3A_596] {strides = array<i32>} : memref<128xf32, #tpu.memory_space<vmem>>, vector<16xf32>,
        %get3A_598 = vector.shape_cast %get3A_597 : vector<16xf32> to vector<16xf32>
        %add3A_599 = arith.addf %get3A_595, %get3A_598 : vector<16xf32>
        %get3A_600 = arith.constant 64 : index
        %get3A_601 = tpu.vector_load %arg21[%get3A_600] {strides = array<i32>} : memref<128xf32, #tpu.memory_space<vmem>>, vector<16xf32>,
        %get3A_602 = vector.shape_cast %get3A_601 : vector<16xf32> to vector<16xf32>
        %add3A_603 = arith.addf %add3A_599, %get3A_602 : vector<16xf32>
        %mul3A_604 = arith.constant 2.000000e-01 : f32
        %mul3A_605 = vector.broadcast %mul3A_604 : f32 to vector<16xf32>
        %mul3A_606 = arith.mulf %mul3A_605, %add3A_603 : vector<16xf32>
        %max3A_607 = arith.maximumf %add3A_603, %mul3A_606 : vector<16xf32>
        %exp3A_608 = math.exp %max3A_607 : vector<16xf32>
        %swap3A_609 = arith.constant 64 : index
        %swap3A_610 = tpu.vector_load %arg23[%swap3A_609] {strides = array<i32>} : memref<144xf32, #tpu.memory_space<vmem>>, vector<16xf32>,
        %swap3A_611 = vector.shape_cast %swap3A_610 : vector<16xf32> to vector<16xf32>
        %swap3A_612 = vector.shape_cast %exp3A_608 : vector<16xf32> to vector<16xf32>
        tpu.vector_store %arg23[%swap3A_609], %swap3A_612 {strides = array<i32>} : memref<144xf32, #tpu.memory_space<vmem>>, vector<16xf32>,
        %get3A_613 = arith.constant 64 : index
        %get3A_614 = tpu.vector_load %arg18[%get3A_613] {strides = array<i32>} : memref<128xf32, #tpu.memory_space<vmem>>, vector<16xf32>,
        %get3A_615 = vector.shape_cast %get3A_614 : vector<16xf32> to vector<16xf32>
        %get3A_616 = arith.constant 64 : index
        %get3A_617 = tpu.vector_load %arg20[%get3A_616] {strides = array<i32>} : memref<128xf32, #tpu.memory_space<vmem>>, vector<16xf32>,
        %get3A_618 = vector.shape_cast %get3A_617 : vector<16xf32> to vector<16xf32>
        %add3A_619 = arith.addf %get3A_615, %get3A_618 : vector<16xf32>
        %get3A_620 = arith.constant 64 : index
        %get3A_621 = tpu.vector_load %arg22[%get3A_620] {strides = array<i32>} : memref<128xf32, #tpu.memory_space<vmem>>, vector<16xf32>,
        %get3A_622 = vector.shape_cast %get3A_621 : vector<16xf32> to vector<16xf32>
        %add3A_623 = arith.addf %add3A_619, %get3A_622 : vector<16xf32>
        %mul3A_624 = arith.constant 2.000000e-01 : f32
        %mul3A_625 = vector.broadcast %mul3A_624 : f32 to vector<16xf32>
        %mul3A_626 = arith.mulf %mul3A_625, %add3A_623 : vector<16xf32>
        %max3A_627 = arith.maximumf %add3A_623, %mul3A_626 : vector<16xf32>
        %exp3A_628 = math.exp %max3A_627 : vector<16xf32>
        %swap3A_629 = arith.constant 64 : index
        %swap3A_630 = tpu.vector_load %arg24[%swap3A_629] {strides = array<i32>} : memref<144xf32, #tpu.memory_space<vmem>>, vector<16xf32>,
        %swap3A_631 = vector.shape_cast %swap3A_630 : vector<16xf32> to vector<16xf32>
        %swap3A_632 = vector.shape_cast %exp3A_628 : vector<16xf32> to vector<16xf32>
        tpu.vector_store %arg24[%swap3A_629], %swap3A_632 {strides = array<i32>} : memref<144xf32, #tpu.memory_space<vmem>>, vector<16xf32>,
        %get3A_633 = arith.constant 80 : index
        %get3A_634 = tpu.vector_load %arg17[%get3A_633] {strides = array<i32>} : memref<128xf32, #tpu.memory_space<vmem>>, vector<16xf32>,
        %get3A_635 = vector.shape_cast %get3A_634 : vector<16xf32> to vector<16xf32>
        %get3A_636 = arith.constant 80 : index
        %get3A_637 = tpu.vector_load %arg19[%get3A_636] {strides = array<i32>} : memref<128xf32, #tpu.memory_space<vmem>>, vector<16xf32>,
        %get3A_638 = vector.shape_cast %get3A_637 : vector<16xf32> to vector<16xf32>
        %add3A_639 = arith.addf %get3A_635, %get3A_638 : vector<16xf32>
        %get3A_640 = arith.constant 80 : index
        %get3A_641 = tpu.vector_load %arg21[%get3A_640] {strides = array<i32>} : memref<128xf32, #tpu.memory_space<vmem>>, vector<16xf32>,
        %get3A_642 = vector.shape_cast %get3A_641 : vector<16xf32> to vector<16xf32>
        %add3A_643 = arith.addf %add3A_639, %get3A_642 : vector<16xf32>
        %mul3A_644 = arith.constant 2.000000e-01 : f32
        %mul3A_645 = vector.broadcast %mul3A_644 : f32 to vector<16xf32>
        %mul3A_646 = arith.mulf %mul3A_645, %add3A_643 : vector<16xf32>
        %max3A_647 = arith.maximumf %add3A_643, %mul3A_646 : vector<16xf32>
        %exp3A_648 = math.exp %max3A_647 : vector<16xf32>
        %swap3A_649 = arith.constant 80 : index
        %swap3A_650 = tpu.vector_load %arg23[%swap3A_649] {strides = array<i32>} : memref<144xf32, #tpu.memory_space<vmem>>, vector<16xf32>,
        %swap3A_651 = vector.shape_cast %swap3A_650 : vector<16xf32> to vector<16xf32>
        %swap3A_652 = vector.shape_cast %exp3A_648 : vector<16xf32> to vector<16xf32>
        tpu.vector_store %arg23[%swap3A_649], %swap3A_652 {strides = array<i32>} : memref<144xf32, #tpu.memory_space<vmem>>, vector<16xf32>,
        %get3A_653 = arith.constant 80 : index
        %get3A_654 = tpu.vector_load %arg18[%get3A_653] {strides = array<i32>} : memref<128xf32, #tpu.memory_space<vmem>>, vector<16xf32>,
        %get3A_655 = vector.shape_cast %get3A_654 : vector<16xf32> to vector<16xf32>
        %get3A_656 = arith.constant 80 : index
        %get3A_657 = tpu.vector_load %arg20[%get3A_656] {strides = array<i32>} : memref<128xf32, #tpu.memory_space<vmem>>, vector<16xf32>,
        %get3A_658 = vector.shape_cast %get3A_657 : vector<16xf32> to vector<16xf32>
        %add3A_659 = arith.addf %get3A_655, %get3A_658 : vector<16xf32>
        %get3A_660 = arith.constant 80 : index
        %get3A_661 = tpu.vector_load %arg22[%get3A_660] {strides = array<i32>} : memref<128xf32, #tpu.memory_space<vmem>>, vector<16xf32>,
        %get3A_662 = vector.shape_cast %get3A_661 : vector<16xf32> to vector<16xf32>
        %add3A_663 = arith.addf %add3A_659, %get3A_662 : vector<16xf32>
        %mul3A_664 = arith.constant 2.000000e-01 : f32
        %mul3A_665 = vector.broadcast %mul3A_664 : f32 to vector<16xf32>
        %mul3A_666 = arith.mulf %mul3A_665, %add3A_663 : vector<16xf32>
        %max3A_667 = arith.maximumf %add3A_663, %mul3A_666 : vector<16xf32>
        %exp3A_668 = math.exp %max3A_667 : vector<16xf32>
        %swap3A_669 = arith.constant 80 : index
        %swap3A_670 = tpu.vector_load %arg24[%swap3A_669] {strides = array<i32>} : memref<144xf32, #tpu.memory_space<vmem>>, vector<16xf32>,
        %swap3A_671 = vector.shape_cast %swap3A_670 : vector<16xf32> to vector<16xf32>
        %swap3A_672 = vector.shape_cast %exp3A_668 : vector<16xf32> to vector<16xf32>
        tpu.vector_store %arg24[%swap3A_669], %swap3A_672 {strides = array<i32>} : memref<144xf32, #tpu.memory_space<vmem>>, vector<16xf32>,
        %get3A_673 = arith.constant 96 : index
        %get3A_674 = tpu.vector_load %arg17[%get3A_673] {strides = array<i32>} : memref<128xf32, #tpu.memory_space<vmem>>, vector<16xf32>,
        %get3A_675 = vector.shape_cast %get3A_674 : vector<16xf32> to vector<16xf32>
        %get3A_676 = arith.constant 96 : index
        %get3A_677 = tpu.vector_load %arg19[%get3A_676] {strides = array<i32>} : memref<128xf32, #tpu.memory_space<vmem>>, vector<16xf32>,
        %get3A_678 = vector.shape_cast %get3A_677 : vector<16xf32> to vector<16xf32>
        %add3A_679 = arith.addf %get3A_675, %get3A_678 : vector<16xf32>
        %get3A_680 = arith.constant 96 : index
        %get3A_681 = tpu.vector_load %arg21[%get3A_680] {strides = array<i32>} : memref<128xf32, #tpu.memory_space<vmem>>, vector<16xf32>,
        %get3A_682 = vector.shape_cast %get3A_681 : vector<16xf32> to vector<16xf32>
        %add3A_683 = arith.addf %add3A_679, %get3A_682 : vector<16xf32>
        %mul3A_684 = arith.constant 2.000000e-01 : f32
        %mul3A_685 = vector.broadcast %mul3A_684 : f32 to vector<16xf32>
        %mul3A_686 = arith.mulf %mul3A_685, %add3A_683 : vector<16xf32>
        %max3A_687 = arith.maximumf %add3A_683, %mul3A_686 : vector<16xf32>
        %exp3A_688 = math.exp %max3A_687 : vector<16xf32>
        %swap3A_689 = arith.constant 96 : index
        %swap3A_690 = tpu.vector_load %arg23[%swap3A_689] {strides = array<i32>} : memref<144xf32, #tpu.memory_space<vmem>>, vector<16xf32>,
        %swap3A_691 = vector.shape_cast %swap3A_690 : vector<16xf32> to vector<16xf32>
        %swap3A_692 = vector.shape_cast %exp3A_688 : vector<16xf32> to vector<16xf32>
        tpu.vector_store %arg23[%swap3A_689], %swap3A_692 {strides = array<i32>} : memref<144xf32, #tpu.memory_space<vmem>>, vector<16xf32>,
        %get3A_693 = arith.constant 96 : index
        %get3A_694 = tpu.vector_load %arg18[%get3A_693] {strides = array<i32>} : memref<128xf32, #tpu.memory_space<vmem>>, vector<16xf32>,
        %get3A_695 = vector.shape_cast %get3A_694 : vector<16xf32> to vector<16xf32>
        %get3A_696 = arith.constant 96 : index
        %get3A_697 = tpu.vector_load %arg20[%get3A_696] {strides = array<i32>} : memref<128xf32, #tpu.memory_space<vmem>>, vector<16xf32>,
        %get3A_698 = vector.shape_cast %get3A_697 : vector<16xf32> to vector<16xf32>
        %add3A_699 = arith.addf %get3A_695, %get3A_698 : vector<16xf32>
        %get3A_700 = arith.constant 96 : index
        %get3A_701 = tpu.vector_load %arg22[%get3A_700] {strides = array<i32>} : memref<128xf32, #tpu.memory_space<vmem>>, vector<16xf32>,
        %get3A_702 = vector.shape_cast %get3A_701 : vector<16xf32> to vector<16xf32>
        %add3A_703 = arith.addf %add3A_699, %get3A_702 : vector<16xf32>
        %mul3A_704 = arith.constant 2.000000e-01 : f32
        %mul3A_705 = vector.broadcast %mul3A_704 : f32 to vector<16xf32>
        %mul3A_706 = arith.mulf %mul3A_705, %add3A_703 : vector<16xf32>
        %max3A_707 = arith.maximumf %add3A_703, %mul3A_706 : vector<16xf32>
        %exp3A_708 = math.exp %max3A_707 : vector<16xf32>
        %swap3A_709 = arith.constant 96 : index
        %swap3A_710 = tpu.vector_load %arg24[%swap3A_709] {strides = array<i32>} : memref<144xf32, #tpu.memory_space<vmem>>, vector<16xf32>,
        %swap3A_711 = vector.shape_cast %swap3A_710 : vector<16xf32> to vector<16xf32>
        %swap3A_712 = vector.shape_cast %exp3A_708 : vector<16xf32> to vector<16xf32>
        tpu.vector_store %arg24[%swap3A_709], %swap3A_712 {strides = array<i32>} : memref<144xf32, #tpu.memory_space<vmem>>, vector<16xf32>,
        %get3A_713 = arith.constant 112 : index
        %get3A_714 = tpu.vector_load %arg17[%get3A_713] {strides = array<i32>} : memref<128xf32, #tpu.memory_space<vmem>>, vector<16xf32>,
        %get3A_715 = vector.shape_cast %get3A_714 : vector<16xf32> to vector<16xf32>
        %get3A_716 = arith.constant 112 : index
        %get3A_717 = tpu.vector_load %arg19[%get3A_716] {strides = array<i32>} : memref<128xf32, #tpu.memory_space<vmem>>, vector<16xf32>,
        %get3A_718 = vector.shape_cast %get3A_717 : vector<16xf32> to vector<16xf32>
        %add3A_719 = arith.addf %get3A_715, %get3A_718 : vector<16xf32>
        %get3A_720 = arith.constant 112 : index
        %get3A_721 = tpu.vector_load %arg21[%get3A_720] {strides = array<i32>} : memref<128xf32, #tpu.memory_space<vmem>>, vector<16xf32>,
        %get3A_722 = vector.shape_cast %get3A_721 : vector<16xf32> to vector<16xf32>
        %add3A_723 = arith.addf %add3A_719, %get3A_722 : vector<16xf32>
        %mul3A_724 = arith.constant 2.000000e-01 : f32
        %mul3A_725 = vector.broadcast %mul3A_724 : f32 to vector<16xf32>
        %mul3A_726 = arith.mulf %mul3A_725, %add3A_723 : vector<16xf32>
        %max3A_727 = arith.maximumf %add3A_723, %mul3A_726 : vector<16xf32>
        %exp3A_728 = math.exp %max3A_727 : vector<16xf32>
        %swap3A_729 = arith.constant 112 : index
        %swap3A_730 = tpu.vector_load %arg23[%swap3A_729] {strides = array<i32>} : memref<144xf32, #tpu.memory_space<vmem>>, vector<16xf32>,
        %swap3A_731 = vector.shape_cast %swap3A_730 : vector<16xf32> to vector<16xf32>
        %swap3A_732 = vector.shape_cast %exp3A_728 : vector<16xf32> to vector<16xf32>
        tpu.vector_store %arg23[%swap3A_729], %swap3A_732 {strides = array<i32>} : memref<144xf32, #tpu.memory_space<vmem>>, vector<16xf32>,
        %get3A_733 = arith.constant 112 : index
        %get3A_734 = tpu.vector_load %arg18[%get3A_733] {strides = array<i32>} : memref<128xf32, #tpu.memory_space<vmem>>, vector<16xf32>,
        %get3A_735 = vector.shape_cast %get3A_734 : vector<16xf32> to vector<16xf32>
        %get3A_736 = arith.constant 112 : index
        %get3A_737 = tpu.vector_load %arg20[%get3A_736] {strides = array<i32>} : memref<128xf32, #tpu.memory_space<vmem>>, vector<16xf32>,
        %get3A_738 = vector.shape_cast %get3A_737 : vector<16xf32> to vector<16xf32>
        %add3A_739 = arith.addf %get3A_735, %get3A_738 : vector<16xf32>
        %get3A_740 = arith.constant 112 : index
        %get3A_741 = tpu.vector_load %arg22[%get3A_740] {strides = array<i32>} : memref<128xf32, #tpu.memory_space<vmem>>, vector<16xf32>,
        %get3A_742 = vector.shape_cast %get3A_741 : vector<16xf32> to vector<16xf32>
        %add3A_743 = arith.addf %add3A_739, %get3A_742 : vector<16xf32>
        %mul3A_744 = arith.constant 2.000000e-01 : f32
        %mul3A_745 = vector.broadcast %mul3A_744 : f32 to vector<16xf32>
        %mul3A_746 = arith.mulf %mul3A_745, %add3A_743 : vector<16xf32>
        %max3A_747 = arith.maximumf %add3A_743, %mul3A_746 : vector<16xf32>
        %exp3A_748 = math.exp %max3A_747 : vector<16xf32>
        %swap3A_749 = arith.constant 112 : index
        %swap3A_750 = tpu.vector_load %arg24[%swap3A_749] {strides = array<i32>} : memref<144xf32, #tpu.memory_space<vmem>>, vector<16xf32>,
        %swap3A_751 = vector.shape_cast %swap3A_750 : vector<16xf32> to vector<16xf32>
        %swap3A_752 = vector.shape_cast %exp3A_748 : vector<16xf32> to vector<16xf32>
        tpu.vector_store %arg24[%swap3A_749], %swap3A_752 {strides = array<i32>} : memref<144xf32, #tpu.memory_space<vmem>>, vector<16xf32>,
        %scan3A_753 = arith.constant 0 : i32
        %scan3A_754 = arith.constant 0 : i32
        %scan3A_755 = arith.constant 128 : i32
        %scan3A_756 = arith.addi %scan3A_754, %scan3A_755 : i32
        %scan3A_757 = arith.constant 1 : i32
        scf.for %scan3A_759 = %scan3A_754 to %scan3A_756 step %scan3A_757  : i32 {
          %get3A_760 = arith.index_cast %scan3A_759 : i32 to index
          %get3A_761 = tpu.vector_load %arg23[%get3A_760] {strides = array<i32>} : memref<144xf32, #tpu.memory_space<vmem>>, vector<16xf32>,
          %get3A_762 = vector.shape_cast %get3A_761 : vector<16xf32> to vector<16xf32>
          %slice3A = vector.extract_strided_slice %get3A_762 {offsets = [0], sizes = [1], strides = [1]} : vector<16xf32> to vector<1xf32>
          %squeeze3A = vector.extract %slice3A[0] : f32 from vector<1xf32>
          %get3A_763 = arith.index_cast %scan3A_759 : i32 to index
          %get3A_764 = tpu.vector_load %arg24[%get3A_763] {strides = array<i32>} : memref<144xf32, #tpu.memory_space<vmem>>, vector<16xf32>,
          %get3A_765 = vector.shape_cast %get3A_764 : vector<16xf32> to vector<16xf32>
          %slice3A_766 = vector.extract_strided_slice %get3A_765 {offsets = [0], sizes = [1], strides = [1]} : vector<16xf32> to vector<1xf32>
          %squeeze3A_767 = vector.extract %slice3A_766[0] : f32 from vector<1xf32>
          %get3A_768 = arith.index_cast %scan3A_759 : i32 to index
          %get3A_769 = arith.constant 0 : index
          %get3A_770 = tpu.vector_load %arg16[%get3A_768, %get3A_769] {strides = array<i32>} : memref<128x128xf32, #tpu.memory_space<vmem>>, vector<1x16xf32>,
          %get3A_771 = vector.shape_cast %get3A_770 : vector<1x16xf32> to vector<16xf32>
          %mul3A_772 = vector.broadcast %squeeze3A : f32 to vector<16xf32>
          %mul3A_773 = arith.mulf %get3A_771, %mul3A_772 : vector<16xf32>
          %swap3A_774 = arith.index_cast %scan3A_759 : i32 to index
          %swap3A_775 = arith.constant 0 : index
          %swap3A_776 = tpu.vector_load %arg25[%swap3A_774, %swap3A_775] {strides = array<i32>} : memref<128x144xf32, #tpu.memory_space<vmem>>, vector<1x16xf32>,
          %swap3A_777 = vector.shape_cast %swap3A_776 : vector<1x16xf32> to vector<16xf32>
          %swap3A_778 = vector.shape_cast %mul3A_773 : vector<16xf32> to vector<1x16xf32>
          tpu.vector_store %arg25[%swap3A_774, %swap3A_775], %swap3A_778 {strides = array<i32>} : memref<128x144xf32, #tpu.memory_space<vmem>>, vector<1x16xf32>,
          %get3A_779 = arith.index_cast %scan3A_759 : i32 to index
          %get3A_780 = arith.constant 16 : index
          %get3A_781 = tpu.vector_load %arg16[%get3A_779, %get3A_780] {strides = array<i32>} : memref<128x128xf32, #tpu.memory_space<vmem>>, vector<1x16xf32>,
          %get3A_782 = vector.shape_cast %get3A_781 : vector<1x16xf32> to vector<16xf32>
          %mul3A_783 = vector.broadcast %squeeze3A : f32 to vector<16xf32>
          %mul3A_784 = arith.mulf %get3A_782, %mul3A_783 : vector<16xf32>
          %swap3A_785 = arith.index_cast %scan3A_759 : i32 to index
          %swap3A_786 = arith.constant 16 : index
          %swap3A_787 = tpu.vector_load %arg25[%swap3A_785, %swap3A_786] {strides = array<i32>} : memref<128x144xf32, #tpu.memory_space<vmem>>, vector<1x16xf32>,
          %swap3A_788 = vector.shape_cast %swap3A_787 : vector<1x16xf32> to vector<16xf32>
          %swap3A_789 = vector.shape_cast %mul3A_784 : vector<16xf32> to vector<1x16xf32>
          tpu.vector_store %arg25[%swap3A_785, %swap3A_786], %swap3A_789 {strides = array<i32>} : memref<128x144xf32, #tpu.memory_space<vmem>>, vector<1x16xf32>,
          %get3A_790 = arith.index_cast %scan3A_759 : i32 to index
          %get3A_791 = arith.constant 32 : index
          %get3A_792 = tpu.vector_load %arg16[%get3A_790, %get3A_791] {strides = array<i32>} : memref<128x128xf32, #tpu.memory_space<vmem>>, vector<1x16xf32>,
          %get3A_793 = vector.shape_cast %get3A_792 : vector<1x16xf32> to vector<16xf32>
          %mul3A_794 = vector.broadcast %squeeze3A : f32 to vector<16xf32>
          %mul3A_795 = arith.mulf %get3A_793, %mul3A_794 : vector<16xf32>
          %swap3A_796 = arith.index_cast %scan3A_759 : i32 to index
          %swap3A_797 = arith.constant 32 : index
          %swap3A_798 = tpu.vector_load %arg25[%swap3A_796, %swap3A_797] {strides = array<i32>} : memref<128x144xf32, #tpu.memory_space<vmem>>, vector<1x16xf32>,
          %swap3A_799 = vector.shape_cast %swap3A_798 : vector<1x16xf32> to vector<16xf32>
          %swap3A_800 = vector.shape_cast %mul3A_795 : vector<16xf32> to vector<1x16xf32>
          tpu.vector_store %arg25[%swap3A_796, %swap3A_797], %swap3A_800 {strides = array<i32>} : memref<128x144xf32, #tpu.memory_space<vmem>>, vector<1x16xf32>,
          %get3A_801 = arith.index_cast %scan3A_759 : i32 to index
          %get3A_802 = arith.constant 48 : index
          %get3A_803 = tpu.vector_load %arg16[%get3A_801, %get3A_802] {strides = array<i32>} : memref<128x128xf32, #tpu.memory_space<vmem>>, vector<1x16xf32>,
          %get3A_804 = vector.shape_cast %get3A_803 : vector<1x16xf32> to vector<16xf32>
          %mul3A_805 = vector.broadcast %squeeze3A : f32 to vector<16xf32>
          %mul3A_806 = arith.mulf %get3A_804, %mul3A_805 : vector<16xf32>
          %swap3A_807 = arith.index_cast %scan3A_759 : i32 to index
          %swap3A_808 = arith.constant 48 : index
          %swap3A_809 = tpu.vector_load %arg25[%swap3A_807, %swap3A_808] {strides = array<i32>} : memref<128x144xf32, #tpu.memory_space<vmem>>, vector<1x16xf32>,
          %swap3A_810 = vector.shape_cast %swap3A_809 : vector<1x16xf32> to vector<16xf32>
          %swap3A_811 = vector.shape_cast %mul3A_806 : vector<16xf32> to vector<1x16xf32>
          tpu.vector_store %arg25[%swap3A_807, %swap3A_808], %swap3A_811 {strides = array<i32>} : memref<128x144xf32, #tpu.memory_space<vmem>>, vector<1x16xf32>,
          %get3A_812 = arith.index_cast %scan3A_759 : i32 to index
          %get3A_813 = arith.constant 64 : index
          %get3A_814 = tpu.vector_load %arg16[%get3A_812, %get3A_813] {strides = array<i32>} : memref<128x128xf32, #tpu.memory_space<vmem>>, vector<1x16xf32>,
          %get3A_815 = vector.shape_cast %get3A_814 : vector<1x16xf32> to vector<16xf32>
          %mul3A_816 = vector.broadcast %squeeze3A_767 : f32 to vector<16xf32>
          %mul3A_817 = arith.mulf %get3A_815, %mul3A_816 : vector<16xf32>
          %swap3A_818 = arith.index_cast %scan3A_759 : i32 to index
          %swap3A_819 = arith.constant 64 : index
          %swap3A_820 = tpu.vector_load %arg25[%swap3A_818, %swap3A_819] {strides = array<i32>} : memref<128x144xf32, #tpu.memory_space<vmem>>, vector<1x16xf32>,
          %swap3A_821 = vector.shape_cast %swap3A_820 : vector<1x16xf32> to vector<16xf32>
          %swap3A_822 = vector.shape_cast %mul3A_817 : vector<16xf32> to vector<1x16xf32>
          tpu.vector_store %arg25[%swap3A_818, %swap3A_819], %swap3A_822 {strides = array<i32>} : memref<128x144xf32, #tpu.memory_space<vmem>>, vector<1x16xf32>,
          %get3A_823 = arith.index_cast %scan3A_759 : i32 to index
          %get3A_824 = arith.constant 80 : index
          %get3A_825 = tpu.vector_load %arg16[%get3A_823, %get3A_824] {strides = array<i32>} : memref<128x128xf32, #tpu.memory_space<vmem>>, vector<1x16xf32>,
          %get3A_826 = vector.shape_cast %get3A_825 : vector<1x16xf32> to vector<16xf32>
          %mul3A_827 = vector.broadcast %squeeze3A_767 : f32 to vector<16xf32>
          %mul3A_828 = arith.mulf %get3A_826, %mul3A_827 : vector<16xf32>
          %swap3A_829 = arith.index_cast %scan3A_759 : i32 to index
          %swap3A_830 = arith.constant 80 : index
          %swap3A_831 = tpu.vector_load %arg25[%swap3A_829, %swap3A_830] {strides = array<i32>} : memref<128x144xf32, #tpu.memory_space<vmem>>, vector<1x16xf32>,
          %swap3A_832 = vector.shape_cast %swap3A_831 : vector<1x16xf32> to vector<16xf32>
          %swap3A_833 = vector.shape_cast %mul3A_828 : vector<16xf32> to vector<1x16xf32>
          tpu.vector_store %arg25[%swap3A_829, %swap3A_830], %swap3A_833 {strides = array<i32>} : memref<128x144xf32, #tpu.memory_space<vmem>>, vector<1x16xf32>,
          %get3A_834 = arith.index_cast %scan3A_759 : i32 to index
          %get3A_835 = arith.constant 96 : index
          %get3A_836 = tpu.vector_load %arg16[%get3A_834, %get3A_835] {strides = array<i32>} : memref<128x128xf32, #tpu.memory_space<vmem>>, vector<1x16xf32>,
          %get3A_837 = vector.shape_cast %get3A_836 : vector<1x16xf32> to vector<16xf32>
          %mul3A_838 = vector.broadcast %squeeze3A_767 : f32 to vector<16xf32>
          %mul3A_839 = arith.mulf %get3A_837, %mul3A_838 : vector<16xf32>
          %swap3A_840 = arith.index_cast %scan3A_759 : i32 to index
          %swap3A_841 = arith.constant 96 : index
          %swap3A_842 = tpu.vector_load %arg25[%swap3A_840, %swap3A_841] {strides = array<i32>} : memref<128x144xf32, #tpu.memory_space<vmem>>, vector<1x16xf32>,
          %swap3A_843 = vector.shape_cast %swap3A_842 : vector<1x16xf32> to vector<16xf32>
          %swap3A_844 = vector.shape_cast %mul3A_839 : vector<16xf32> to vector<1x16xf32>
          tpu.vector_store %arg25[%swap3A_840, %swap3A_841], %swap3A_844 {strides = array<i32>} : memref<128x144xf32, #tpu.memory_space<vmem>>, vector<1x16xf32>,
          %get3A_845 = arith.index_cast %scan3A_759 : i32 to index
          %get3A_846 = arith.constant 112 : index
          %get3A_847 = tpu.vector_load %arg16[%get3A_845, %get3A_846] {strides = array<i32>} : memref<128x128xf32, #tpu.memory_space<vmem>>, vector<1x16xf32>,
          %get3A_848 = vector.shape_cast %get3A_847 : vector<1x16xf32> to vector<16xf32>
          %mul3A_849 = vector.broadcast %squeeze3A_767 : f32 to vector<16xf32>
          %mul3A_850 = arith.mulf %get3A_848, %mul3A_849 : vector<16xf32>
          %swap3A_851 = arith.index_cast %scan3A_759 : i32 to index
          %swap3A_852 = arith.constant 112 : index
          %swap3A_853 = tpu.vector_load %arg25[%swap3A_851, %swap3A_852] {strides = array<i32>} : memref<128x144xf32, #tpu.memory_space<vmem>>, vector<1x16xf32>,
          %swap3A_854 = vector.shape_cast %swap3A_853 : vector<1x16xf32> to vector<16xf32>
          %swap3A_855 = vector.shape_cast %mul3A_850 : vector<16xf32> to vector<1x16xf32>
          tpu.vector_store %arg25[%swap3A_851, %swap3A_852], %swap3A_855 {strides = array<i32>} : memref<128x144xf32, #tpu.memory_space<vmem>>, vector<1x16xf32>,
          %iota3A = tpu.iota {dimensions = array<i32: 0>} : vector<16xi32>
          %eq3A_856 = arith.constant 0 : i32
          %eq3A_857 = vector.broadcast %eq3A_856 : i32 to vector<16xi32>
          %eq3A_858 = arith.cmpi eq, %iota3A, %eq3A_857 : vector<16xi32>
          %eq3A_859 = arith.constant 1 : i32
          %eq3A_860 = vector.broadcast %eq3A_859 : i32 to vector<16xi32>
          %eq3A_861 = arith.cmpi eq, %iota3A, %eq3A_860 : vector<16xi32>
          %jit3A = arith.constant 0.000000e+00 : f32
          %broadcast_in_dim3A = vector.broadcast %squeeze3A_767 : f32 to vector<16xf32>
          %broadcast_in_dim3A_862 = vector.broadcast %jit3A : f32 to vector<16xf32>
          %select_n3A = arith.select %eq3A_861, %broadcast_in_dim3A, %broadcast_in_dim3A_862 : vector<16xi1>, vector<16xf32>
          %broadcast_in_dim3A_863 = vector.broadcast %squeeze3A : f32 to vector<16xf32>
          %select_n3A_864 = arith.select %eq3A_858, %broadcast_in_dim3A_863, %select_n3A : vector<16xi1>, vector<16xf32>
          %swap3A_865 = arith.index_cast %scan3A_759 : i32 to index
          %swap3A_866 = arith.constant 128 : index
          %swap3A_867 = tpu.vector_load %arg25[%swap3A_865, %swap3A_866] {strides = array<i32>} : memref<128x144xf32, #tpu.memory_space<vmem>>, vector<1x16xf32>,
          %swap3A_868 = vector.shape_cast %swap3A_867 : vector<1x16xf32> to vector<16xf32>
          %swap3A_869 = vector.shape_cast %select_n3A_864 : vector<16xf32> to vector<1x16xf32>
          tpu.vector_store %arg25[%swap3A_865, %swap3A_866], %swap3A_869 {strides = array<i32>} : memref<128x144xf32, #tpu.memory_space<vmem>>, vector<1x16xf32>,
        }
        %scan3A_758 = arith.constant 128 : i32
        "tpu.region"() ({
          %run_scoped3A_759 = tpu.sem_alloc : memref<!tpu.dma_semaphore, #tpu.memory_space<semaphore_mem>>
          %dma_start3A_760 = arith.constant 0 : i32
          %dma_start3A_761 = arith.constant 0 : i32
          %dma_start3A_762 = tpu.memref_slice %arg8[%dma_start3A_760, %dma_start3A_761] : memref<10000x144xf32, #tpu.memory_space<vmem_shared>> -> memref<10000x144xf32, #tpu.memory_space<vmem_shared>>
          tpu.enqueue_indirect_dma source(%arg25 : memref<128x144xf32, #tpu.memory_space<vmem>>) target(%dma_start3A_762 : memref<10000x144xf32, #tpu.memory_space<vmem_shared>>) offsets(%arg11 : memref<128xi32, #tpu.memory_space<vmem>>) semaphore(%run_scoped3A_759 : memref<!tpu.dma_semaphore, #tpu.memory_space<semaphore_mem>>) {add = true}
          %dma_wait3A_763 = arith.constant 0 : i32
          %dma_wait3A_764 = arith.constant 0 : i32
          %dma_wait3A_765 = tpu.memref_slice %arg8[%dma_wait3A_763, %dma_wait3A_764] : memref<10000x144xf32, #tpu.memory_space<vmem_shared>> -> memref<10000x144xf32, #tpu.memory_space<vmem_shared>>
          tpu.wait_indirect_dma semaphore(%run_scoped3A_759 : memref<!tpu.dma_semaphore, #tpu.memory_space<semaphore_mem>>) src(%arg25 : memref<128x144xf32, #tpu.memory_space<vmem>>) dst(%dma_wait3A_765 : memref<10000x144xf32, #tpu.memory_space<vmem_shared>>)
          tpu.yield
        }) : () -> ()
      } else {
      }
    }
    %scan3A_17 = arith.constant 157 : i32
    %barrier3A_18 = arith.constant 0 : index
    tpu.barrier barrier_id(%barrier3A_18)
    %lt3A_19 = arith.constant 15 : i32
    %lt3A_20 = arith.cmpi slt, %arg1, %lt3A_19 : i32
    %convert_element_type3A_21 = arith.extui %lt3A_20 : i1 to i32
    %cond3A_22 = arith.constant 0 : i32
    %cond3A_23 = arith.cmpi ne, %convert_element_type3A_21, %cond3A_22 : i32
    scf.if %cond3A_23 {
      "tpu.region"() ({
        %run_scoped3A = tpu.sem_alloc : memref<!tpu.dma_semaphore, #tpu.memory_space<semaphore_mem>>
        %dma_start3A = arith.constant 0 : i32
        %dma_start3A_29 = tpu.memref_slice %arg7[%arg0, %mul3A_5, %dma_start3A] : memref<2x10000x144xf32, #tpu.memory_space<hbm>> -> memref<1x632x144xf32, #tpu.memory_space<hbm>>
        %dma_start3A_30 = tpu.memref_squeeze %dma_start3A_29 : memref<1x632x144xf32, #tpu.memory_space<hbm>> -> memref<632x144xf32, #tpu.memory_space<hbm>>
        %dma_start3A_31 = arith.constant 0 : i32
        %dma_start3A_32 = tpu.memref_slice %arg8[%mul3A_5, %dma_start3A_31] : memref<10000x144xf32, #tpu.memory_space<vmem_shared>> -> memref<632x144xf32, #tpu.memory_space<vmem_shared>>
        tpu.enqueue_dma source(%dma_start3A_32 : memref<632x144xf32, #tpu.memory_space<vmem_shared>>) target(%dma_start3A_30 : memref<632x144xf32, #tpu.memory_space<hbm>>) target_semaphore(%run_scoped3A : memref<!tpu.dma_semaphore, #tpu.memory_space<semaphore_mem>>)
        %dma_wait3A = arith.constant 0 : i32
        %dma_wait3A_33 = tpu.memref_slice %arg7[%arg0, %mul3A_5, %dma_wait3A] : memref<2x10000x144xf32, #tpu.memory_space<hbm>> -> memref<1x632x144xf32, #tpu.memory_space<hbm>>
        %dma_wait3A_34 = tpu.memref_squeeze %dma_wait3A_33 : memref<1x632x144xf32, #tpu.memory_space<hbm>> -> memref<632x144xf32, #tpu.memory_space<hbm>>
        %dma_wait3A_35 = arith.constant 0 : i32
        %dma_wait3A_36 = tpu.memref_slice %arg8[%mul3A_5, %dma_wait3A_35] : memref<10000x144xf32, #tpu.memory_space<vmem_shared>> -> memref<632x144xf32, #tpu.memory_space<vmem_shared>>
        tpu.wait_dma2 semaphore(%run_scoped3A : memref<!tpu.dma_semaphore, #tpu.memory_space<semaphore_mem>>) src(%dma_wait3A_36 : memref<632x144xf32, #tpu.memory_space<vmem_shared>>) dst(%dma_wait3A_34 : memref<632x144xf32, #tpu.memory_space<hbm>>)
        tpu.yield
      }) : () -> ()
    } else {
    }
    %eq3A_24 = arith.constant 15 : i32
    %eq3A_25 = arith.cmpi eq, %arg1, %eq3A_24 : i32
    %convert_element_type3A_26 = arith.extui %eq3A_25 : i1 to i32
    %cond3A_27 = arith.constant 0 : i32
    %cond3A_28 = arith.cmpi ne, %convert_element_type3A_26, %cond3A_27 : i32
    scf.if %cond3A_28 {
      "tpu.region"() ({
        %run_scoped3A = tpu.sem_alloc : memref<!tpu.dma_semaphore, #tpu.memory_space<semaphore_mem>>
        %dma_start3A = arith.constant 0 : i32
        %dma_start3A_29 = tpu.memref_slice %arg7[%arg0, %mul3A_5, %dma_start3A] : memref<2x10000x144xf32, #tpu.memory_space<hbm>> -> memref<1x520x144xf32, #tpu.memory_space<hbm>>
        %dma_start3A_30 = tpu.memref_squeeze %dma_start3A_29 : memref<1x520x144xf32, #tpu.memory_space<hbm>> -> memref<520x144xf32, #tpu.memory_space<hbm>>
        %dma_start3A_31 = arith.constant 0 : i32
        %dma_start3A_32 = tpu.memref_slice %arg8[%mul3A_5, %dma_start3A_31] : memref<10000x144xf32, #tpu.memory_space<vmem_shared>> -> memref<520x144xf32, #tpu.memory_space<vmem_shared>>
        tpu.enqueue_dma source(%dma_start3A_32 : memref<520x144xf32, #tpu.memory_space<vmem_shared>>) target(%dma_start3A_30 : memref<520x144xf32, #tpu.memory_space<hbm>>) target_semaphore(%run_scoped3A : memref<!tpu.dma_semaphore, #tpu.memory_space<semaphore_mem>>)
        %dma_wait3A = arith.constant 0 : i32
        %dma_wait3A_33 = tpu.memref_slice %arg7[%arg0, %mul3A_5, %dma_wait3A] : memref<2x10000x144xf32, #tpu.memory_space<hbm>> -> memref<1x520x144xf32, #tpu.memory_space<hbm>>
        %dma_wait3A_34 = tpu.memref_squeeze %dma_wait3A_33 : memref<1x520x144xf32, #tpu.memory_space<hbm>> -> memref<520x144xf32, #tpu.memory_space<hbm>>
        %dma_wait3A_35 = arith.constant 0 : i32
        %dma_wait3A_36 = tpu.memref_slice %arg8[%mul3A_5, %dma_wait3A_35] : memref<10000x144xf32, #tpu.memory_space<vmem_shared>> -> memref<520x144xf32, #tpu.memory_space<vmem_shared>>
        tpu.wait_dma2 semaphore(%run_scoped3A : memref<!tpu.dma_semaphore, #tpu.memory_space<semaphore_mem>>) src(%dma_wait3A_36 : memref<520x144xf32, #tpu.memory_space<vmem_shared>>) dst(%dma_wait3A_34 : memref<520x144xf32, #tpu.memory_space<hbm>>)
        tpu.yield
      }) : () -> ()
    } else {
    }
    return
  }
}

module attributes {stable_mosaic.version = 14 : i64} {
  func.func @_proj_body(%arg0: i32, %arg1: memref<256x128xf32, #tpu.memory_space<vmem>>, %arg2: memref<128x256xf32, #tpu.memory_space<vmem>>, %arg3: memref<256x4xf32, #tpu.memory_space<vmem>>, %arg4: memref<256x4xf32, #tpu.memory_space<vmem>>, %arg5: memref<2x256x128xf32, #tpu.memory_space<vmem>>, %arg6: memref<256x4xf32, #tpu.memory_space<vmem>>, %arg7: memref<256x4xf32, #tpu.memory_space<vmem>>) attributes {dimension_semantics = [#tpu.dimension_semantics<arbitrary>], iteration_bounds = array<i64: 40>, scalar_prefetch = 0 : i64, scratch_operands = 0 : i64, tpu.core_type = #tpu.core_type<tc>, window_params = [{transform_indices = @transform_0, window_bounds = array<i64: 256, 128>}, {pipeline_mode = #tpu.pipeline_mode<synchronous>, transform_indices = @transform_1, window_bounds = array<i64: 128, 256>}, {pipeline_mode = #tpu.pipeline_mode<synchronous>, transform_indices = @transform_2, window_bounds = array<i64: 256, 4>}, {pipeline_mode = #tpu.pipeline_mode<synchronous>, transform_indices = @transform_3, window_bounds = array<i64: 256, 4>}, {transform_indices = @transform_4, window_bounds = array<i64: 2, 256, 128>}, {transform_indices = @transform_5, window_bounds = array<i64: 256, 4>}, {transform_indices = @transform_6, window_bounds = array<i64: 256, 4>}]} {
    %get3A = arith.constant 0 : index
    %get3A_0 = arith.constant 0 : index
    %get3A_1 = vector.load %arg1[%get3A, %get3A_0] : memref<256x128xf32, #tpu.memory_space<vmem>>, vector<256x128xf32>
    %get3A_2 = arith.constant 0 : index
    %get3A_3 = arith.constant 0 : index
    %get3A_4 = vector.load %arg2[%get3A_2, %get3A_3] : memref<128x256xf32, #tpu.memory_space<vmem>>, vector<128x256xf32>
    %dot_general3A = arith.constant dense<0.000000e+00> : vector<256x256xf32>
    %dot_general3A_5 = tpu.matmul %get3A_1, %get3A_4, %dot_general3A {dimension_numbers = #tpu.dot_dimension_numbers<[1], [0], [0], [1], [0, 0, 1, 1], [], []>, precision = #tpu.contract_precision<fp32>, transpose_lhs_hint = false} : vector<256x128xf32>, vector<128x256xf32>, vector<256x256xf32> -> vector<256x256xf32>
    %slice3A = vector.extract_strided_slice %dot_general3A_5 {offsets = [0, 0], sizes = [256, 128], strides = [1, 1]} : vector<256x256xf32> to vector<256x128xf32>
    %swap3A = arith.constant 0 : index
    %swap3A_6 = arith.constant 0 : index
    %swap3A_7 = arith.constant 0 : index
    %swap3A_8 = vector.load %arg5[%swap3A, %swap3A_6, %swap3A_7] : memref<2x256x128xf32, #tpu.memory_space<vmem>>, vector<1x256x128xf32>
    %swap3A_9 = vector.shape_cast %swap3A_8 : vector<1x256x128xf32> to vector<256x128xf32>
    %swap3A_10 = vector.shape_cast %slice3A : vector<256x128xf32> to vector<1x256x128xf32>
    tpu.vector_store %arg5[%swap3A, %swap3A_6, %swap3A_7], %swap3A_10 {strides = array<i32>} : memref<2x256x128xf32, #tpu.memory_space<vmem>>, vector<1x256x128xf32>,
    %slice3A_11 = vector.extract_strided_slice %dot_general3A_5 {offsets = [0, 128], sizes = [256, 128], strides = [1, 1]} : vector<256x256xf32> to vector<256x128xf32>
    %swap3A_12 = arith.constant 1 : index
    %swap3A_13 = arith.constant 0 : index
    %swap3A_14 = arith.constant 0 : index
    %swap3A_15 = vector.load %arg5[%swap3A_12, %swap3A_13, %swap3A_14] : memref<2x256x128xf32, #tpu.memory_space<vmem>>, vector<1x256x128xf32>
    %swap3A_16 = vector.shape_cast %swap3A_15 : vector<1x256x128xf32> to vector<256x128xf32>
    %swap3A_17 = vector.shape_cast %slice3A_11 : vector<256x128xf32> to vector<1x256x128xf32>
    tpu.vector_store %arg5[%swap3A_12, %swap3A_13, %swap3A_14], %swap3A_17 {strides = array<i32>} : memref<2x256x128xf32, #tpu.memory_space<vmem>>, vector<1x256x128xf32>,
    %get3A_18 = arith.constant 0 : index
    %get3A_19 = arith.constant 0 : index
    %get3A_20 = vector.load %arg3[%get3A_18, %get3A_19] : memref<256x4xf32, #tpu.memory_space<vmem>>, vector<256x4xf32>
    %dot_general3A_21 = arith.constant dense<0.000000e+00> : vector<256x4xf32>
    %dot_general3A_22 = tpu.matmul %dot_general3A_5, %get3A_20, %dot_general3A_21 {dimension_numbers = #tpu.dot_dimension_numbers<[1], [0], [0], [1], [0, 0, 1, 1], [], []>, precision = #tpu.contract_precision<fp32>, transpose_lhs_hint = false} : vector<256x256xf32>, vector<256x4xf32>, vector<256x4xf32> -> vector<256x4xf32>
    %swap3A_23 = arith.constant 0 : index
    %swap3A_24 = arith.constant 0 : index
    %swap3A_25 = vector.load %arg6[%swap3A_23, %swap3A_24] : memref<256x4xf32, #tpu.memory_space<vmem>>, vector<256x4xf32>
    tpu.vector_store %arg6[%swap3A_23, %swap3A_24], %dot_general3A_22 {strides = array<i32>} : memref<256x4xf32, #tpu.memory_space<vmem>>, vector<256x4xf32>,
    %get3A_26 = arith.constant 0 : index
    %get3A_27 = arith.constant 0 : index
    %get3A_28 = vector.load %arg4[%get3A_26, %get3A_27] : memref<256x4xf32, #tpu.memory_space<vmem>>, vector<256x4xf32>
    %dot_general3A_29 = arith.constant dense<0.000000e+00> : vector<256x4xf32>
    %dot_general3A_30 = tpu.matmul %dot_general3A_5, %get3A_28, %dot_general3A_29 {dimension_numbers = #tpu.dot_dimension_numbers<[1], [0], [0], [1], [0, 0, 1, 1], [], []>, precision = #tpu.contract_precision<fp32>, transpose_lhs_hint = false} : vector<256x256xf32>, vector<256x4xf32>, vector<256x4xf32> -> vector<256x4xf32>
    %swap3A_31 = arith.constant 0 : index
    %swap3A_32 = arith.constant 0 : index
    %swap3A_33 = vector.load %arg7[%swap3A_31, %swap3A_32] : memref<256x4xf32, #tpu.memory_space<vmem>>, vector<256x4xf32>
    tpu.vector_store %arg7[%swap3A_31, %swap3A_32], %dot_general3A_30 {strides = array<i32>} : memref<256x4xf32, #tpu.memory_space<vmem>>, vector<256x4xf32>,
    return
  }
  func.func @transform_0(%arg0: i32) -> (i32, i32) {
    %c0_i32 = arith.constant 0 : i32
    %c0_i32_0 = arith.constant 0 : i32
    return %arg0, %c0_i32 : i32, i32
  }
  func.func @transform_1(%arg0: i32) -> (i32, i32) {
    %c0_i32 = arith.constant 0 : i32
    %c0_i32_0 = arith.constant 0 : i32
    %c0_i32_1 = arith.constant 0 : i32
    return %c0_i32, %c0_i32_0 : i32, i32
  }
  func.func @transform_2(%arg0: i32) -> (i32, i32) {
    %c0_i32 = arith.constant 0 : i32
    %c0_i32_0 = arith.constant 0 : i32
    %c0_i32_1 = arith.constant 0 : i32
    return %c0_i32, %c0_i32_0 : i32, i32
  }
  func.func @transform_3(%arg0: i32) -> (i32, i32) {
    %c0_i32 = arith.constant 0 : i32
    %c0_i32_0 = arith.constant 0 : i32
    %c0_i32_1 = arith.constant 0 : i32
    return %c0_i32, %c0_i32_0 : i32, i32
  }
  func.func @transform_4(%arg0: i32) -> (i32, i32, i32) {
    %c0_i32 = arith.constant 0 : i32
    %c0_i32_0 = arith.constant 0 : i32
    %c0_i32_1 = arith.constant 0 : i32
    return %c0_i32, %arg0, %c0_i32_0 : i32, i32, i32
  }
  func.func @transform_5(%arg0: i32) -> (i32, i32) {
    %c0_i32 = arith.constant 0 : i32
    %c0_i32_0 = arith.constant 0 : i32
    return %arg0, %c0_i32 : i32, i32
  }
  func.func @transform_6(%arg0: i32) -> (i32, i32) {
    %c0_i32 = arith.constant 0 : i32
    %c0_i32_0 = arith.constant 0 : i32
    return %arg0, %c0_i32 : i32, i32
  }
}

module attributes {stable_mosaic.version = 14 : i64} {
  func.func @_edge_body(%arg0: i32, %arg1: memref<2560x16xf32, #tpu.memory_space<vmem>>, %arg2: memref<2560x1xi32, #tpu.memory_space<vmem>>, %arg3: memref<1x8xf32, #tpu.memory_space<vmem>>, %arg4: memref<16x4xf32, #tpu.memory_space<vmem>>, %arg5: memref<16x1xf32, #tpu.memory_space<vmem>>, %arg6: memref<2560x8xf32, #tpu.memory_space<vmem>>) attributes {dimension_semantics = [#tpu.dimension_semantics<arbitrary>], iteration_bounds = array<i64: 125>, scalar_prefetch = 0 : i64, scratch_operands = 0 : i64, tpu.core_type = #tpu.core_type<tc>, window_params = [{transform_indices = @transform_0, window_bounds = array<i64: 2560, 16>}, {transform_indices = @transform_1, window_bounds = array<i64: 2560, 1>}, {pipeline_mode = #tpu.pipeline_mode<synchronous>, transform_indices = @transform_2, window_bounds = array<i64: 1, 8>}, {pipeline_mode = #tpu.pipeline_mode<synchronous>, transform_indices = @transform_3, window_bounds = array<i64: 16, 4>}, {pipeline_mode = #tpu.pipeline_mode<synchronous>, transform_indices = @transform_4, window_bounds = array<i64: 16, 1>}, {transform_indices = @transform_5, window_bounds = array<i64: 2560, 8>}]} {
    %get3A = arith.constant 0 : index
    %get3A_0 = arith.constant 0 : index
    %get3A_1 = vector.load %arg1[%get3A, %get3A_0] : memref<2560x16xf32, #tpu.memory_space<vmem>>, vector<2560x16xf32>
    %get3A_2 = arith.constant 0 : index
    %get3A_3 = arith.constant 0 : index
    %get3A_4 = vector.load %arg4[%get3A_2, %get3A_3] : memref<16x4xf32, #tpu.memory_space<vmem>>, vector<16x4xf32>
    %dot_general3A = arith.constant dense<0.000000e+00> : vector<2560x4xf32>
    %dot_general3A_5 = tpu.matmul %get3A_1, %get3A_4, %dot_general3A {dimension_numbers = #tpu.dot_dimension_numbers<[1], [0], [0], [1], [0, 0, 1, 1], [], []>, precision = #tpu.contract_precision<fp32>, transpose_lhs_hint = false} : vector<2560x16xf32>, vector<16x4xf32>, vector<2560x4xf32> -> vector<2560x4xf32>
    %get3A_6 = arith.constant 0 : index
    %get3A_7 = arith.constant 0 : index
    %get3A_8 = vector.load %arg5[%get3A_6, %get3A_7] : memref<16x1xf32, #tpu.memory_space<vmem>>, vector<16x1xf32>
    %dot_general3A_9 = arith.constant dense<0.000000e+00> : vector<2560x1xf32>
    %dot_general3A_10 = tpu.matmul %get3A_1, %get3A_8, %dot_general3A_9 {dimension_numbers = #tpu.dot_dimension_numbers<[1], [0], [0], [1], [0, 0, 1, 1], [], []>, precision = #tpu.contract_precision<fp32>, transpose_lhs_hint = false} : vector<2560x16xf32>, vector<16x1xf32>, vector<2560x1xf32> -> vector<2560x1xf32>
    %get3A_11 = arith.constant 0 : index
    %get3A_12 = arith.constant 0 : index
    %get3A_13 = vector.load %arg3[%get3A_11, %get3A_12] : memref<1x8xf32, #tpu.memory_space<vmem>>, vector<1x8xf32>
    %neg3A = arith.constant 0.000000e+00 : f32
    %neg3A_14 = vector.broadcast %neg3A : f32 to vector<1x8xf32>
    %neg3A_15 = arith.subf %neg3A_14, %get3A_13 : vector<1x8xf32>
    %exp3A = math.exp %neg3A_15 : vector<1x8xf32>
    %add3A = arith.constant 1.000000e+00 : f32
    %add3A_16 = vector.broadcast %add3A : f32 to vector<1x8xf32>
    %add3A_17 = arith.addf %add3A_16, %exp3A : vector<1x8xf32>
    %div3A = arith.constant 1.000000e+00 : f32
    %div3A_18 = vector.broadcast %div3A : f32 to vector<1x8xf32>
    %div3A_19 = arith.divf %div3A_18, %add3A_17 : vector<1x8xf32>
    %get3A_20 = arith.constant 0 : index
    %get3A_21 = arith.constant 0 : index
    %get3A_22 = vector.load %arg2[%get3A_20, %get3A_21] : memref<2560x1xi32, #tpu.memory_space<vmem>>, vector<2560x1xi32>
    %broadcast_in_dim3A = arith.constant 0.000000e+00 : f32
    %broadcast_in_dim3A_23 = vector.broadcast %broadcast_in_dim3A : f32 to vector<2560x1xf32>
    %eq3A = arith.constant 0 : i32
    %eq3A_24 = vector.broadcast %eq3A : i32 to vector<2560x1xi32>
    %eq3A_25 = arith.cmpi eq, %get3A_22, %eq3A_24 : vector<2560x1xi32>
    %slice3A = vector.extract_strided_slice %div3A_19 {offsets = [0, 0], sizes = [1, 1], strides = [1, 1]} : vector<1x8xf32> to vector<1x1xf32>
    %jit3A = arith.constant 0.000000e+00 : f32
    %broadcast_in_dim3A_26 = vector.shape_cast %slice3A : vector<1x1xf32> to vector<1x1xf32>
    %broadcast_in_dim3A_27 = vector.broadcast %broadcast_in_dim3A_26 : vector<1x1xf32> to vector<2560x1xf32>
    %broadcast_in_dim3A_28 = vector.broadcast %jit3A : f32 to vector<2560x1xf32>
    %select_n3A = arith.select %eq3A_25, %broadcast_in_dim3A_27, %broadcast_in_dim3A_28 : vector<2560x1xi1>, vector<2560x1xf32>
    %add3A_29 = arith.addf %broadcast_in_dim3A_23, %select_n3A : vector<2560x1xf32>
    %eq3A_30 = arith.constant 1 : i32
    %eq3A_31 = vector.broadcast %eq3A_30 : i32 to vector<2560x1xi32>
    %eq3A_32 = arith.cmpi eq, %get3A_22, %eq3A_31 : vector<2560x1xi32>
    %slice3A_33 = vector.extract_strided_slice %div3A_19 {offsets = [0, 1], sizes = [1, 1], strides = [1, 1]} : vector<1x8xf32> to vector<1x1xf32>
    %jit3A_34 = arith.constant 0.000000e+00 : f32
    %broadcast_in_dim3A_35 = vector.shape_cast %slice3A_33 : vector<1x1xf32> to vector<1x1xf32>
    %broadcast_in_dim3A_36 = vector.broadcast %broadcast_in_dim3A_35 : vector<1x1xf32> to vector<2560x1xf32>
    %broadcast_in_dim3A_37 = vector.broadcast %jit3A_34 : f32 to vector<2560x1xf32>
    %select_n3A_38 = arith.select %eq3A_32, %broadcast_in_dim3A_36, %broadcast_in_dim3A_37 : vector<2560x1xi1>, vector<2560x1xf32>
    %add3A_39 = arith.addf %add3A_29, %select_n3A_38 : vector<2560x1xf32>
    %eq3A_40 = arith.constant 2 : i32
    %eq3A_41 = vector.broadcast %eq3A_40 : i32 to vector<2560x1xi32>
    %eq3A_42 = arith.cmpi eq, %get3A_22, %eq3A_41 : vector<2560x1xi32>
    %slice3A_43 = vector.extract_strided_slice %div3A_19 {offsets = [0, 2], sizes = [1, 1], strides = [1, 1]} : vector<1x8xf32> to vector<1x1xf32>
    %jit3A_44 = arith.constant 0.000000e+00 : f32
    %broadcast_in_dim3A_45 = vector.shape_cast %slice3A_43 : vector<1x1xf32> to vector<1x1xf32>
    %broadcast_in_dim3A_46 = vector.broadcast %broadcast_in_dim3A_45 : vector<1x1xf32> to vector<2560x1xf32>
    %broadcast_in_dim3A_47 = vector.broadcast %jit3A_44 : f32 to vector<2560x1xf32>
    %select_n3A_48 = arith.select %eq3A_42, %broadcast_in_dim3A_46, %broadcast_in_dim3A_47 : vector<2560x1xi1>, vector<2560x1xf32>
    %add3A_49 = arith.addf %add3A_39, %select_n3A_48 : vector<2560x1xf32>
    %eq3A_50 = arith.constant 3 : i32
    %eq3A_51 = vector.broadcast %eq3A_50 : i32 to vector<2560x1xi32>
    %eq3A_52 = arith.cmpi eq, %get3A_22, %eq3A_51 : vector<2560x1xi32>
    %slice3A_53 = vector.extract_strided_slice %div3A_19 {offsets = [0, 3], sizes = [1, 1], strides = [1, 1]} : vector<1x8xf32> to vector<1x1xf32>
    %jit3A_54 = arith.constant 0.000000e+00 : f32
    %broadcast_in_dim3A_55 = vector.shape_cast %slice3A_53 : vector<1x1xf32> to vector<1x1xf32>
    %broadcast_in_dim3A_56 = vector.broadcast %broadcast_in_dim3A_55 : vector<1x1xf32> to vector<2560x1xf32>
    %broadcast_in_dim3A_57 = vector.broadcast %jit3A_54 : f32 to vector<2560x1xf32>
    %select_n3A_58 = arith.select %eq3A_52, %broadcast_in_dim3A_56, %broadcast_in_dim3A_57 : vector<2560x1xi1>, vector<2560x1xf32>
    %add3A_59 = arith.addf %add3A_49, %select_n3A_58 : vector<2560x1xf32>
    %eq3A_60 = arith.constant 4 : i32
    %eq3A_61 = vector.broadcast %eq3A_60 : i32 to vector<2560x1xi32>
    %eq3A_62 = arith.cmpi eq, %get3A_22, %eq3A_61 : vector<2560x1xi32>
    %slice3A_63 = vector.extract_strided_slice %div3A_19 {offsets = [0, 4], sizes = [1, 1], strides = [1, 1]} : vector<1x8xf32> to vector<1x1xf32>
    %jit3A_64 = arith.constant 0.000000e+00 : f32
    %broadcast_in_dim3A_65 = vector.shape_cast %slice3A_63 : vector<1x1xf32> to vector<1x1xf32>
    %broadcast_in_dim3A_66 = vector.broadcast %broadcast_in_dim3A_65 : vector<1x1xf32> to vector<2560x1xf32>
    %broadcast_in_dim3A_67 = vector.broadcast %jit3A_64 : f32 to vector<2560x1xf32>
    %select_n3A_68 = arith.select %eq3A_62, %broadcast_in_dim3A_66, %broadcast_in_dim3A_67 : vector<2560x1xi1>, vector<2560x1xf32>
    %add3A_69 = arith.addf %add3A_59, %select_n3A_68 : vector<2560x1xf32>
    %eq3A_70 = arith.constant 5 : i32
    %eq3A_71 = vector.broadcast %eq3A_70 : i32 to vector<2560x1xi32>
    %eq3A_72 = arith.cmpi eq, %get3A_22, %eq3A_71 : vector<2560x1xi32>
    %slice3A_73 = vector.extract_strided_slice %div3A_19 {offsets = [0, 5], sizes = [1, 1], strides = [1, 1]} : vector<1x8xf32> to vector<1x1xf32>
    %jit3A_74 = arith.constant 0.000000e+00 : f32
    %broadcast_in_dim3A_75 = vector.shape_cast %slice3A_73 : vector<1x1xf32> to vector<1x1xf32>
    %broadcast_in_dim3A_76 = vector.broadcast %broadcast_in_dim3A_75 : vector<1x1xf32> to vector<2560x1xf32>
    %broadcast_in_dim3A_77 = vector.broadcast %jit3A_74 : f32 to vector<2560x1xf32>
    %select_n3A_78 = arith.select %eq3A_72, %broadcast_in_dim3A_76, %broadcast_in_dim3A_77 : vector<2560x1xi1>, vector<2560x1xf32>
    %add3A_79 = arith.addf %add3A_69, %select_n3A_78 : vector<2560x1xf32>
    %eq3A_80 = arith.constant 6 : i32
    %eq3A_81 = vector.broadcast %eq3A_80 : i32 to vector<2560x1xi32>
    %eq3A_82 = arith.cmpi eq, %get3A_22, %eq3A_81 : vector<2560x1xi32>
    %slice3A_83 = vector.extract_strided_slice %div3A_19 {offsets = [0, 6], sizes = [1, 1], strides = [1, 1]} : vector<1x8xf32> to vector<1x1xf32>
    %jit3A_84 = arith.constant 0.000000e+00 : f32
    %broadcast_in_dim3A_85 = vector.shape_cast %slice3A_83 : vector<1x1xf32> to vector<1x1xf32>
    %broadcast_in_dim3A_86 = vector.broadcast %broadcast_in_dim3A_85 : vector<1x1xf32> to vector<2560x1xf32>
    %broadcast_in_dim3A_87 = vector.broadcast %jit3A_84 : f32 to vector<2560x1xf32>
    %select_n3A_88 = arith.select %eq3A_82, %broadcast_in_dim3A_86, %broadcast_in_dim3A_87 : vector<2560x1xi1>, vector<2560x1xf32>
    %add3A_89 = arith.addf %add3A_79, %select_n3A_88 : vector<2560x1xf32>
    %eq3A_90 = arith.constant 7 : i32
    %eq3A_91 = vector.broadcast %eq3A_90 : i32 to vector<2560x1xi32>
    %eq3A_92 = arith.cmpi eq, %get3A_22, %eq3A_91 : vector<2560x1xi32>
    %slice3A_93 = vector.extract_strided_slice %div3A_19 {offsets = [0, 7], sizes = [1, 1], strides = [1, 1]} : vector<1x8xf32> to vector<1x1xf32>
    %jit3A_94 = arith.constant 0.000000e+00 : f32
    %broadcast_in_dim3A_95 = vector.shape_cast %slice3A_93 : vector<1x1xf32> to vector<1x1xf32>
    %broadcast_in_dim3A_96 = vector.broadcast %broadcast_in_dim3A_95 : vector<1x1xf32> to vector<2560x1xf32>
    %broadcast_in_dim3A_97 = vector.broadcast %jit3A_94 : f32 to vector<2560x1xf32>
    %select_n3A_98 = arith.select %eq3A_92, %broadcast_in_dim3A_96, %broadcast_in_dim3A_97 : vector<2560x1xi1>, vector<2560x1xf32>
    %add3A_99 = arith.addf %add3A_89, %select_n3A_98 : vector<2560x1xf32>
    %broadcast_in_dim3A_100 = arith.constant 0.000000e+00 : f32
    %broadcast_in_dim3A_101 = vector.broadcast %broadcast_in_dim3A_100 : f32 to vector<2560x3xf32>
    %mul3A = vector.broadcast %add3A_99 : vector<2560x1xf32> to vector<2560x4xf32>
    %mul3A_102 = arith.mulf %mul3A, %dot_general3A_5 : vector<2560x4xf32>
    %mul3A_103 = arith.mulf %add3A_99, %dot_general3A_10 : vector<2560x1xf32>
    %concatenate3A = tpu.concatenate %mul3A_102, %mul3A_103, %broadcast_in_dim3A_101 in 1 : vector<2560x4xf32>, vector<2560x1xf32>, vector<2560x3xf32> -> vector<2560x8xf32>
    %swap3A = arith.constant 0 : index
    %swap3A_104 = arith.constant 0 : index
    %swap3A_105 = vector.load %arg6[%swap3A, %swap3A_104] : memref<2560x8xf32, #tpu.memory_space<vmem>>, vector<2560x8xf32>
    tpu.vector_store %arg6[%swap3A, %swap3A_104], %concatenate3A {strides = array<i32>} : memref<2560x8xf32, #tpu.memory_space<vmem>>, vector<2560x8xf32>,
    return
  }
  func.func @transform_0(%arg0: i32) -> (i32, i32) {
    %c0_i32 = arith.constant 0 : i32
    %c0_i32_0 = arith.constant 0 : i32
    return %arg0, %c0_i32 : i32, i32
  }
  func.func @transform_1(%arg0: i32) -> (i32, i32) {
    %c0_i32 = arith.constant 0 : i32
    %c0_i32_0 = arith.constant 0 : i32
    return %arg0, %c0_i32 : i32, i32
  }
  func.func @transform_2(%arg0: i32) -> (i32, i32) {
    %c0_i32 = arith.constant 0 : i32
    %c0_i32_0 = arith.constant 0 : i32
    %c0_i32_1 = arith.constant 0 : i32
    return %c0_i32, %c0_i32_0 : i32, i32
  }
  func.func @transform_3(%arg0: i32) -> (i32, i32) {
    %c0_i32 = arith.constant 0 : i32
    %c0_i32_0 = arith.constant 0 : i32
    %c0_i32_1 = arith.constant 0 : i32
    return %c0_i32, %c0_i32_0 : i32, i32
  }
  func.func @transform_4(%arg0: i32) -> (i32, i32) {
    %c0_i32 = arith.constant 0 : i32
    %c0_i32_0 = arith.constant 0 : i32
    %c0_i32_1 = arith.constant 0 : i32
    return %c0_i32, %c0_i32_0 : i32, i32
  }
  func.func @transform_5(%arg0: i32) -> (i32, i32) {
    %c0_i32 = arith.constant 0 : i32
    %c0_i32_0 = arith.constant 0 : i32
    return %arg0, %c0_i32 : i32, i32
  }
}

module attributes {stable_mosaic.version = 14 : i64} {
  func.func @_mid_body(%arg0: i32, %arg1: memref<2x256x144xf32, #tpu.memory_space<vmem>>, %arg2: memref<1x256xf32, #tpu.memory_space<vmem>>, %arg3: memref<1x256xf32, #tpu.memory_space<vmem>>, %arg4: memref<1x256xf32, #tpu.memory_space<vmem>>, %arg5: memref<1x256xf32, #tpu.memory_space<vmem>>, %arg6: memref<1x256xf32, #tpu.memory_space<vmem>>, %arg7: memref<256x64xf32, #tpu.memory_space<vmem>>, %arg8: memref<64x1xf32, #tpu.memory_space<vmem>>, %arg9: memref<64x1xf32, #tpu.memory_space<vmem>>, %arg10: memref<256x64xf32, #tpu.memory_space<vmem>>, %arg11: memref<1x64xf32, #tpu.memory_space<vmem>>, %arg12: memref<256x64xf32, #tpu.memory_space<vmem>>, %arg13: memref<256x4xf32, #tpu.memory_space<vmem>>, %arg14: memref<256x64xf32, #tpu.memory_space<vmem>>) attributes {dimension_semantics = [#tpu.dimension_semantics<arbitrary>], iteration_bounds = array<i64: 40>, scalar_prefetch = 0 : i64, scratch_operands = 0 : i64, tpu.core_type = #tpu.core_type<tc>, window_params = [{transform_indices = @transform_0, window_bounds = array<i64: 2, 256, 144>}, {pipeline_mode = #tpu.pipeline_mode<synchronous>, transform_indices = @transform_1, window_bounds = array<i64: 1, 256>}, {pipeline_mode = #tpu.pipeline_mode<synchronous>, transform_indices = @transform_2, window_bounds = array<i64: 1, 256>}, {pipeline_mode = #tpu.pipeline_mode<synchronous>, transform_indices = @transform_3, window_bounds = array<i64: 1, 256>}, {pipeline_mode = #tpu.pipeline_mode<synchronous>, transform_indices = @transform_4, window_bounds = array<i64: 1, 256>}, {pipeline_mode = #tpu.pipeline_mode<synchronous>, transform_indices = @transform_5, window_bounds = array<i64: 1, 256>}, {pipeline_mode = #tpu.pipeline_mode<synchronous>, transform_indices = @transform_6, window_bounds = array<i64: 256, 64>}, {pipeline_mode = #tpu.pipeline_mode<synchronous>, transform_indices = @transform_7, window_bounds = array<i64: 64, 1>}, {pipeline_mode = #tpu.pipeline_mode<synchronous>, transform_indices = @transform_8, window_bounds = array<i64: 64, 1>}, {pipeline_mode = #tpu.pipeline_mode<synchronous>, transform_indices = @transform_9, window_bounds = array<i64: 256, 64>}, {pipeline_mode = #tpu.pipeline_mode<synchronous>, transform_indices = @transform_10, window_bounds = array<i64: 1, 64>}, {transform_indices = @transform_11, window_bounds = array<i64: 256, 64>}, {transform_indices = @transform_12, window_bounds = array<i64: 256, 4>}, {transform_indices = @transform_13, window_bounds = array<i64: 256, 64>}]} {
    %get3A = arith.constant 0 : index
    %get3A_0 = arith.constant 0 : index
    %get3A_1 = arith.constant 0 : index
    %get3A_2 = vector.load %arg1[%get3A, %get3A_0, %get3A_1] : memref<2x256x144xf32, #tpu.memory_space<vmem>>, vector<1x256x144xf32>
    %get3A_3 = vector.shape_cast %get3A_2 : vector<1x256x144xf32> to vector<256x144xf32>
    %slice3A = vector.extract_strided_slice %get3A_3 {offsets = [0, 0], sizes = [256, 64], strides = [1, 1]} : vector<256x144xf32> to vector<256x64xf32>
    %slice3A_4 = vector.extract_strided_slice %get3A_3 {offsets = [0, 128], sizes = [256, 1], strides = [1, 1]} : vector<256x144xf32> to vector<256x1xf32>
    %add3A = arith.constant 1.000000e-16 : f32
    %add3A_5 = vector.broadcast %add3A : f32 to vector<256x1xf32>
    %add3A_6 = arith.addf %slice3A_4, %add3A_5 : vector<256x1xf32>
    %div3A = vector.broadcast %add3A_6 : vector<256x1xf32> to vector<256x64xf32>
    %div3A_7 = arith.divf %slice3A, %div3A : vector<256x64xf32>
    %slice3A_8 = vector.extract_strided_slice %get3A_3 {offsets = [0, 64], sizes = [256, 64], strides = [1, 1]} : vector<256x144xf32> to vector<256x64xf32>
    %slice3A_9 = vector.extract_strided_slice %get3A_3 {offsets = [0, 129], sizes = [256, 1], strides = [1, 1]} : vector<256x144xf32> to vector<256x1xf32>
    %add3A_10 = arith.constant 1.000000e-16 : f32
    %add3A_11 = vector.broadcast %add3A_10 : f32 to vector<256x1xf32>
    %add3A_12 = arith.addf %slice3A_9, %add3A_11 : vector<256x1xf32>
    %div3A_13 = vector.broadcast %add3A_12 : vector<256x1xf32> to vector<256x64xf32>
    %div3A_14 = arith.divf %slice3A_8, %div3A_13 : vector<256x64xf32>
    %get3A_15 = arith.constant 1 : index
    %get3A_16 = arith.constant 0 : index
    %get3A_17 = arith.constant 0 : index
    %get3A_18 = vector.load %arg1[%get3A_15, %get3A_16, %get3A_17] : memref<2x256x144xf32, #tpu.memory_space<vmem>>, vector<1x256x144xf32>
    %get3A_19 = vector.shape_cast %get3A_18 : vector<1x256x144xf32> to vector<256x144xf32>
    %slice3A_20 = vector.extract_strided_slice %get3A_19 {offsets = [0, 0], sizes = [256, 64], strides = [1, 1]} : vector<256x144xf32> to vector<256x64xf32>
    %slice3A_21 = vector.extract_strided_slice %get3A_19 {offsets = [0, 128], sizes = [256, 1], strides = [1, 1]} : vector<256x144xf32> to vector<256x1xf32>
    %add3A_22 = arith.constant 1.000000e-16 : f32
    %add3A_23 = vector.broadcast %add3A_22 : f32 to vector<256x1xf32>
    %add3A_24 = arith.addf %slice3A_21, %add3A_23 : vector<256x1xf32>
    %div3A_25 = vector.broadcast %add3A_24 : vector<256x1xf32> to vector<256x64xf32>
    %div3A_26 = arith.divf %slice3A_20, %div3A_25 : vector<256x64xf32>
    %slice3A_27 = vector.extract_strided_slice %get3A_19 {offsets = [0, 64], sizes = [256, 64], strides = [1, 1]} : vector<256x144xf32> to vector<256x64xf32>
    %slice3A_28 = vector.extract_strided_slice %get3A_19 {offsets = [0, 129], sizes = [256, 1], strides = [1, 1]} : vector<256x144xf32> to vector<256x1xf32>
    %add3A_29 = arith.constant 1.000000e-16 : f32
    %add3A_30 = vector.broadcast %add3A_29 : f32 to vector<256x1xf32>
    %add3A_31 = arith.addf %slice3A_28, %add3A_30 : vector<256x1xf32>
    %div3A_32 = vector.broadcast %add3A_31 : vector<256x1xf32> to vector<256x64xf32>
    %div3A_33 = arith.divf %slice3A_27, %div3A_32 : vector<256x64xf32>
    %concatenate3A = tpu.concatenate %div3A_7, %div3A_14, %div3A_26, %div3A_33 in 1 : vector<256x64xf32>, vector<256x64xf32>, vector<256x64xf32>, vector<256x64xf32> -> vector<256x256xf32>
    %get3A_34 = arith.constant 0 : index
    %get3A_35 = arith.constant 0 : index
    %get3A_36 = vector.load %arg2[%get3A_34, %get3A_35] : memref<1x256xf32, #tpu.memory_space<vmem>>, vector<1x256xf32>
    %add3A_37 = vector.broadcast %get3A_36 : vector<1x256xf32> to vector<256x256xf32>
    %add3A_38 = arith.addf %concatenate3A, %add3A_37 : vector<256x256xf32>
    %get3A_39 = arith.constant 0 : index
    %get3A_40 = arith.constant 0 : index
    %get3A_41 = vector.load %arg5[%get3A_39, %get3A_40] : memref<1x256xf32, #tpu.memory_space<vmem>>, vector<1x256xf32>
    %sub3A = vector.broadcast %get3A_41 : vector<1x256xf32> to vector<256x256xf32>
    %sub3A_42 = arith.subf %add3A_38, %sub3A : vector<256x256xf32>
    %get3A_43 = arith.constant 0 : index
    %get3A_44 = arith.constant 0 : index
    %get3A_45 = vector.load %arg6[%get3A_43, %get3A_44] : memref<1x256xf32, #tpu.memory_space<vmem>>, vector<1x256xf32>
    %add3A_46 = arith.constant 9.99999974E-6 : f32
    %add3A_47 = vector.broadcast %add3A_46 : f32 to vector<1x256xf32>
    %add3A_48 = arith.addf %get3A_45, %add3A_47 : vector<1x256xf32>
    %sqrt3A = math.sqrt %add3A_48 : vector<1x256xf32>
    %div3A_49 = vector.broadcast %sqrt3A : vector<1x256xf32> to vector<256x256xf32>
    %div3A_50 = arith.divf %sub3A_42, %div3A_49 : vector<256x256xf32>
    %get3A_51 = arith.constant 0 : index
    %get3A_52 = arith.constant 0 : index
    %get3A_53 = vector.load %arg3[%get3A_51, %get3A_52] : memref<1x256xf32, #tpu.memory_space<vmem>>, vector<1x256xf32>
    %mul3A = vector.broadcast %get3A_53 : vector<1x256xf32> to vector<256x256xf32>
    %mul3A_54 = arith.mulf %div3A_50, %mul3A : vector<256x256xf32>
    %get3A_55 = arith.constant 0 : index
    %get3A_56 = arith.constant 0 : index
    %get3A_57 = vector.load %arg4[%get3A_55, %get3A_56] : memref<1x256xf32, #tpu.memory_space<vmem>>, vector<1x256xf32>
    %add3A_58 = vector.broadcast %get3A_57 : vector<1x256xf32> to vector<256x256xf32>
    %add3A_59 = arith.addf %mul3A_54, %add3A_58 : vector<256x256xf32>
    %gt3A = arith.constant 0.000000e+00 : f32
    %gt3A_60 = vector.broadcast %gt3A : f32 to vector<256x256xf32>
    %gt3A_61 = arith.cmpf ogt, %add3A_59, %gt3A_60 : vector<256x256xf32>
    %min3A = arith.constant 0.000000e+00 : f32
    %min3A_62 = vector.broadcast %min3A : f32 to vector<256x256xf32>
    %min3A_63 = arith.minimumf %add3A_59, %min3A_62 : vector<256x256xf32>
    %exp3A = math.exp %min3A_63 : vector<256x256xf32>
    %sub3A_64 = arith.constant 1.000000e+00 : f32
    %sub3A_65 = vector.broadcast %sub3A_64 : f32 to vector<256x256xf32>
    %sub3A_66 = arith.subf %exp3A, %sub3A_65 : vector<256x256xf32>
    %select_n3A = arith.select %gt3A_61, %add3A_59, %sub3A_66 : vector<256x256xi1>, vector<256x256xf32>
    %get3A_67 = arith.constant 0 : index
    %get3A_68 = arith.constant 0 : index
    %get3A_69 = vector.load %arg7[%get3A_67, %get3A_68] : memref<256x64xf32, #tpu.memory_space<vmem>>, vector<256x64xf32>
    %dot_general3A = arith.constant dense<0.000000e+00> : vector<256x64xf32>
    %dot_general3A_70 = tpu.matmul %select_n3A, %get3A_69, %dot_general3A {dimension_numbers = #tpu.dot_dimension_numbers<[1], [0], [0], [1], [0, 0, 1, 1], [], []>, precision = #tpu.contract_precision<fp32>, transpose_lhs_hint = false} : vector<256x256xf32>, vector<256x64xf32>, vector<256x64xf32> -> vector<256x64xf32>
    %get3A_71 = arith.constant 0 : index
    %get3A_72 = arith.constant 0 : index
    %get3A_73 = vector.load %arg8[%get3A_71, %get3A_72] : memref<64x1xf32, #tpu.memory_space<vmem>>, vector<64x1xf32>
    %dot_general3A_74 = arith.constant dense<0.000000e+00> : vector<256x1xf32>
    %dot_general3A_75 = tpu.matmul %dot_general3A_70, %get3A_73, %dot_general3A_74 {dimension_numbers = #tpu.dot_dimension_numbers<[1], [0], [0], [1], [0, 0, 1, 1], [], []>, precision = #tpu.contract_precision<fp32>, transpose_lhs_hint = false} : vector<256x64xf32>, vector<64x1xf32>, vector<256x1xf32> -> vector<256x1xf32>
    %get3A_76 = arith.constant 0 : index
    %get3A_77 = arith.constant 0 : index
    %get3A_78 = vector.load %arg9[%get3A_76, %get3A_77] : memref<64x1xf32, #tpu.memory_space<vmem>>, vector<64x1xf32>
    %dot_general3A_79 = arith.constant dense<0.000000e+00> : vector<256x1xf32>
    %dot_general3A_80 = tpu.matmul %dot_general3A_70, %get3A_78, %dot_general3A_79 {dimension_numbers = #tpu.dot_dimension_numbers<[1], [0], [0], [1], [0, 0, 1, 1], [], []>, precision = #tpu.contract_precision<fp32>, transpose_lhs_hint = false} : vector<256x64xf32>, vector<64x1xf32>, vector<256x1xf32> -> vector<256x1xf32>
    %swap3A = arith.constant 0 : index
    %swap3A_81 = arith.constant 0 : index
    %swap3A_82 = vector.load %arg12[%swap3A, %swap3A_81] : memref<256x64xf32, #tpu.memory_space<vmem>>, vector<256x64xf32>
    tpu.vector_store %arg12[%swap3A, %swap3A_81], %dot_general3A_70 {strides = array<i32>} : memref<256x64xf32, #tpu.memory_space<vmem>>, vector<256x64xf32>,
    %broadcast_in_dim3A = arith.constant 0.000000e+00 : f32
    %broadcast_in_dim3A_83 = vector.broadcast %broadcast_in_dim3A : f32 to vector<256x2xf32>
    %concatenate3A_84 = tpu.concatenate %dot_general3A_75, %dot_general3A_80, %broadcast_in_dim3A_83 in 1 : vector<256x1xf32>, vector<256x1xf32>, vector<256x2xf32> -> vector<256x4xf32>
    %swap3A_85 = arith.constant 0 : index
    %swap3A_86 = arith.constant 0 : index
    %swap3A_87 = vector.load %arg13[%swap3A_85, %swap3A_86] : memref<256x4xf32, #tpu.memory_space<vmem>>, vector<256x4xf32>
    tpu.vector_store %arg13[%swap3A_85, %swap3A_86], %concatenate3A_84 {strides = array<i32>} : memref<256x4xf32, #tpu.memory_space<vmem>>, vector<256x4xf32>,
    %get3A_88 = arith.constant 0 : index
    %get3A_89 = arith.constant 0 : index
    %get3A_90 = vector.load %arg10[%get3A_88, %get3A_89] : memref<256x64xf32, #tpu.memory_space<vmem>>, vector<256x64xf32>
    %dot_general3A_91 = arith.constant dense<0.000000e+00> : vector<256x64xf32>
    %dot_general3A_92 = tpu.matmul %select_n3A, %get3A_90, %dot_general3A_91 {dimension_numbers = #tpu.dot_dimension_numbers<[1], [0], [0], [1], [0, 0, 1, 1], [], []>, precision = #tpu.contract_precision<fp32>, transpose_lhs_hint = false} : vector<256x256xf32>, vector<256x64xf32>, vector<256x64xf32> -> vector<256x64xf32>
    %get3A_93 = arith.constant 0 : index
    %get3A_94 = arith.constant 0 : index
    %get3A_95 = vector.load %arg11[%get3A_93, %get3A_94] : memref<1x64xf32, #tpu.memory_space<vmem>>, vector<1x64xf32>
    %add3A_96 = vector.broadcast %get3A_95 : vector<1x64xf32> to vector<256x64xf32>
    %add3A_97 = arith.addf %dot_general3A_92, %add3A_96 : vector<256x64xf32>
    %swap3A_98 = arith.constant 0 : index
    %swap3A_99 = arith.constant 0 : index
    %swap3A_100 = vector.load %arg14[%swap3A_98, %swap3A_99] : memref<256x64xf32, #tpu.memory_space<vmem>>, vector<256x64xf32>
    tpu.vector_store %arg14[%swap3A_98, %swap3A_99], %add3A_97 {strides = array<i32>} : memref<256x64xf32, #tpu.memory_space<vmem>>, vector<256x64xf32>,
    return
  }
  func.func @transform_0(%arg0: i32) -> (i32, i32, i32) {
    %c0_i32 = arith.constant 0 : i32
    %c0_i32_0 = arith.constant 0 : i32
    %c0_i32_1 = arith.constant 0 : i32
    return %c0_i32, %arg0, %c0_i32_0 : i32, i32, i32
  }
  func.func @transform_1(%arg0: i32) -> (i32, i32) {
    %c0_i32 = arith.constant 0 : i32
    %c0_i32_0 = arith.constant 0 : i32
    %c0_i32_1 = arith.constant 0 : i32
    return %c0_i32, %c0_i32_0 : i32, i32
  }
  func.func @transform_2(%arg0: i32) -> (i32, i32) {
    %c0_i32 = arith.constant 0 : i32
    %c0_i32_0 = arith.constant 0 : i32
    %c0_i32_1 = arith.constant 0 : i32
    return %c0_i32, %c0_i32_0 : i32, i32
  }
  func.func @transform_3(%arg0: i32) -> (i32, i32) {
    %c0_i32 = arith.constant 0 : i32
    %c0_i32_0 = arith.constant 0 : i32
    %c0_i32_1 = arith.constant 0 : i32
    return %c0_i32, %c0_i32_0 : i32, i32
  }
  func.func @transform_4(%arg0: i32) -> (i32, i32) {
    %c0_i32 = arith.constant 0 : i32
    %c0_i32_0 = arith.constant 0 : i32
    %c0_i32_1 = arith.constant 0 : i32
    return %c0_i32, %c0_i32_0 : i32, i32
  }
  func.func @transform_5(%arg0: i32) -> (i32, i32) {
    %c0_i32 = arith.constant 0 : i32
    %c0_i32_0 = arith.constant 0 : i32
    %c0_i32_1 = arith.constant 0 : i32
    return %c0_i32, %c0_i32_0 : i32, i32
  }
  func.func @transform_6(%arg0: i32) -> (i32, i32) {
    %c0_i32 = arith.constant 0 : i32
    %c0_i32_0 = arith.constant 0 : i32
    %c0_i32_1 = arith.constant 0 : i32
    return %c0_i32, %c0_i32_0 : i32, i32
  }
  func.func @transform_7(%arg0: i32) -> (i32, i32) {
    %c0_i32 = arith.constant 0 : i32
    %c0_i32_0 = arith.constant 0 : i32
    %c0_i32_1 = arith.constant 0 : i32
    return %c0_i32, %c0_i32_0 : i32, i32
  }
  func.func @transform_8(%arg0: i32) -> (i32, i32) {
    %c0_i32 = arith.constant 0 : i32
    %c0_i32_0 = arith.constant 0 : i32
    %c0_i32_1 = arith.constant 0 : i32
    return %c0_i32, %c0_i32_0 : i32, i32
  }
  func.func @transform_9(%arg0: i32) -> (i32, i32) {
    %c0_i32 = arith.constant 0 : i32
    %c0_i32_0 = arith.constant 0 : i32
    %c0_i32_1 = arith.constant 0 : i32
    return %c0_i32, %c0_i32_0 : i32, i32
  }
  func.func @transform_10(%arg0: i32) -> (i32, i32) {
    %c0_i32 = arith.constant 0 : i32
    %c0_i32_0 = arith.constant 0 : i32
    %c0_i32_1 = arith.constant 0 : i32
    return %c0_i32, %c0_i32_0 : i32, i32
  }
  func.func @transform_11(%arg0: i32) -> (i32, i32) {
    %c0_i32 = arith.constant 0 : i32
    %c0_i32_0 = arith.constant 0 : i32
    return %arg0, %c0_i32 : i32, i32
  }
  func.func @transform_12(%arg0: i32) -> (i32, i32) {
    %c0_i32 = arith.constant 0 : i32
    %c0_i32_0 = arith.constant 0 : i32
    return %arg0, %c0_i32 : i32, i32
  }
  func.func @transform_13(%arg0: i32) -> (i32, i32) {
    %c0_i32 = arith.constant 0 : i32
    %c0_i32_0 = arith.constant 0 : i32
    return %arg0, %c0_i32 : i32, i32
  }
}

module attributes {stable_mosaic.version = 14 : i64} {
  func.func @_head_body(%arg0: i32, %arg1: memref<2x256x80xf32, #tpu.memory_space<vmem>>, %arg2: memref<256x64xf32, #tpu.memory_space<vmem>>, %arg3: memref<1x64xf32, #tpu.memory_space<vmem>>, %arg4: memref<1x64xf32, #tpu.memory_space<vmem>>, %arg5: memref<1x64xf32, #tpu.memory_space<vmem>>, %arg6: memref<1x64xf32, #tpu.memory_space<vmem>>, %arg7: memref<1x64xf32, #tpu.memory_space<vmem>>, %arg8: memref<64x32xf32, #tpu.memory_space<vmem>>, %arg9: memref<1x32xf32, #tpu.memory_space<vmem>>, %arg10: memref<32x64xf32, #tpu.memory_space<vmem>>, %arg11: memref<1x64xf32, #tpu.memory_space<vmem>>, %arg12: memref<1x32xf32, #tpu.memory_space<vmem>>, %arg13: memref<32x64xf32, #tpu.memory_space<vmem>>, %arg14: memref<1x64xf32, #tpu.memory_space<vmem>>, %arg15: memref<256x64xf32, #tpu.memory_space<vmem>>, %arg16: memref<1x64xf32, #tpu.memory_space<vmem>>, %arg17: memref<64x1xf32, #tpu.memory_space<vmem>>, %arg18: memref<1x1xf32, #tpu.memory_space<vmem>>, %arg19: memref<1x1xf32, #tpu.memory_space<vmem>>, %arg20: memref<8x64xf32, #tpu.memory_space<vmem>>, %arg21: memref<8x64xf32, #tpu.memory_space<vmem>>) attributes {dimension_semantics = [#tpu.dimension_semantics<arbitrary>], iteration_bounds = array<i64: 40>, scalar_prefetch = 0 : i64, scratch_operands = 2 : i64, tpu.core_type = #tpu.core_type<tc>, window_params = [{transform_indices = @transform_0, window_bounds = array<i64: 2, 256, 80>}, {transform_indices = @transform_1, window_bounds = array<i64: 256, 64>}, {pipeline_mode = #tpu.pipeline_mode<synchronous>, transform_indices = @transform_2, window_bounds = array<i64: 1, 64>}, {pipeline_mode = #tpu.pipeline_mode<synchronous>, transform_indices = @transform_3, window_bounds = array<i64: 1, 64>}, {pipeline_mode = #tpu.pipeline_mode<synchronous>, transform_indices = @transform_4, window_bounds = array<i64: 1, 64>}, {pipeline_mode = #tpu.pipeline_mode<synchronous>, transform_indices = @transform_5, window_bounds = array<i64: 1, 64>}, {pipeline_mode = #tpu.pipeline_mode<synchronous>, transform_indices = @transform_6, window_bounds = array<i64: 1, 64>}, {pipeline_mode = #tpu.pipeline_mode<synchronous>, transform_indices = @transform_7, window_bounds = array<i64: 64, 32>}, {pipeline_mode = #tpu.pipeline_mode<synchronous>, transform_indices = @transform_8, window_bounds = array<i64: 1, 32>}, {pipeline_mode = #tpu.pipeline_mode<synchronous>, transform_indices = @transform_9, window_bounds = array<i64: 32, 64>}, {pipeline_mode = #tpu.pipeline_mode<synchronous>, transform_indices = @transform_10, window_bounds = array<i64: 1, 64>}, {pipeline_mode = #tpu.pipeline_mode<synchronous>, transform_indices = @transform_11, window_bounds = array<i64: 1, 32>}, {pipeline_mode = #tpu.pipeline_mode<synchronous>, transform_indices = @transform_12, window_bounds = array<i64: 32, 64>}, {pipeline_mode = #tpu.pipeline_mode<synchronous>, transform_indices = @transform_13, window_bounds = array<i64: 1, 64>}, {pipeline_mode = #tpu.pipeline_mode<synchronous>, transform_indices = @transform_14, window_bounds = array<i64: 256, 64>}, {pipeline_mode = #tpu.pipeline_mode<synchronous>, transform_indices = @transform_15, window_bounds = array<i64: 1, 64>}, {pipeline_mode = #tpu.pipeline_mode<synchronous>, transform_indices = @transform_16, window_bounds = array<i64: 64, 1>}, {pipeline_mode = #tpu.pipeline_mode<synchronous>, transform_indices = @transform_17, window_bounds = array<i64: 1, 1>}, {pipeline_mode = #tpu.pipeline_mode<synchronous>, transform_indices = @transform_18, window_bounds = array<i64: 1, 1>}]} {
    %eq3A = arith.constant 0 : i32
    %eq3A_0 = arith.cmpi eq, %arg0, %eq3A : i32
    %convert_element_type3A = arith.extui %eq3A_0 : i1 to i32
    %cond3A = arith.constant 0 : i32
    %cond3A_1 = arith.cmpi ne, %convert_element_type3A, %cond3A : i32
    scf.if %cond3A_1 {
      %broadcast_in_dim3A_120 = arith.constant 0.000000e+00 : f32
      %broadcast_in_dim3A_121 = vector.broadcast %broadcast_in_dim3A_120 : f32 to vector<8x64xf32>
      %swap3A_122 = arith.constant 0 : index
      %swap3A_123 = arith.constant 0 : index
      %swap3A_124 = vector.load %arg20[%swap3A_122, %swap3A_123] : memref<8x64xf32, #tpu.memory_space<vmem>>, vector<8x64xf32>
      tpu.vector_store %arg20[%swap3A_122, %swap3A_123], %broadcast_in_dim3A_121 {strides = array<i32>} : memref<8x64xf32, #tpu.memory_space<vmem>>, vector<8x64xf32>,
      %broadcast_in_dim3A_125 = arith.constant 0xFF800000 : f32
      %broadcast_in_dim3A_126 = vector.broadcast %broadcast_in_dim3A_125 : f32 to vector<8x64xf32>
      %swap3A_127 = arith.constant 0 : index
      %swap3A_128 = arith.constant 0 : index
      %swap3A_129 = vector.load %arg21[%swap3A_127, %swap3A_128] : memref<8x64xf32, #tpu.memory_space<vmem>>, vector<8x64xf32>
      tpu.vector_store %arg21[%swap3A_127, %swap3A_128], %broadcast_in_dim3A_126 {strides = array<i32>} : memref<8x64xf32, #tpu.memory_space<vmem>>, vector<8x64xf32>,
    } else {
    }
    %get3A = arith.constant 0 : index
    %get3A_2 = arith.constant 0 : index
    %get3A_3 = arith.constant 0 : index
    %get3A_4 = vector.load %arg1[%get3A, %get3A_2, %get3A_3] : memref<2x256x80xf32, #tpu.memory_space<vmem>>, vector<1x256x80xf32>
    %get3A_5 = vector.shape_cast %get3A_4 : vector<1x256x80xf32> to vector<256x80xf32>
    %get3A_6 = arith.constant 1 : index
    %get3A_7 = arith.constant 0 : index
    %get3A_8 = arith.constant 0 : index
    %get3A_9 = vector.load %arg1[%get3A_6, %get3A_7, %get3A_8] : memref<2x256x80xf32, #tpu.memory_space<vmem>>, vector<1x256x80xf32>
    %get3A_10 = vector.shape_cast %get3A_9 : vector<1x256x80xf32> to vector<256x80xf32>
    %add3A = arith.addf %get3A_5, %get3A_10 : vector<256x80xf32>
    %slice3A = vector.extract_strided_slice %add3A {offsets = [0, 0], sizes = [256, 64], strides = [1, 1]} : vector<256x80xf32> to vector<256x64xf32>
    %slice3A_11 = vector.extract_strided_slice %add3A {offsets = [0, 64], sizes = [256, 1], strides = [1, 1]} : vector<256x80xf32> to vector<256x1xf32>
    %add3A_12 = arith.constant 1.000000e-16 : f32
    %add3A_13 = vector.broadcast %add3A_12 : f32 to vector<256x1xf32>
    %add3A_14 = arith.addf %slice3A_11, %add3A_13 : vector<256x1xf32>
    %div3A = vector.broadcast %add3A_14 : vector<256x1xf32> to vector<256x64xf32>
    %div3A_15 = arith.divf %slice3A, %div3A : vector<256x64xf32>
    %get3A_16 = arith.constant 0 : index
    %get3A_17 = arith.constant 0 : index
    %get3A_18 = vector.load %arg3[%get3A_16, %get3A_17] : memref<1x64xf32, #tpu.memory_space<vmem>>, vector<1x64xf32>
    %add3A_19 = vector.broadcast %get3A_18 : vector<1x64xf32> to vector<256x64xf32>
    %add3A_20 = arith.addf %div3A_15, %add3A_19 : vector<256x64xf32>
    %get3A_21 = arith.constant 0 : index
    %get3A_22 = arith.constant 0 : index
    %get3A_23 = vector.load %arg6[%get3A_21, %get3A_22] : memref<1x64xf32, #tpu.memory_space<vmem>>, vector<1x64xf32>
    %sub3A = vector.broadcast %get3A_23 : vector<1x64xf32> to vector<256x64xf32>
    %sub3A_24 = arith.subf %add3A_20, %sub3A : vector<256x64xf32>
    %get3A_25 = arith.constant 0 : index
    %get3A_26 = arith.constant 0 : index
    %get3A_27 = vector.load %arg7[%get3A_25, %get3A_26] : memref<1x64xf32, #tpu.memory_space<vmem>>, vector<1x64xf32>
    %add3A_28 = arith.constant 9.99999974E-6 : f32
    %add3A_29 = vector.broadcast %add3A_28 : f32 to vector<1x64xf32>
    %add3A_30 = arith.addf %get3A_27, %add3A_29 : vector<1x64xf32>
    %sqrt3A = math.sqrt %add3A_30 : vector<1x64xf32>
    %div3A_31 = vector.broadcast %sqrt3A : vector<1x64xf32> to vector<256x64xf32>
    %div3A_32 = arith.divf %sub3A_24, %div3A_31 : vector<256x64xf32>
    %get3A_33 = arith.constant 0 : index
    %get3A_34 = arith.constant 0 : index
    %get3A_35 = vector.load %arg4[%get3A_33, %get3A_34] : memref<1x64xf32, #tpu.memory_space<vmem>>, vector<1x64xf32>
    %mul3A = vector.broadcast %get3A_35 : vector<1x64xf32> to vector<256x64xf32>
    %mul3A_36 = arith.mulf %div3A_32, %mul3A : vector<256x64xf32>
    %get3A_37 = arith.constant 0 : index
    %get3A_38 = arith.constant 0 : index
    %get3A_39 = vector.load %arg5[%get3A_37, %get3A_38] : memref<1x64xf32, #tpu.memory_space<vmem>>, vector<1x64xf32>
    %add3A_40 = vector.broadcast %get3A_39 : vector<1x64xf32> to vector<256x64xf32>
    %add3A_41 = arith.addf %mul3A_36, %add3A_40 : vector<256x64xf32>
    %gt3A = arith.constant 0.000000e+00 : f32
    %gt3A_42 = vector.broadcast %gt3A : f32 to vector<256x64xf32>
    %gt3A_43 = arith.cmpf ogt, %add3A_41, %gt3A_42 : vector<256x64xf32>
    %min3A = arith.constant 0.000000e+00 : f32
    %min3A_44 = vector.broadcast %min3A : f32 to vector<256x64xf32>
    %min3A_45 = arith.minimumf %add3A_41, %min3A_44 : vector<256x64xf32>
    %exp3A = math.exp %min3A_45 : vector<256x64xf32>
    %sub3A_46 = arith.constant 1.000000e+00 : f32
    %sub3A_47 = vector.broadcast %sub3A_46 : f32 to vector<256x64xf32>
    %sub3A_48 = arith.subf %exp3A, %sub3A_47 : vector<256x64xf32>
    %select_n3A = arith.select %gt3A_43, %add3A_41, %sub3A_48 : vector<256x64xi1>, vector<256x64xf32>
    %get3A_49 = arith.constant 0 : index
    %get3A_50 = arith.constant 0 : index
    %get3A_51 = vector.load %arg2[%get3A_49, %get3A_50] : memref<256x64xf32, #tpu.memory_space<vmem>>, vector<256x64xf32>
    %add3A_52 = arith.addf %select_n3A, %get3A_51 : vector<256x64xf32>
    %get3A_53 = arith.constant 0 : index
    %get3A_54 = arith.constant 0 : index
    %get3A_55 = vector.load %arg8[%get3A_53, %get3A_54] : memref<64x32xf32, #tpu.memory_space<vmem>>, vector<64x32xf32>
    %dot_general3A = arith.constant dense<0.000000e+00> : vector<256x32xf32>
    %dot_general3A_56 = tpu.matmul %add3A_52, %get3A_55, %dot_general3A {dimension_numbers = #tpu.dot_dimension_numbers<[1], [0], [0], [1], [0, 0, 1, 1], [], []>, precision = #tpu.contract_precision<fp32>, transpose_lhs_hint = false} : vector<256x64xf32>, vector<64x32xf32>, vector<256x32xf32> -> vector<256x32xf32>
    %get3A_57 = arith.constant 0 : index
    %get3A_58 = arith.constant 0 : index
    %get3A_59 = vector.load %arg9[%get3A_57, %get3A_58] : memref<1x32xf32, #tpu.memory_space<vmem>>, vector<1x32xf32>
    %add3A_60 = vector.broadcast %get3A_59 : vector<1x32xf32> to vector<256x32xf32>
    %add3A_61 = arith.addf %dot_general3A_56, %add3A_60 : vector<256x32xf32>
    %max3A = arith.constant 0.000000e+00 : f32
    %max3A_62 = vector.broadcast %max3A : f32 to vector<256x32xf32>
    %max3A_63 = arith.maximumf %add3A_61, %max3A_62 : vector<256x32xf32>
    %get3A_64 = arith.constant 0 : index
    %get3A_65 = arith.constant 0 : index
    %get3A_66 = vector.load %arg10[%get3A_64, %get3A_65] : memref<32x64xf32, #tpu.memory_space<vmem>>, vector<32x64xf32>
    %dot_general3A_67 = arith.constant dense<0.000000e+00> : vector<256x64xf32>
    %dot_general3A_68 = tpu.matmul %max3A_63, %get3A_66, %dot_general3A_67 {dimension_numbers = #tpu.dot_dimension_numbers<[1], [0], [0], [1], [0, 0, 1, 1], [], []>, precision = #tpu.contract_precision<fp32>, transpose_lhs_hint = false} : vector<256x32xf32>, vector<32x64xf32>, vector<256x64xf32> -> vector<256x64xf32>
    %get3A_69 = arith.constant 0 : index
    %get3A_70 = arith.constant 0 : index
    %get3A_71 = vector.load %arg11[%get3A_69, %get3A_70] : memref<1x64xf32, #tpu.memory_space<vmem>>, vector<1x64xf32>
    %add3A_72 = vector.broadcast %get3A_71 : vector<1x64xf32> to vector<256x64xf32>
    %add3A_73 = arith.addf %dot_general3A_68, %add3A_72 : vector<256x64xf32>
    %neg3A = arith.constant 0.000000e+00 : f32
    %neg3A_74 = vector.broadcast %neg3A : f32 to vector<256x64xf32>
    %neg3A_75 = arith.subf %neg3A_74, %add3A_73 : vector<256x64xf32>
    %exp3A_76 = math.exp %neg3A_75 : vector<256x64xf32>
    %add3A_77 = arith.constant 1.000000e+00 : f32
    %add3A_78 = vector.broadcast %add3A_77 : f32 to vector<256x64xf32>
    %add3A_79 = arith.addf %add3A_78, %exp3A_76 : vector<256x64xf32>
    %div3A_80 = arith.constant 1.000000e+00 : f32
    %div3A_81 = vector.broadcast %div3A_80 : f32 to vector<256x64xf32>
    %div3A_82 = arith.divf %div3A_81, %add3A_79 : vector<256x64xf32>
    %mul3A_83 = arith.mulf %add3A_52, %div3A_82 : vector<256x64xf32>
    %mul3A_84 = arith.constant 256 : i32
    %mul3A_85 = arith.muli %arg0, %mul3A_84 : i32
    %iota3A = tpu.iota {dimensions = array<i32: 0>} : vector<256x1xi32>
    %add3A_86 = vector.broadcast %mul3A_85 : i32 to vector<256x1xi32>
    %add3A_87 = arith.addi %add3A_86, %iota3A : vector<256x1xi32>
    %lt3A = arith.constant 10000 : i32
    %lt3A_88 = vector.broadcast %lt3A : i32 to vector<256x1xi32>
    %lt3A_89 = arith.cmpi slt, %add3A_87, %lt3A_88 : vector<256x1xi32>
    %jit3A = arith.constant 0.000000e+00 : f32
    %broadcast_in_dim3A = vector.shape_cast %lt3A_89 : vector<256x1xi1> to vector<256x1xi1>
    %broadcast_in_dim3A_90 = vector.broadcast %broadcast_in_dim3A : vector<256x1xi1> to vector<256x64xi1>
    %broadcast_in_dim3A_91 = vector.broadcast %jit3A : f32 to vector<256x64xf32>
    %select_n3A_92 = arith.select %broadcast_in_dim3A_90, %mul3A_83, %broadcast_in_dim3A_91 : vector<256x64xi1>, vector<256x64xf32>
    %jit3A_93 = arith.constant 0xFF800000 : f32
    %broadcast_in_dim3A_94 = vector.shape_cast %lt3A_89 : vector<256x1xi1> to vector<256x1xi1>
    %broadcast_in_dim3A_95 = vector.broadcast %broadcast_in_dim3A_94 : vector<256x1xi1> to vector<256x64xi1>
    %broadcast_in_dim3A_96 = vector.broadcast %jit3A_93 : f32 to vector<256x64xf32>
    %select_n3A_97 = arith.select %broadcast_in_dim3A_95, %mul3A_83, %broadcast_in_dim3A_96 : vector<256x64xi1>, vector<256x64xf32>
    %get3A_98 = arith.constant 0 : index
    %get3A_99 = arith.constant 0 : index
    %get3A_100 = vector.load %arg20[%get3A_98, %get3A_99] : memref<8x64xf32, #tpu.memory_space<vmem>>, vector<1x64xf32>
    %reduce_sum3A = arith.constant dense<0.000000e+00> : vector<64xf32>
    %reduce_sum3A_101 = vector.multi_reduction <add>, %select_n3A_92, %reduce_sum3A [0] : vector<256x64xf32> to vector<64xf32>
    %broadcast_in_dim3A_102 = vector.shape_cast %reduce_sum3A_101 : vector<64xf32> to vector<1x64xf32>
    %add3A_103 = arith.addf %get3A_100, %broadcast_in_dim3A_102 : vector<1x64xf32>
    %swap3A = arith.constant 0 : index
    %swap3A_104 = arith.constant 0 : index
    %swap3A_105 = vector.load %arg20[%swap3A, %swap3A_104] : memref<8x64xf32, #tpu.memory_space<vmem>>, vector<1x64xf32>
    tpu.vector_store %arg20[%swap3A, %swap3A_104], %add3A_103 {strides = array<i32>} : memref<8x64xf32, #tpu.memory_space<vmem>>, vector<1x64xf32>,
    %get3A_106 = arith.constant 0 : index
    %get3A_107 = arith.constant 0 : index
    %get3A_108 = vector.load %arg21[%get3A_106, %get3A_107] : memref<8x64xf32, #tpu.memory_space<vmem>>, vector<1x64xf32>
    %reduce_max3A = arith.constant dense<0xFF800000> : vector<64xf32>
    %reduce_max3A_109 = vector.multi_reduction <maximumf>, %select_n3A_97, %reduce_max3A [0] : vector<256x64xf32> to vector<64xf32>
    %broadcast_in_dim3A_110 = vector.shape_cast %reduce_max3A_109 : vector<64xf32> to vector<1x64xf32>
    %max3A_111 = arith.maximumf %get3A_108, %broadcast_in_dim3A_110 : vector<1x64xf32>
    %swap3A_112 = arith.constant 0 : index
    %swap3A_113 = arith.constant 0 : index
    %swap3A_114 = vector.load %arg21[%swap3A_112, %swap3A_113] : memref<8x64xf32, #tpu.memory_space<vmem>>, vector<1x64xf32>
    tpu.vector_store %arg21[%swap3A_112, %swap3A_113], %max3A_111 {strides = array<i32>} : memref<8x64xf32, #tpu.memory_space<vmem>>, vector<1x64xf32>,
    %eq3A_115 = arith.constant 39 : i32
    %eq3A_116 = arith.cmpi eq, %arg0, %eq3A_115 : i32
    %convert_element_type3A_117 = arith.extui %eq3A_116 : i1 to i32
    %cond3A_118 = arith.constant 0 : i32
    %cond3A_119 = arith.cmpi ne, %convert_element_type3A_117, %cond3A_118 : i32
    scf.if %cond3A_119 {
      %get3A_120 = arith.constant 0 : index
      %get3A_121 = arith.constant 0 : index
      %get3A_122 = vector.load %arg20[%get3A_120, %get3A_121] : memref<8x64xf32, #tpu.memory_space<vmem>>, vector<1x64xf32>
      %div3A_123 = arith.constant 1.000000e+04 : f32
      %div3A_124 = vector.broadcast %div3A_123 : f32 to vector<1x64xf32>
      %div3A_125 = arith.divf %get3A_122, %div3A_124 : vector<1x64xf32>
      %get3A_126 = arith.constant 0 : index
      %get3A_127 = arith.constant 0 : index
      %get3A_128 = vector.load %arg21[%get3A_126, %get3A_127] : memref<8x64xf32, #tpu.memory_space<vmem>>, vector<1x64xf32>
      %get3A_129 = arith.constant 0 : index
      %get3A_130 = arith.constant 0 : index
      %get3A_131 = vector.load %arg12[%get3A_129, %get3A_130] : memref<1x32xf32, #tpu.memory_space<vmem>>, vector<1x32xf32>
      %get3A_132 = arith.constant 0 : index
      %get3A_133 = arith.constant 0 : index
      %get3A_134 = vector.load %arg13[%get3A_132, %get3A_133] : memref<32x64xf32, #tpu.memory_space<vmem>>, vector<32x64xf32>
      %dot_general3A_135 = arith.constant dense<0.000000e+00> : vector<1x64xf32>
      %dot_general3A_136 = tpu.matmul %get3A_131, %get3A_134, %dot_general3A_135 {dimension_numbers = #tpu.dot_dimension_numbers<[1], [0], [0], [1], [0, 0, 1, 1], [], []>, precision = #tpu.contract_precision<fp32>, transpose_lhs_hint = false} : vector<1x32xf32>, vector<32x64xf32>, vector<1x64xf32> -> vector<1x64xf32>
      %get3A_137 = arith.constant 0 : index
      %get3A_138 = arith.constant 0 : index
      %get3A_139 = vector.load %arg14[%get3A_137, %get3A_138] : memref<1x64xf32, #tpu.memory_space<vmem>>, vector<1x64xf32>
      %add3A_140 = arith.addf %dot_general3A_136, %get3A_139 : vector<1x64xf32>
      %max3A_141 = arith.constant 0.000000e+00 : f32
      %max3A_142 = vector.broadcast %max3A_141 : f32 to vector<1x64xf32>
      %max3A_143 = arith.maximumf %add3A_140, %max3A_142 : vector<1x64xf32>
      %mul3A_144 = arith.mulf %div3A_125, %get3A_128 : vector<1x64xf32>
      %concatenate3A = tpu.concatenate %div3A_125, %get3A_128, %max3A_143, %mul3A_144 in 1 : vector<1x64xf32>, vector<1x64xf32>, vector<1x64xf32>, vector<1x64xf32> -> vector<1x256xf32>
      %get3A_145 = arith.constant 0 : index
      %get3A_146 = arith.constant 0 : index
      %get3A_147 = vector.load %arg15[%get3A_145, %get3A_146] : memref<256x64xf32, #tpu.memory_space<vmem>>, vector<256x64xf32>
      %dot_general3A_148 = arith.constant dense<0.000000e+00> : vector<1x64xf32>
      %dot_general3A_149 = tpu.matmul %concatenate3A, %get3A_147, %dot_general3A_148 {dimension_numbers = #tpu.dot_dimension_numbers<[1], [0], [0], [1], [0, 0, 1, 1], [], []>, precision = #tpu.contract_precision<fp32>, transpose_lhs_hint = false} : vector<1x256xf32>, vector<256x64xf32>, vector<1x64xf32> -> vector<1x64xf32>
      %get3A_150 = arith.constant 0 : index
      %get3A_151 = arith.constant 0 : index
      %get3A_152 = vector.load %arg16[%get3A_150, %get3A_151] : memref<1x64xf32, #tpu.memory_space<vmem>>, vector<1x64xf32>
      %add3A_153 = arith.addf %dot_general3A_149, %get3A_152 : vector<1x64xf32>
      %max3A_154 = arith.constant 0.000000e+00 : f32
      %max3A_155 = vector.broadcast %max3A_154 : f32 to vector<1x64xf32>
      %max3A_156 = arith.maximumf %add3A_153, %max3A_155 : vector<1x64xf32>
      %get3A_157 = arith.constant 0 : index
      %get3A_158 = arith.constant 0 : index
      %get3A_159 = vector.load %arg17[%get3A_157, %get3A_158] : memref<64x1xf32, #tpu.memory_space<vmem>>, vector<64x1xf32>
      %dot_general3A_160 = arith.constant dense<0.000000e+00> : vector<1x1xf32>
      %dot_general3A_161 = tpu.matmul %max3A_156, %get3A_159, %dot_general3A_160 {dimension_numbers = #tpu.dot_dimension_numbers<[1], [0], [0], [1], [0, 0, 1, 1], [], []>, precision = #tpu.contract_precision<fp32>, transpose_lhs_hint = false} : vector<1x64xf32>, vector<64x1xf32>, vector<1x1xf32> -> vector<1x1xf32>
      %get3A_162 = arith.constant 0 : index
      %get3A_163 = arith.constant 0 : index
      %get3A_164 = vector.load %arg18[%get3A_162, %get3A_163] : memref<1x1xf32, #tpu.memory_space<vmem>>, vector<1x1xf32>
      %add3A_165 = arith.addf %dot_general3A_161, %get3A_164 : vector<1x1xf32>
      %swap3A_166 = arith.constant 0 : index
      %swap3A_167 = arith.constant 0 : index
      %swap3A_168 = vector.load %arg19[%swap3A_166, %swap3A_167] : memref<1x1xf32, #tpu.memory_space<vmem>>, vector<1x1xf32>
      tpu.vector_store %arg19[%swap3A_166, %swap3A_167], %add3A_165 {strides = array<i32>} : memref<1x1xf32, #tpu.memory_space<vmem>>, vector<1x1xf32>,
    } else {
    }
    return
  }
  func.func @transform_0(%arg0: i32) -> (i32, i32, i32) {
    %c0_i32 = arith.constant 0 : i32
    %c0_i32_0 = arith.constant 0 : i32
    %c0_i32_1 = arith.constant 0 : i32
    return %c0_i32, %arg0, %c0_i32_0 : i32, i32, i32
  }
  func.func @transform_1(%arg0: i32) -> (i32, i32) {
    %c0_i32 = arith.constant 0 : i32
    %c0_i32_0 = arith.constant 0 : i32
    return %arg0, %c0_i32 : i32, i32
  }
  func.func @transform_2(%arg0: i32) -> (i32, i32) {
    %c0_i32 = arith.constant 0 : i32
    %c0_i32_0 = arith.constant 0 : i32
    %c0_i32_1 = arith.constant 0 : i32
    return %c0_i32, %c0_i32_0 : i32, i32
  }
  func.func @transform_3(%arg0: i32) -> (i32, i32) {
    %c0_i32 = arith.constant 0 : i32
    %c0_i32_0 = arith.constant 0 : i32
    %c0_i32_1 = arith.constant 0 : i32
    return %c0_i32, %c0_i32_0 : i32, i32
  }
  func.func @transform_4(%arg0: i32) -> (i32, i32) {
    %c0_i32 = arith.constant 0 : i32
    %c0_i32_0 = arith.constant 0 : i32
    %c0_i32_1 = arith.constant 0 : i32
    return %c0_i32, %c0_i32_0 : i32, i32
  }
  func.func @transform_5(%arg0: i32) -> (i32, i32) {
    %c0_i32 = arith.constant 0 : i32
    %c0_i32_0 = arith.constant 0 : i32
    %c0_i32_1 = arith.constant 0 : i32
    return %c0_i32, %c0_i32_0 : i32, i32
  }
  func.func @transform_6(%arg0: i32) -> (i32, i32) {
    %c0_i32 = arith.constant 0 : i32
    %c0_i32_0 = arith.constant 0 : i32
    %c0_i32_1 = arith.constant 0 : i32
    return %c0_i32, %c0_i32_0 : i32, i32
  }
  func.func @transform_7(%arg0: i32) -> (i32, i32) {
    %c0_i32 = arith.constant 0 : i32
    %c0_i32_0 = arith.constant 0 : i32
    %c0_i32_1 = arith.constant 0 : i32
    return %c0_i32, %c0_i32_0 : i32, i32
  }
  func.func @transform_8(%arg0: i32) -> (i32, i32) {
    %c0_i32 = arith.constant 0 : i32
    %c0_i32_0 = arith.constant 0 : i32
    %c0_i32_1 = arith.constant 0 : i32
    return %c0_i32, %c0_i32_0 : i32, i32
  }
  func.func @transform_9(%arg0: i32) -> (i32, i32) {
    %c0_i32 = arith.constant 0 : i32
    %c0_i32_0 = arith.constant 0 : i32
    %c0_i32_1 = arith.constant 0 : i32
    return %c0_i32, %c0_i32_0 : i32, i32
  }
  func.func @transform_10(%arg0: i32) -> (i32, i32) {
    %c0_i32 = arith.constant 0 : i32
    %c0_i32_0 = arith.constant 0 : i32
    %c0_i32_1 = arith.constant 0 : i32
    return %c0_i32, %c0_i32_0 : i32, i32
  }
  func.func @transform_11(%arg0: i32) -> (i32, i32) {
    %c0_i32 = arith.constant 0 : i32
    %c0_i32_0 = arith.constant 0 : i32
    %c0_i32_1 = arith.constant 0 : i32
    return %c0_i32, %c0_i32_0 : i32, i32
  }
  func.func @transform_12(%arg0: i32) -> (i32, i32) {
    %c0_i32 = arith.constant 0 : i32
    %c0_i32_0 = arith.constant 0 : i32
    %c0_i32_1 = arith.constant 0 : i32
    return %c0_i32, %c0_i32_0 : i32, i32
  }
  func.func @transform_13(%arg0: i32) -> (i32, i32) {
    %c0_i32 = arith.constant 0 : i32
    %c0_i32_0 = arith.constant 0 : i32
    %c0_i32_1 = arith.constant 0 : i32
    return %c0_i32, %c0_i32_0 : i32, i32
  }
  func.func @transform_14(%arg0: i32) -> (i32, i32) {
    %c0_i32 = arith.constant 0 : i32
    %c0_i32_0 = arith.constant 0 : i32
    %c0_i32_1 = arith.constant 0 : i32
    return %c0_i32, %c0_i32_0 : i32, i32
  }
  func.func @transform_15(%arg0: i32) -> (i32, i32) {
    %c0_i32 = arith.constant 0 : i32
    %c0_i32_0 = arith.constant 0 : i32
    %c0_i32_1 = arith.constant 0 : i32
    return %c0_i32, %c0_i32_0 : i32, i32
  }
  func.func @transform_16(%arg0: i32) -> (i32, i32) {
    %c0_i32 = arith.constant 0 : i32
    %c0_i32_0 = arith.constant 0 : i32
    %c0_i32_1 = arith.constant 0 : i32
    return %c0_i32, %c0_i32_0 : i32, i32
  }
  func.func @transform_17(%arg0: i32) -> (i32, i32) {
    %c0_i32 = arith.constant 0 : i32
    %c0_i32_0 = arith.constant 0 : i32
    %c0_i32_1 = arith.constant 0 : i32
    return %c0_i32, %c0_i32_0 : i32, i32
  }
  func.func @transform_18(%arg0: i32) -> (i32, i32) {
    %c0_i32 = arith.constant 0 : i32
    %c0_i32_0 = arith.constant 0 : i32
    %c0_i32_1 = arith.constant 0 : i32
    return %c0_i32, %c0_i32_0 : i32, i32
  }
}

</mosaic_0001>

<sc_bundles>
// kernel: kernel.11.cloned.1.call-start
scs
__scs_entry_jumppad:
0x0: {  	(pc) =	sbr.rel $0x88, $3  }
0x1: {  	(tag) =	ssettag $0x0;
	lr =	simm.s32 $0x1  }
0x2: {  	[smem:$0x3F7B] =	sst lr;
	_ =	strace $0xD0000000  }
0x3: {  	_ = 	snop  }
0x4: {  	_ = 	snop  }
0x5: {  	_ = 	snop  }
0x6: {  	_ = 	snop  }
0x7: {  	_ = 	snop  }
__scs_overlays_trampoline_lowered:
0x8: {  	[smem:$0x3F8A] =	sst s0  }
0x9: {  	[smem:$0x3F8B] =	sst s1  }
0xa: {  	[smem:$0x3F8C] =	sst s2  }
0xb: {  	[smem:$0x3F8D] =	sst s3  }
0xc: {  	[smem:$0x3F8E] =	sst s4  }
0xd: {  	[smem:$0x3F8F] =	sst s5  }
0xe: {  	[smem:$0x3F90] =	sst s6  }
0xf: {  	[smem:$0x3F91] =	sst s7  }
0x10: {  	[smem:$0x3F92] =	sst s8  }
0x11: {  	[smem:$0x3F93] =	sst s9;
	s0 =	simm.s32 @!p0 $0x0  }
0x12: {  	s1 =	sld [smem:$0x3F79];
	s0 =	simm.s32 @p0 $0x1  }
0x13: {  	[smem:$0x3F94] =	sst s0;
	s0 =	simm.s32 @!p1 $0x0  }
0x14: {  	s2 =	sld [smem:$0x3F78];
	s0 =	simm.s32 @p1 $0x1  }
0x15: {  	[smem:$0x3F95] =	sst s0;
	s0 =	simm.s32 @!p2 $0x0  }
0x16: {  	s3 =	sld [smem:$0x3FDB];
	s0 =	simm.s32 @p2 $0x1  }
0x17: {  	s4 =	simm.s32 $0x1BF5;
	[smem:$0x3F97] =	sst s0  }
0x18: {  	s0 =	sld [smem:$0x3F7A];
	_ =	swait.ge [sflag:s4], $0x0  }
0x19: {  	s7 =	sld [smem:$0x3F7B]  }
0x1a: {  	s8 =	sadd.s32 $0xFFFFE003, lr  }
0x1b: {  	s9 =	sadd.s32 $0xFFFFFEF7, lr;
	s5 =	simm.s32 $0xFFFFFFFF;
	p2 =	slt.u32 s8, $0xFFFFF086  }
0x1c: {  	p1 =	slt.u32 s9, $0xF7A;
	s5 =	simm.s32 @!p2 $0x0  }
0x1d: {  	s5 =	simm.s32 @p1 $0x1;
	p0 =	seq.s32 s7, s2  }
0x1e: {  	s7 =	smul.u32 @!p0 $0xF7A, s2;
	p2 =	seq.s32 @!p0 s5, $0x0  }
0x1f: {  	s9 =	smul.u32 $0xF7A, s1;
	s8 =	simm.s32 @!p0 $0x1BF5;
	p2 =	por !p2, p0  }
0x20: {  	[sflag:s8] =	ssyncset.s32 @!p0 $0xFFFFF086;
	s6 =	sadd.s32 @!p0 s3, s7;
	s7 =	simm.s32 @!p0 $0x108  }
0x21: {  	s3 =	sadd.s32 s3, s9;
	s6 =	sadd.s32 @!p0 $0x88, s6;
	s7 =	simm.s32 @p2 $0x1082  }
0x22: {  	[simem:s7], [sflag:s8] =	dma.local @!p0 [hbm:s6], $0xF7A  }
0x23: {  	s9 =	sor.u32 $0xD0000000, s2;
	s6 =	simm.s32 $0x108;
	_ =	swait.ge @!p0 [sflag:s8], $0x0  }
0x24: {  	s3 =	sadd.s32 $0x88, s3;
	s6 =	simm.s32 @!p1 $0x1082;
	[sflag:s4] =	ssyncset.s32 $0xFFFFF086  }
0x25: {  	[simem:s6], [sflag:s4] =	dma.local [hbm:s3], $0xF7A  }
0x26: {  	[smem:$0x3F7B] =	sst s1;
	(tag) =	ssettag s2;
	_ =	strace s9  }
0x27: {  	s1 =	sld [smem:$0x3F8B]  }
0x28: {  	s2 =	sld [smem:$0x3F8C]  }
0x29: {  	s4 =	sld [smem:$0x3F8E]  }
0x2a: {  	p0 =	seq.s32 s5, $0x0;
	s5 =	sld [smem:$0x3F8F]  }
0x2b: {  	s6 =	sld [smem:$0x3F90]  }
0x2c: {  	s7 =	sld [smem:$0x3F91]  }
0x2d: {  	s3 =	simm.s32 $0x108;
	s8 =	sld [smem:$0x3F92]  }
0x2e: {  	s3 =	simm.s32 @!p0 $0x1082;
	s9 =	sld [smem:$0x3F93]  }
0x2f: {  	lr =	sadd.s32 s0, s3;
	s0 =	sld [smem:$0x3F8A]  }
0x30: {  	s3 =	sld [smem:$0x3F8D]  }
0x31: {  	[smem:$0x3F96] =	sst s10  }
0x32: {  	s10 =	sld [smem:$0x3F94];
	_ =	sdelay $0x3  }
0x33: {  	p0 =	seq.s32 s10, $0x1;
	s10 =	sld [smem:$0x3F96];
	_ =	sdelay $0x3  }
0x34: {  	[smem:$0x3F96] =	sst s10  }
0x35: {  	s10 =	sld [smem:$0x3F95];
	_ =	sdelay $0x3  }
0x36: {  	p1 =	seq.s32 s10, $0x1;
	s10 =	sld [smem:$0x3F96];
	_ =	sdelay $0x3  }
0x37: {  	[smem:$0x3F96] =	sst s10  }
0x38: {  	s10 =	sld [smem:$0x3F97]  }
0x39: {  	_ = 	snop;
	(pc) =	sbr.ind lr, $3  }
0x3a: {  	_ = 	snop  }
0x3b: {  	_ = 	snop  }
0x3c: {  	p2 =	seq.s32 s10, $0x1;
	s10 =	sld [smem:$0x3F96]  }
0x3d: {  	_ =	shalt  }
0x3e: {  	_ =	shalt  }
0x3f: {  	_ =	shalt  }
0x40: {  	_ =	shalt  }
0x41: {  	_ =	shalt  }
0x42: {  	_ =	shalt  }
0x43: {  	_ =	shalt  }
0x44: {  	_ =	shalt  }
0x45: {  	_ =	shalt  }
0x46: {  	_ =	shalt  }
0x47: {  	_ =	shalt  }
0x48: {  	_ =	shalt  }
0x49: {  	_ =	shalt  }
0x4a: {  	_ =	shalt  }
0x4b: {  	_ =	shalt  }
0x4c: {  	_ =	shalt  }
0x4d: {  	_ =	shalt  }
0x4e: {  	_ =	shalt  }
0x4f: {  	_ =	shalt  }
0x50: {  	_ =	shalt  }
0x51: {  	_ =	shalt  }
0x52: {  	_ =	shalt  }
0x53: {  	_ =	shalt  }
0x54: {  	_ =	shalt  }
0x55: {  	_ =	shalt  }
0x56: {  	_ =	shalt  }
0x57: {  	_ =	shalt  }
0x58: {  	_ =	shalt  }
0x59: {  	_ =	shalt  }
0x5a: {  	_ =	shalt  }
0x5b: {  	_ =	shalt  }
0x5c: {  	_ =	shalt  }
0x5d: {  	_ =	shalt  }
0x5e: {  	_ =	shalt  }
0x5f: {  	_ =	shalt  }
0x60: {  	_ =	shalt  }
0x61: {  	_ =	shalt  }
0x62: {  	_ =	shalt  }
0x63: {  	_ =	shalt  }
0x64: {  	_ =	shalt  }
0x65: {  	_ =	shalt  }
0x66: {  	_ =	shalt  }
0x67: {  	_ =	shalt  }
0x68: {  	_ =	shalt  }
0x69: {  	_ =	shalt  }
0x6a: {  	_ =	shalt  }
0x6b: {  	_ =	shalt  }
0x6c: {  	_ =	shalt  }
0x6d: {  	_ =	shalt  }
0x6e: {  	_ =	shalt  }
0x6f: {  	_ =	shalt  }
0x70: {  	_ =	shalt  }
0x71: {  	_ =	shalt  }
0x72: {  	_ =	shalt  }
0x73: {  	_ =	shalt  }
0x74: {  	_ =	shalt  }
0x75: {  	_ =	shalt  }
0x76: {  	_ =	shalt  }
0x77: {  	_ =	shalt  }
0x78: {  	_ =	shalt  }
0x79: {  	_ =	shalt  }
0x7a: {  	_ =	shalt  }
0x7b: {  	_ =	shalt  }
0x7c: {  	_ =	shalt  }
0x7d: {  	_ =	shalt  }
0x7e: {  	_ =	shalt  }
0x7f: {  	_ =	shalt  }
0x80: {  	_ =	shalt  }
0x81: {  	_ =	shalt  }
0x82: {  	_ =	shalt  }
0x83: {  	_ =	shalt  }
0x84: {  	_ =	shalt  }
0x85: {  	_ =	shalt  }
0x86: {  	_ =	shalt  }
0x87: {  	_ =	shalt  }
.Lfunc_end0:
.L_simem_size_0:
called_computation.1_lowered:
.L_overlay_start_0:
0x88: {  	s2 =	sld [smem:$0x3FD9]  }
0x89: {  	s3 =	sld [smem:$0x3FFE];
	_ =	sdelay $0x1  }
0x8a: {  	s1 =	srdreg.scid  }
0x8b: {  	s0 =	sand.u32 $0x1, s1  }
0x8c: {  	s16 =	sshll.u32 s0, $0xA;
	s2 =	sadd.s32 s3, s2  }
0x8d: {  	s2 =	sadd.s32 s2, s16  }
0x8e: {  	[smem:$0x3FA2] =	sst s2  }
0x8f: {  	_ = 	snop  }
0x90: {  	(tm) =	ssettm $0x1  }
0x91: {  	s17 =	sld [smem:$0x3FFB];
	_ =	sdelay $0x3  }
0x92: {  	_ =	strace s17  }
0x93: {  	s2 =	sld [smem:$0x3FFC];
	_ =	sdelay $0x3  }
0x94: {  	_ =	strace s2  }
0x95: {  	s2 =	sld [smem:$0x3FFD];
	_ =	sdelay $0x3  }
0x96: {  	_ =	strace s2  }
0x97: {  	_ =	strace $0x8FFFFFFF  }
0x98: {  	s18 =	sld [smem:$0x3FDB];
	_ =	sdelay $0x1  }
0x99: {  	s19 =	simm.s32 $_scs_section_size  }
0x9a: {  	s4 =	simm.s32 $_size__tile_overlayer_lowered;
	s5 =	simm.s32 $_tile_overlayer_lowered  }
0x9b: {  	s22 =	simm.s32 $0x1BFF;
	s21 =	sshll.u32 s5, $0x1;
	s2 =	sadd.s32 s19, s18  }
0x9c: {  	s6 =	simm.s32 $0x0;
	s20 =	sshll.u32 s4, $0x1;
	s4 =	sadd.s32 s21, s2  }
0x9d: {  	[timem:s6], [sflag:s22] =	dma.local [hbm:s4], s20  }
0x9e: {  	_ =	swait.ge [sflag:s22], s20  }
0x9f: {  	s3 =	ssub.s32 $0x0, s20;
	[sflag:s22] =	ssyncset.done $0x0  }
0xa0: {  	[sflag:s22] =	ssyncadd.s32 s3;
	_ =	sdelay $0x1  }
0xa1: {  	s23 =	simm.s32 $0x1B8B  }
0xa2: {  	_ =	swait.ge [sflag:s23], $0x1  }
0xa3: {  	[sflag:s23] =	ssyncset.done $0x0  }
0xa4: {  	s25 =	simm.s32 $0x1B8E;
	s24 =	sld [smem:$0x3FFE];
	[sflag:s23] =	ssyncadd.s32 $0xFFFFFFFF  }
0xa5: {  	s26 =	simm.s32 $execute0_lowered;
	[smem:$0x3FD2] =	sst s25  }
0xa6: {  	s4 =	sshll.u32 s26, $0x1;
	_ =	strace $0x80000049;
	[dreg:$0x1] =	wrdreg $0xFFFFFFFF  }
0xa7: {  	s28 =	simm.s32 $_size_execute0_lowered;
	s2 =	sadd.s32 s2, s4;
	[dreg:$0x0] =	wrdreg $0x0  }
0xa8: {  	s4 =	sshll.u32 s28, $0x1;
	[dreg:$0x2] =	wrdreg s2  }
0xa9: {  	[dreg:$0x3] =	wrdreg s4  }
0xaa: {  	[dreg:$0x4] =	wrdreg $0xC0  }
0xab: {  	_ =	task [dreg:s6], $0x5FFFF  }
0xac: {  	[dreg:$0x1] =	wrdreg $0xFFFFFFFF  }
0xad: {  	[dreg:$0x0] =	wrdreg $0x60  }
0xae: {  	[dreg:$0x2] =	wrdreg s24  }
0xaf: {  	[dreg:$0x3] =	wrdreg $0x0  }
0xb0: {  	[dreg:$0x4] =	wrdreg $0x9  }
0xb1: {  	_ =	task.clear_ibuf [dreg:s6], $0x5FFFF;
	_ =	strace $0x90000049  }
0xb2: {  	s29 =	simm.s32 $0x9;
	_ =	strace $0x8000004B  }
0xb3: {  	_ =	swait.ge [sflag:s29], $0x1  }
0xb4: {  	[sflag:s29] =	ssyncadd.s32 $0xFFFFFFFF  }
0xb5: {  	_ =	strace $0x9000004B  }
0xb6: {  	_ =	sfence  }
0xb7: {  	s30 =	sld [smem:$0x0];
	_ =	sdelay $0x2  }
0xb8: {  	s31 =	sshll.u32 s1, $0xD;
	s1 =	sshrl.u32 s1, $0x2  }
0xb9: {  	s3 =	sand.u32 $0x4000, s31;
	s1 =	sadd.s32 s1, s30  }
0xba: {  	s0 =	sor.u32 s3, s0;
	s1 =	sshll.u32 s1, $0x11  }
0xbb: {  	s0 =	sor.u32 s1, s0  }
0xbc: {  	s0 =	sadd.s32 $0x8F2B, s0  }
0xbd: {  	[sflag:s0] =	ssyncadd.remote.s32 $0x1  }
0xbe: {  	_ =	sfence.sel $0xFFFF  }
0xbf: {  	[dreg:$0x0] =	wrdreg $0xFFFFFFFF;
	(pc) =	sbr.abs _section_cstart, $3  }
0xc0: {  	[dreg:$0x1] =	wrdreg $0xFFFFFFFF  }
0xc1: {  	_ =	task.clear_ibuf [dreg:s6], $0x2FFFF;
	_ =	strace $0x9FFFFFFF  }
0xc2: {  	(tm) =	ssettm $0x7FFFFFFF  }
0xc3: {  	_ =	shalt  }
tec
execute0_lowered:
.L_overlay_start_1:
0x0: {  	(tag) =	ssettag $0x1  }
0x1: {  	s0 =	rddreg [dreg:$0x0]  }
0x2: {  	s1 =	rddreg [dreg:$0x1];
	s3 =	simm.s32 $0x0;
	s2 =	stileid.u32  }
0x3: {  	s7 =	srdreg.scid;
	s28 =	simm.s32 $0x80;
	s29 =	simm.s32 $0xC450  }
0x4: {  	s30 =	simm.s32 $0xE550;
	s31 =	simm.s32 $0xC4D0;
	[smem:$0x7FF] =	sst s3  }
0x5: {  	s4 =	sadd.s32 $0x5400, s0;
	s8 =	smul.u32 $0x31600, s2;
	s5 =	sadd.s32 $0x18E00, s0  }
0x6: {  	s6 =	sadd.s32 $0x55E00, s0;
	s9 =	sand.u32 $0x1, s7;
	s7 =	sadd.s32 $0x86C00, s0  }
0x7: {  	s0 =	sadd.s32 $0x1A200, s0;
	s22 =	smul.u32 $0xC580, s2;
	s14 =	sadd.s32 $0xBBA80, s1  }
0x8: {  	s23 =	sadd.s32 $0xBE280, s1;
	_ =	strace $0x8000004A;
	[dreg:$0x7] =	wrdreg s14  }
0x9: {  	s24 =	sadd.s32 $0xC0A80, s1;
	s15 =	sadd.s32 $0xC3280, s1;
	[dreg:$0x8] =	wrdreg s23  }
0xa: {  	p0 =	seq.s32 s2, $0xF;
	s20 =	smul.u32 $0xC3500, s9;
	[dreg:$0x9] =	wrdreg s24  }
0xb: {  	s10 =	ssub.s32 $0x2, s9;
	[dreg:$0xa] =	wrdreg s15;
	s18 =	smul.u32 $0x4E2, s9  }
0xc: {  	s23 =	simm.s32 $0x3;
	s24 =	simm.s32 $0xC3D0;
	s8 =	sshrl.u32 s8, $0x2  }
0xd: {  	s11 =	sshrl.u32 s10, $0x1;
	s9 =	sadd.s32 s22, s1;
	s8 =	sadd.s32 s8, s1  }
0xe: {  	s10 =	ssub.s32 s10, s11;
	s25 =	sadd.s32 s22, s20;
	s11 =	sshrl.u32 s20, $0x3  }
0xf: {  	s22 =	simm.s32 $0xC350;
	s19 =	sadd.s32 $0x2800, s8;
	s12 =	sadd.s32 $0x5000, s8  }
0x10: {  	s21 =	sadd.s32 $0x7800, s8;
	s13 =	sadd.s32 $0xA000, s8;
	[dreg:$0x3] =	wrdreg s19  }
0x11: {  	s14 =	sshrl.u32 s25, $0x3;
	s25 =	sshrl.u32 @!p0 s9, $0x3;
	[dreg:$0x4] =	wrdreg s12  }
.Ltmp0:
0x12: {  	s9 =	simm.s32 $0xC550;
	[dreg:$0x5] =	wrdreg s21;
	(pc) =	sbr.rel .LBB2_1-.Ltmp0, $4  }
0x13: {  	[dreg:$0x6] =	wrdreg s13;
	s13 =	sadd.s32 $0xB9280, s1;
	s26 =	sadd.s32 s0, s14  }
0x14: {  	s0 =	sadd.s32 s0, s11;
	s21 =	smax.u32 s10, $0x1;
	s10 =	simm.s32 $0x1  }
0x15: {  	s11 =	simm.s32 $0xE760;
	s12 =	simm.s32 $0x2;
	[dreg:$0xb] =	wrdreg s26  }
0x16: {  	v0 =	vimm.f32 $0.0e+00;
	vm0 =	vmmov $0x1;
	s20 =	sadd.s32 $0x17250, s0;
	s26 =	simm.s32 $0xE650;
	s0 =	simm.s32 $0xE5D0  }
.LBB2_9:
0x17: {  	[bflag:$0x0] =	sbarrier.arrive $0xFFFF;
	s14 =	sshrl.u32 @p0 s13, $0x3;
	s15 =	simm.s32 @p0 $0x1FC2  }
0x18: {  	[hbm:s20], [sflag:s15] =	dma.local @p0 [spmem:s14], $0x1450  }
0x19: {  	s14 =	simm.s32 @p0 $0x2  }
0x1a: {  	s3 =	sadd.s32 $0x1, s3;
	_ =	swait.ge @p0 [sflag:s14], $0x1450  }
0x1b: {  	s15 =	sshll.u32 @!p0 s2, $0x6;
	p1 =	sne.s32 s3, s21;
	[sflag:s14] =	ssyncset.done @p0 $0x0  }
0x1c: {  	[sflag:s14] =	ssyncadd.s32 @p0 $0xFFFFEBB0;
	s14 =	sor.u32 @!p0 $0x1C02, s15;
	s15 =	rddreg [dreg:$0xb]  }
0x1d: {  	[hbm:s15], [sflag:s14] =	dma.local @!p0 [spmem:s25], $0x18B0  }
.Ltmp1:
0x1e: {  	_ = 	snop;
	(pc) =	sbr.rel @!p1 .LBB2_10-.Ltmp1, $4  }
0x1f: {  	s14 =	simm.s32 @!p0 $0x2  }
0x20: {  	_ =	swait.ge @!p0 [sflag:s14], $0x18B0  }
0x21: {  	[sflag:s14] =	ssyncset.done @!p0 $0x0  }
0x22: {  	[sflag:s14] =	ssyncadd.s32 @!p0 $0xFFFFE750  }
.LBB2_1:
0x23: {  	s15 =	simm.s32 $0x140;
	s14 =	simm.s32 $0x0  }
.LBB2_2:
0x24: {  	p1 =	sne.s32 s15, $0x9EC0;
	[tilespmem:s14+$0xE7A0] =	vst v0;
	s16 =	smov.u32 s15;
	s15 =	sadd.s32 $0x140, s15  }
.Ltmp2:
0x25: {  	[tilespmem:s14+$0xE790] =	vst v0;
	(pc) =	sbr.rel @p1 .LBB2_2-.Ltmp2, $4  }
0x26: {  	[tilespmem:s14+$0xE780] =	vst v0  }
0x27: {  	[tilespmem:s14+$0xE760] =	vst v0  }
0x28: {  	[tilespmem:s14+$0xE770] =	vst v0  }
0x29: {  	s14 =	sshra.s32 s16, $0x2  }
0x2a: {  	[tilespmem:s14+$0xE7A0] =	vst v0  }
0x2b: {  	[tilespmem:s14+$0xE790] =	vst v0  }
0x2c: {  	[tilespmem:s14+$0xE780] =	vst v0  }
0x2d: {  	[tilespmem:s14+$0xE760] =	vst v0  }
0x2e: {  	[tilespmem:s14+$0xE770] =	vst v0;
	s14 =	simm.s32 @p0 $0xE760;
	s15 =	simm.s32 @p0 $0x2  }
0x2f: {  	[spmem:s13] =	stream.linear.scatter @p0 [tilespmem:s14], [sflag:$0x2], $0x2800, $0x38;
	[tilespmem:$0x10F60] =	vst v63  }
0x30: {  	_ =	swait.ge @p0 [sflag:s15], $0x2800  }
0x31: {  	[sflag:s15] =	ssyncset.done @p0 $0x0  }
0x32: {  	s16 =	rddreg [dreg:$0x7];
	[sflag:s15] =	ssyncadd.s32 @p0 $0xFFFFD800  }
0x33: {  	[spmem:s16] =	stream.linear.scatter @p0 [tilespmem:s14], [sflag:$0x2], $0x2800, $0x38;
	[tilespmem:$0x10F60] =	vst v63  }
0x34: {  	_ =	swait.ge @p0 [sflag:s15], $0x2800  }
0x35: {  	[sflag:s15] =	ssyncset.done @p0 $0x0  }
0x36: {  	s16 =	rddreg [dreg:$0x8];
	[sflag:s15] =	ssyncadd.s32 @p0 $0xFFFFD800  }
0x37: {  	[spmem:s16] =	stream.linear.scatter @p0 [tilespmem:s14], [sflag:$0x2], $0x2800, $0x38;
	[tilespmem:$0x10F60] =	vst v63  }
0x38: {  	_ =	swait.ge @p0 [sflag:s15], $0x2800  }
0x39: {  	[sflag:s15] =	ssyncset.done @p0 $0x0  }
0x3a: {  	s16 =	rddreg [dreg:$0x9];
	[sflag:s15] =	ssyncadd.s32 @p0 $0xFFFFD800  }
0x3b: {  	[spmem:s16] =	stream.linear.scatter @p0 [tilespmem:s14], [sflag:$0x2], $0x2800, $0x38;
	[tilespmem:$0x10F60] =	vst v63  }
0x3c: {  	_ =	swait.ge @p0 [sflag:s15], $0x2800  }
0x3d: {  	[sflag:s15] =	ssyncset.done @p0 $0x0  }
0x3e: {  	s16 =	rddreg [dreg:$0xa];
	[sflag:s15] =	ssyncadd.s32 @p0 $0xFFFFD800  }
0x3f: {  	[spmem:s16] =	stream.linear.scatter @p0 [tilespmem:s14], [sflag:$0x2], $0x280, $0x38;
	[tilespmem:$0x10F60] =	vst v63  }
0x40: {  	_ =	swait.ge @p0 [sflag:s15], $0x280  }
0x41: {  	[sflag:s15] =	ssyncset.done @p0 $0x0  }
0x42: {  	s14 =	simm.s32 @!p0 $0xE760;
	[sflag:s15] =	ssyncadd.s32 @p0 $0xFFFFFD80;
	s15 =	simm.s32 @!p0 $0x2  }
0x43: {  	[spmem:s8] =	stream.linear.scatter @!p0 [tilespmem:s14], [sflag:$0x2], $0x2800, $0x38;
	[tilespmem:$0x10F60] =	vst v63  }
0x44: {  	_ =	swait.ge @!p0 [sflag:s15], $0x2800  }
0x45: {  	[sflag:s15] =	ssyncset.done @!p0 $0x0  }
0x46: {  	s16 =	rddreg [dreg:$0x3];
	[sflag:s15] =	ssyncadd.s32 @!p0 $0xFFFFD800  }
0x47: {  	[spmem:s16] =	stream.linear.scatter @!p0 [tilespmem:s14], [sflag:$0x2], $0x2800, $0x38;
	[tilespmem:$0x10F60] =	vst v63  }
0x48: {  	_ =	swait.ge @!p0 [sflag:s15], $0x2800  }
0x49: {  	[sflag:s15] =	ssyncset.done @!p0 $0x0  }
0x4a: {  	s16 =	rddreg [dreg:$0x4];
	[sflag:s15] =	ssyncadd.s32 @!p0 $0xFFFFD800  }
0x4b: {  	[spmem:s16] =	stream.linear.scatter @!p0 [tilespmem:s14], [sflag:$0x2], $0x2800, $0x38;
	[tilespmem:$0x10F60] =	vst v63  }
0x4c: {  	_ =	swait.ge @!p0 [sflag:s15], $0x2800  }
0x4d: {  	[sflag:s15] =	ssyncset.done @!p0 $0x0  }
0x4e: {  	s16 =	rddreg [dreg:$0x5];
	[sflag:s15] =	ssyncadd.s32 @!p0 $0xFFFFD800  }
0x4f: {  	[spmem:s16] =	stream.linear.scatter @!p0 [tilespmem:s14], [sflag:$0x2], $0x2800, $0x38;
	[tilespmem:$0x10F60] =	vst v63  }
0x50: {  	_ =	swait.ge @!p0 [sflag:s15], $0x2800  }
0x51: {  	[sflag:s15] =	ssyncset.done @!p0 $0x0  }
0x52: {  	s16 =	rddreg [dreg:$0x6];
	[sflag:s15] =	ssyncadd.s32 @!p0 $0xFFFFD800  }
0x53: {  	[spmem:s16] =	stream.linear.scatter @!p0 [tilespmem:s14], [sflag:$0x2], $0x2580, $0x38;
	[tilespmem:$0x10F60] =	vst v63  }
.Ltmp3:
0x54: {  	_ =	swait.ge @!p0 [sflag:s15], $0x2580;
	(pc) =	sbr.rel .LBB2_4-.Ltmp3, $4  }
0x55: {  	[sflag:s15] =	ssyncset.done @!p0 $0x0  }
0x56: {  	[sflag:s15] =	ssyncadd.s32 @!p0 $0xFFFFDA80  }
0x57: {  	[bflag:$0x0] =	sbarrier.arrive $0xFFFF  }
0x58: {  	s14 =	simm.s32 $0x0  }
.LBB2_8:
0x59: {  	s14 =	sadd.s32 $0x1, s14  }
0x5a: {  	p1 =	sne.s32 s14, $0x4F  }
.Ltmp4:
0x5b: {  	_ = 	snop;
	(pc) =	sbr.rel @!p1 .LBB2_9-.Ltmp4, $1  }
0x5c: {  	_ =	sdelay $0x3  }
.LBB2_4:
0x5d: {  	s15 =	sshll.u32 s14, $0x4  }
0x5e: {  	s15 =	sor.u32 s2, s15  }
0x5f: {  	p1 =	sgt.u32 s15, $0x4E1  }
.Ltmp5:
0x60: {  	_ = 	snop;
	(pc) =	sbr.rel @p1 .LBB2_8-.Ltmp5, $1  }
0x61: {  	_ =	sdelay $0x3  }
0x62: {  	s15 =	sadd.s32 s18, s15  }
0x63: {  	s15 =	sshll.u32 s15, $0x4  }
0x64: {  	s17 =	simm.s32 $0x0;
	s16 =	sadd.s32 s7, s15  }
0x65: {  	[tilespmem:s22], [sflag:$0x3] =	stream.linear.gather [hbm4b:s16+s17], $0x80, $0x38;
	[tilespmem:$0x10F60] =	vst v63  }
0x66: {  	s15 =	sand.u32 $0x1FFFFFF0, s15;
	_ =	swait.ge [sflag:s23], $0x80  }
0x67: {  	s19 =	sadd.s32 s7, s15;
	[sflag:s23] =	ssyncset.done $0x0  }
0x68: {  	s16 =	sadd.s32 $0x9C40, s19;
	[sflag:s23] =	ssyncadd.s32 $0xFFFFFF80  }
0x69: {  	[tilespmem:s24], [sflag:$0x3] =	stream.linear.gather [hbm4b:s16+s17], $0x80, $0x38;
	[tilespmem:$0x10F60] =	vst v63  }
0x6a: {  	_ =	swait.ge [sflag:s23], $0x80  }
0x6b: {  	s15 =	sadd.s32 s6, s15;
	[sflag:s23] =	ssyncset.done $0x0  }
0x6c: {  	s15 =	sadd.s32 $0x27100, s15;
	[sflag:s23] =	ssyncadd.s32 $0xFFFFFF80  }
0x6d: {  	[tilespmem:s26], [sflag:$0x3] =	stream.linear.gather [hbm4b:s15+s17], $0x80, $0x38;
	[tilespmem:$0x10F60] =	vst v63  }
0x6e: {  	_ =	swait.ge [sflag:s23], $0x80  }
0x6f: {  	[sflag:s23] =	ssyncset.done $0x0  }
0x70: {  	[sflag:s23] =	ssyncadd.s32 $0xFFFFFF80  }
0x71: {  	v1 =	vld [tilespmem:$0xC350]  }
0x72: {  	v2 =	vld [tilespmem:$0xC3D0]  }
0x73: {  	v3 =	vld [tilespmem:$0xC360]  }
0x74: {  	v4 =	vld [tilespmem:$0xC3E0]  }
0x75: {  	v5 =	vld [tilespmem:$0xC370]  }
0x76: {  	v6 =	vld [tilespmem:$0xC3F0]  }
0x77: {  	v7 =	vld [tilespmem:$0xC380];
	v1 =	vshll.u32 v1, $0x2;
	v2 =	vshll.u32 v2, $0x2  }
0x78: {  	[tilespmem:$0xC450] =	vst v1;
	v1 =	vor.u32 $0x1, v2;
	v2 =	vld [tilespmem:$0xC400]  }
0x79: {  	v38 =	vld [tilespmem:$0xC390];
	[tilespmem:$0xC4D0] =	vst v1;
	v1 =	vshll.u32 v3, $0x2;
	v3 =	vshll.u32 v4, $0x2  }
0x7a: {  	[tilespmem:$0xC460] =	vst v1;
	v1 =	vor.u32 $0x1, v3;
	v3 =	vld [tilespmem:$0xC410]  }
0x7b: {  	v40 =	vld [tilespmem:$0xC3A0];
	v39 =	vshll.u32 v6, $0x2;
	[tilespmem:$0xC4E0] =	vst v1;
	v1 =	vshll.u32 v5, $0x2  }
0x7c: {  	v41 =	vld [tilespmem:$0xC420];
	[tilespmem:$0xC470] =	vst v1;
	v1 =	vor.u32 $0x1, v39  }
0x7d: {  	v42 =	vld [tilespmem:$0xC3B0];
	[tilespmem:$0xC4F0] =	vst v1;
	v1 =	vshll.u32 v7, $0x2;
	v2 =	vshll.u32 v2, $0x2  }
0x7e: {  	[tilespmem:$0xC480] =	vst v1;
	v1 =	vor.u32 $0x1, v2;
	v2 =	vld [tilespmem:$0xC430]  }
0x7f: {  	v43 =	vld [tilespmem:$0xC3C0];
	[tilespmem:$0xC500] =	vst v1;
	v1 =	vshll.u32 v38, $0x2;
	v3 =	vshll.u32 v3, $0x2  }
0x80: {  	[tilespmem:$0xC490] =	vst v1;
	v1 =	vor.u32 $0x1, v3;
	v3 =	vld [tilespmem:$0xC440]  }
0x81: {  	v5 =	vshll.u32 v41, $0x2;
	[tilespmem:$0xC510] =	vst v1;
	v1 =	vshll.u32 v40, $0x2  }
0x82: {  	[tilespmem:$0xC4A0] =	vst v1;
	v1 =	vor.u32 $0x1, v5  }
0x83: {  	[tilespmem:$0xC520] =	vst v1;
	v1 =	vshll.u32 v42, $0x2;
	v2 =	vshll.u32 v2, $0x2  }
0x84: {  	[tilespmem:$0xC4B0] =	vst v1;
	v1 =	vor.u32 $0x1, v2  }
0x85: {  	[tilespmem:$0xC530] =	vst v1;
	v1 =	vshll.u32 v43, $0x2;
	v2 =	vshll.u32 v3, $0x2  }
0x86: {  	[tilespmem:$0xC4C0] =	vst v1;
	v1 =	vor.u32 $0x1, v2  }
0x87: {  	[tilespmem:$0xC540] =	vst v1  }
0x88: {  	[tilespmem:s30], [sflag:$0x1] =	stream.indirect.gather [hbm4b:s5+s28], $0x1, s29, s28, $0xb8;
	[tilespmem:$0x10F60] =	vst v63  }
0x89: {  	_ = 	snop  }
0x8a: {  	[tilespmem:s0], [sflag:$0x1] =	stream.indirect.gather [hbm4b:s5+s28], $0x1, s31, s28, $0xb8;
	[tilespmem:$0x10F60] =	vst v63  }
0x8b: {  	_ = 	snop  }
0x8c: {  	[tilespmem:s9], [sflag:$0x1] =	stream.indirect.gather [hbm4b:s4+s28], $0x40, s22, s28, $0xb8;
	[tilespmem:$0x10F60] =	vst v63  }
0x8d: {  	_ =	swait.ge [sflag:s10], $0x80  }
0x8e: {  	[sflag:s10] =	ssyncset.done $0x0  }
0x8f: {  	[sflag:s10] =	ssyncadd.s32 $0xFFFFFF80  }
0x90: {  	_ =	swait.ge [sflag:s10], $0x80  }
0x91: {  	[sflag:s10] =	ssyncset.done $0x0  }
0x92: {  	[sflag:s10] =	ssyncadd.s32 $0xFFFFFF80  }
0x93: {  	_ =	swait.ge [sflag:s10], $0x2000  }
0x94: {  	[sflag:s10] =	ssyncset.done $0x0  }
0x95: {  	[sflag:s10] =	ssyncadd.s32 $0xFFFFE000  }
0x96: {  	v1 =	vld [tilespmem:$0xE550]  }
0x97: {  	v2 =	vld [tilespmem:$0xE5D0]  }
0x98: {  	v3 =	vld [tilespmem:$0xE650]  }
0x99: {  	v44 =	vld [tilespmem:$0xE560]  }
0x9a: {  	v45 =	vld [tilespmem:$0xE5E0]  }
0x9b: {  	v46 =	vld [tilespmem:$0xE660]  }
0x9c: {  	v47 =	vld [tilespmem:$0xE570]  }
0x9d: {  	v8 =	vld [tilespmem:$0xE5F0]  }
0x9e: {  	v9 =	vld [tilespmem:$0xE670]  }
0x9f: {  	v10 =	vld [tilespmem:$0xE580]  }
0xa0: {  	v11 =	vld [tilespmem:$0xE600]  }
0xa1: {  	v12 =	vld [tilespmem:$0xE680]  }
0xa2: {  	v13 =	vld [tilespmem:$0xE590]  }
0xa3: {  	v48 =	vld [tilespmem:$0xE690];
	v1 =	vadd.f32 v2, v1  }
0xa4: {  	v49 =	vld [tilespmem:$0xE620]  }
0xa5: {  	v50 =	vld [tilespmem:$0xE5B0];
	v1 =	vadd.f32 v3, v1  }
0xa6: {  	v51 =	vld [tilespmem:$0xE630]  }
0xa7: {  	v52 =	vld [tilespmem:$0xE5C0];
	v4 =	vadd.f32 v45, v44;
	v14 =	vmul.f32 $2.000000030e-01, v1  }
0xa8: {  	v2 =	vld [tilespmem:$0xE610];
	v7 =	vadd.f32 v8, v47  }
0xa9: {  	v3 =	vld [tilespmem:$0xE5A0];
	v4 =	vadd.f32 v46, v4;
	v1 =	vmax.f32 v1, v14  }
0xaa: {  	v53 =	vld [tilespmem:$0xE640];
	v7 =	vadd.f32 v9, v7;
	v1 =	vmul.f32 $1.442695020e+00, v1  }
0xab: {  	v15 =	vld [tilespmem:$0xE6A0];
	v10 =	vadd.f32 v11, v10;
	v16 =	vmul.f32 $2.000000030e-01, v4  }
0xac: {  	v54 =	vld [tilespmem:$0xE6B0];
	v57 =	vadd.f32 v51, v50;
	(erf) = vpow2.f32 v1;
	v1 =	vmul.f32 $2.000000030e-01, v7  }
0xad: {  	v55 =	vld [tilespmem:$0xE6C0];
	v56 =	vadd.f32 v12, v10;
	v2 =	vadd.f32 v2, v13;
	v4 =	vmax.f32 v4, v16  }
0xae: {  	v4 =	vmul.f32 $1.442695020e+00, v4;
	v3 =	vadd.f32 v49, v3;
	v1 =	vmax.f32 v7, v1  }
0xaf: {  	v58 =	vadd.f32 v53, v52;
	v2 =	vadd.f32 v48, v2;
	v1 =	vmul.f32 $1.442695020e+00, v1  }
0xb0: {  	v59 =	vmul.f32 $2.000000030e-01, v56;
	v3 =	vadd.f32 v15, v3;
	(erf) = vpow2.f32 v4  }
0xb1: {  	v60 =	vmul.f32 $2.000000030e-01, v2;
	(erf) = vpow2.f32 v1;
	v1 =	vadd.f32 v54, v57  }
0xb2: {  	v4 =	vadd.f32 v55, v58;
	v7 =	vmax.f32 v56, v59;
	v61 =	vmul.f32 $2.000000030e-01, v3  }
0xb3: {  	v2 =	vmax.f32 v2, v60;
	v7 =	vmul.f32 $1.442695020e+00, v7;
	v62 =	vmul.f32 $2.000000030e-01, v1  }
0xb4: {  	v2 =	vmul.f32 $1.442695020e+00, v2;
	v63 =	vmul.f32 $2.000000030e-01, v4;
	v3 =	vmax.f32 v3, v61  }
0xb5: {  	v3 =	vmul.f32 $1.442695020e+00, v3;
	(erf) = vpow2.f32 v7;
	v1 =	vmax.f32 v1, v62  }
0xb6: {  	(erf) = vpow2.f32 v2;
	v2 =	vmax.f32 v4, v63;
	v1 =	vmul.f32 $1.442695020e+00, v1  }
0xb7: {  	(erf) = vpow2.f32 v3;
	v2 =	vmul.f32 $1.442695020e+00, v2  }
0xb8: {  	(erf) = vpow2.f32 v1  }
0xb9: {  	(erf) = vpow2.f32 v2;
	_ =	sdelay $0x1  }
0xba: {  	v1 =	vpop (erf)  }
0xbb: {  	v2 =	vpop (erf);
	[tilespmem:$0xE6D0] =	vst v1  }
0xbc: {  	v1 =	vpop (erf);
	[tilespmem:$0xE6E0] =	vst v2  }
0xbd: {  	v2 =	vpop (erf);
	[tilespmem:$0xE6F0] =	vst v1  }
0xbe: {  	v1 =	vpop (erf);
	[tilespmem:$0xE700] =	vst v2  }
0xbf: {  	v2 =	vpop (erf);
	[tilespmem:$0xE710] =	vst v1  }
0xc0: {  	[tilespmem:$0xE720] =	vst v2;
	v1 =	vpop (erf)  }
0xc1: {  	[tilespmem:$0xE730] =	vst v1;
	v1 =	vpop (erf)  }
0xc2: {  	s19 =	simm.s32 $0x0;
	[tilespmem:$0xE740] =	vst v1  }
0xc3: {  	v1 =	vld [tilespmem:s19+$0xE6D0]  }
0xc4: {  	s15 =	simm.s32 $0xC570  }
0xc5: {  	v2 =	vld [tilespmem:s15+$0xFFFFFFE0];
	_ =	sdelay $0x2  }
0xc6: {  	v3 =	vbroadcast v1, $0x0;
	_ =	sdelay $0x1  }
0xc7: {  	v2 =	vmul.f32 v3, v2  }
0xc8: {  	s16 =	simm.s32 $0xE780  }
0xc9: {  	[tilespmem:s16+$0xFFFFFFE0] =	vst v2  }
0xca: {  	v2 =	vld [tilespmem:s15+$0xFFFFFFF0];
	_ =	sdelay $0x4  }
0xcb: {  	v2 =	vmul.f32 v2, v3;
	_ =	sdelay $0x1  }
0xcc: {  	[tilespmem:s16+$0xFFFFFFF0] =	vst v2  }
0xcd: {  	v2 =	vld [tilespmem:s15+$0x0];
	_ =	sdelay $0x4  }
0xce: {  	v2 =	vmul.f32 v2, v3;
	_ =	sdelay $0x1  }
0xcf: {  	[tilespmem:s16+$0x0] =	vst v2  }
0xd0: {  	v2 =	vld [tilespmem:s15+$0x10];
	_ =	sdelay $0x4  }
0xd1: {  	v1 =	vnsel vm0, $0x0, v1;
	v2 =	vmul.f32 v2, v3  }
0xd2: {  	[tilespmem:s16+$0x20] =	vst v1  }
0xd3: {  	s17 =	simm.s32 $0x8;
	s19 =	simm.s32 $0x1;
	[tilespmem:s16+$0x10] =	vst v2  }
.LBB2_6:
0xd4: {  	p1 =	sne.s32 s17, $0x1FC;
	v1 =	vld [tilespmem:s19+$0xE6D0]  }
0xd5: {  	s15 =	sadd.s32 $0x40, s15  }
0xd6: {  	v2 =	vld [tilespmem:s15+$0xFFFFFFE0];
	_ =	sdelay $0x2  }
0xd7: {  	v3 =	vbroadcast v1, $0x0;
	v1 =	vnsel vm0, $0x0, v1;
	_ =	sdelay $0x1  }
0xd8: {  	v2 =	vmul.f32 v3, v2  }
0xd9: {  	s16 =	sadd.s32 $0x50, s16  }
0xda: {  	[tilespmem:s16+$0xFFFFFFE0] =	vst v2  }
0xdb: {  	v2 =	vld [tilespmem:s15+$0xFFFFFFF0];
	_ =	sdelay $0x4  }
0xdc: {  	v2 =	vmul.f32 v2, v3;
	_ =	sdelay $0x1  }
0xdd: {  	[tilespmem:s16+$0xFFFFFFF0] =	vst v2  }
0xde: {  	v2 =	vld [tilespmem:s15+$0x0];
	_ =	sdelay $0x4  }
0xdf: {  	v2 =	vmul.f32 v2, v3;
	_ =	sdelay $0x1  }
0xe0: {  	[tilespmem:s16+$0x0] =	vst v2  }
0xe1: {  	v2 =	vld [tilespmem:s15+$0x10];
	[tilespmem:s16+$0x20] =	vst v1;
	_ =	sdelay $0x2  }
.Ltmp6:
0xe2: {  	(pc) =	sbr.rel @p1 .LBB2_6-.Ltmp6, $3  }
0xe3: {  	_ = 	snop  }
0xe4: {  	v1 =	vmul.f32 v2, v3;
	_ =	sdelay $0x1  }
0xe5: {  	s19 =	sshra.s32 s17, $0x2;
	s17 =	sadd.s32 $0x4, s17;
	[tilespmem:s16+$0x10] =	vst v1  }
0xe6: {  	v1 =	vld [tilespmem:s19+$0xE6D0]  }
0xe7: {  	s15 =	sadd.s32 $0x40, s15  }
0xe8: {  	v2 =	vld [tilespmem:s15+$0xFFFFFFE0];
	_ =	sdelay $0x2  }
0xe9: {  	v3 =	vbroadcast v1, $0x0;
	_ =	sdelay $0x1  }
0xea: {  	v2 =	vmul.f32 v3, v2  }
0xeb: {  	s16 =	sadd.s32 $0x50, s16  }
0xec: {  	[tilespmem:s16+$0xFFFFFFE0] =	vst v2  }
0xed: {  	v2 =	vld [tilespmem:s15+$0xFFFFFFF0];
	_ =	sdelay $0x4  }
0xee: {  	v2 =	vmul.f32 v2, v3;
	_ =	sdelay $0x1  }
0xef: {  	[tilespmem:s16+$0xFFFFFFF0] =	vst v2  }
0xf0: {  	v2 =	vld [tilespmem:s15+$0x0];
	_ =	sdelay $0x4  }
0xf1: {  	v2 =	vmul.f32 v2, v3;
	_ =	sdelay $0x1  }
0xf2: {  	[tilespmem:s16+$0x0] =	vst v2  }
0xf3: {  	v2 =	vld [tilespmem:s15+$0x10];
	_ =	sdelay $0x4  }
0xf4: {  	v1 =	vnsel vm0, $0x0, v1;
	v2 =	vmul.f32 v2, v3  }
0xf5: {  	[tilespmem:s16+$0x20] =	vst v1  }
.Ltmp7:
0xf6: {  	[tilespmem:s16+$0x10] =	vst v2;
	(pc) =	sbr.rel .LBB2_8-.Ltmp7, $4  }
0xf7: {  	[spmem:s1] =	stream.indirect.scatter.add.f32 [tilespmem:s11], [sflag:$0x2], $0x50, s24, s28, $0xb8;
	[tilespmem:$0x10F60] =	vst v63  }
0xf8: {  	_ =	swait.ge [sflag:s12], $0x2800  }
0xf9: {  	[sflag:s12] =	ssyncset.done $0x0  }
0xfa: {  	[sflag:s12] =	ssyncadd.s32 $0xFFFFD800  }
.LBB2_10:
0xfb: {  	_ =	sfence.sel $0x180000  }
0xfc: {  	[bflag:$0x0] =	sbarrier.arrive $0xFFFF  }
0xfd: {  	_ =	strace $0x9000004A  }
0xfe: {  	[bflag:$0x2] =	sbarrier.arrive $0xFFFF  }
0xff: {  	p0 =	sne.s32 s2, $0x0;
	s0 =	rddreg [dreg:$0x2]  }
0x100: {  	s0 =	sadd.s32 @!p0 $0x100000, s0  }
0x101: {  	[sflag:s0] =	ssyncadd.tile.s32 @!p0 $0x1;
	_ =	shalt  }
.Lfunc_end2:
_tile_overlayer_lowered:
.L_overlay_start_2:
0x102: {  	(tag) =	ssettag $0x2  }
0x103: {  	s0 =	rddreg [dreg:$0x0];
	s2 =	stileid.u32  }
0x104: {  	s1 =	rddreg [dreg:$0x1];
	p0 =	sne.s32 s2, $0x0  }
0x105: {  	s3 =	rddreg [dreg:$0x2];
	[bflag:$0x3] =	sbarrier.arrive $0xFFFF;
	s2 =	simm.s32 @!p0 $0x1C02  }
0x106: {  	[timem:s3], [sflag:s2] =	dma.local @!p0 [hbm:s0], s1  }
0x107: {  	s0 =	simm.s32 @!p0 $0x2  }
0x108: {  	_ =	swait.ge @!p0 [sflag:s0], s1  }
0x109: {  	s1 =	ssub.s32 @!p0 $0x0, s1;
	[sflag:s0] =	ssyncset.done @!p0 $0x0  }
0x10a: {  	[sflag:s0] =	ssyncadd.s32 @!p0 s1  }
0x10b: {  	[bflag:$0x3] =	sbarrier.arrive $0xFFFF  }
0x10c: {  	_ =	shalt  }

// kernel: kernel.8.cloned.1.call-start
scs
__scs_entry_jumppad:
0x0: {  	(pc) =	sbr.rel $0x88, $3  }
0x1: {  	(tag) =	ssettag $0x0;
	lr =	simm.s32 $0x1  }
0x2: {  	[smem:$0x3F7B] =	sst lr;
	_ =	strace $0xD0000000  }
0x3: {  	_ = 	snop  }
0x4: {  	_ = 	snop  }
0x5: {  	_ = 	snop  }
0x6: {  	_ = 	snop  }
0x7: {  	_ = 	snop  }
__scs_overlays_trampoline_lowered:
0x8: {  	[smem:$0x3F8A] =	sst s0  }
0x9: {  	[smem:$0x3F8B] =	sst s1  }
0xa: {  	[smem:$0x3F8C] =	sst s2  }
0xb: {  	[smem:$0x3F8D] =	sst s3  }
0xc: {  	[smem:$0x3F8E] =	sst s4  }
0xd: {  	[smem:$0x3F8F] =	sst s5  }
0xe: {  	[smem:$0x3F90] =	sst s6  }
0xf: {  	[smem:$0x3F91] =	sst s7  }
0x10: {  	[smem:$0x3F92] =	sst s8  }
0x11: {  	[smem:$0x3F93] =	sst s9;
	s0 =	simm.s32 @!p0 $0x0  }
0x12: {  	s1 =	sld [smem:$0x3F79];
	s0 =	simm.s32 @p0 $0x1  }
0x13: {  	[smem:$0x3F94] =	sst s0;
	s0 =	simm.s32 @!p1 $0x0  }
0x14: {  	s2 =	sld [smem:$0x3F78];
	s0 =	simm.s32 @p1 $0x1  }
0x15: {  	[smem:$0x3F95] =	sst s0;
	s0 =	simm.s32 @!p2 $0x0  }
0x16: {  	s3 =	sld [smem:$0x3FDB];
	s0 =	simm.s32 @p2 $0x1  }
0x17: {  	s4 =	simm.s32 $0x1BF5;
	[smem:$0x3F97] =	sst s0  }
0x18: {  	s0 =	sld [smem:$0x3F7A];
	_ =	swait.ge [sflag:s4], $0x0  }
0x19: {  	s7 =	sld [smem:$0x3F7B]  }
0x1a: {  	s8 =	sadd.s32 $0xFFFFE003, lr  }
0x1b: {  	s9 =	sadd.s32 $0xFFFFFEF7, lr;
	s5 =	simm.s32 $0xFFFFFFFF;
	p2 =	slt.u32 s8, $0xFFFFF086  }
0x1c: {  	p1 =	slt.u32 s9, $0xF7A;
	s5 =	simm.s32 @!p2 $0x0  }
0x1d: {  	s5 =	simm.s32 @p1 $0x1;
	p0 =	seq.s32 s7, s2  }
0x1e: {  	s7 =	smul.u32 @!p0 $0xF7A, s2;
	p2 =	seq.s32 @!p0 s5, $0x0  }
0x1f: {  	s9 =	smul.u32 $0xF7A, s1;
	s8 =	simm.s32 @!p0 $0x1BF5;
	p2 =	por !p2, p0  }
0x20: {  	[sflag:s8] =	ssyncset.s32 @!p0 $0xFFFFF086;
	s6 =	sadd.s32 @!p0 s3, s7;
	s7 =	simm.s32 @!p0 $0x108  }
0x21: {  	s3 =	sadd.s32 s3, s9;
	s6 =	sadd.s32 @!p0 $0x88, s6;
	s7 =	simm.s32 @p2 $0x1082  }
0x22: {  	[simem:s7], [sflag:s8] =	dma.local @!p0 [hbm:s6], $0xF7A  }
0x23: {  	s9 =	sor.u32 $0xD0000000, s2;
	s6 =	simm.s32 $0x108;
	_ =	swait.ge @!p0 [sflag:s8], $0x0  }
0x24: {  	s3 =	sadd.s32 $0x88, s3;
	s6 =	simm.s32 @!p1 $0x1082;
	[sflag:s4] =	ssyncset.s32 $0xFFFFF086  }
0x25: {  	[simem:s6], [sflag:s4] =	dma.local [hbm:s3], $0xF7A  }
0x26: {  	[smem:$0x3F7B] =	sst s1;
	(tag) =	ssettag s2;
	_ =	strace s9  }
0x27: {  	s1 =	sld [smem:$0x3F8B]  }
0x28: {  	s2 =	sld [smem:$0x3F8C]  }
0x29: {  	s4 =	sld [smem:$0x3F8E]  }
0x2a: {  	p0 =	seq.s32 s5, $0x0;
	s5 =	sld [smem:$0x3F8F]  }
0x2b: {  	s6 =	sld [smem:$0x3F90]  }
0x2c: {  	s7 =	sld [smem:$0x3F91]  }
0x2d: {  	s3 =	simm.s32 $0x108;
	s8 =	sld [smem:$0x3F92]  }
0x2e: {  	s3 =	simm.s32 @!p0 $0x1082;
	s9 =	sld [smem:$0x3F93]  }
0x2f: {  	lr =	sadd.s32 s0, s3;
	s0 =	sld [smem:$0x3F8A]  }
0x30: {  	s3 =	sld [smem:$0x3F8D]  }
0x31: {  	[smem:$0x3F96] =	sst s10  }
0x32: {  	s10 =	sld [smem:$0x3F94];
	_ =	sdelay $0x3  }
0x33: {  	p0 =	seq.s32 s10, $0x1;
	s10 =	sld [smem:$0x3F96];
	_ =	sdelay $0x3  }
0x34: {  	[smem:$0x3F96] =	sst s10  }
0x35: {  	s10 =	sld [smem:$0x3F95];
	_ =	sdelay $0x3  }
0x36: {  	p1 =	seq.s32 s10, $0x1;
	s10 =	sld [smem:$0x3F96];
	_ =	sdelay $0x3  }
0x37: {  	[smem:$0x3F96] =	sst s10  }
0x38: {  	s10 =	sld [smem:$0x3F97]  }
0x39: {  	_ = 	snop;
	(pc) =	sbr.ind lr, $3  }
0x3a: {  	_ = 	snop  }
0x3b: {  	_ = 	snop  }
0x3c: {  	p2 =	seq.s32 s10, $0x1;
	s10 =	sld [smem:$0x3F96]  }
0x3d: {  	_ =	shalt  }
0x3e: {  	_ =	shalt  }
0x3f: {  	_ =	shalt  }
0x40: {  	_ =	shalt  }
0x41: {  	_ =	shalt  }
0x42: {  	_ =	shalt  }
0x43: {  	_ =	shalt  }
0x44: {  	_ =	shalt  }
0x45: {  	_ =	shalt  }
0x46: {  	_ =	shalt  }
0x47: {  	_ =	shalt  }
0x48: {  	_ =	shalt  }
0x49: {  	_ =	shalt  }
0x4a: {  	_ =	shalt  }
0x4b: {  	_ =	shalt  }
0x4c: {  	_ =	shalt  }
0x4d: {  	_ =	shalt  }
0x4e: {  	_ =	shalt  }
0x4f: {  	_ =	shalt  }
0x50: {  	_ =	shalt  }
0x51: {  	_ =	shalt  }
0x52: {  	_ =	shalt  }
0x53: {  	_ =	shalt  }
0x54: {  	_ =	shalt  }
0x55: {  	_ =	shalt  }
0x56: {  	_ =	shalt  }
0x57: {  	_ =	shalt  }
0x58: {  	_ =	shalt  }
0x59: {  	_ =	shalt  }
0x5a: {  	_ =	shalt  }
0x5b: {  	_ =	shalt  }
0x5c: {  	_ =	shalt  }
0x5d: {  	_ =	shalt  }
0x5e: {  	_ =	shalt  }
0x5f: {  	_ =	shalt  }
0x60: {  	_ =	shalt  }
0x61: {  	_ =	shalt  }
0x62: {  	_ =	shalt  }
0x63: {  	_ =	shalt  }
0x64: {  	_ =	shalt  }
0x65: {  	_ =	shalt  }
0x66: {  	_ =	shalt  }
0x67: {  	_ =	shalt  }
0x68: {  	_ =	shalt  }
0x69: {  	_ =	shalt  }
0x6a: {  	_ =	shalt  }
0x6b: {  	_ =	shalt  }
0x6c: {  	_ =	shalt  }
0x6d: {  	_ =	shalt  }
0x6e: {  	_ =	shalt  }
0x6f: {  	_ =	shalt  }
0x70: {  	_ =	shalt  }
0x71: {  	_ =	shalt  }
0x72: {  	_ =	shalt  }
0x73: {  	_ =	shalt  }
0x74: {  	_ =	shalt  }
0x75: {  	_ =	shalt  }
0x76: {  	_ =	shalt  }
0x77: {  	_ =	shalt  }
0x78: {  	_ =	shalt  }
0x79: {  	_ =	shalt  }
0x7a: {  	_ =	shalt  }
0x7b: {  	_ =	shalt  }
0x7c: {  	_ =	shalt  }
0x7d: {  	_ =	shalt  }
0x7e: {  	_ =	shalt  }
0x7f: {  	_ =	shalt  }
0x80: {  	_ =	shalt  }
0x81: {  	_ =	shalt  }
0x82: {  	_ =	shalt  }
0x83: {  	_ =	shalt  }
0x84: {  	_ =	shalt  }
0x85: {  	_ =	shalt  }
0x86: {  	_ =	shalt  }
0x87: {  	_ =	shalt  }
.Lfunc_end0:
.L_simem_size_0:
called_computation_lowered:
.L_overlay_start_0:
0x88: {  	s2 =	sld [smem:$0x3FD9]  }
0x89: {  	s3 =	sld [smem:$0x3FFE];
	_ =	sdelay $0x1  }
0x8a: {  	s1 =	srdreg.scid  }
0x8b: {  	s0 =	sand.u32 $0x1, s1  }
0x8c: {  	s16 =	sshll.u32 s0, $0xA;
	s2 =	sadd.s32 s3, s2  }
0x8d: {  	s2 =	sadd.s32 s2, s16  }
0x8e: {  	[smem:$0x3FA2] =	sst s2  }
0x8f: {  	_ = 	snop  }
0x90: {  	(tm) =	ssettm $0x1  }
0x91: {  	s17 =	sld [smem:$0x3FFB];
	_ =	sdelay $0x3  }
0x92: {  	_ =	strace s17  }
0x93: {  	s2 =	sld [smem:$0x3FFC];
	_ =	sdelay $0x3  }
0x94: {  	_ =	strace s2  }
0x95: {  	s2 =	sld [smem:$0x3FFD];
	_ =	sdelay $0x3  }
0x96: {  	_ =	strace s2  }
0x97: {  	_ =	strace $0x8FFFFFFF  }
0x98: {  	s18 =	sld [smem:$0x3FDB];
	_ =	sdelay $0x1  }
0x99: {  	s19 =	simm.s32 $_scs_section_size  }
0x9a: {  	s4 =	simm.s32 $_size__tile_overlayer_lowered;
	s5 =	simm.s32 $_tile_overlayer_lowered  }
0x9b: {  	s22 =	simm.s32 $0x1BFF;
	s21 =	sshll.u32 s5, $0x1;
	s2 =	sadd.s32 s19, s18  }
0x9c: {  	s6 =	simm.s32 $0x0;
	s20 =	sshll.u32 s4, $0x1;
	s4 =	sadd.s32 s21, s2  }
0x9d: {  	[timem:s6], [sflag:s22] =	dma.local [hbm:s4], s20  }
0x9e: {  	_ =	swait.ge [sflag:s22], s20  }
0x9f: {  	s3 =	ssub.s32 $0x0, s20;
	[sflag:s22] =	ssyncset.done $0x0  }
0xa0: {  	[sflag:s22] =	ssyncadd.s32 s3;
	_ =	sdelay $0x1  }
0xa1: {  	s23 =	simm.s32 $0x1B8B  }
0xa2: {  	_ =	swait.ge [sflag:s23], $0x1  }
0xa3: {  	[sflag:s23] =	ssyncset.done $0x0  }
0xa4: {  	s25 =	simm.s32 $0x1B8E;
	s24 =	sld [smem:$0x3FFE];
	[sflag:s23] =	ssyncadd.s32 $0xFFFFFFFF  }
0xa5: {  	s26 =	simm.s32 $execute0_lowered;
	[smem:$0x3FD2] =	sst s25  }
0xa6: {  	s4 =	sshll.u32 s26, $0x1;
	_ =	strace $0x80000046;
	[dreg:$0x1] =	wrdreg $0xFFFFFFFF  }
0xa7: {  	s28 =	simm.s32 $_size_execute0_lowered;
	s2 =	sadd.s32 s2, s4;
	[dreg:$0x0] =	wrdreg $0x0  }
0xa8: {  	s4 =	sshll.u32 s28, $0x1;
	[dreg:$0x2] =	wrdreg s2  }
0xa9: {  	[dreg:$0x3] =	wrdreg s4  }
0xaa: {  	[dreg:$0x4] =	wrdreg $0xC0  }
0xab: {  	_ =	task [dreg:s6], $0x5FFFF  }
0xac: {  	[dreg:$0x1] =	wrdreg $0xFFFFFFFF  }
0xad: {  	[dreg:$0x0] =	wrdreg $0x60  }
0xae: {  	[dreg:$0x2] =	wrdreg s24  }
0xaf: {  	[dreg:$0x3] =	wrdreg $0x0  }
0xb0: {  	[dreg:$0x4] =	wrdreg $0x9  }
0xb1: {  	_ =	task.clear_ibuf [dreg:s6], $0x5FFFF;
	_ =	strace $0x90000046  }
0xb2: {  	s29 =	simm.s32 $0x9;
	_ =	strace $0x80000048  }
0xb3: {  	_ =	swait.ge [sflag:s29], $0x1  }
0xb4: {  	[sflag:s29] =	ssyncadd.s32 $0xFFFFFFFF  }
0xb5: {  	_ =	strace $0x90000048  }
0xb6: {  	_ =	sfence  }
0xb7: {  	s30 =	sld [smem:$0x0];
	_ =	sdelay $0x2  }
0xb8: {  	s31 =	sshll.u32 s1, $0xD;
	s1 =	sshrl.u32 s1, $0x2  }
0xb9: {  	s3 =	sand.u32 $0x4000, s31;
	s1 =	sadd.s32 s1, s30  }
0xba: {  	s0 =	sor.u32 s3, s0;
	s1 =	sshll.u32 s1, $0x11  }
0xbb: {  	s0 =	sor.u32 s1, s0  }
0xbc: {  	s0 =	sadd.s32 $0x8F2B, s0  }
0xbd: {  	[sflag:s0] =	ssyncadd.remote.s32 $0x1  }
0xbe: {  	_ =	sfence.sel $0xFFFF  }
0xbf: {  	[dreg:$0x0] =	wrdreg $0xFFFFFFFF;
	(pc) =	sbr.abs _section_cstart, $3  }
0xc0: {  	[dreg:$0x1] =	wrdreg $0xFFFFFFFF  }
0xc1: {  	_ =	task.clear_ibuf [dreg:s6], $0x2FFFF;
	_ =	strace $0x9FFFFFFF  }
0xc2: {  	(tm) =	ssettm $0x7FFFFFFF  }
0xc3: {  	_ =	shalt  }
tec
execute0_lowered:
.L_overlay_start_1:
0x0: {  	(tag) =	ssettag $0x1  }
0x1: {  	s0 =	rddreg [dreg:$0x0]  }
0x2: {  	s13 =	rddreg [dreg:$0x1];
	s2 =	simm.s32 $0x0  }
0x3: {  	s1 =	simm.s32 $0x0;
	s3 =	srdreg.scid;
	s28 =	simm.s32 $0x16090  }
0x4: {  	s30 =	simm.s32 $0x1A590;
	s31 =	simm.s32 $0x80;
	[dreg:$0x3] =	wrdreg s1  }
0x5: {  	[smem:$0x7FF] =	sst s2;
	s1 =	stileid.u32;
	s4 =	sadd.s32 $0x5400, s0  }
0x6: {  	s5 =	sadd.s32 $0x54A00, s0;
	s6 =	sadd.s32 $0x53600, s0;
	s7 =	sadd.s32 $0x55E00, s0  }
0x7: {  	s8 =	sadd.s32 $0x86C00, s0;
	s0 =	sadd.s32 $0x9A600, s0;
	s18 =	sadd.s32 $0x14D480, s13  }
0x8: {  	s3 =	sand.u32 $0x1, s3;
	s20 =	sadd.s32 $0x151C80, s13;
	s21 =	sadd.s32 $0x156480, s13  }
0x9: {  	s22 =	sadd.s32 $0x15AC80, s13;
	_ =	strace $0x80000047;
	[dreg:$0x9] =	wrdreg s18  }
0xa: {  	s29 =	smov.u32 s13;
	s12 =	smul.u32 $0x58E00, s1;
	[dreg:$0xa] =	wrdreg s20  }
0xb: {  	s26 =	sadd.s32 $0x15F480, s13;
	s17 =	smul.u32 $0x15F900, s3;
	[dreg:$0xb] =	wrdreg s21  }
0xc: {  	s9 =	ssub.s32 $0x2, s3;
	s19 =	smul.u32 $0x16380, s1;
	[dreg:$0xc] =	wrdreg s22  }
0xd: {  	s23 =	sshll.u32 s3, $0x1;
	s18 =	smul.u32 $0x9C400, s3;
	p0 =	seq.s32 s1, $0xF  }
0xe: {  	[dreg:$0x11] =	wrdreg s26;
	s26 =	simm.s32 $0x3;
	s20 =	simm.s32 $0x16310  }
0xf: {  	s21 =	simm.s32 $0x1;
	s22 =	simm.s32 $0x1A730;
	s2 =	sshrl.u32 s12, $0x2  }
0x10: {  	s14 =	sshrl.u32 s9, $0x1;
	v1 =	vmov s23;
	s23 =	simm.s32 $0x2;
	s11 =	sadd.s32 s2, s13  }
0x11: {  	s12 =	sadd.s32 s19, s17;
	s10 =	sadd.s32 $0x4800, s11;
	[dreg:$0x4] =	wrdreg s11  }
0x12: {  	s2 =	ssub.s32 s9, s14;
	s15 =	sadd.s32 $0x9000, s11;
	[dreg:$0x5] =	wrdreg s10  }
0x13: {  	s12 =	sshrl.u32 s12, $0x3;
	s16 =	sadd.s32 $0xD800, s11;
	[dreg:$0x6] =	wrdreg s15  }
0x14: {  	s14 =	sshllo.u32 s3, $0x1;
	s11 =	sadd.s32 $0x12000, s11;
	[dreg:$0x7] =	wrdreg s16  }
0x15: {  	s3 =	smul.u32 $0x2710, s3;
	s12 =	sadd.s32 s0, s12;
	[dreg:$0x8] =	wrdreg s11  }
0x16: {  	s25 =	smax.u32 s2, $0x1;
	s24 =	smul.u32 $0x4E200, s14;
	[dreg:$0xd] =	wrdreg s12  }
0x17: {  	s10 =	sshrl.u32 s17, $0x3;
	[dreg:$0xf] =	wrdreg s25;
	s11 =	simm.s32 $0x16190  }
.Ltmp0:
0x18: {  	s12 =	simm.s32 $0x1A390;
	s15 =	simm.s32 $0x1A410;
	(pc) =	sbr.rel .LBB2_1-.Ltmp0, $4  }
0x19: {  	s16 =	simm.s32 $0x16290;
	s17 =	simm.s32 $0x1A490;
	s0 =	sadd.s32 s0, s10  }
0x1a: {  	s10 =	sadd.s32 s19, s13;
	s13 =	simm.s32 $0x16210;
	s0 =	sadd.s32 $0x29A90, s0  }
0x1b: {  	v3 =	vimm.f32 $0.0e+00;
	vm0 =	vcmask $0x704;
	s19 =	simm.s32 $0x16010;
	[dreg:$0xe] =	wrdreg s0;
	s0 =	sshrl.u32 @!p0 s10, $0x3  }
0x1c: {  	vm1 =	vmmov $0x1;
	v2 =	vmov s14;
	v0 =	vmov s3;
	s10 =	simm.s32 $0x1A310;
	[dreg:$0x10] =	wrdreg s0;
	s0 =	simm.s32 $0x16110  }
.LBB2_9:
0x1d: {  	[bflag:$0x0] =	sbarrier.arrive $0xFFFF  }
0x1e: {  	s2 =	rddreg [dreg:$0x9]  }
0x1f: {  	s3 =	simm.s32 @p0 $0x1FC2;
	s9 =	rddreg [dreg:$0xe];
	s2 =	sshrl.u32 @p0 s2, $0x3  }
0x20: {  	[hbm:s9], [sflag:s3] =	dma.local @p0 [spmem:s2], $0x2490  }
0x21: {  	s2 =	simm.s32 @p0 $0x2  }
0x22: {  	_ =	swait.ge @p0 [sflag:s2], $0x2490  }
0x23: {  	s3 =	sshll.u32 @!p0 s1, $0x6;
	[sflag:s2] =	ssyncset.done @p0 $0x0;
	s9 =	rddreg [dreg:$0x10]  }
0x24: {  	[sflag:s2] =	ssyncadd.s32 @p0 $0xFFFFDB70;
	s2 =	sor.u32 @!p0 $0x1C02, s3;
	s3 =	rddreg [dreg:$0xd]  }
0x25: {  	[hbm:s3], [sflag:s2] =	dma.local @!p0 [spmem:s9], $0x2C70  }
0x26: {  	s2 =	simm.s32 @!p0 $0x2  }
0x27: {  	_ =	swait.ge @!p0 [sflag:s2], $0x2C70  }
0x28: {  	s14 =	rddreg [dreg:$0x3]  }
0x29: {  	s25 =	rddreg [dreg:$0xf];
	s3 =	sadd.s32 $0x1, s14  }
0x2a: {  	p1 =	sne.s32 s3, s25  }
.Ltmp1:
0x2b: {  	_ = 	snop;
	(pc) =	sbr.rel @!p1 .LBB2_10-.Ltmp1, $3  }
0x2c: {  	_ =	sdelay $0x1  }
0x2d: {  	[sflag:s2] =	ssyncset.done @!p0 $0x0  }
0x2e: {  	[sflag:s2] =	ssyncadd.s32 @!p0 $0xFFFFD390;
	[dreg:$0x3] =	wrdreg s3  }
.LBB2_1:
0x2f: {  	s2 =	simm.s32 $0x0;
	s3 =	simm.s32 $0x240  }
.LBB2_2:
0x30: {  	p1 =	sne.s32 s3, $0x11DC0;
	[tilespmem:s2+$0x1A7B0] =	vst v3  }
0x31: {  	[tilespmem:s2+$0x1A730] =	vst v3  }
0x32: {  	[tilespmem:s2+$0x1A740] =	vst v3  }
0x33: {  	[tilespmem:s2+$0x1A750] =	vst v3  }
.Ltmp2:
0x34: {  	[tilespmem:s2+$0x1A760] =	vst v3;
	(pc) =	sbr.rel @p1 .LBB2_2-.Ltmp2, $4  }
0x35: {  	[tilespmem:s2+$0x1A770] =	vst v3  }
0x36: {  	[tilespmem:s2+$0x1A780] =	vst v3  }
0x37: {  	[tilespmem:s2+$0x1A790] =	vst v3  }
0x38: {  	[tilespmem:s2+$0x1A7A0] =	vst v3;
	s2 =	sshra.s32 s3, $0x2;
	s3 =	sadd.s32 $0x240, s3  }
0x39: {  	[tilespmem:s2+$0x1A7B0] =	vst v3  }
0x3a: {  	[tilespmem:s2+$0x1A730] =	vst v3  }
0x3b: {  	[tilespmem:s2+$0x1A740] =	vst v3  }
0x3c: {  	[tilespmem:s2+$0x1A750] =	vst v3  }
0x3d: {  	[tilespmem:s2+$0x1A760] =	vst v3  }
0x3e: {  	[tilespmem:s2+$0x1A770] =	vst v3  }
0x3f: {  	[tilespmem:s2+$0x1A780] =	vst v3  }
0x40: {  	[tilespmem:s2+$0x1A790] =	vst v3  }
0x41: {  	[tilespmem:s2+$0x1A7A0] =	vst v3;
	s2 =	simm.s32 @p0 $0x1A730;
	s3 =	rddreg [dreg:$0x9]  }
0x42: {  	[spmem:s3] =	stream.linear.scatter @p0 [tilespmem:s2], [sflag:$0x2], $0x4800, $0x38;
	[tilespmem:$0x1EF30] =	vst v63  }
0x43: {  	s3 =	simm.s32 @p0 $0x2  }
0x44: {  	_ =	swait.ge @p0 [sflag:s3], $0x4800  }
0x45: {  	[sflag:s3] =	ssyncset.done @p0 $0x0  }
0x46: {  	s9 =	rddreg [dreg:$0xa];
	[sflag:s3] =	ssyncadd.s32 @p0 $0xFFFFB800  }
0x47: {  	[spmem:s9] =	stream.linear.scatter @p0 [tilespmem:s2], [sflag:$0x2], $0x4800, $0x38;
	[tilespmem:$0x1EF30] =	vst v63  }
0x48: {  	_ =	swait.ge @p0 [sflag:s3], $0x4800  }
0x49: {  	[sflag:s3] =	ssyncset.done @p0 $0x0  }
0x4a: {  	s9 =	rddreg [dreg:$0xb];
	[sflag:s3] =	ssyncadd.s32 @p0 $0xFFFFB800  }
0x4b: {  	[spmem:s9] =	stream.linear.scatter @p0 [tilespmem:s2], [sflag:$0x2], $0x4800, $0x38;
	[tilespmem:$0x1EF30] =	vst v63  }
0x4c: {  	_ =	swait.ge @p0 [sflag:s3], $0x4800  }
0x4d: {  	[sflag:s3] =	ssyncset.done @p0 $0x0  }
0x4e: {  	s9 =	rddreg [dreg:$0xc];
	[sflag:s3] =	ssyncadd.s32 @p0 $0xFFFFB800  }
0x4f: {  	[spmem:s9] =	stream.linear.scatter @p0 [tilespmem:s2], [sflag:$0x2], $0x4800, $0x38;
	[tilespmem:$0x1EF30] =	vst v63  }
0x50: {  	_ =	swait.ge @p0 [sflag:s3], $0x4800  }
0x51: {  	[sflag:s3] =	ssyncset.done @p0 $0x0  }
0x52: {  	s9 =	rddreg [dreg:$0x11];
	[sflag:s3] =	ssyncadd.s32 @p0 $0xFFFFB800  }
0x53: {  	[spmem:s9] =	stream.linear.scatter @p0 [tilespmem:s2], [sflag:$0x2], $0x480, $0x38;
	[tilespmem:$0x1EF30] =	vst v63  }
0x54: {  	_ =	swait.ge @p0 [sflag:s3], $0x480  }
0x55: {  	[sflag:s3] =	ssyncset.done @p0 $0x0  }
0x56: {  	s2 =	simm.s32 @!p0 $0x1A730;
	[sflag:s3] =	ssyncadd.s32 @p0 $0xFFFFFB80;
	s3 =	rddreg [dreg:$0x4]  }
0x57: {  	[spmem:s3] =	stream.linear.scatter @!p0 [tilespmem:s2], [sflag:$0x2], $0x4800, $0x38;
	[tilespmem:$0x1EF30] =	vst v63  }
0x58: {  	s3 =	simm.s32 @!p0 $0x2  }
0x59: {  	_ =	swait.ge @!p0 [sflag:s3], $0x4800  }
0x5a: {  	[sflag:s3] =	ssyncset.done @!p0 $0x0  }
0x5b: {  	s9 =	rddreg [dreg:$0x5];
	[sflag:s3] =	ssyncadd.s32 @!p0 $0xFFFFB800  }
0x5c: {  	[spmem:s9] =	stream.linear.scatter @!p0 [tilespmem:s2], [sflag:$0x2], $0x4800, $0x38;
	[tilespmem:$0x1EF30] =	vst v63  }
0x5d: {  	_ =	swait.ge @!p0 [sflag:s3], $0x4800  }
0x5e: {  	[sflag:s3] =	ssyncset.done @!p0 $0x0  }
0x5f: {  	s9 =	rddreg [dreg:$0x6];
	[sflag:s3] =	ssyncadd.s32 @!p0 $0xFFFFB800  }
0x60: {  	[spmem:s9] =	stream.linear.scatter @!p0 [tilespmem:s2], [sflag:$0x2], $0x4800, $0x38;
	[tilespmem:$0x1EF30] =	vst v63  }
0x61: {  	_ =	swait.ge @!p0 [sflag:s3], $0x4800  }
0x62: {  	[sflag:s3] =	ssyncset.done @!p0 $0x0  }
0x63: {  	s9 =	rddreg [dreg:$0x7];
	[sflag:s3] =	ssyncadd.s32 @!p0 $0xFFFFB800  }
0x64: {  	[spmem:s9] =	stream.linear.scatter @!p0 [tilespmem:s2], [sflag:$0x2], $0x4800, $0x38;
	[tilespmem:$0x1EF30] =	vst v63  }
0x65: {  	_ =	swait.ge @!p0 [sflag:s3], $0x4800  }
0x66: {  	[sflag:s3] =	ssyncset.done @!p0 $0x0  }
0x67: {  	s9 =	rddreg [dreg:$0x8];
	[sflag:s3] =	ssyncadd.s32 @!p0 $0xFFFFB800  }
0x68: {  	[spmem:s9] =	stream.linear.scatter @!p0 [tilespmem:s2], [sflag:$0x2], $0x4380, $0x38;
	[tilespmem:$0x1EF30] =	vst v63  }
.Ltmp3:
0x69: {  	_ =	swait.ge @!p0 [sflag:s3], $0x4380;
	(pc) =	sbr.rel .LBB2_4-.Ltmp3, $4  }
0x6a: {  	[sflag:s3] =	ssyncset.done @!p0 $0x0  }
0x6b: {  	[sflag:s3] =	ssyncadd.s32 @!p0 $0xFFFFBC80  }
0x6c: {  	[bflag:$0x0] =	sbarrier.arrive $0xFFFF  }
0x6d: {  	s9 =	simm.s32 $0x0  }
.LBB2_8:
0x6e: {  	s9 =	sadd.s32 $0x1, s9  }
0x6f: {  	p1 =	sne.s32 s9, $0x9D  }
.Ltmp4:
0x70: {  	_ = 	snop;
	(pc) =	sbr.rel @!p1 .LBB2_9-.Ltmp4, $1  }
0x71: {  	_ =	sdelay $0x3  }
.LBB2_4:
0x72: {  	s2 =	sshll.u32 s9, $0x4  }
0x73: {  	s2 =	sor.u32 s1, s2  }
0x74: {  	p1 =	sgt.u32 s2, $0x9C3  }
.Ltmp5:
0x75: {  	_ = 	snop;
	(pc) =	sbr.rel @p1 .LBB2_8-.Ltmp5, $1  }
0x76: {  	_ =	sdelay $0x3  }
0x77: {  	s3 =	sshll.u32 s2, $0x4;
	s2 =	sshll.u32 s2, $0x7  }
0x78: {  	s14 =	simm.s32 $0x0;
	s25 =	simm.s32 $0x15F90;
	s3 =	sadd.s32 s8, s3  }
0x79: {  	[tilespmem:s25], [sflag:$0x3] =	stream.linear.gather [hbm4b:s3+s14], $0x80, $0x38;
	[tilespmem:$0x1EF30] =	vst v63  }
0x7a: {  	s25 =	sshrl.u32 s2, $0x3;
	_ =	swait.ge [sflag:s26], $0x80  }
0x7b: {  	s3 =	sadd.s32 s8, s25;
	[sflag:s26] =	ssyncset.done $0x0  }
0x7c: {  	s3 =	sadd.s32 $0x9C40, s3;
	[sflag:s26] =	ssyncadd.s32 $0xFFFFFF80  }
0x7d: {  	[tilespmem:s28], [sflag:$0x3] =	stream.linear.gather [hbm4b:s3+s14], $0x80, $0x38;
	[tilespmem:$0x1EF30] =	vst v63  }
0x7e: {  	s25 =	sadd.s32 s18, s2;
	_ =	swait.ge [sflag:s26], $0x80  }
0x7f: {  	s3 =	sshrl.u32 s25, $0x3;
	[sflag:s26] =	ssyncset.done $0x0  }
0x80: {  	s25 =	simm.s32 $0x1A510;
	s3 =	sadd.s32 s7, s3;
	[sflag:s26] =	ssyncadd.s32 $0xFFFFFF80  }
0x81: {  	[tilespmem:s25], [sflag:$0x3] =	stream.linear.gather [hbm4b:s3+s14], $0x80, $0x38;
	[tilespmem:$0x1EF30] =	vst v63  }
0x82: {  	s2 =	sadd.s32 s24, s2;
	_ =	swait.ge [sflag:s26], $0x80  }
0x83: {  	s2 =	sshrl.u32 s2, $0x3;
	[sflag:s26] =	ssyncset.done $0x0  }
0x84: {  	s2 =	sadd.s32 s7, s2;
	[sflag:s26] =	ssyncadd.s32 $0xFFFFFF80  }
0x85: {  	[tilespmem:s30], [sflag:$0x3] =	stream.linear.gather [hbm4b:s2+s14], $0x80, $0x38;
	[tilespmem:$0x1EF30] =	vst v63  }
0x86: {  	_ =	swait.ge [sflag:s26], $0x80  }
0x87: {  	[sflag:s26] =	ssyncset.done $0x0  }
0x88: {  	[sflag:s26] =	ssyncadd.s32 $0xFFFFFF80  }
0x89: {  	v4 =	vld [tilespmem:$0x15F90];
	_ =	sdelay $0x1  }
0x8a: {  	v5 =	vld [tilespmem:$0x16090];
	_ =	sdelay $0x2  }
0x8b: {  	v7 =	vld [tilespmem:$0x15FA0];
	v6 =	vadd.s32 v0, v4;
	v4 =	vshll.u32 v4, $0x2  }
0x8c: {  	[tilespmem:$0x16010] =	vst v6;
	v31 =	vor.u32 v1, v4  }
0x8d: {  	v32 =	vld [tilespmem:$0x160A0];
	v5 =	vshll.u32 v5, $0x2;
	v4 =	vor.u32 v2, v4;
	[tilespmem:$0x16110] =	vst v31  }
0x8e: {  	[tilespmem:$0x16190] =	vst v4;
	v4 =	vor.u32 v1, v5  }
0x8f: {  	[tilespmem:$0x16210] =	vst v4;
	v4 =	vor.u32 v2, v5  }
0x90: {  	v33 =	vld [tilespmem:$0x15FB0];
	v5 =	vshll.u32 v7, $0x2;
	[tilespmem:$0x16290] =	vst v4;
	v4 =	vadd.s32 v0, v7  }
0x91: {  	[tilespmem:$0x16020] =	vst v4;
	v4 =	vor.u32 v1, v5  }
0x92: {  	v6 =	vshll.u32 v32, $0x2;
	[tilespmem:$0x16120] =	vst v4;
	v4 =	vor.u32 v2, v5;
	v5 =	vld [tilespmem:$0x160B0]  }
0x93: {  	[tilespmem:$0x161A0] =	vst v4;
	v4 =	vor.u32 v1, v6  }
0x94: {  	[tilespmem:$0x16220] =	vst v4;
	v4 =	vor.u32 v2, v6  }
0x95: {  	v35 =	vld [tilespmem:$0x15FC0];
	v34 =	vshll.u32 v33, $0x2;
	[tilespmem:$0x162A0] =	vst v4;
	v4 =	vadd.s32 v0, v33  }
0x96: {  	[tilespmem:$0x16030] =	vst v4;
	v4 =	vor.u32 v1, v34  }
0x97: {  	v36 =	vld [tilespmem:$0x160C0];
	v5 =	vshll.u32 v5, $0x2;
	[tilespmem:$0x16130] =	vst v4;
	v4 =	vor.u32 v2, v34  }
0x98: {  	[tilespmem:$0x161B0] =	vst v4;
	v4 =	vor.u32 v1, v5  }
0x99: {  	[tilespmem:$0x16230] =	vst v4;
	v4 =	vor.u32 v2, v5  }
0x9a: {  	v37 =	vld [tilespmem:$0x15FD0];
	v5 =	vshll.u32 v35, $0x2;
	[tilespmem:$0x162B0] =	vst v4;
	v4 =	vadd.s32 v0, v35  }
0x9b: {  	[tilespmem:$0x16040] =	vst v4;
	v4 =	vor.u32 v1, v5  }
0x9c: {  	v6 =	vshll.u32 v36, $0x2;
	[tilespmem:$0x16140] =	vst v4;
	v4 =	vor.u32 v2, v5;
	v5 =	vld [tilespmem:$0x160D0]  }
0x9d: {  	[tilespmem:$0x161C0] =	vst v4;
	v4 =	vor.u32 v1, v6  }
0x9e: {  	[tilespmem:$0x16240] =	vst v4;
	v4 =	vor.u32 v2, v6  }
0x9f: {  	v39 =	vld [tilespmem:$0x15FE0];
	v38 =	vshll.u32 v37, $0x2;
	[tilespmem:$0x162C0] =	vst v4;
	v4 =	vadd.s32 v0, v37  }
0xa0: {  	[tilespmem:$0x16050] =	vst v4;
	v4 =	vor.u32 v1, v38  }
0xa1: {  	v40 =	vld [tilespmem:$0x160E0];
	v5 =	vshll.u32 v5, $0x2;
	[tilespmem:$0x16150] =	vst v4;
	v4 =	vor.u32 v2, v38  }
0xa2: {  	[tilespmem:$0x161D0] =	vst v4;
	v4 =	vor.u32 v1, v5  }
0xa3: {  	[tilespmem:$0x16250] =	vst v4;
	v4 =	vor.u32 v2, v5  }
0xa4: {  	v41 =	vld [tilespmem:$0x15FF0];
	v5 =	vshll.u32 v39, $0x2;
	[tilespmem:$0x162D0] =	vst v4;
	v4 =	vadd.s32 v0, v39  }
0xa5: {  	[tilespmem:$0x16060] =	vst v4;
	v4 =	vor.u32 v1, v5  }
0xa6: {  	v6 =	vshll.u32 v40, $0x2;
	[tilespmem:$0x16160] =	vst v4;
	v4 =	vor.u32 v2, v5;
	v5 =	vld [tilespmem:$0x160F0]  }
0xa7: {  	[tilespmem:$0x161E0] =	vst v4;
	v4 =	vor.u32 v1, v6  }
0xa8: {  	[tilespmem:$0x16260] =	vst v4;
	v4 =	vor.u32 v2, v6  }
0xa9: {  	v43 =	vld [tilespmem:$0x16000];
	v42 =	vshll.u32 v41, $0x2;
	[tilespmem:$0x162E0] =	vst v4;
	v4 =	vadd.s32 v0, v41  }
0xaa: {  	[tilespmem:$0x16070] =	vst v4;
	v4 =	vor.u32 v1, v42  }
0xab: {  	v44 =	vld [tilespmem:$0x16100];
	v5 =	vshll.u32 v5, $0x2;
	[tilespmem:$0x16170] =	vst v4;
	v4 =	vor.u32 v2, v42  }
0xac: {  	[tilespmem:$0x161F0] =	vst v4;
	v4 =	vor.u32 v1, v5  }
0xad: {  	[tilespmem:$0x16270] =	vst v4;
	v4 =	vor.u32 v2, v5  }
0xae: {  	v5 =	vshll.u32 v43, $0x2;
	[tilespmem:$0x162F0] =	vst v4;
	v4 =	vadd.s32 v0, v43  }
0xaf: {  	[tilespmem:$0x16080] =	vst v4;
	v4 =	vor.u32 v1, v5  }
0xb0: {  	v6 =	vshll.u32 v44, $0x2;
	[tilespmem:$0x16180] =	vst v4;
	v4 =	vor.u32 v2, v5  }
0xb1: {  	[tilespmem:$0x16200] =	vst v4;
	v4 =	vor.u32 v1, v6  }
0xb2: {  	[tilespmem:$0x16280] =	vst v4;
	v4 =	vor.u32 v2, v6  }
0xb3: {  	[tilespmem:$0x16300] =	vst v4  }
0xb4: {  	[tilespmem:s10], [sflag:$0x1] =	stream.indirect.gather [hbm4b:s5+s31], $0x1, s0, s31, $0xb8;
	[tilespmem:$0x1EF30] =	vst v63  }
0xb5: {  	_ = 	snop  }
0xb6: {  	[tilespmem:s12], [sflag:$0x1] =	stream.indirect.gather [hbm4b:s5+s31], $0x1, s11, s31, $0xb8;
	[tilespmem:$0x1EF30] =	vst v63  }
0xb7: {  	_ = 	snop  }
0xb8: {  	[tilespmem:s15], [sflag:$0x1] =	stream.indirect.gather [hbm4b:s6+s31], $0x1, s13, s31, $0xb8;
	[tilespmem:$0x1EF30] =	vst v63  }
0xb9: {  	_ = 	snop  }
0xba: {  	[tilespmem:s17], [sflag:$0x1] =	stream.indirect.gather [hbm4b:s6+s31], $0x1, s16, s31, $0xb8;
	[tilespmem:$0x1EF30] =	vst v63  }
0xbb: {  	_ = 	snop  }
0xbc: {  	[tilespmem:s20], [sflag:$0x1] =	stream.indirect.gather [hbm4b:s4+s31], $0x80, s19, s31, $0xb8;
	[tilespmem:$0x1EF30] =	vst v63  }
0xbd: {  	_ =	swait.ge [sflag:s21], $0x80  }
0xbe: {  	[sflag:s21] =	ssyncset.done $0x0  }
0xbf: {  	[sflag:s21] =	ssyncadd.s32 $0xFFFFFF80  }
0xc0: {  	_ =	swait.ge [sflag:s21], $0x80  }
0xc1: {  	[sflag:s21] =	ssyncset.done $0x0  }
0xc2: {  	[sflag:s21] =	ssyncadd.s32 $0xFFFFFF80  }
0xc3: {  	_ =	swait.ge [sflag:s21], $0x80  }
0xc4: {  	[sflag:s21] =	ssyncset.done $0x0  }
0xc5: {  	[sflag:s21] =	ssyncadd.s32 $0xFFFFFF80  }
0xc6: {  	_ =	swait.ge [sflag:s21], $0x80  }
0xc7: {  	[sflag:s21] =	ssyncset.done $0x0  }
0xc8: {  	[sflag:s21] =	ssyncadd.s32 $0xFFFFFF80  }
0xc9: {  	_ =	swait.ge [sflag:s21], $0x4000  }
0xca: {  	[sflag:s21] =	ssyncset.done $0x0  }
0xcb: {  	[sflag:s21] =	ssyncadd.s32 $0xFFFFC000  }
0xcc: {  	v4 =	vld [tilespmem:$0x1A310]  }
0xcd: {  	v5 =	vld [tilespmem:$0x1A410]  }
0xce: {  	v45 =	vld [tilespmem:$0x1A510]  }
0xcf: {  	v46 =	vld [tilespmem:$0x1A390]  }
0xd0: {  	v8 =	vld [tilespmem:$0x1A490]  }
0xd1: {  	v9 =	vld [tilespmem:$0x1A590]  }
0xd2: {  	v10 =	vld [tilespmem:$0x1A320]  }
0xd3: {  	v11 =	vld [tilespmem:$0x1A420]  }
0xd4: {  	v12 =	vld [tilespmem:$0x1A520]  }
0xd5: {  	v13 =	vld [tilespmem:$0x1A3A0]  }
0xd6: {  	v14 =	vld [tilespmem:$0x1A4A0]  }
0xd7: {  	v15 =	vld [tilespmem:$0x1A5A0]  }
0xd8: {  	v16 =	vld [tilespmem:$0x1A330]  }
0xd9: {  	v17 =	vld [tilespmem:$0x1A430]  }
0xda: {  	v18 =	vld [tilespmem:$0x1A530]  }
0xdb: {  	v19 =	vld [tilespmem:$0x1A3B0]  }
0xdc: {  	v20 =	vld [tilespmem:$0x1A4B0]  }
0xdd: {  	v21 =	vld [tilespmem:$0x1A5B0]  }
0xde: {  	v22 =	vld [tilespmem:$0x1A340]  }
0xdf: {  	v23 =	vld [tilespmem:$0x1A440]  }
0xe0: {  	v24 =	vld [tilespmem:$0x1A3C0];
	v4 =	vadd.f32 v5, v4  }
0xe1: {  	v48 =	vld [tilespmem:$0x1A4C0]  }
0xe2: {  	v50 =	vld [tilespmem:$0x1A5C0];
	v47 =	vadd.f32 v8, v46;
	v4 =	vadd.f32 v45, v4  }
0xe3: {  	v52 =	vld [tilespmem:$0x1A350]  }
0xe4: {  	v53 =	vld [tilespmem:$0x1A450];
	v49 =	vadd.f32 v11, v10;
	v6 =	vadd.f32 v9, v47;
	v51 =	vmul.f32 $2.000000030e-01, v4  }
0xe5: {  	v55 =	vld [tilespmem:$0x1A550];
	v13 =	vadd.f32 v14, v13  }
0xe6: {  	v26 =	vld [tilespmem:$0x1A3D0];
	v8 =	vadd.f32 v12, v49;
	v54 =	vmul.f32 $2.000000030e-01, v6;
	v4 =	vmax.f32 v4, v51  }
0xe7: {  	v58 =	vld [tilespmem:$0x1A4D0];
	v57 =	vadd.f32 v17, v16;
	v4 =	vmul.f32 $1.442695020e+00, v4  }
0xe8: {  	v60 =	vld [tilespmem:$0x1A5D0];
	v56 =	vadd.f32 v15, v13;
	v25 =	vmul.f32 $2.000000030e-01, v8;
	v6 =	vmax.f32 v6, v54  }
0xe9: {  	v63 =	vld [tilespmem:$0x1A360];
	v62 =	vadd.f32 v20, v19;
	(erf) = vpow2.f32 v4;
	v4 =	vmul.f32 $1.442695020e+00, v6  }
0xea: {  	v28 =	vld [tilespmem:$0x1A560];
	v13 =	vadd.f32 v18, v57;
	v61 =	vmul.f32 $2.000000030e-01, v56;
	v59 =	vmax.f32 v8, v25  }
0xeb: {  	v5 =	vld [tilespmem:$0x1A540];
	(erf) = vpow2.f32 v4;
	v4 =	vmul.f32 $1.442695020e+00, v59  }
0xec: {  	v29 =	vld [tilespmem:$0x1A3E0];
	v17 =	vadd.f32 v21, v62;
	v27 =	vmul.f32 $2.000000030e-01, v13;
	v11 =	vmax.f32 v56, v61  }
0xed: {  	v32 =	vld [tilespmem:$0x1A4E0];
	(erf) = vpow2.f32 v4;
	v4 =	vmul.f32 $1.442695020e+00, v11  }
0xee: {  	v33 =	vld [tilespmem:$0x1A5E0];
	v31 =	vadd.f32 v23, v22;
	v30 =	vmul.f32 $2.000000030e-01, v17;
	v13 =	vmax.f32 v13, v27  }
0xef: {  	v34 =	vld [tilespmem:$0x1A370];
	(erf) = vpow2.f32 v4;
	v4 =	vmul.f32 $1.442695020e+00, v13  }
0xf0: {  	v35 =	vld [tilespmem:$0x1A470];
	v7 =	vadd.f32 v48, v24;
	v5 =	vadd.f32 v5, v31;
	v16 =	vmax.f32 v17, v30  }
0xf1: {  	v9 =	vadd.f32 v53, v52;
	v25 =	vld [tilespmem:$0x1A460];
	(erf) = vpow2.f32 v4;
	v4 =	vmul.f32 $1.442695020e+00, v16  }
0xf2: {  	v38 =	vld [tilespmem:$0x1A570];
	v37 =	vadd.f32 v58, v26;
	v7 =	vadd.f32 v50, v7;
	v36 =	vmul.f32 $2.000000030e-01, v5  }
0xf3: {  	v39 =	vld [tilespmem:$0x1A3F0];
	(erf) = vpow2.f32 v4;
	v4 =	vadd.f32 v55, v9  }
0xf4: {  	v41 =	vld [tilespmem:$0x1A4F0];
	v40 =	vmul.f32 $2.000000030e-01, v7;
	v8 =	vadd.f32 v60, v37;
	v5 =	vmax.f32 v5, v36  }
0xf5: {  	v43 =	vld [tilespmem:$0x1A5F0];
	v5 =	vmul.f32 $1.442695020e+00, v5;
	v42 =	vmul.f32 $2.000000030e-01, v4  }
0xf6: {  	v46 =	vld [tilespmem:$0x1A480];
	v7 =	vmax.f32 v7, v40;
	v44 =	vmul.f32 $2.000000030e-01, v8;
	v6 =	vadd.f32 v25, v63  }
0xf7: {  	v48 =	vld [tilespmem:$0x1A500];
	(erf) = vpow2.f32 v5;
	v5 =	vmul.f32 $1.442695020e+00, v7;
	v4 =	vmax.f32 v4, v42  }
0xf8: {  	v45 =	vld [tilespmem:$0x1A380];
	v8 =	vmax.f32 v8, v44;
	v6 =	vadd.f32 v28, v6;
	v4 =	vmul.f32 $1.442695020e+00, v4  }
0xf9: {  	v47 =	vld [tilespmem:$0x1A400];
	(erf) = vpow2.f32 v5;
	v5 =	vmul.f32 $1.442695020e+00, v8  }
0xfa: {  	v49 =	vld [tilespmem:$0x1A580];
	v11 =	vadd.f32 v32, v29;
	(erf) = vpow2.f32 v4;
	v4 =	vmul.f32 $2.000000030e-01, v6  }
0xfb: {  	v50 =	vld [tilespmem:$0x1A600];
	(erf) = vpow2.f32 v5;
	v5 =	vadd.f32 v35, v34  }
0xfc: {  	v51 =	vadd.f32 v33, v11;
	v9 =	vadd.f32 v41, v39;
	v4 =	vmax.f32 v6, v4  }
0xfd: {  	v7 =	vadd.f32 v46, v45;
	v5 =	vadd.f32 v38, v5;
	v4 =	vmul.f32 $1.442695020e+00, v4  }
0xfe: {  	v52 =	vmul.f32 $2.000000030e-01, v51;
	v9 =	vadd.f32 v43, v9;
	v8 =	vadd.f32 v48, v47  }
0xff: {  	v7 =	vadd.f32 v49, v7;
	(erf) = vpow2.f32 v4;
	v4 =	vmul.f32 $2.000000030e-01, v5  }
0x100: {  	v53 =	vmul.f32 $2.000000030e-01, v9;
	v8 =	vadd.f32 v50, v8;
	v6 =	vmax.f32 v51, v52  }
0x101: {  	v6 =	vmul.f32 $1.442695020e+00, v6;
	v4 =	vmax.f32 v5, v4;
	v5 =	vmul.f32 $2.000000030e-01, v7  }
0x102: {  	v54 =	vpop (erf);
	v9 =	vmax.f32 v9, v53;
	v56 =	vmul.f32 $2.000000030e-01, v8;
	v4 =	vmul.f32 $1.442695020e+00, v4  }
0x103: {  	[tilespmem:$0x1A610] =	vst v54;
	v55 =	vpop (erf);
	v58 =	vmul.f32 $1.442695020e+00, v9;
	(erf) = vpow2.f32 v6;
	v5 =	vmax.f32 v7, v5  }
0x104: {  	[tilespmem:$0x1A6A0] =	vst v55;
	v57 =	vpop (erf);
	(erf) = vpow2.f32 v4;
	v4 =	vmul.f32 $1.442695020e+00, v5;
	v5 =	vmax.f32 v8, v56  }
0x105: {  	[tilespmem:$0x1A620] =	vst v57;
	v59 =	vpop (erf);
	v5 =	vmul.f32 $1.442695020e+00, v5  }
0x106: {  	[tilespmem:$0x1A6B0] =	vst v59;
	v60 =	vpop (erf);
	(erf) = vpow2.f32 v58  }
0x107: {  	[tilespmem:$0x1A630] =	vst v60;
	v61 =	vpop (erf);
	(erf) = vpow2.f32 v4  }
0x108: {  	[tilespmem:$0x1A6C0] =	vst v61;
	(erf) = vpow2.f32 v5;
	v4 =	vpop (erf)  }
0x109: {  	v5 =	vpop (erf);
	[tilespmem:$0x1A640] =	vst v4  }
0x10a: {  	v4 =	vpop (erf);
	[tilespmem:$0x1A6D0] =	vst v5  }
0x10b: {  	v5 =	vpop (erf);
	[tilespmem:$0x1A650] =	vst v4  }
0x10c: {  	v4 =	vpop (erf);
	[tilespmem:$0x1A6E0] =	vst v5  }
0x10d: {  	v5 =	vpop (erf);
	[tilespmem:$0x1A660] =	vst v4  }
0x10e: {  	v4 =	vpop (erf);
	[tilespmem:$0x1A6F0] =	vst v5  }
0x10f: {  	v5 =	vpop (erf);
	[tilespmem:$0x1A670] =	vst v4  }
0x110: {  	v4 =	vpop (erf);
	[tilespmem:$0x1A700] =	vst v5  }
0x111: {  	[tilespmem:$0x1A680] =	vst v4;
	v4 =	vpop (erf)  }
0x112: {  	s25 =	simm.s32 $0x0;
	[tilespmem:$0x1A710] =	vst v4  }
0x113: {  	v4 =	vld [tilespmem:s25+$0x1A610]  }
0x114: {  	s14 =	simm.s32 $0x16350  }
0x115: {  	v5 =	vld [tilespmem:s14+$0xFFFFFFC0];
	_ =	sdelay $0x2  }
0x116: {  	v62 =	vbroadcast v4, $0x0;
	_ =	sdelay $0x1  }
0x117: {  	v5 =	vmul.f32 v5, v62  }
0x118: {  	s3 =	simm.s32 $0x1A770  }
0x119: {  	v7 =	vld.msk [tilespmem:s25+$0x1A6A0 ss:$0x0], $0xffff;
	[tilespmem:s3+$0xFFFFFFC0] =	vst v5  }
0x11a: {  	v5 =	vld [tilespmem:s14+$0xFFFFFFD0];
	_ =	sdelay $0x4  }
0x11b: {  	v5 =	vmul.f32 v5, v62;
	_ =	sdelay $0x1  }
0x11c: {  	[tilespmem:s3+$0xFFFFFFD0] =	vst v5  }
0x11d: {  	v5 =	vld [tilespmem:s14+$0xFFFFFFE0];
	_ =	sdelay $0x4  }
0x11e: {  	v5 =	vmul.f32 v5, v62;
	_ =	sdelay $0x1  }
0x11f: {  	[tilespmem:s3+$0xFFFFFFE0] =	vst v5  }
0x120: {  	v5 =	vld [tilespmem:s14+$0xFFFFFFF0];
	_ =	sdelay $0x4  }
0x121: {  	v5 =	vmul.f32 v5, v62;
	_ =	sdelay $0x1  }
0x122: {  	[tilespmem:s3+$0xFFFFFFF0] =	vst v5  }
0x123: {  	v5 =	vld [tilespmem:s14+$0x0];
	_ =	sdelay $0x4  }
0x124: {  	v5 =	vmul.f32 v5, v7;
	_ =	sdelay $0x1  }
0x125: {  	[tilespmem:s3+$0x0] =	vst v5  }
0x126: {  	v5 =	vld [tilespmem:s14+$0x10];
	_ =	sdelay $0x4  }
0x127: {  	v5 =	vmul.f32 v5, v7;
	_ =	sdelay $0x1  }
0x128: {  	[tilespmem:s3+$0x10] =	vst v5  }
0x129: {  	v5 =	vld [tilespmem:s14+$0x20];
	_ =	sdelay $0x4  }
0x12a: {  	v5 =	vmul.f32 v5, v7;
	_ =	sdelay $0x1  }
0x12b: {  	[tilespmem:s3+$0x20] =	vst v5  }
0x12c: {  	v5 =	vld [tilespmem:s14+$0x30];
	_ =	sdelay $0x3  }
0x12d: {  	v63 =	vnsel vm0, $0x0, v7  }
0x12e: {  	v4 =	vsel vm1, v4, v63;
	v5 =	vmul.f32 v5, v7  }
0x12f: {  	[tilespmem:s3+$0x40] =	vst v4  }
0x130: {  	s2 =	simm.s32 $0x8;
	s25 =	simm.s32 $0x1;
	[tilespmem:s3+$0x30] =	vst v5  }
.LBB2_6:
0x131: {  	p1 =	sne.s32 s2, $0x1FC;
	v4 =	vld [tilespmem:s25+$0x1A610];
	s14 =	sadd.s32 $0x80, s14  }
0x132: {  	v5 =	vld [tilespmem:s14+$0xFFFFFFC0];
	_ =	sdelay $0x3  }
0x133: {  	v6 =	vbroadcast v4, $0x0;
	_ =	sdelay $0x1  }
0x134: {  	v5 =	vmul.f32 v5, v6  }
0x135: {  	s3 =	sadd.s32 $0x90, s3  }
0x136: {  	v7 =	vld.msk [tilespmem:s25+$0x1A6A0 ss:$0x0], $0xffff;
	[tilespmem:s3+$0xFFFFFFC0] =	vst v5  }
0x137: {  	v5 =	vld [tilespmem:s14+$0xFFFFFFD0];
	_ =	sdelay $0x4  }
0x138: {  	v8 =	vnsel vm0, $0x0, v7;
	v5 =	vmul.f32 v5, v6  }
0x139: {  	v4 =	vsel vm1, v4, v8  }
0x13a: {  	[tilespmem:s3+$0xFFFFFFD0] =	vst v5  }
0x13b: {  	v5 =	vld [tilespmem:s14+$0xFFFFFFE0];
	_ =	sdelay $0x4  }
0x13c: {  	v5 =	vmul.f32 v5, v6;
	_ =	sdelay $0x1  }
0x13d: {  	[tilespmem:s3+$0xFFFFFFE0] =	vst v5  }
0x13e: {  	v5 =	vld [tilespmem:s14+$0xFFFFFFF0];
	_ =	sdelay $0x4  }
0x13f: {  	v5 =	vmul.f32 v5, v6;
	_ =	sdelay $0x1  }
0x140: {  	[tilespmem:s3+$0xFFFFFFF0] =	vst v5  }
0x141: {  	v5 =	vld [tilespmem:s14+$0x0];
	_ =	sdelay $0x4  }
0x142: {  	v5 =	vmul.f32 v5, v7;
	_ =	sdelay $0x1  }
0x143: {  	[tilespmem:s3+$0x0] =	vst v5  }
0x144: {  	v5 =	vld [tilespmem:s14+$0x10];
	_ =	sdelay $0x4  }
0x145: {  	v5 =	vmul.f32 v5, v7;
	_ =	sdelay $0x1  }
0x146: {  	[tilespmem:s3+$0x10] =	vst v5  }
0x147: {  	v5 =	vld [tilespmem:s14+$0x20];
	_ =	sdelay $0x4  }
0x148: {  	v5 =	vmul.f32 v5, v7;
	_ =	sdelay $0x1  }
0x149: {  	[tilespmem:s3+$0x20] =	vst v5  }
0x14a: {  	v5 =	vld [tilespmem:s14+$0x30];
	[tilespmem:s3+$0x40] =	vst v4;
	_ =	sdelay $0x2  }
.Ltmp6:
0x14b: {  	(pc) =	sbr.rel @p1 .LBB2_6-.Ltmp6, $3  }
0x14c: {  	_ = 	snop  }
0x14d: {  	v4 =	vmul.f32 v5, v7;
	_ =	sdelay $0x1  }
0x14e: {  	s25 =	sshra.s32 s2, $0x2;
	s2 =	sadd.s32 $0x4, s2;
	[tilespmem:s3+$0x30] =	vst v4  }
0x14f: {  	v4 =	vld [tilespmem:s25+$0x1A610]  }
0x150: {  	s2 =	sadd.s32 $0x80, s14  }
0x151: {  	v5 =	vld [tilespmem:s2+$0xFFFFFFC0];
	_ =	sdelay $0x2  }
0x152: {  	v6 =	vbroadcast v4, $0x0;
	_ =	sdelay $0x1  }
0x153: {  	v5 =	vmul.f32 v5, v6  }
0x154: {  	s3 =	sadd.s32 $0x90, s3  }
0x155: {  	v7 =	vld.msk [tilespmem:s25+$0x1A6A0 ss:$0x0], $0xffff;
	[tilespmem:s3+$0xFFFFFFC0] =	vst v5  }
0x156: {  	v5 =	vld [tilespmem:s2+$0xFFFFFFD0];
	_ =	sdelay $0x4  }
0x157: {  	v5 =	vmul.f32 v5, v6;
	_ =	sdelay $0x1  }
0x158: {  	[tilespmem:s3+$0xFFFFFFD0] =	vst v5  }
0x159: {  	v5 =	vld [tilespmem:s2+$0xFFFFFFE0];
	_ =	sdelay $0x4  }
0x15a: {  	v5 =	vmul.f32 v5, v6;
	_ =	sdelay $0x1  }
0x15b: {  	[tilespmem:s3+$0xFFFFFFE0] =	vst v5  }
0x15c: {  	v5 =	vld [tilespmem:s2+$0xFFFFFFF0];
	_ =	sdelay $0x4  }
0x15d: {  	v5 =	vmul.f32 v5, v6;
	_ =	sdelay $0x1  }
0x15e: {  	[tilespmem:s3+$0xFFFFFFF0] =	vst v5  }
0x15f: {  	v5 =	vld [tilespmem:s2+$0x0];
	_ =	sdelay $0x4  }
0x160: {  	v5 =	vmul.f32 v5, v7;
	_ =	sdelay $0x1  }
0x161: {  	[tilespmem:s3+$0x0] =	vst v5  }
0x162: {  	v5 =	vld [tilespmem:s2+$0x10];
	_ =	sdelay $0x4  }
0x163: {  	v5 =	vmul.f32 v5, v7;
	_ =	sdelay $0x1  }
0x164: {  	[tilespmem:s3+$0x10] =	vst v5  }
0x165: {  	v5 =	vld [tilespmem:s2+$0x20];
	_ =	sdelay $0x4  }
0x166: {  	v5 =	vmul.f32 v5, v7;
	_ =	sdelay $0x1  }
0x167: {  	[tilespmem:s3+$0x20] =	vst v5  }
0x168: {  	v5 =	vld [tilespmem:s2+$0x30];
	_ =	sdelay $0x3  }
0x169: {  	v63 =	vnsel vm0, $0x0, v7  }
0x16a: {  	v4 =	vsel vm1, v4, v63;
	v5 =	vmul.f32 v5, v7  }
0x16b: {  	[tilespmem:s3+$0x40] =	vst v4  }
.Ltmp7:
0x16c: {  	[tilespmem:s3+$0x30] =	vst v5;
	(pc) =	sbr.rel .LBB2_8-.Ltmp7, $4  }
0x16d: {  	[spmem:s29] =	stream.indirect.scatter.add.f32 [tilespmem:s22], [sflag:$0x2], $0x90, s28, s31, $0xb8;
	[tilespmem:$0x1EF30] =	vst v63  }
0x16e: {  	_ =	swait.ge [sflag:s23], $0x4800  }
0x16f: {  	[sflag:s23] =	ssyncset.done $0x0  }
0x170: {  	[sflag:s23] =	ssyncadd.s32 $0xFFFFB800  }
.LBB2_10:
0x171: {  	_ =	sfence.sel $0x180000  }
0x172: {  	[bflag:$0x0] =	sbarrier.arrive $0xFFFF  }
0x173: {  	_ =	strace $0x90000047  }
0x174: {  	[bflag:$0x2] =	sbarrier.arrive $0xFFFF  }
0x175: {  	p0 =	sne.s32 s1, $0x0;
	s0 =	rddreg [dreg:$0x2]  }
0x176: {  	s0 =	sadd.s32 @!p0 $0x100000, s0  }
0x177: {  	[sflag:s0] =	ssyncadd.tile.s32 @!p0 $0x1;
	_ =	shalt  }
.Lfunc_end2:
_tile_overlayer_lowered:
.L_overlay_start_2:
0x178: {  	(tag) =	ssettag $0x2  }
0x179: {  	s0 =	rddreg [dreg:$0x0];
	s2 =	stileid.u32  }
0x17a: {  	s1 =	rddreg [dreg:$0x1];
	p0 =	sne.s32 s2, $0x0  }
0x17b: {  	s3 =	rddreg [dreg:$0x2];
	[bflag:$0x3] =	sbarrier.arrive $0xFFFF;
	s2 =	simm.s32 @!p0 $0x1C02  }
0x17c: {  	[timem:s3], [sflag:s2] =	dma.local @!p0 [hbm:s0], s1  }
0x17d: {  	s0 =	simm.s32 @!p0 $0x2  }
0x17e: {  	_ =	swait.ge @!p0 [sflag:s0], s1  }
0x17f: {  	s1 =	ssub.s32 @!p0 $0x0, s1;
	[sflag:s0] =	ssyncset.done @!p0 $0x0  }
0x180: {  	[sflag:s0] =	ssyncadd.s32 @!p0 s1  }
0x181: {  	[bflag:$0x3] =	sbarrier.arrive $0xFFFF  }
0x182: {  	_ =	shalt  }

</sc_bundles>
